<compile_context>
chip_gen: v7x
topology: tpu7x:2x2x1
jax: 0.10.2.dev20260603
libtpu: 0.0.44.dev20260713+nightly
codegen_flags: <defaults>
</compile_context>

<pallas_src>
import functools

import jax
import jax.numpy as jnp
import numpy as np
from jax import lax
from jax.experimental import pallas as pl
from jax.experimental.pallas import tpu as pltpu
from jax.experimental.pallas import tpu_sc as plsc

N = 8192
NC, NS, L = 2, 16, 16
NW = NC * NS
QPW = N // NW
CHUNKS = QPW // L
CPG = 4

T1 = np.float32(0.2 * 0.2)
T2 = np.float32(0.4 * 0.4)


def _sc_counts(xs, ys, zs, b32, off16):
    mesh = plsc.VectorSubcoreMesh(
        core_axis_name="c", subcore_axis_name="s",
        num_cores=NC, num_subcores=NS)

    @functools.partial(
        pl.kernel,
        out_type=(jax.ShapeDtypeStruct((N,), jnp.float32),
                  jax.ShapeDtypeStruct((N,), jnp.float32)),
        mesh=mesh,
        scratch_types=[
            pltpu.VMEM((N,), jnp.float32),
            pltpu.VMEM((N,), jnp.float32),
            pltpu.VMEM((N,), jnp.float32),
            pltpu.VMEM((N,), jnp.int32),
            pltpu.VMEM((L,), jnp.int32),
            pltpu.VMEM((N,), jnp.float32),
            pltpu.VMEM((QPW,), jnp.float32),
            pltpu.VMEM((QPW,), jnp.float32),
            pltpu.SemaphoreType.DMA,
        ],
        compiler_params=pltpu.CompilerParams(
            use_tc_tiling_on_sc=False, needs_layout_passes=False),
    )
    def k(xs_h, ys_h, zs_h, b_h, off_h, c1_h, c2_h,
          xs_v, ys_v, zs_v, b_v, off_v, hw_v, c1_v, c2_v, dsem):
        wid = lax.axis_index("s") * NC + lax.axis_index("c")
        cps = [pltpu.async_copy(s, d, dsem)
               for s, d in ((xs_h, xs_v), (ys_h, ys_v), (zs_h, zs_v),
                            (b_h, b_v), (off_h, off_v))]
        for cp in cps:
            cp.wait()
        qbase = wid * QPW
        lane = lax.iota(jnp.int32, L)

        def hw_body(i, _):
            idx = i * L + lane
            xv = plsc.load_gather(xs_v, [idx])
            yv = plsc.load_gather(ys_v, [idx])
            zv = plsc.load_gather(zs_v, [idx])
            plsc.store_scatter(
                hw_v, [idx],
                (xv * xv + yv * yv + zv * zv) * np.float32(0.5))
            return 0
        lax.fori_loop(0, N // L, hw_body, 0, unroll=4)

        for sc in range(QPW // (L * CPG)):
            qx, qy, qz, bq, ht1, ht2 = [], [], [], [], [], []
            jstart = jnp.int32(N)
            jend = jnp.int32(0)
            bmin = jnp.int32(127)
            bmax = jnp.int32(-1)
            for g in range(CPG):
                qidx = qbase + (sc * CPG + g) * L + lane
                qx.append(plsc.load_gather(xs_v, [qidx]))
                qy.append(plsc.load_gather(ys_v, [qidx]))
                qz.append(plsc.load_gather(zs_v, [qidx]))
                bq.append(plsc.load_gather(b_v, [qidx]))
                qn = qx[g] * qx[g] + qy[g] * qy[g] + qz[g] * qz[g]
                ht1.append((T1 - qn) * np.float32(0.5))
                ht2.append((T2 - qn) * np.float32(0.5))
                sv = plsc.load_gather(off_v, [bq[g]])
                ev = plsc.load_gather(off_v, [bq[g] + 1])
                jstart = jnp.minimum(jstart, jnp.min(sv))
                jend = jnp.maximum(jend, jnp.max(ev))
                bmin = jnp.minimum(bmin, jnp.min(bq[g]))
                bmax = jnp.maximum(bmax, jnp.max(bq[g]))

            both = jnp.int32(0x10001)
            one_i = jnp.int32(1)
            zero_i = jnp.int32(0)
            z16 = jnp.zeros((L,), jnp.int32)

            def make_body(lane_masks):
                def body(j, carry):
                    jv = jnp.full((L,), j, dtype=jnp.int32)
                    xj = plsc.load_gather(xs_v, [jv])
                    yj = plsc.load_gather(ys_v, [jv])
                    zj = plsc.load_gather(zs_v, [jv])
                    hwj = plsc.load_gather(hw_v, [jv])
                    out = []
                    for g in range(CPG):
                        u = hwj - (qx[g] * xj + qy[g] * yj + qz[g] * zj)
                        m1 = u <= ht1[g]
                        m2 = u <= ht2[g]
                        if lane_masks is not None:
                            m2 = m2 & lane_masks[g]
                        step = jnp.where(m2, jnp.where(m1, both, one_i), zero_i)
                        out.append(carry[g] + step)
                    return tuple(out)
                return body

            def run_fast(_):
                return plsc.parallel_loop(
                    jstart, jend, 1, unroll=2,
                    carry=(z16,) * CPG)(make_body(None))

            def run_spanning(_):
                def seg_body(s, carry):
                    sv = jnp.full((L,), s, dtype=jnp.int32)
                    lo = jnp.min(plsc.load_gather(off_v, [sv]))
                    hi = jnp.max(plsc.load_gather(off_v, [sv + 1]))
                    masks = [bq[g] == sv for g in range(CPG)]
                    return plsc.parallel_loop(
                        lo, hi, 1, unroll=2, carry=carry)(make_body(masks))
                return lax.fori_loop(bmin, bmax + 1, seg_body, (z16,) * CPG)

            acc = lax.cond(bmin == bmax, run_fast, run_spanning, 0)
            for g in range(CPG):
                o = (sc * CPG + g) * L
                c1 = (acc[g] >> 16).astype(jnp.float32)
                c2 = (acc[g] & jnp.int32(0xFFFF)).astype(jnp.float32)
                c1_v[pl.ds(o, L)] = (
                    jnp.minimum(c1, np.float32(32.0)) * np.float32(1.0 / 32.0))
                c2_v[pl.ds(o, L)] = (
                    jnp.minimum(c2, np.float32(64.0)) * np.float32(1.0 / 64.0))

        pltpu.sync_copy(c1_v, c1_h.at[pl.ds(qbase, QPW)])
        pltpu.sync_copy(c2_v, c2_h.at[pl.ds(qbase, QPW)])

    return k(xs, ys, zs, b32, off16)


def kernel(x, pos, batch):
    pos = pos.astype(jnp.float32)
    xs = pos[:, 0]
    ys = pos[:, 1]
    zs = pos[:, 2]
    b32 = batch.astype(jnp.int32)
    off16 = jnp.sum(b32[:, None] < jnp.arange(L, dtype=jnp.int32)[None, :],
                    axis=0, dtype=jnp.int32)
    c1, c2 = _sc_counts(xs, ys, zs, b32, off16)
    feats = jnp.concatenate([x, pos, c1[:, None], c2[:, None]], axis=1)
    return feats, pos, batch

# --- scband reference (transcript-rebuilt; emitter-appended) ---
"""Pipeline reference for scband-add-neightbours-count-11811160064525 (READ-ONLY COPY).

The authoritative reference and input builder live on the scoring server;
editing this copy changes nothing except your own understanding.
"""

import jax, jax.numpy as jnp
import numpy as np

RADII = [0.2, 0.4]
MAX_POINTS = [32, 64]


def setup_inputs(seed: int = 0) -> dict:
    key = jax.random.key(seed)
    k1, k2, k3 = jax.random.split(key, 3)
    x = jax.random.normal(k1, (8192, 64), dtype=jnp.float32)
    pos = jax.random.uniform(k2, (8192, 3), dtype=jnp.float32)
    batch = jnp.sort(jax.random.randint(k3, (8192,), 0, 8))
    return {"x": x, "pos": pos, "batch": batch}


def reference(x, pos, batch):
    # x = cat([x, pos], dim=1)
    feats = jnp.concatenate([x, pos], axis=1)
    # same-batch mask (radius() only matches points within the same example)
    same = batch[:, None] == batch[None, :]
    # pairwise squared distances (self-pair included, matching pyg radius)
    diff = pos[:, None, :] - pos[None, :, :]
    d2 = jnp.sum(diff * diff, axis=-1)
    for r, mp in zip(RADII, MAX_POINTS):
        within = (d2 <= r * r) & same
        # bincount of center indices == number of neighbors per query point,
        # capped at max_num_neighbors; every point has >=1 neighbor (itself)
        cnt = jnp.minimum(jnp.sum(within, axis=1), mp).astype(jnp.float32)[:, None]
        cnt = cnt / float(mp)
        feats = jnp.concatenate([feats, cnt], axis=1)
    return (feats, pos, batch)

if __name__ == "__main__":
    import jax
    _d = setup_inputs()
    print(jax.jit(kernel)(*tuple(_d.values())))

</pallas_src>

<mosaic_0001>
#map = affine_map<(d0, d1) -> (0)>
module attributes {stable_mosaic.version = 14 : i64} {
  func.func @k(%arg0: i32, %arg1: i32, %arg2: memref<8192xf32, #tpu.memory_space<hbm>>, %arg3: memref<8192xf32, #tpu.memory_space<hbm>>, %arg4: memref<8192xf32, #tpu.memory_space<hbm>>, %arg5: memref<8192xi32, #tpu.memory_space<hbm>>, %arg6: memref<16xi32, #tpu.memory_space<hbm>>, %arg7: memref<8192xf32, #tpu.memory_space<hbm>>, %arg8: memref<8192xf32, #tpu.memory_space<hbm>>, %arg9: memref<8192xf32, #tpu.memory_space<vmem>>, %arg10: memref<8192xf32, #tpu.memory_space<vmem>>, %arg11: memref<8192xf32, #tpu.memory_space<vmem>>, %arg12: memref<8192xi32, #tpu.memory_space<vmem>>, %arg13: memref<16xi32, #tpu.memory_space<vmem>>, %arg14: memref<8192xf32, #tpu.memory_space<vmem>>, %arg15: memref<256xf32, #tpu.memory_space<vmem>>, %arg16: memref<256xf32, #tpu.memory_space<vmem>>, %arg17: memref<!tpu.dma_semaphore, #tpu.memory_space<semaphore_mem>>) attributes {dimension_semantics = [#tpu.dimension_semantics<core_parallel>, #tpu.dimension_semantics<subcore_parallel>], iteration_bounds = array<i64: 2, 16>, scalar_prefetch = 0 : i64, scratch_operands = 9 : i64, tpu.core_type = #tpu.core_type<sc_vector_subcore>, window_params = [{transform_indices = #map}, {transform_indices = #map}, {transform_indices = #map}, {transform_indices = #map}, {transform_indices = #map}, {transform_indices = #map}, {transform_indices = #map}]} {
    %mul3A = arith.constant 2 : i32
    %mul3A_0 = arith.muli %arg1, %mul3A : i32
    %add3A = arith.addi %mul3A_0, %arg0 : i32
    tpu.enqueue_dma source(%arg2 : memref<8192xf32, #tpu.memory_space<hbm>>) target(%arg9 : memref<8192xf32, #tpu.memory_space<vmem>>) target_semaphore(%arg17 : memref<!tpu.dma_semaphore, #tpu.memory_space<semaphore_mem>>)
    tpu.enqueue_dma source(%arg3 : memref<8192xf32, #tpu.memory_space<hbm>>) target(%arg10 : memref<8192xf32, #tpu.memory_space<vmem>>) target_semaphore(%arg17 : memref<!tpu.dma_semaphore, #tpu.memory_space<semaphore_mem>>)
    tpu.enqueue_dma source(%arg4 : memref<8192xf32, #tpu.memory_space<hbm>>) target(%arg11 : memref<8192xf32, #tpu.memory_space<vmem>>) target_semaphore(%arg17 : memref<!tpu.dma_semaphore, #tpu.memory_space<semaphore_mem>>)
    tpu.enqueue_dma source(%arg5 : memref<8192xi32, #tpu.memory_space<hbm>>) target(%arg12 : memref<8192xi32, #tpu.memory_space<vmem>>) target_semaphore(%arg17 : memref<!tpu.dma_semaphore, #tpu.memory_space<semaphore_mem>>)
    tpu.enqueue_dma source(%arg6 : memref<16xi32, #tpu.memory_space<hbm>>) target(%arg13 : memref<16xi32, #tpu.memory_space<vmem>>) target_semaphore(%arg17 : memref<!tpu.dma_semaphore, #tpu.memory_space<semaphore_mem>>)
    tpu.wait_dma2 semaphore(%arg17 : memref<!tpu.dma_semaphore, #tpu.memory_space<semaphore_mem>>) src(%arg2 : memref<8192xf32, #tpu.memory_space<hbm>>) dst(%arg9 : memref<8192xf32, #tpu.memory_space<vmem>>)
    tpu.wait_dma2 semaphore(%arg17 : memref<!tpu.dma_semaphore, #tpu.memory_space<semaphore_mem>>) src(%arg3 : memref<8192xf32, #tpu.memory_space<hbm>>) dst(%arg10 : memref<8192xf32, #tpu.memory_space<vmem>>)
    tpu.wait_dma2 semaphore(%arg17 : memref<!tpu.dma_semaphore, #tpu.memory_space<semaphore_mem>>) src(%arg4 : memref<8192xf32, #tpu.memory_space<hbm>>) dst(%arg11 : memref<8192xf32, #tpu.memory_space<vmem>>)
    tpu.wait_dma2 semaphore(%arg17 : memref<!tpu.dma_semaphore, #tpu.memory_space<semaphore_mem>>) src(%arg5 : memref<8192xi32, #tpu.memory_space<hbm>>) dst(%arg12 : memref<8192xi32, #tpu.memory_space<vmem>>)
    tpu.wait_dma2 semaphore(%arg17 : memref<!tpu.dma_semaphore, #tpu.memory_space<semaphore_mem>>) src(%arg6 : memref<16xi32, #tpu.memory_space<hbm>>) dst(%arg13 : memref<16xi32, #tpu.memory_space<vmem>>)
    %mul3A_1 = arith.constant 256 : i32
    %mul3A_2 = arith.muli %add3A, %mul3A_1 : i32
    %iota3A = tpu.iota {dimensions = array<i32: 0>} : vector<16xi32>
    %scan3A = arith.constant 0 : i32
    %scan3A_3 = arith.constant 0 : i32
    %scan3A_4 = arith.constant 512 : i32
    %scan3A_5 = arith.addi %scan3A_3, %scan3A_4 : i32
    %scan3A_6 = arith.constant 4 : i32
    %scan3A_7 = scf.for %scan3A_1496 = %scan3A_3 to %scan3A_5 step %scan3A_6 iter_args(%scan3A_1497 = %scan3A) -> (i32)  : i32 {
      %mul3A_1498 = arith.constant 16 : i32
      %mul3A_1499 = arith.muli %scan3A_1496, %mul3A_1498 : i32
      %add3A_1500 = vector.broadcast %mul3A_1499 : i32 to vector<16xi32>
      %add3A_1501 = arith.addi %add3A_1500, %iota3A : vector<16xi32>
      %gather3A_1502 = tpu.vector_load_idx %arg9[%add3A_1501] : memref<8192xf32, #tpu.memory_space<vmem>>[vector<16xi32>], vector<16xf32>,
      %gather3A_1503 = tpu.vector_load_idx %arg10[%add3A_1501] : memref<8192xf32, #tpu.memory_space<vmem>>[vector<16xi32>], vector<16xf32>,
      %gather3A_1504 = tpu.vector_load_idx %arg11[%add3A_1501] : memref<8192xf32, #tpu.memory_space<vmem>>[vector<16xi32>], vector<16xf32>,
      %mul3A_1505 = arith.mulf %gather3A_1502, %gather3A_1502 : vector<16xf32>
      %mul3A_1506 = arith.mulf %gather3A_1503, %gather3A_1503 : vector<16xf32>
      %add3A_1507 = arith.addf %mul3A_1505, %mul3A_1506 : vector<16xf32>
      %mul3A_1508 = arith.mulf %gather3A_1504, %gather3A_1504 : vector<16xf32>
      %add3A_1509 = arith.addf %add3A_1507, %mul3A_1508 : vector<16xf32>
      %mul3A_1510 = arith.constant 5.000000e-01 : f32
      %mul3A_1511 = vector.broadcast %mul3A_1510 : f32 to vector<16xf32>
      %mul3A_1512 = arith.mulf %add3A_1509, %mul3A_1511 : vector<16xf32>
      tpu.vector_store_idx %arg14[%add3A_1501], %mul3A_1512 : memref<8192xf32, #tpu.memory_space<vmem>>[vector<16xi32>], vector<16xf32>,
      %scan3A_1513 = arith.constant 0 : i32
      %scan3A_1514 = arith.constant 1 : i32
      %scan3A_1515 = arith.addi %scan3A_1496, %scan3A_1514 : i32
      %mul3A_1516 = arith.constant 16 : i32
      %mul3A_1517 = arith.muli %scan3A_1515, %mul3A_1516 : i32
      %add3A_1518 = vector.broadcast %mul3A_1517 : i32 to vector<16xi32>
      %add3A_1519 = arith.addi %add3A_1518, %iota3A : vector<16xi32>
      %gather3A_1520 = tpu.vector_load_idx %arg9[%add3A_1519] : memref<8192xf32, #tpu.memory_space<vmem>>[vector<16xi32>], vector<16xf32>,
      %gather3A_1521 = tpu.vector_load_idx %arg10[%add3A_1519] : memref<8192xf32, #tpu.memory_space<vmem>>[vector<16xi32>], vector<16xf32>,
      %gather3A_1522 = tpu.vector_load_idx %arg11[%add3A_1519] : memref<8192xf32, #tpu.memory_space<vmem>>[vector<16xi32>], vector<16xf32>,
      %mul3A_1523 = arith.mulf %gather3A_1520, %gather3A_1520 : vector<16xf32>
      %mul3A_1524 = arith.mulf %gather3A_1521, %gather3A_1521 : vector<16xf32>
      %add3A_1525 = arith.addf %mul3A_1523, %mul3A_1524 : vector<16xf32>
      %mul3A_1526 = arith.mulf %gather3A_1522, %gather3A_1522 : vector<16xf32>
      %add3A_1527 = arith.addf %add3A_1525, %mul3A_1526 : vector<16xf32>
      %mul3A_1528 = arith.constant 5.000000e-01 : f32
      %mul3A_1529 = vector.broadcast %mul3A_1528 : f32 to vector<16xf32>
      %mul3A_1530 = arith.mulf %add3A_1527, %mul3A_1529 : vector<16xf32>
      tpu.vector_store_idx %arg14[%add3A_1519], %mul3A_1530 : memref<8192xf32, #tpu.memory_space<vmem>>[vector<16xi32>], vector<16xf32>,
      %scan3A_1531 = arith.constant 0 : i32
      %scan3A_1532 = arith.constant 2 : i32
      %scan3A_1533 = arith.addi %scan3A_1496, %scan3A_1532 : i32
      %mul3A_1534 = arith.constant 16 : i32
      %mul3A_1535 = arith.muli %scan3A_1533, %mul3A_1534 : i32
      %add3A_1536 = vector.broadcast %mul3A_1535 : i32 to vector<16xi32>
      %add3A_1537 = arith.addi %add3A_1536, %iota3A : vector<16xi32>
      %gather3A_1538 = tpu.vector_load_idx %arg9[%add3A_1537] : memref<8192xf32, #tpu.memory_space<vmem>>[vector<16xi32>], vector<16xf32>,
      %gather3A_1539 = tpu.vector_load_idx %arg10[%add3A_1537] : memref<8192xf32, #tpu.memory_space<vmem>>[vector<16xi32>], vector<16xf32>,
      %gather3A_1540 = tpu.vector_load_idx %arg11[%add3A_1537] : memref<8192xf32, #tpu.memory_space<vmem>>[vector<16xi32>], vector<16xf32>,
      %mul3A_1541 = arith.mulf %gather3A_1538, %gather3A_1538 : vector<16xf32>
      %mul3A_1542 = arith.mulf %gather3A_1539, %gather3A_1539 : vector<16xf32>
      %add3A_1543 = arith.addf %mul3A_1541, %mul3A_1542 : vector<16xf32>
      %mul3A_1544 = arith.mulf %gather3A_1540, %gather3A_1540 : vector<16xf32>
      %add3A_1545 = arith.addf %add3A_1543, %mul3A_1544 : vector<16xf32>
      %mul3A_1546 = arith.constant 5.000000e-01 : f32
      %mul3A_1547 = vector.broadcast %mul3A_1546 : f32 to vector<16xf32>
      %mul3A_1548 = arith.mulf %add3A_1545, %mul3A_1547 : vector<16xf32>
      tpu.vector_store_idx %arg14[%add3A_1537], %mul3A_1548 : memref<8192xf32, #tpu.memory_space<vmem>>[vector<16xi32>], vector<16xf32>,
      %scan3A_1549 = arith.constant 0 : i32
      %scan3A_1550 = arith.constant 3 : i32
      %scan3A_1551 = arith.addi %scan3A_1496, %scan3A_1550 : i32
      %mul3A_1552 = arith.constant 16 : i32
      %mul3A_1553 = arith.muli %scan3A_1551, %mul3A_1552 : i32
      %add3A_1554 = vector.broadcast %mul3A_1553 : i32 to vector<16xi32>
      %add3A_1555 = arith.addi %add3A_1554, %iota3A : vector<16xi32>
      %gather3A_1556 = tpu.vector_load_idx %arg9[%add3A_1555] : memref<8192xf32, #tpu.memory_space<vmem>>[vector<16xi32>], vector<16xf32>,
      %gather3A_1557 = tpu.vector_load_idx %arg10[%add3A_1555] : memref<8192xf32, #tpu.memory_space<vmem>>[vector<16xi32>], vector<16xf32>,
      %gather3A_1558 = tpu.vector_load_idx %arg11[%add3A_1555] : memref<8192xf32, #tpu.memory_space<vmem>>[vector<16xi32>], vector<16xf32>,
      %mul3A_1559 = arith.mulf %gather3A_1556, %gather3A_1556 : vector<16xf32>
      %mul3A_1560 = arith.mulf %gather3A_1557, %gather3A_1557 : vector<16xf32>
      %add3A_1561 = arith.addf %mul3A_1559, %mul3A_1560 : vector<16xf32>
      %mul3A_1562 = arith.mulf %gather3A_1558, %gather3A_1558 : vector<16xf32>
      %add3A_1563 = arith.addf %add3A_1561, %mul3A_1562 : vector<16xf32>
      %mul3A_1564 = arith.constant 5.000000e-01 : f32
      %mul3A_1565 = vector.broadcast %mul3A_1564 : f32 to vector<16xf32>
      %mul3A_1566 = arith.mulf %add3A_1563, %mul3A_1565 : vector<16xf32>
      tpu.vector_store_idx %arg14[%add3A_1555], %mul3A_1566 : memref<8192xf32, #tpu.memory_space<vmem>>[vector<16xi32>], vector<16xf32>,
      %scan3A_1567 = arith.constant 0 : i32
      scf.yield %scan3A_1567 : i32
    }
    %scan3A_8 = arith.constant 512 : i32
    %add3A_9 = arith.constant 0 : i32
    %add3A_10 = arith.addi %mul3A_2, %add3A_9 : i32
    %add3A_11 = vector.broadcast %add3A_10 : i32 to vector<16xi32>
    %add3A_12 = arith.addi %add3A_11, %iota3A : vector<16xi32>
    %gather3A = tpu.vector_load_idx %arg9[%add3A_12] : memref<8192xf32, #tpu.memory_space<vmem>>[vector<16xi32>], vector<16xf32>,
    %gather3A_13 = tpu.vector_load_idx %arg10[%add3A_12] : memref<8192xf32, #tpu.memory_space<vmem>>[vector<16xi32>], vector<16xf32>,
    %gather3A_14 = tpu.vector_load_idx %arg11[%add3A_12] : memref<8192xf32, #tpu.memory_space<vmem>>[vector<16xi32>], vector<16xf32>,
    %gather3A_15 = tpu.vector_load_idx %arg12[%add3A_12] : memref<8192xi32, #tpu.memory_space<vmem>>[vector<16xi32>], vector<16xi32>,
    %mul3A_16 = arith.mulf %gather3A, %gather3A : vector<16xf32>
    %mul3A_17 = arith.mulf %gather3A_13, %gather3A_13 : vector<16xf32>
    %add3A_18 = arith.addf %mul3A_16, %mul3A_17 : vector<16xf32>
    %mul3A_19 = arith.mulf %gather3A_14, %gather3A_14 : vector<16xf32>
    %add3A_20 = arith.addf %add3A_18, %mul3A_19 : vector<16xf32>
    %sub3A = arith.constant 4.000000e-02 : f32
    %sub3A_21 = vector.broadcast %sub3A : f32 to vector<16xf32>
    %sub3A_22 = arith.subf %sub3A_21, %add3A_20 : vector<16xf32>
    %mul3A_23 = arith.constant 5.000000e-01 : f32
    %mul3A_24 = vector.broadcast %mul3A_23 : f32 to vector<16xf32>
    %mul3A_25 = arith.mulf %sub3A_22, %mul3A_24 : vector<16xf32>
    %sub3A_26 = arith.constant 1.600000e-01 : f32
    %sub3A_27 = vector.broadcast %sub3A_26 : f32 to vector<16xf32>
    %sub3A_28 = arith.subf %sub3A_27, %add3A_20 : vector<16xf32>
    %mul3A_29 = arith.constant 5.000000e-01 : f32
    %mul3A_30 = vector.broadcast %mul3A_29 : f32 to vector<16xf32>
    %mul3A_31 = arith.mulf %sub3A_28, %mul3A_30 : vector<16xf32>
    %gather3A_32 = tpu.vector_load_idx %arg13[%gather3A_15] : memref<16xi32, #tpu.memory_space<vmem>>[vector<16xi32>], vector<16xi32>,
    %add3A_33 = arith.constant 1 : i32
    %add3A_34 = vector.broadcast %add3A_33 : i32 to vector<16xi32>
    %add3A_35 = arith.addi %gather3A_15, %add3A_34 : vector<16xi32>
    %gather3A_36 = tpu.vector_load_idx %arg13[%add3A_35] : memref<16xi32, #tpu.memory_space<vmem>>[vector<16xi32>], vector<16xi32>,
    %reduce_min3A = arith.constant true
    %reduce_min3A_37 = vector.broadcast %reduce_min3A : i1 to vector<16xi1>
    %reduce_min3A_38 = arith.constant -2147483648 : i32
    %reduce_min3A_39 = vector.broadcast %reduce_min3A_38 : i32 to vector<16xi32>
    %reduce_min3A_40 = arith.xori %gather3A_32, %reduce_min3A_39 : vector<16xi32>
    %reduce_min3A_41 = tpu.scan <min>, %reduce_min3A_40 masked %reduce_min3A_37 : vector<16xi32>, vector<16xi1> -> vector<16xi32>
    %reduce_min3A_42 = arith.xori %reduce_min3A_41, %reduce_min3A_39 : vector<16xi32>
    %reduce_min3A_43 = vector.extract %reduce_min3A_42[15] : i32 from vector<16xi32>
    %min3A = arith.constant 8192 : i32
    %min3A_44 = arith.minsi %min3A, %reduce_min3A_43 : i32
    %reduce_max3A = arith.constant true
    %reduce_max3A_45 = vector.broadcast %reduce_max3A : i1 to vector<16xi1>
    %reduce_max3A_46 = arith.constant -2147483648 : i32
    %reduce_max3A_47 = vector.broadcast %reduce_max3A_46 : i32 to vector<16xi32>
    %reduce_max3A_48 = arith.xori %gather3A_36, %reduce_max3A_47 : vector<16xi32>
    %reduce_max3A_49 = tpu.scan <max>, %reduce_max3A_48 masked %reduce_max3A_45 : vector<16xi32>, vector<16xi1> -> vector<16xi32>
    %reduce_max3A_50 = arith.xori %reduce_max3A_49, %reduce_max3A_47 : vector<16xi32>
    %reduce_max3A_51 = vector.extract %reduce_max3A_50[15] : i32 from vector<16xi32>
    %max3A = arith.constant 0 : i32
    %max3A_52 = arith.maxsi %max3A, %reduce_max3A_51 : i32
    %reduce_min3A_53 = arith.constant true
    %reduce_min3A_54 = vector.broadcast %reduce_min3A_53 : i1 to vector<16xi1>
    %reduce_min3A_55 = arith.constant -2147483648 : i32
    %reduce_min3A_56 = vector.broadcast %reduce_min3A_55 : i32 to vector<16xi32>
    %reduce_min3A_57 = arith.xori %gather3A_15, %reduce_min3A_56 : vector<16xi32>
    %reduce_min3A_58 = tpu.scan <min>, %reduce_min3A_57 masked %reduce_min3A_54 : vector<16xi32>, vector<16xi1> -> vector<16xi32>
    %reduce_min3A_59 = arith.xori %reduce_min3A_58, %reduce_min3A_56 : vector<16xi32>
    %reduce_min3A_60 = vector.extract %reduce_min3A_59[15] : i32 from vector<16xi32>
    %min3A_61 = arith.constant 127 : i32
    %min3A_62 = arith.minsi %min3A_61, %reduce_min3A_60 : i32
    %reduce_max3A_63 = arith.constant true
    %reduce_max3A_64 = vector.broadcast %reduce_max3A_63 : i1 to vector<16xi1>
    %reduce_max3A_65 = arith.constant -2147483648 : i32
    %reduce_max3A_66 = vector.broadcast %reduce_max3A_65 : i32 to vector<16xi32>
    %reduce_max3A_67 = arith.xori %gather3A_15, %reduce_max3A_66 : vector<16xi32>
    %reduce_max3A_68 = tpu.scan <max>, %reduce_max3A_67 masked %reduce_max3A_64 : vector<16xi32>, vector<16xi1> -> vector<16xi32>
    %reduce_max3A_69 = arith.xori %reduce_max3A_68, %reduce_max3A_66 : vector<16xi32>
    %reduce_max3A_70 = vector.extract %reduce_max3A_69[15] : i32 from vector<16xi32>
    %max3A_71 = arith.constant -1 : i32
    %max3A_72 = arith.maxsi %max3A_71, %reduce_max3A_70 : i32
    %add3A_73 = arith.constant 16 : i32
    %add3A_74 = arith.addi %mul3A_2, %add3A_73 : i32
    %add3A_75 = vector.broadcast %add3A_74 : i32 to vector<16xi32>
    %add3A_76 = arith.addi %add3A_75, %iota3A : vector<16xi32>
    %gather3A_77 = tpu.vector_load_idx %arg9[%add3A_76] : memref<8192xf32, #tpu.memory_space<vmem>>[vector<16xi32>], vector<16xf32>,
    %gather3A_78 = tpu.vector_load_idx %arg10[%add3A_76] : memref<8192xf32, #tpu.memory_space<vmem>>[vector<16xi32>], vector<16xf32>,
    %gather3A_79 = tpu.vector_load_idx %arg11[%add3A_76] : memref<8192xf32, #tpu.memory_space<vmem>>[vector<16xi32>], vector<16xf32>,
    %gather3A_80 = tpu.vector_load_idx %arg12[%add3A_76] : memref<8192xi32, #tpu.memory_space<vmem>>[vector<16xi32>], vector<16xi32>,
    %mul3A_81 = arith.mulf %gather3A_77, %gather3A_77 : vector<16xf32>
    %mul3A_82 = arith.mulf %gather3A_78, %gather3A_78 : vector<16xf32>
    %add3A_83 = arith.addf %mul3A_81, %mul3A_82 : vector<16xf32>
    %mul3A_84 = arith.mulf %gather3A_79, %gather3A_79 : vector<16xf32>
    %add3A_85 = arith.addf %add3A_83, %mul3A_84 : vector<16xf32>
    %sub3A_86 = arith.constant 4.000000e-02 : f32
    %sub3A_87 = vector.broadcast %sub3A_86 : f32 to vector<16xf32>
    %sub3A_88 = arith.subf %sub3A_87, %add3A_85 : vector<16xf32>
    %mul3A_89 = arith.constant 5.000000e-01 : f32
    %mul3A_90 = vector.broadcast %mul3A_89 : f32 to vector<16xf32>
    %mul3A_91 = arith.mulf %sub3A_88, %mul3A_90 : vector<16xf32>
    %sub3A_92 = arith.constant 1.600000e-01 : f32
    %sub3A_93 = vector.broadcast %sub3A_92 : f32 to vector<16xf32>
    %sub3A_94 = arith.subf %sub3A_93, %add3A_85 : vector<16xf32>
    %mul3A_95 = arith.constant 5.000000e-01 : f32
    %mul3A_96 = vector.broadcast %mul3A_95 : f32 to vector<16xf32>
    %mul3A_97 = arith.mulf %sub3A_94, %mul3A_96 : vector<16xf32>
    %gather3A_98 = tpu.vector_load_idx %arg13[%gather3A_80] : memref<16xi32, #tpu.memory_space<vmem>>[vector<16xi32>], vector<16xi32>,
    %add3A_99 = arith.constant 1 : i32
    %add3A_100 = vector.broadcast %add3A_99 : i32 to vector<16xi32>
    %add3A_101 = arith.addi %gather3A_80, %add3A_100 : vector<16xi32>
    %gather3A_102 = tpu.vector_load_idx %arg13[%add3A_101] : memref<16xi32, #tpu.memory_space<vmem>>[vector<16xi32>], vector<16xi32>,
    %reduce_min3A_103 = arith.constant true
    %reduce_min3A_104 = vector.broadcast %reduce_min3A_103 : i1 to vector<16xi1>
    %reduce_min3A_105 = arith.constant -2147483648 : i32
    %reduce_min3A_106 = vector.broadcast %reduce_min3A_105 : i32 to vector<16xi32>
    %reduce_min3A_107 = arith.xori %gather3A_98, %reduce_min3A_106 : vector<16xi32>
    %reduce_min3A_108 = tpu.scan <min>, %reduce_min3A_107 masked %reduce_min3A_104 : vector<16xi32>, vector<16xi1> -> vector<16xi32>
    %reduce_min3A_109 = arith.xori %reduce_min3A_108, %reduce_min3A_106 : vector<16xi32>
    %reduce_min3A_110 = vector.extract %reduce_min3A_109[15] : i32 from vector<16xi32>
    %min3A_111 = arith.minsi %min3A_44, %reduce_min3A_110 : i32
    %reduce_max3A_112 = arith.constant true
    %reduce_max3A_113 = vector.broadcast %reduce_max3A_112 : i1 to vector<16xi1>
    %reduce_max3A_114 = arith.constant -2147483648 : i32
    %reduce_max3A_115 = vector.broadcast %reduce_max3A_114 : i32 to vector<16xi32>
    %reduce_max3A_116 = arith.xori %gather3A_102, %reduce_max3A_115 : vector<16xi32>
    %reduce_max3A_117 = tpu.scan <max>, %reduce_max3A_116 masked %reduce_max3A_113 : vector<16xi32>, vector<16xi1> -> vector<16xi32>
    %reduce_max3A_118 = arith.xori %reduce_max3A_117, %reduce_max3A_115 : vector<16xi32>
    %reduce_max3A_119 = vector.extract %reduce_max3A_118[15] : i32 from vector<16xi32>
    %max3A_120 = arith.maxsi %max3A_52, %reduce_max3A_119 : i32
    %reduce_min3A_121 = arith.constant true
    %reduce_min3A_122 = vector.broadcast %reduce_min3A_121 : i1 to vector<16xi1>
    %reduce_min3A_123 = arith.constant -2147483648 : i32
    %reduce_min3A_124 = vector.broadcast %reduce_min3A_123 : i32 to vector<16xi32>
    %reduce_min3A_125 = arith.xori %gather3A_80, %reduce_min3A_124 : vector<16xi32>
    %reduce_min3A_126 = tpu.scan <min>, %reduce_min3A_125 masked %reduce_min3A_122 : vector<16xi32>, vector<16xi1> -> vector<16xi32>
    %reduce_min3A_127 = arith.xori %reduce_min3A_126, %reduce_min3A_124 : vector<16xi32>
    %reduce_min3A_128 = vector.extract %reduce_min3A_127[15] : i32 from vector<16xi32>
    %min3A_129 = arith.minsi %min3A_62, %reduce_min3A_128 : i32
    %reduce_max3A_130 = arith.constant true
    %reduce_max3A_131 = vector.broadcast %reduce_max3A_130 : i1 to vector<16xi1>
    %reduce_max3A_132 = arith.constant -2147483648 : i32
    %reduce_max3A_133 = vector.broadcast %reduce_max3A_132 : i32 to vector<16xi32>
    %reduce_max3A_134 = arith.xori %gather3A_80, %reduce_max3A_133 : vector<16xi32>
    %reduce_max3A_135 = tpu.scan <max>, %reduce_max3A_134 masked %reduce_max3A_131 : vector<16xi32>, vector<16xi1> -> vector<16xi32>
    %reduce_max3A_136 = arith.xori %reduce_max3A_135, %reduce_max3A_133 : vector<16xi32>
    %reduce_max3A_137 = vector.extract %reduce_max3A_136[15] : i32 from vector<16xi32>
    %max3A_138 = arith.maxsi %max3A_72, %reduce_max3A_137 : i32
    %add3A_139 = arith.constant 32 : i32
    %add3A_140 = arith.addi %mul3A_2, %add3A_139 : i32
    %add3A_141 = vector.broadcast %add3A_140 : i32 to vector<16xi32>
    %add3A_142 = arith.addi %add3A_141, %iota3A : vector<16xi32>
    %gather3A_143 = tpu.vector_load_idx %arg9[%add3A_142] : memref<8192xf32, #tpu.memory_space<vmem>>[vector<16xi32>], vector<16xf32>,
    %gather3A_144 = tpu.vector_load_idx %arg10[%add3A_142] : memref<8192xf32, #tpu.memory_space<vmem>>[vector<16xi32>], vector<16xf32>,
    %gather3A_145 = tpu.vector_load_idx %arg11[%add3A_142] : memref<8192xf32, #tpu.memory_space<vmem>>[vector<16xi32>], vector<16xf32>,
    %gather3A_146 = tpu.vector_load_idx %arg12[%add3A_142] : memref<8192xi32, #tpu.memory_space<vmem>>[vector<16xi32>], vector<16xi32>,
    %mul3A_147 = arith.mulf %gather3A_143, %gather3A_143 : vector<16xf32>
    %mul3A_148 = arith.mulf %gather3A_144, %gather3A_144 : vector<16xf32>
    %add3A_149 = arith.addf %mul3A_147, %mul3A_148 : vector<16xf32>
    %mul3A_150 = arith.mulf %gather3A_145, %gather3A_145 : vector<16xf32>
    %add3A_151 = arith.addf %add3A_149, %mul3A_150 : vector<16xf32>
    %sub3A_152 = arith.constant 4.000000e-02 : f32
    %sub3A_153 = vector.broadcast %sub3A_152 : f32 to vector<16xf32>
    %sub3A_154 = arith.subf %sub3A_153, %add3A_151 : vector<16xf32>
    %mul3A_155 = arith.constant 5.000000e-01 : f32
    %mul3A_156 = vector.broadcast %mul3A_155 : f32 to vector<16xf32>
    %mul3A_157 = arith.mulf %sub3A_154, %mul3A_156 : vector<16xf32>
    %sub3A_158 = arith.constant 1.600000e-01 : f32
    %sub3A_159 = vector.broadcast %sub3A_158 : f32 to vector<16xf32>
    %sub3A_160 = arith.subf %sub3A_159, %add3A_151 : vector<16xf32>
    %mul3A_161 = arith.constant 5.000000e-01 : f32
    %mul3A_162 = vector.broadcast %mul3A_161 : f32 to vector<16xf32>
    %mul3A_163 = arith.mulf %sub3A_160, %mul3A_162 : vector<16xf32>
    %gather3A_164 = tpu.vector_load_idx %arg13[%gather3A_146] : memref<16xi32, #tpu.memory_space<vmem>>[vector<16xi32>], vector<16xi32>,
    %add3A_165 = arith.constant 1 : i32
    %add3A_166 = vector.broadcast %add3A_165 : i32 to vector<16xi32>
    %add3A_167 = arith.addi %gather3A_146, %add3A_166 : vector<16xi32>
    %gather3A_168 = tpu.vector_load_idx %arg13[%add3A_167] : memref<16xi32, #tpu.memory_space<vmem>>[vector<16xi32>], vector<16xi32>,
    %reduce_min3A_169 = arith.constant true
    %reduce_min3A_170 = vector.broadcast %reduce_min3A_169 : i1 to vector<16xi1>
    %reduce_min3A_171 = arith.constant -2147483648 : i32
    %reduce_min3A_172 = vector.broadcast %reduce_min3A_171 : i32 to vector<16xi32>
    %reduce_min3A_173 = arith.xori %gather3A_164, %reduce_min3A_172 : vector<16xi32>
    %reduce_min3A_174 = tpu.scan <min>, %reduce_min3A_173 masked %reduce_min3A_170 : vector<16xi32>, vector<16xi1> -> vector<16xi32>
    %reduce_min3A_175 = arith.xori %reduce_min3A_174, %reduce_min3A_172 : vector<16xi32>
    %reduce_min3A_176 = vector.extract %reduce_min3A_175[15] : i32 from vector<16xi32>
    %min3A_177 = arith.minsi %min3A_111, %reduce_min3A_176 : i32
    %reduce_max3A_178 = arith.constant true
    %reduce_max3A_179 = vector.broadcast %reduce_max3A_178 : i1 to vector<16xi1>
    %reduce_max3A_180 = arith.constant -2147483648 : i32
    %reduce_max3A_181 = vector.broadcast %reduce_max3A_180 : i32 to vector<16xi32>
    %reduce_max3A_182 = arith.xori %gather3A_168, %reduce_max3A_181 : vector<16xi32>
    %reduce_max3A_183 = tpu.scan <max>, %reduce_max3A_182 masked %reduce_max3A_179 : vector<16xi32>, vector<16xi1> -> vector<16xi32>
    %reduce_max3A_184 = arith.xori %reduce_max3A_183, %reduce_max3A_181 : vector<16xi32>
    %reduce_max3A_185 = vector.extract %reduce_max3A_184[15] : i32 from vector<16xi32>
    %max3A_186 = arith.maxsi %max3A_120, %reduce_max3A_185 : i32
    %reduce_min3A_187 = arith.constant true
    %reduce_min3A_188 = vector.broadcast %reduce_min3A_187 : i1 to vector<16xi1>
    %reduce_min3A_189 = arith.constant -2147483648 : i32
    %reduce_min3A_190 = vector.broadcast %reduce_min3A_189 : i32 to vector<16xi32>
    %reduce_min3A_191 = arith.xori %gather3A_146, %reduce_min3A_190 : vector<16xi32>
    %reduce_min3A_192 = tpu.scan <min>, %reduce_min3A_191 masked %reduce_min3A_188 : vector<16xi32>, vector<16xi1> -> vector<16xi32>
    %reduce_min3A_193 = arith.xori %reduce_min3A_192, %reduce_min3A_190 : vector<16xi32>
    %reduce_min3A_194 = vector.extract %reduce_min3A_193[15] : i32 from vector<16xi32>
    %min3A_195 = arith.minsi %min3A_129, %reduce_min3A_194 : i32
    %reduce_max3A_196 = arith.constant true
    %reduce_max3A_197 = vector.broadcast %reduce_max3A_196 : i1 to vector<16xi1>
    %reduce_max3A_198 = arith.constant -2147483648 : i32
    %reduce_max3A_199 = vector.broadcast %reduce_max3A_198 : i32 to vector<16xi32>
    %reduce_max3A_200 = arith.xori %gather3A_146, %reduce_max3A_199 : vector<16xi32>
    %reduce_max3A_201 = tpu.scan <max>, %reduce_max3A_200 masked %reduce_max3A_197 : vector<16xi32>, vector<16xi1> -> vector<16xi32>
    %reduce_max3A_202 = arith.xori %reduce_max3A_201, %reduce_max3A_199 : vector<16xi32>
    %reduce_max3A_203 = vector.extract %reduce_max3A_202[15] : i32 from vector<16xi32>
    %max3A_204 = arith.maxsi %max3A_138, %reduce_max3A_203 : i32
    %add3A_205 = arith.constant 48 : i32
    %add3A_206 = arith.addi %mul3A_2, %add3A_205 : i32
    %add3A_207 = vector.broadcast %add3A_206 : i32 to vector<16xi32>
    %add3A_208 = arith.addi %add3A_207, %iota3A : vector<16xi32>
    %gather3A_209 = tpu.vector_load_idx %arg9[%add3A_208] : memref<8192xf32, #tpu.memory_space<vmem>>[vector<16xi32>], vector<16xf32>,
    %gather3A_210 = tpu.vector_load_idx %arg10[%add3A_208] : memref<8192xf32, #tpu.memory_space<vmem>>[vector<16xi32>], vector<16xf32>,
    %gather3A_211 = tpu.vector_load_idx %arg11[%add3A_208] : memref<8192xf32, #tpu.memory_space<vmem>>[vector<16xi32>], vector<16xf32>,
    %gather3A_212 = tpu.vector_load_idx %arg12[%add3A_208] : memref<8192xi32, #tpu.memory_space<vmem>>[vector<16xi32>], vector<16xi32>,
    %mul3A_213 = arith.mulf %gather3A_209, %gather3A_209 : vector<16xf32>
    %mul3A_214 = arith.mulf %gather3A_210, %gather3A_210 : vector<16xf32>
    %add3A_215 = arith.addf %mul3A_213, %mul3A_214 : vector<16xf32>
    %mul3A_216 = arith.mulf %gather3A_211, %gather3A_211 : vector<16xf32>
    %add3A_217 = arith.addf %add3A_215, %mul3A_216 : vector<16xf32>
    %sub3A_218 = arith.constant 4.000000e-02 : f32
    %sub3A_219 = vector.broadcast %sub3A_218 : f32 to vector<16xf32>
    %sub3A_220 = arith.subf %sub3A_219, %add3A_217 : vector<16xf32>
    %mul3A_221 = arith.constant 5.000000e-01 : f32
    %mul3A_222 = vector.broadcast %mul3A_221 : f32 to vector<16xf32>
    %mul3A_223 = arith.mulf %sub3A_220, %mul3A_222 : vector<16xf32>
    %sub3A_224 = arith.constant 1.600000e-01 : f32
    %sub3A_225 = vector.broadcast %sub3A_224 : f32 to vector<16xf32>
    %sub3A_226 = arith.subf %sub3A_225, %add3A_217 : vector<16xf32>
    %mul3A_227 = arith.constant 5.000000e-01 : f32
    %mul3A_228 = vector.broadcast %mul3A_227 : f32 to vector<16xf32>
    %mul3A_229 = arith.mulf %sub3A_226, %mul3A_228 : vector<16xf32>
    %gather3A_230 = tpu.vector_load_idx %arg13[%gather3A_212] : memref<16xi32, #tpu.memory_space<vmem>>[vector<16xi32>], vector<16xi32>,
    %add3A_231 = arith.constant 1 : i32
    %add3A_232 = vector.broadcast %add3A_231 : i32 to vector<16xi32>
    %add3A_233 = arith.addi %gather3A_212, %add3A_232 : vector<16xi32>
    %gather3A_234 = tpu.vector_load_idx %arg13[%add3A_233] : memref<16xi32, #tpu.memory_space<vmem>>[vector<16xi32>], vector<16xi32>,
    %reduce_min3A_235 = arith.constant true
    %reduce_min3A_236 = vector.broadcast %reduce_min3A_235 : i1 to vector<16xi1>
    %reduce_min3A_237 = arith.constant -2147483648 : i32
    %reduce_min3A_238 = vector.broadcast %reduce_min3A_237 : i32 to vector<16xi32>
    %reduce_min3A_239 = arith.xori %gather3A_230, %reduce_min3A_238 : vector<16xi32>
    %reduce_min3A_240 = tpu.scan <min>, %reduce_min3A_239 masked %reduce_min3A_236 : vector<16xi32>, vector<16xi1> -> vector<16xi32>
    %reduce_min3A_241 = arith.xori %reduce_min3A_240, %reduce_min3A_238 : vector<16xi32>
    %reduce_min3A_242 = vector.extract %reduce_min3A_241[15] : i32 from vector<16xi32>
    %min3A_243 = arith.minsi %min3A_177, %reduce_min3A_242 : i32
    %reduce_max3A_244 = arith.constant true
    %reduce_max3A_245 = vector.broadcast %reduce_max3A_244 : i1 to vector<16xi1>
    %reduce_max3A_246 = arith.constant -2147483648 : i32
    %reduce_max3A_247 = vector.broadcast %reduce_max3A_246 : i32 to vector<16xi32>
    %reduce_max3A_248 = arith.xori %gather3A_234, %reduce_max3A_247 : vector<16xi32>
    %reduce_max3A_249 = tpu.scan <max>, %reduce_max3A_248 masked %reduce_max3A_245 : vector<16xi32>, vector<16xi1> -> vector<16xi32>
    %reduce_max3A_250 = arith.xori %reduce_max3A_249, %reduce_max3A_247 : vector<16xi32>
    %reduce_max3A_251 = vector.extract %reduce_max3A_250[15] : i32 from vector<16xi32>
    %max3A_252 = arith.maxsi %max3A_186, %reduce_max3A_251 : i32
    %reduce_min3A_253 = arith.constant true
    %reduce_min3A_254 = vector.broadcast %reduce_min3A_253 : i1 to vector<16xi1>
    %reduce_min3A_255 = arith.constant -2147483648 : i32
    %reduce_min3A_256 = vector.broadcast %reduce_min3A_255 : i32 to vector<16xi32>
    %reduce_min3A_257 = arith.xori %gather3A_212, %reduce_min3A_256 : vector<16xi32>
    %reduce_min3A_258 = tpu.scan <min>, %reduce_min3A_257 masked %reduce_min3A_254 : vector<16xi32>, vector<16xi1> -> vector<16xi32>
    %reduce_min3A_259 = arith.xori %reduce_min3A_258, %reduce_min3A_256 : vector<16xi32>
    %reduce_min3A_260 = vector.extract %reduce_min3A_259[15] : i32 from vector<16xi32>
    %min3A_261 = arith.minsi %min3A_195, %reduce_min3A_260 : i32
    %reduce_max3A_262 = arith.constant true
    %reduce_max3A_263 = vector.broadcast %reduce_max3A_262 : i1 to vector<16xi1>
    %reduce_max3A_264 = arith.constant -2147483648 : i32
    %reduce_max3A_265 = vector.broadcast %reduce_max3A_264 : i32 to vector<16xi32>
    %reduce_max3A_266 = arith.xori %gather3A_212, %reduce_max3A_265 : vector<16xi32>
    %reduce_max3A_267 = tpu.scan <max>, %reduce_max3A_266 masked %reduce_max3A_263 : vector<16xi32>, vector<16xi1> -> vector<16xi32>
    %reduce_max3A_268 = arith.xori %reduce_max3A_267, %reduce_max3A_265 : vector<16xi32>
    %reduce_max3A_269 = vector.extract %reduce_max3A_268[15] : i32 from vector<16xi32>
    %max3A_270 = arith.maxsi %max3A_204, %reduce_max3A_269 : i32
    %broadcast_in_dim3A = arith.constant 0 : i32
    %broadcast_in_dim3A_271 = vector.broadcast %broadcast_in_dim3A : i32 to vector<16xi32>
    %eq3A = arith.cmpi eq, %min3A_261, %max3A_270 : i32
    %convert_element_type3A = arith.extui %eq3A : i1 to i32
    %cond3A = arith.constant 65537 : i32
    %cond3A_272 = arith.constant 1 : i32
    %cond3A_273 = arith.constant 0 : i32
    %cond3A_274 = arith.constant 0 : i32
    %cond3A_275 = arith.constant 0 : i32
    %cond3A_276 = arith.cmpi ne, %convert_element_type3A, %cond3A_275 : i32
    %cond3A_277:4 = scf.if %cond3A_276 -> (vector<16xi32>, vector<16xi32>, vector<16xi32>, vector<16xi32>) {
      %parallel_loop3A = arith.constant 1 : i32
      %parallel_loop3A_1496:4 = scf.for %parallel_loop3A_1497 = %min3A_243 to %max3A_252 step %parallel_loop3A iter_args(%parallel_loop3A_1498 = %broadcast_in_dim3A_271, %parallel_loop3A_1499 = %broadcast_in_dim3A_271, %parallel_loop3A_1500 = %broadcast_in_dim3A_271, %parallel_loop3A_1501 = %broadcast_in_dim3A_271) -> (vector<16xi32>, vector<16xi32>, vector<16xi32>, vector<16xi32>)  : i32 {
        %parallel_loop3A_1502 = vector.broadcast %parallel_loop3A_1497 : i32 to vector<16xi32>
        %parallel_loop3A_1503 = tpu.vector_load_idx %arg9[%parallel_loop3A_1502] : memref<8192xf32, #tpu.memory_space<vmem>>[vector<16xi32>], vector<16xf32>,
        %parallel_loop3A_1504 = tpu.vector_load_idx %arg10[%parallel_loop3A_1502] : memref<8192xf32, #tpu.memory_space<vmem>>[vector<16xi32>], vector<16xf32>,
        %parallel_loop3A_1505 = tpu.vector_load_idx %arg11[%parallel_loop3A_1502] : memref<8192xf32, #tpu.memory_space<vmem>>[vector<16xi32>], vector<16xf32>,
        %parallel_loop3A_1506 = tpu.vector_load_idx %arg14[%parallel_loop3A_1502] : memref<8192xf32, #tpu.memory_space<vmem>>[vector<16xi32>], vector<16xf32>,
        %parallel_loop3A_1507 = arith.mulf %gather3A, %parallel_loop3A_1503 : vector<16xf32>
        %parallel_loop3A_1508 = arith.mulf %gather3A_13, %parallel_loop3A_1504 : vector<16xf32>
        %parallel_loop3A_1509 = arith.addf %parallel_loop3A_1507, %parallel_loop3A_1508 : vector<16xf32>
        %parallel_loop3A_1510 = arith.mulf %gather3A_14, %parallel_loop3A_1505 : vector<16xf32>
        %parallel_loop3A_1511 = arith.addf %parallel_loop3A_1509, %parallel_loop3A_1510 : vector<16xf32>
        %parallel_loop3A_1512 = arith.subf %parallel_loop3A_1506, %parallel_loop3A_1511 : vector<16xf32>
        %parallel_loop3A_1513 = arith.cmpf ole, %parallel_loop3A_1512, %mul3A_25 : vector<16xf32>
        %parallel_loop3A_1514 = arith.cmpf ole, %parallel_loop3A_1512, %mul3A_31 : vector<16xf32>
        %parallel_loop3A_1515 = vector.broadcast %cond3A : i32 to vector<16xi32>
        %parallel_loop3A_1516 = vector.broadcast %cond3A_272 : i32 to vector<16xi32>
        %parallel_loop3A_1517 = arith.select %parallel_loop3A_1513, %parallel_loop3A_1515, %parallel_loop3A_1516 : vector<16xi1>, vector<16xi32>
        %parallel_loop3A_1518 = vector.broadcast %cond3A_273 : i32 to vector<16xi32>
        %parallel_loop3A_1519 = arith.select %parallel_loop3A_1514, %parallel_loop3A_1517, %parallel_loop3A_1518 : vector<16xi1>, vector<16xi32>
        %parallel_loop3A_1520 = arith.addi %parallel_loop3A_1498, %parallel_loop3A_1519 : vector<16xi32>
        %parallel_loop3A_1521 = arith.mulf %gather3A_77, %parallel_loop3A_1503 : vector<16xf32>
        %parallel_loop3A_1522 = arith.mulf %gather3A_78, %parallel_loop3A_1504 : vector<16xf32>
        %parallel_loop3A_1523 = arith.addf %parallel_loop3A_1521, %parallel_loop3A_1522 : vector<16xf32>
        %parallel_loop3A_1524 = arith.mulf %gather3A_79, %parallel_loop3A_1505 : vector<16xf32>
        %parallel_loop3A_1525 = arith.addf %parallel_loop3A_1523, %parallel_loop3A_1524 : vector<16xf32>
        %parallel_loop3A_1526 = arith.subf %parallel_loop3A_1506, %parallel_loop3A_1525 : vector<16xf32>
        %parallel_loop3A_1527 = arith.cmpf ole, %parallel_loop3A_1526, %mul3A_91 : vector<16xf32>
        %parallel_loop3A_1528 = arith.cmpf ole, %parallel_loop3A_1526, %mul3A_97 : vector<16xf32>
        %parallel_loop3A_1529 = vector.broadcast %cond3A : i32 to vector<16xi32>
        %parallel_loop3A_1530 = vector.broadcast %cond3A_272 : i32 to vector<16xi32>
        %parallel_loop3A_1531 = arith.select %parallel_loop3A_1527, %parallel_loop3A_1529, %parallel_loop3A_1530 : vector<16xi1>, vector<16xi32>
        %parallel_loop3A_1532 = vector.broadcast %cond3A_273 : i32 to vector<16xi32>
        %parallel_loop3A_1533 = arith.select %parallel_loop3A_1528, %parallel_loop3A_1531, %parallel_loop3A_1532 : vector<16xi1>, vector<16xi32>
        %parallel_loop3A_1534 = arith.addi %parallel_loop3A_1499, %parallel_loop3A_1533 : vector<16xi32>
        %parallel_loop3A_1535 = arith.mulf %gather3A_143, %parallel_loop3A_1503 : vector<16xf32>
        %parallel_loop3A_1536 = arith.mulf %gather3A_144, %parallel_loop3A_1504 : vector<16xf32>
        %parallel_loop3A_1537 = arith.addf %parallel_loop3A_1535, %parallel_loop3A_1536 : vector<16xf32>
        %parallel_loop3A_1538 = arith.mulf %gather3A_145, %parallel_loop3A_1505 : vector<16xf32>
        %parallel_loop3A_1539 = arith.addf %parallel_loop3A_1537, %parallel_loop3A_1538 : vector<16xf32>
        %parallel_loop3A_1540 = arith.subf %parallel_loop3A_1506, %parallel_loop3A_1539 : vector<16xf32>
        %parallel_loop3A_1541 = arith.cmpf ole, %parallel_loop3A_1540, %mul3A_157 : vector<16xf32>
        %parallel_loop3A_1542 = arith.cmpf ole, %parallel_loop3A_1540, %mul3A_163 : vector<16xf32>
        %parallel_loop3A_1543 = vector.broadcast %cond3A : i32 to vector<16xi32>
        %parallel_loop3A_1544 = vector.broadcast %cond3A_272 : i32 to vector<16xi32>
        %parallel_loop3A_1545 = arith.select %parallel_loop3A_1541, %parallel_loop3A_1543, %parallel_loop3A_1544 : vector<16xi1>, vector<16xi32>
        %parallel_loop3A_1546 = vector.broadcast %cond3A_273 : i32 to vector<16xi32>
        %parallel_loop3A_1547 = arith.select %parallel_loop3A_1542, %parallel_loop3A_1545, %parallel_loop3A_1546 : vector<16xi1>, vector<16xi32>
        %parallel_loop3A_1548 = arith.addi %parallel_loop3A_1500, %parallel_loop3A_1547 : vector<16xi32>
        %parallel_loop3A_1549 = arith.mulf %gather3A_209, %parallel_loop3A_1503 : vector<16xf32>
        %parallel_loop3A_1550 = arith.mulf %gather3A_210, %parallel_loop3A_1504 : vector<16xf32>
        %parallel_loop3A_1551 = arith.addf %parallel_loop3A_1549, %parallel_loop3A_1550 : vector<16xf32>
        %parallel_loop3A_1552 = arith.mulf %gather3A_211, %parallel_loop3A_1505 : vector<16xf32>
        %parallel_loop3A_1553 = arith.addf %parallel_loop3A_1551, %parallel_loop3A_1552 : vector<16xf32>
        %parallel_loop3A_1554 = arith.subf %parallel_loop3A_1506, %parallel_loop3A_1553 : vector<16xf32>
        %parallel_loop3A_1555 = arith.cmpf ole, %parallel_loop3A_1554, %mul3A_223 : vector<16xf32>
        %parallel_loop3A_1556 = arith.cmpf ole, %parallel_loop3A_1554, %mul3A_229 : vector<16xf32>
        %parallel_loop3A_1557 = vector.broadcast %cond3A : i32 to vector<16xi32>
        %parallel_loop3A_1558 = vector.broadcast %cond3A_272 : i32 to vector<16xi32>
        %parallel_loop3A_1559 = arith.select %parallel_loop3A_1555, %parallel_loop3A_1557, %parallel_loop3A_1558 : vector<16xi1>, vector<16xi32>
        %parallel_loop3A_1560 = vector.broadcast %cond3A_273 : i32 to vector<16xi32>
        %parallel_loop3A_1561 = arith.select %parallel_loop3A_1556, %parallel_loop3A_1559, %parallel_loop3A_1560 : vector<16xi1>, vector<16xi32>
        %parallel_loop3A_1562 = arith.addi %parallel_loop3A_1501, %parallel_loop3A_1561 : vector<16xi32>
        scf.yield %parallel_loop3A_1520, %parallel_loop3A_1534, %parallel_loop3A_1548, %parallel_loop3A_1562 : vector<16xi32>, vector<16xi32>, vector<16xi32>, vector<16xi32>
      } {sc.loop_unroll_factor = 2 : i64, sc.parallel_access}
      scf.yield %parallel_loop3A_1496#0, %parallel_loop3A_1496#1, %parallel_loop3A_1496#2, %parallel_loop3A_1496#3 : vector<16xi32>, vector<16xi32>, vector<16xi32>, vector<16xi32>
    } else {
      %add3A_1496 = arith.constant 1 : i32
      %add3A_1497 = arith.addi %max3A_270, %add3A_1496 : i32
      %while3A = arith.subi %add3A_1497, %min3A_261 : i32
      %while3A_1498 = arith.addi %min3A_261, %while3A : i32
      %while3A_1499 = arith.constant 1 : i32
      %while3A_1500 = arith.divsi %while3A, %while3A_1499 : i32
      %while3A_1501 = arith.muli %while3A_1500, %while3A_1499 : i32
      %while3A_1502 = arith.addi %min3A_261, %while3A_1501 : i32
      %while3A_1503 = arith.constant 1 : i32
      %while3A_1504:4 = scf.for %while3A_1507 = %min3A_261 to %while3A_1502 step %while3A_1503 iter_args(%while3A_1508 = %broadcast_in_dim3A_271, %while3A_1509 = %broadcast_in_dim3A_271, %while3A_1510 = %broadcast_in_dim3A_271, %while3A_1511 = %broadcast_in_dim3A_271) -> (vector<16xi32>, vector<16xi32>, vector<16xi32>, vector<16xi32>)  : i32 {
        %broadcast_in_dim3A_1512 = vector.broadcast %while3A_1507 : i32 to vector<16xi32>
        %gather3A_1513 = tpu.vector_load_idx %arg13[%broadcast_in_dim3A_1512] : memref<16xi32, #tpu.memory_space<vmem>>[vector<16xi32>], vector<16xi32>,
        %reduce_min3A_1514 = arith.constant true
        %reduce_min3A_1515 = vector.broadcast %reduce_min3A_1514 : i1 to vector<16xi1>
        %reduce_min3A_1516 = arith.constant -2147483648 : i32
        %reduce_min3A_1517 = vector.broadcast %reduce_min3A_1516 : i32 to vector<16xi32>
        %reduce_min3A_1518 = arith.xori %gather3A_1513, %reduce_min3A_1517 : vector<16xi32>
        %reduce_min3A_1519 = tpu.scan <min>, %reduce_min3A_1518 masked %reduce_min3A_1515 : vector<16xi32>, vector<16xi1> -> vector<16xi32>
        %reduce_min3A_1520 = arith.xori %reduce_min3A_1519, %reduce_min3A_1517 : vector<16xi32>
        %reduce_min3A_1521 = vector.extract %reduce_min3A_1520[15] : i32 from vector<16xi32>
        %add3A_1522 = arith.constant 1 : i32
        %add3A_1523 = vector.broadcast %add3A_1522 : i32 to vector<16xi32>
        %add3A_1524 = arith.addi %broadcast_in_dim3A_1512, %add3A_1523 : vector<16xi32>
        %gather3A_1525 = tpu.vector_load_idx %arg13[%add3A_1524] : memref<16xi32, #tpu.memory_space<vmem>>[vector<16xi32>], vector<16xi32>,
        %reduce_max3A_1526 = arith.constant true
        %reduce_max3A_1527 = vector.broadcast %reduce_max3A_1526 : i1 to vector<16xi1>
        %reduce_max3A_1528 = arith.constant -2147483648 : i32
        %reduce_max3A_1529 = vector.broadcast %reduce_max3A_1528 : i32 to vector<16xi32>
        %reduce_max3A_1530 = arith.xori %gather3A_1525, %reduce_max3A_1529 : vector<16xi32>
        %reduce_max3A_1531 = tpu.scan <max>, %reduce_max3A_1530 masked %reduce_max3A_1527 : vector<16xi32>, vector<16xi1> -> vector<16xi32>
        %reduce_max3A_1532 = arith.xori %reduce_max3A_1531, %reduce_max3A_1529 : vector<16xi32>
        %reduce_max3A_1533 = vector.extract %reduce_max3A_1532[15] : i32 from vector<16xi32>
        %eq3A_1534 = arith.cmpi eq, %gather3A_15, %broadcast_in_dim3A_1512 : vector<16xi32>
        %eq3A_1535 = arith.cmpi eq, %gather3A_80, %broadcast_in_dim3A_1512 : vector<16xi32>
        %eq3A_1536 = arith.cmpi eq, %gather3A_146, %broadcast_in_dim3A_1512 : vector<16xi32>
        %eq3A_1537 = arith.cmpi eq, %gather3A_212, %broadcast_in_dim3A_1512 : vector<16xi32>
        %parallel_loop3A = arith.constant 1 : i32
        %parallel_loop3A_1538:4 = scf.for %parallel_loop3A_1539 = %reduce_min3A_1521 to %reduce_max3A_1533 step %parallel_loop3A iter_args(%parallel_loop3A_1540 = %while3A_1508, %parallel_loop3A_1541 = %while3A_1509, %parallel_loop3A_1542 = %while3A_1510, %parallel_loop3A_1543 = %while3A_1511) -> (vector<16xi32>, vector<16xi32>, vector<16xi32>, vector<16xi32>)  : i32 {
          %parallel_loop3A_1544 = vector.broadcast %parallel_loop3A_1539 : i32 to vector<16xi32>
          %parallel_loop3A_1545 = tpu.vector_load_idx %arg9[%parallel_loop3A_1544] : memref<8192xf32, #tpu.memory_space<vmem>>[vector<16xi32>], vector<16xf32>,
          %parallel_loop3A_1546 = tpu.vector_load_idx %arg10[%parallel_loop3A_1544] : memref<8192xf32, #tpu.memory_space<vmem>>[vector<16xi32>], vector<16xf32>,
          %parallel_loop3A_1547 = tpu.vector_load_idx %arg11[%parallel_loop3A_1544] : memref<8192xf32, #tpu.memory_space<vmem>>[vector<16xi32>], vector<16xf32>,
          %parallel_loop3A_1548 = tpu.vector_load_idx %arg14[%parallel_loop3A_1544] : memref<8192xf32, #tpu.memory_space<vmem>>[vector<16xi32>], vector<16xf32>,
          %parallel_loop3A_1549 = arith.mulf %gather3A, %parallel_loop3A_1545 : vector<16xf32>
          %parallel_loop3A_1550 = arith.mulf %gather3A_13, %parallel_loop3A_1546 : vector<16xf32>
          %parallel_loop3A_1551 = arith.addf %parallel_loop3A_1549, %parallel_loop3A_1550 : vector<16xf32>
          %parallel_loop3A_1552 = arith.mulf %gather3A_14, %parallel_loop3A_1547 : vector<16xf32>
          %parallel_loop3A_1553 = arith.addf %parallel_loop3A_1551, %parallel_loop3A_1552 : vector<16xf32>
          %parallel_loop3A_1554 = arith.subf %parallel_loop3A_1548, %parallel_loop3A_1553 : vector<16xf32>
          %parallel_loop3A_1555 = arith.cmpf ole, %parallel_loop3A_1554, %mul3A_25 : vector<16xf32>
          %parallel_loop3A_1556 = arith.cmpf ole, %parallel_loop3A_1554, %mul3A_31 : vector<16xf32>
          %parallel_loop3A_1557 = arith.andi %parallel_loop3A_1556, %eq3A_1534 : vector<16xi1>
          %parallel_loop3A_1558 = vector.broadcast %cond3A : i32 to vector<16xi32>
          %parallel_loop3A_1559 = vector.broadcast %cond3A_272 : i32 to vector<16xi32>
          %parallel_loop3A_1560 = arith.select %parallel_loop3A_1555, %parallel_loop3A_1558, %parallel_loop3A_1559 : vector<16xi1>, vector<16xi32>
          %parallel_loop3A_1561 = vector.broadcast %cond3A_273 : i32 to vector<16xi32>
          %parallel_loop3A_1562 = arith.select %parallel_loop3A_1557, %parallel_loop3A_1560, %parallel_loop3A_1561 : vector<16xi1>, vector<16xi32>
          %parallel_loop3A_1563 = arith.addi %parallel_loop3A_1540, %parallel_loop3A_1562 : vector<16xi32>
          %parallel_loop3A_1564 = arith.mulf %gather3A_77, %parallel_loop3A_1545 : vector<16xf32>
          %parallel_loop3A_1565 = arith.mulf %gather3A_78, %parallel_loop3A_1546 : vector<16xf32>
          %parallel_loop3A_1566 = arith.addf %parallel_loop3A_1564, %parallel_loop3A_1565 : vector<16xf32>
          %parallel_loop3A_1567 = arith.mulf %gather3A_79, %parallel_loop3A_1547 : vector<16xf32>
          %parallel_loop3A_1568 = arith.addf %parallel_loop3A_1566, %parallel_loop3A_1567 : vector<16xf32>
          %parallel_loop3A_1569 = arith.subf %parallel_loop3A_1548, %parallel_loop3A_1568 : vector<16xf32>
          %parallel_loop3A_1570 = arith.cmpf ole, %parallel_loop3A_1569, %mul3A_91 : vector<16xf32>
          %parallel_loop3A_1571 = arith.cmpf ole, %parallel_loop3A_1569, %mul3A_97 : vector<16xf32>
          %parallel_loop3A_1572 = arith.andi %parallel_loop3A_1571, %eq3A_1535 : vector<16xi1>
          %parallel_loop3A_1573 = vector.broadcast %cond3A : i32 to vector<16xi32>
          %parallel_loop3A_1574 = vector.broadcast %cond3A_272 : i32 to vector<16xi32>
          %parallel_loop3A_1575 = arith.select %parallel_loop3A_1570, %parallel_loop3A_1573, %parallel_loop3A_1574 : vector<16xi1>, vector<16xi32>
          %parallel_loop3A_1576 = vector.broadcast %cond3A_273 : i32 to vector<16xi32>
          %parallel_loop3A_1577 = arith.select %parallel_loop3A_1572, %parallel_loop3A_1575, %parallel_loop3A_1576 : vector<16xi1>, vector<16xi32>
          %parallel_loop3A_1578 = arith.addi %parallel_loop3A_1541, %parallel_loop3A_1577 : vector<16xi32>
          %parallel_loop3A_1579 = arith.mulf %gather3A_143, %parallel_loop3A_1545 : vector<16xf32>
          %parallel_loop3A_1580 = arith.mulf %gather3A_144, %parallel_loop3A_1546 : vector<16xf32>
          %parallel_loop3A_1581 = arith.addf %parallel_loop3A_1579, %parallel_loop3A_1580 : vector<16xf32>
          %parallel_loop3A_1582 = arith.mulf %gather3A_145, %parallel_loop3A_1547 : vector<16xf32>
          %parallel_loop3A_1583 = arith.addf %parallel_loop3A_1581, %parallel_loop3A_1582 : vector<16xf32>
          %parallel_loop3A_1584 = arith.subf %parallel_loop3A_1548, %parallel_loop3A_1583 : vector<16xf32>
          %parallel_loop3A_1585 = arith.cmpf ole, %parallel_loop3A_1584, %mul3A_157 : vector<16xf32>
          %parallel_loop3A_1586 = arith.cmpf ole, %parallel_loop3A_1584, %mul3A_163 : vector<16xf32>
          %parallel_loop3A_1587 = arith.andi %parallel_loop3A_1586, %eq3A_1536 : vector<16xi1>
          %parallel_loop3A_1588 = vector.broadcast %cond3A : i32 to vector<16xi32>
          %parallel_loop3A_1589 = vector.broadcast %cond3A_272 : i32 to vector<16xi32>
          %parallel_loop3A_1590 = arith.select %parallel_loop3A_1585, %parallel_loop3A_1588, %parallel_loop3A_1589 : vector<16xi1>, vector<16xi32>
          %parallel_loop3A_1591 = vector.broadcast %cond3A_273 : i32 to vector<16xi32>
          %parallel_loop3A_1592 = arith.select %parallel_loop3A_1587, %parallel_loop3A_1590, %parallel_loop3A_1591 : vector<16xi1>, vector<16xi32>
          %parallel_loop3A_1593 = arith.addi %parallel_loop3A_1542, %parallel_loop3A_1592 : vector<16xi32>
          %parallel_loop3A_1594 = arith.mulf %gather3A_209, %parallel_loop3A_1545 : vector<16xf32>
          %parallel_loop3A_1595 = arith.mulf %gather3A_210, %parallel_loop3A_1546 : vector<16xf32>
          %parallel_loop3A_1596 = arith.addf %parallel_loop3A_1594, %parallel_loop3A_1595 : vector<16xf32>
          %parallel_loop3A_1597 = arith.mulf %gather3A_211, %parallel_loop3A_1547 : vector<16xf32>
          %parallel_loop3A_1598 = arith.addf %parallel_loop3A_1596, %parallel_loop3A_1597 : vector<16xf32>
          %parallel_loop3A_1599 = arith.subf %parallel_loop3A_1548, %parallel_loop3A_1598 : vector<16xf32>
          %parallel_loop3A_1600 = arith.cmpf ole, %parallel_loop3A_1599, %mul3A_223 : vector<16xf32>
          %parallel_loop3A_1601 = arith.cmpf ole, %parallel_loop3A_1599, %mul3A_229 : vector<16xf32>
          %parallel_loop3A_1602 = arith.andi %parallel_loop3A_1601, %eq3A_1537 : vector<16xi1>
          %parallel_loop3A_1603 = vector.broadcast %cond3A : i32 to vector<16xi32>
          %parallel_loop3A_1604 = vector.broadcast %cond3A_272 : i32 to vector<16xi32>
          %parallel_loop3A_1605 = arith.select %parallel_loop3A_1600, %parallel_loop3A_1603, %parallel_loop3A_1604 : vector<16xi1>, vector<16xi32>
          %parallel_loop3A_1606 = vector.broadcast %cond3A_273 : i32 to vector<16xi32>
          %parallel_loop3A_1607 = arith.select %parallel_loop3A_1602, %parallel_loop3A_1605, %parallel_loop3A_1606 : vector<16xi1>, vector<16xi32>
          %parallel_loop3A_1608 = arith.addi %parallel_loop3A_1543, %parallel_loop3A_1607 : vector<16xi32>
          scf.yield %parallel_loop3A_1563, %parallel_loop3A_1578, %parallel_loop3A_1593, %parallel_loop3A_1608 : vector<16xi32>, vector<16xi32>, vector<16xi32>, vector<16xi32>
        } {sc.loop_unroll_factor = 2 : i64, sc.parallel_access}
        scf.yield %parallel_loop3A_1538#0, %parallel_loop3A_1538#1, %parallel_loop3A_1538#2, %parallel_loop3A_1538#3 : vector<16xi32>, vector<16xi32>, vector<16xi32>, vector<16xi32>
      }
      %while3A_1505 = arith.constant 1 : i32
      %while3A_1506:4 = scf.for %while3A_1507 = %while3A_1502 to %while3A_1498 step %while3A_1505 iter_args(%while3A_1508 = %while3A_1504#0, %while3A_1509 = %while3A_1504#1, %while3A_1510 = %while3A_1504#2, %while3A_1511 = %while3A_1504#3) -> (vector<16xi32>, vector<16xi32>, vector<16xi32>, vector<16xi32>)  : i32 {
        %broadcast_in_dim3A_1512 = vector.broadcast %while3A_1507 : i32 to vector<16xi32>
        %gather3A_1513 = tpu.vector_load_idx %arg13[%broadcast_in_dim3A_1512] : memref<16xi32, #tpu.memory_space<vmem>>[vector<16xi32>], vector<16xi32>,
        %reduce_min3A_1514 = arith.constant true
        %reduce_min3A_1515 = vector.broadcast %reduce_min3A_1514 : i1 to vector<16xi1>
        %reduce_min3A_1516 = arith.constant -2147483648 : i32
        %reduce_min3A_1517 = vector.broadcast %reduce_min3A_1516 : i32 to vector<16xi32>
        %reduce_min3A_1518 = arith.xori %gather3A_1513, %reduce_min3A_1517 : vector<16xi32>
        %reduce_min3A_1519 = tpu.scan <min>, %reduce_min3A_1518 masked %reduce_min3A_1515 : vector<16xi32>, vector<16xi1> -> vector<16xi32>
        %reduce_min3A_1520 = arith.xori %reduce_min3A_1519, %reduce_min3A_1517 : vector<16xi32>
        %reduce_min3A_1521 = vector.extract %reduce_min3A_1520[15] : i32 from vector<16xi32>
        %add3A_1522 = arith.constant 1 : i32
        %add3A_1523 = vector.broadcast %add3A_1522 : i32 to vector<16xi32>
        %add3A_1524 = arith.addi %broadcast_in_dim3A_1512, %add3A_1523 : vector<16xi32>
        %gather3A_1525 = tpu.vector_load_idx %arg13[%add3A_1524] : memref<16xi32, #tpu.memory_space<vmem>>[vector<16xi32>], vector<16xi32>,
        %reduce_max3A_1526 = arith.constant true
        %reduce_max3A_1527 = vector.broadcast %reduce_max3A_1526 : i1 to vector<16xi1>
        %reduce_max3A_1528 = arith.constant -2147483648 : i32
        %reduce_max3A_1529 = vector.broadcast %reduce_max3A_1528 : i32 to vector<16xi32>
        %reduce_max3A_1530 = arith.xori %gather3A_1525, %reduce_max3A_1529 : vector<16xi32>
        %reduce_max3A_1531 = tpu.scan <max>, %reduce_max3A_1530 masked %reduce_max3A_1527 : vector<16xi32>, vector<16xi1> -> vector<16xi32>
        %reduce_max3A_1532 = arith.xori %reduce_max3A_1531, %reduce_max3A_1529 : vector<16xi32>
        %reduce_max3A_1533 = vector.extract %reduce_max3A_1532[15] : i32 from vector<16xi32>
        %eq3A_1534 = arith.cmpi eq, %gather3A_15, %broadcast_in_dim3A_1512 : vector<16xi32>
        %eq3A_1535 = arith.cmpi eq, %gather3A_80, %broadcast_in_dim3A_1512 : vector<16xi32>
        %eq3A_1536 = arith.cmpi eq, %gather3A_146, %broadcast_in_dim3A_1512 : vector<16xi32>
        %eq3A_1537 = arith.cmpi eq, %gather3A_212, %broadcast_in_dim3A_1512 : vector<16xi32>
        %parallel_loop3A = arith.constant 1 : i32
        %parallel_loop3A_1538:4 = scf.for %parallel_loop3A_1539 = %reduce_min3A_1521 to %reduce_max3A_1533 step %parallel_loop3A iter_args(%parallel_loop3A_1540 = %while3A_1508, %parallel_loop3A_1541 = %while3A_1509, %parallel_loop3A_1542 = %while3A_1510, %parallel_loop3A_1543 = %while3A_1511) -> (vector<16xi32>, vector<16xi32>, vector<16xi32>, vector<16xi32>)  : i32 {
          %parallel_loop3A_1544 = vector.broadcast %parallel_loop3A_1539 : i32 to vector<16xi32>
          %parallel_loop3A_1545 = tpu.vector_load_idx %arg9[%parallel_loop3A_1544] : memref<8192xf32, #tpu.memory_space<vmem>>[vector<16xi32>], vector<16xf32>,
          %parallel_loop3A_1546 = tpu.vector_load_idx %arg10[%parallel_loop3A_1544] : memref<8192xf32, #tpu.memory_space<vmem>>[vector<16xi32>], vector<16xf32>,
          %parallel_loop3A_1547 = tpu.vector_load_idx %arg11[%parallel_loop3A_1544] : memref<8192xf32, #tpu.memory_space<vmem>>[vector<16xi32>], vector<16xf32>,
          %parallel_loop3A_1548 = tpu.vector_load_idx %arg14[%parallel_loop3A_1544] : memref<8192xf32, #tpu.memory_space<vmem>>[vector<16xi32>], vector<16xf32>,
          %parallel_loop3A_1549 = arith.mulf %gather3A, %parallel_loop3A_1545 : vector<16xf32>
          %parallel_loop3A_1550 = arith.mulf %gather3A_13, %parallel_loop3A_1546 : vector<16xf32>
          %parallel_loop3A_1551 = arith.addf %parallel_loop3A_1549, %parallel_loop3A_1550 : vector<16xf32>
          %parallel_loop3A_1552 = arith.mulf %gather3A_14, %parallel_loop3A_1547 : vector<16xf32>
          %parallel_loop3A_1553 = arith.addf %parallel_loop3A_1551, %parallel_loop3A_1552 : vector<16xf32>
          %parallel_loop3A_1554 = arith.subf %parallel_loop3A_1548, %parallel_loop3A_1553 : vector<16xf32>
          %parallel_loop3A_1555 = arith.cmpf ole, %parallel_loop3A_1554, %mul3A_25 : vector<16xf32>
          %parallel_loop3A_1556 = arith.cmpf ole, %parallel_loop3A_1554, %mul3A_31 : vector<16xf32>
          %parallel_loop3A_1557 = arith.andi %parallel_loop3A_1556, %eq3A_1534 : vector<16xi1>
          %parallel_loop3A_1558 = vector.broadcast %cond3A : i32 to vector<16xi32>
          %parallel_loop3A_1559 = vector.broadcast %cond3A_272 : i32 to vector<16xi32>
          %parallel_loop3A_1560 = arith.select %parallel_loop3A_1555, %parallel_loop3A_1558, %parallel_loop3A_1559 : vector<16xi1>, vector<16xi32>
          %parallel_loop3A_1561 = vector.broadcast %cond3A_273 : i32 to vector<16xi32>
          %parallel_loop3A_1562 = arith.select %parallel_loop3A_1557, %parallel_loop3A_1560, %parallel_loop3A_1561 : vector<16xi1>, vector<16xi32>
          %parallel_loop3A_1563 = arith.addi %parallel_loop3A_1540, %parallel_loop3A_1562 : vector<16xi32>
          %parallel_loop3A_1564 = arith.mulf %gather3A_77, %parallel_loop3A_1545 : vector<16xf32>
          %parallel_loop3A_1565 = arith.mulf %gather3A_78, %parallel_loop3A_1546 : vector<16xf32>
          %parallel_loop3A_1566 = arith.addf %parallel_loop3A_1564, %parallel_loop3A_1565 : vector<16xf32>
          %parallel_loop3A_1567 = arith.mulf %gather3A_79, %parallel_loop3A_1547 : vector<16xf32>
          %parallel_loop3A_1568 = arith.addf %parallel_loop3A_1566, %parallel_loop3A_1567 : vector<16xf32>
          %parallel_loop3A_1569 = arith.subf %parallel_loop3A_1548, %parallel_loop3A_1568 : vector<16xf32>
          %parallel_loop3A_1570 = arith.cmpf ole, %parallel_loop3A_1569, %mul3A_91 : vector<16xf32>
          %parallel_loop3A_1571 = arith.cmpf ole, %parallel_loop3A_1569, %mul3A_97 : vector<16xf32>
          %parallel_loop3A_1572 = arith.andi %parallel_loop3A_1571, %eq3A_1535 : vector<16xi1>
          %parallel_loop3A_1573 = vector.broadcast %cond3A : i32 to vector<16xi32>
          %parallel_loop3A_1574 = vector.broadcast %cond3A_272 : i32 to vector<16xi32>
          %parallel_loop3A_1575 = arith.select %parallel_loop3A_1570, %parallel_loop3A_1573, %parallel_loop3A_1574 : vector<16xi1>, vector<16xi32>
          %parallel_loop3A_1576 = vector.broadcast %cond3A_273 : i32 to vector<16xi32>
          %parallel_loop3A_1577 = arith.select %parallel_loop3A_1572, %parallel_loop3A_1575, %parallel_loop3A_1576 : vector<16xi1>, vector<16xi32>
          %parallel_loop3A_1578 = arith.addi %parallel_loop3A_1541, %parallel_loop3A_1577 : vector<16xi32>
          %parallel_loop3A_1579 = arith.mulf %gather3A_143, %parallel_loop3A_1545 : vector<16xf32>
          %parallel_loop3A_1580 = arith.mulf %gather3A_144, %parallel_loop3A_1546 : vector<16xf32>
          %parallel_loop3A_1581 = arith.addf %parallel_loop3A_1579, %parallel_loop3A_1580 : vector<16xf32>
          %parallel_loop3A_1582 = arith.mulf %gather3A_145, %parallel_loop3A_1547 : vector<16xf32>
          %parallel_loop3A_1583 = arith.addf %parallel_loop3A_1581, %parallel_loop3A_1582 : vector<16xf32>
          %parallel_loop3A_1584 = arith.subf %parallel_loop3A_1548, %parallel_loop3A_1583 : vector<16xf32>
          %parallel_loop3A_1585 = arith.cmpf ole, %parallel_loop3A_1584, %mul3A_157 : vector<16xf32>
          %parallel_loop3A_1586 = arith.cmpf ole, %parallel_loop3A_1584, %mul3A_163 : vector<16xf32>
          %parallel_loop3A_1587 = arith.andi %parallel_loop3A_1586, %eq3A_1536 : vector<16xi1>
          %parallel_loop3A_1588 = vector.broadcast %cond3A : i32 to vector<16xi32>
          %parallel_loop3A_1589 = vector.broadcast %cond3A_272 : i32 to vector<16xi32>
          %parallel_loop3A_1590 = arith.select %parallel_loop3A_1585, %parallel_loop3A_1588, %parallel_loop3A_1589 : vector<16xi1>, vector<16xi32>
          %parallel_loop3A_1591 = vector.broadcast %cond3A_273 : i32 to vector<16xi32>
          %parallel_loop3A_1592 = arith.select %parallel_loop3A_1587, %parallel_loop3A_1590, %parallel_loop3A_1591 : vector<16xi1>, vector<16xi32>
          %parallel_loop3A_1593 = arith.addi %parallel_loop3A_1542, %parallel_loop3A_1592 : vector<16xi32>
          %parallel_loop3A_1594 = arith.mulf %gather3A_209, %parallel_loop3A_1545 : vector<16xf32>
          %parallel_loop3A_1595 = arith.mulf %gather3A_210, %parallel_loop3A_1546 : vector<16xf32>
          %parallel_loop3A_1596 = arith.addf %parallel_loop3A_1594, %parallel_loop3A_1595 : vector<16xf32>
          %parallel_loop3A_1597 = arith.mulf %gather3A_211, %parallel_loop3A_1547 : vector<16xf32>
          %parallel_loop3A_1598 = arith.addf %parallel_loop3A_1596, %parallel_loop3A_1597 : vector<16xf32>
          %parallel_loop3A_1599 = arith.subf %parallel_loop3A_1548, %parallel_loop3A_1598 : vector<16xf32>
          %parallel_loop3A_1600 = arith.cmpf ole, %parallel_loop3A_1599, %mul3A_223 : vector<16xf32>
          %parallel_loop3A_1601 = arith.cmpf ole, %parallel_loop3A_1599, %mul3A_229 : vector<16xf32>
          %parallel_loop3A_1602 = arith.andi %parallel_loop3A_1601, %eq3A_1537 : vector<16xi1>
          %parallel_loop3A_1603 = vector.broadcast %cond3A : i32 to vector<16xi32>
          %parallel_loop3A_1604 = vector.broadcast %cond3A_272 : i32 to vector<16xi32>
          %parallel_loop3A_1605 = arith.select %parallel_loop3A_1600, %parallel_loop3A_1603, %parallel_loop3A_1604 : vector<16xi1>, vector<16xi32>
          %parallel_loop3A_1606 = vector.broadcast %cond3A_273 : i32 to vector<16xi32>
          %parallel_loop3A_1607 = arith.select %parallel_loop3A_1602, %parallel_loop3A_1605, %parallel_loop3A_1606 : vector<16xi1>, vector<16xi32>
          %parallel_loop3A_1608 = arith.addi %parallel_loop3A_1543, %parallel_loop3A_1607 : vector<16xi32>
          scf.yield %parallel_loop3A_1563, %parallel_loop3A_1578, %parallel_loop3A_1593, %parallel_loop3A_1608 : vector<16xi32>, vector<16xi32>, vector<16xi32>, vector<16xi32>
        } {sc.loop_unroll_factor = 2 : i64, sc.parallel_access}
        scf.yield %parallel_loop3A_1538#0, %parallel_loop3A_1538#1, %parallel_loop3A_1538#2, %parallel_loop3A_1538#3 : vector<16xi32>, vector<16xi32>, vector<16xi32>, vector<16xi32>
      }
      scf.yield %while3A_1506#0, %while3A_1506#1, %while3A_1506#2, %while3A_1506#3 : vector<16xi32>, vector<16xi32>, vector<16xi32>, vector<16xi32>
    }
    %shift_right_arithmetic3A = arith.constant 16 : i32
    %shift_right_arithmetic3A_278 = vector.broadcast %shift_right_arithmetic3A : i32 to vector<16xi32>
    %shift_right_arithmetic3A_279 = arith.shrsi %cond3A_277#0, %shift_right_arithmetic3A_278 : vector<16xi32>
    %convert_element_type3A_280 = arith.sitofp %shift_right_arithmetic3A_279 : vector<16xi32> to vector<16xf32>
    %and3A = arith.constant 65535 : i32
    %and3A_281 = vector.broadcast %and3A : i32 to vector<16xi32>
    %and3A_282 = arith.andi %cond3A_277#0, %and3A_281 : vector<16xi32>
    %convert_element_type3A_283 = arith.sitofp %and3A_282 : vector<16xi32> to vector<16xf32>
    %min3A_284 = arith.constant 3.200000e+01 : f32
    %min3A_285 = vector.broadcast %min3A_284 : f32 to vector<16xf32>
    %min3A_286 = arith.minimumf %convert_element_type3A_280, %min3A_285 : vector<16xf32>
    %mul3A_287 = arith.constant 3.125000e-02 : f32
    %mul3A_288 = vector.broadcast %mul3A_287 : f32 to vector<16xf32>
    %mul3A_289 = arith.mulf %min3A_286, %mul3A_288 : vector<16xf32>
    %swap3A = arith.constant 0 : index
    %swap3A_290 = tpu.vector_load %arg15[%swap3A] {strides = array<i32>} : memref<256xf32, #tpu.memory_space<vmem>>, vector<16xf32>,
    tpu.vector_store %arg15[%swap3A], %mul3A_289 {strides = array<i32>} : memref<256xf32, #tpu.memory_space<vmem>>, vector<16xf32>,
    %min3A_291 = arith.constant 6.400000e+01 : f32
    %min3A_292 = vector.broadcast %min3A_291 : f32 to vector<16xf32>
    %min3A_293 = arith.minimumf %convert_element_type3A_283, %min3A_292 : vector<16xf32>
    %mul3A_294 = arith.constant 1.562500e-02 : f32
    %mul3A_295 = vector.broadcast %mul3A_294 : f32 to vector<16xf32>
    %mul3A_296 = arith.mulf %min3A_293, %mul3A_295 : vector<16xf32>
    %swap3A_297 = arith.constant 0 : index
    %swap3A_298 = tpu.vector_load %arg16[%swap3A_297] {strides = array<i32>} : memref<256xf32, #tpu.memory_space<vmem>>, vector<16xf32>,
    tpu.vector_store %arg16[%swap3A_297], %mul3A_296 {strides = array<i32>} : memref<256xf32, #tpu.memory_space<vmem>>, vector<16xf32>,
    %shift_right_arithmetic3A_299 = arith.constant 16 : i32
    %shift_right_arithmetic3A_300 = vector.broadcast %shift_right_arithmetic3A_299 : i32 to vector<16xi32>
    %shift_right_arithmetic3A_301 = arith.shrsi %cond3A_277#1, %shift_right_arithmetic3A_300 : vector<16xi32>
    %convert_element_type3A_302 = arith.sitofp %shift_right_arithmetic3A_301 : vector<16xi32> to vector<16xf32>
    %and3A_303 = arith.constant 65535 : i32
    %and3A_304 = vector.broadcast %and3A_303 : i32 to vector<16xi32>
    %and3A_305 = arith.andi %cond3A_277#1, %and3A_304 : vector<16xi32>
    %convert_element_type3A_306 = arith.sitofp %and3A_305 : vector<16xi32> to vector<16xf32>
    %min3A_307 = arith.constant 3.200000e+01 : f32
    %min3A_308 = vector.broadcast %min3A_307 : f32 to vector<16xf32>
    %min3A_309 = arith.minimumf %convert_element_type3A_302, %min3A_308 : vector<16xf32>
    %mul3A_310 = arith.constant 3.125000e-02 : f32
    %mul3A_311 = vector.broadcast %mul3A_310 : f32 to vector<16xf32>
    %mul3A_312 = arith.mulf %min3A_309, %mul3A_311 : vector<16xf32>
    %swap3A_313 = arith.constant 16 : index
    %swap3A_314 = tpu.vector_load %arg15[%swap3A_313] {strides = array<i32>} : memref<256xf32, #tpu.memory_space<vmem>>, vector<16xf32>,
    tpu.vector_store %arg15[%swap3A_313], %mul3A_312 {strides = array<i32>} : memref<256xf32, #tpu.memory_space<vmem>>, vector<16xf32>,
    %min3A_315 = arith.constant 6.400000e+01 : f32
    %min3A_316 = vector.broadcast %min3A_315 : f32 to vector<16xf32>
    %min3A_317 = arith.minimumf %convert_element_type3A_306, %min3A_316 : vector<16xf32>
    %mul3A_318 = arith.constant 1.562500e-02 : f32
    %mul3A_319 = vector.broadcast %mul3A_318 : f32 to vector<16xf32>
    %mul3A_320 = arith.mulf %min3A_317, %mul3A_319 : vector<16xf32>
    %swap3A_321 = arith.constant 16 : index
    %swap3A_322 = tpu.vector_load %arg16[%swap3A_321] {strides = array<i32>} : memref<256xf32, #tpu.memory_space<vmem>>, vector<16xf32>,
    tpu.vector_store %arg16[%swap3A_321], %mul3A_320 {strides = array<i32>} : memref<256xf32, #tpu.memory_space<vmem>>, vector<16xf32>,
    %shift_right_arithmetic3A_323 = arith.constant 16 : i32
    %shift_right_arithmetic3A_324 = vector.broadcast %shift_right_arithmetic3A_323 : i32 to vector<16xi32>
    %shift_right_arithmetic3A_325 = arith.shrsi %cond3A_277#2, %shift_right_arithmetic3A_324 : vector<16xi32>
    %convert_element_type3A_326 = arith.sitofp %shift_right_arithmetic3A_325 : vector<16xi32> to vector<16xf32>
    %and3A_327 = arith.constant 65535 : i32
    %and3A_328 = vector.broadcast %and3A_327 : i32 to vector<16xi32>
    %and3A_329 = arith.andi %cond3A_277#2, %and3A_328 : vector<16xi32>
    %convert_element_type3A_330 = arith.sitofp %and3A_329 : vector<16xi32> to vector<16xf32>
    %min3A_331 = arith.constant 3.200000e+01 : f32
    %min3A_332 = vector.broadcast %min3A_331 : f32 to vector<16xf32>
    %min3A_333 = arith.minimumf %convert_element_type3A_326, %min3A_332 : vector<16xf32>
    %mul3A_334 = arith.constant 3.125000e-02 : f32
    %mul3A_335 = vector.broadcast %mul3A_334 : f32 to vector<16xf32>
    %mul3A_336 = arith.mulf %min3A_333, %mul3A_335 : vector<16xf32>
    %swap3A_337 = arith.constant 32 : index
    %swap3A_338 = tpu.vector_load %arg15[%swap3A_337] {strides = array<i32>} : memref<256xf32, #tpu.memory_space<vmem>>, vector<16xf32>,
    tpu.vector_store %arg15[%swap3A_337], %mul3A_336 {strides = array<i32>} : memref<256xf32, #tpu.memory_space<vmem>>, vector<16xf32>,
    %min3A_339 = arith.constant 6.400000e+01 : f32
    %min3A_340 = vector.broadcast %min3A_339 : f32 to vector<16xf32>
    %min3A_341 = arith.minimumf %convert_element_type3A_330, %min3A_340 : vector<16xf32>
    %mul3A_342 = arith.constant 1.562500e-02 : f32
    %mul3A_343 = vector.broadcast %mul3A_342 : f32 to vector<16xf32>
    %mul3A_344 = arith.mulf %min3A_341, %mul3A_343 : vector<16xf32>
    %swap3A_345 = arith.constant 32 : index
    %swap3A_346 = tpu.vector_load %arg16[%swap3A_345] {strides = array<i32>} : memref<256xf32, #tpu.memory_space<vmem>>, vector<16xf32>,
    tpu.vector_store %arg16[%swap3A_345], %mul3A_344 {strides = array<i32>} : memref<256xf32, #tpu.memory_space<vmem>>, vector<16xf32>,
    %shift_right_arithmetic3A_347 = arith.constant 16 : i32
    %shift_right_arithmetic3A_348 = vector.broadcast %shift_right_arithmetic3A_347 : i32 to vector<16xi32>
    %shift_right_arithmetic3A_349 = arith.shrsi %cond3A_277#3, %shift_right_arithmetic3A_348 : vector<16xi32>
    %convert_element_type3A_350 = arith.sitofp %shift_right_arithmetic3A_349 : vector<16xi32> to vector<16xf32>
    %and3A_351 = arith.constant 65535 : i32
    %and3A_352 = vector.broadcast %and3A_351 : i32 to vector<16xi32>
    %and3A_353 = arith.andi %cond3A_277#3, %and3A_352 : vector<16xi32>
    %convert_element_type3A_354 = arith.sitofp %and3A_353 : vector<16xi32> to vector<16xf32>
    %min3A_355 = arith.constant 3.200000e+01 : f32
    %min3A_356 = vector.broadcast %min3A_355 : f32 to vector<16xf32>
    %min3A_357 = arith.minimumf %convert_element_type3A_350, %min3A_356 : vector<16xf32>
    %mul3A_358 = arith.constant 3.125000e-02 : f32
    %mul3A_359 = vector.broadcast %mul3A_358 : f32 to vector<16xf32>
    %mul3A_360 = arith.mulf %min3A_357, %mul3A_359 : vector<16xf32>
    %swap3A_361 = arith.constant 48 : index
    %swap3A_362 = tpu.vector_load %arg15[%swap3A_361] {strides = array<i32>} : memref<256xf32, #tpu.memory_space<vmem>>, vector<16xf32>,
    tpu.vector_store %arg15[%swap3A_361], %mul3A_360 {strides = array<i32>} : memref<256xf32, #tpu.memory_space<vmem>>, vector<16xf32>,
    %min3A_363 = arith.constant 6.400000e+01 : f32
    %min3A_364 = vector.broadcast %min3A_363 : f32 to vector<16xf32>
    %min3A_365 = arith.minimumf %convert_element_type3A_354, %min3A_364 : vector<16xf32>
    %mul3A_366 = arith.constant 1.562500e-02 : f32
    %mul3A_367 = vector.broadcast %mul3A_366 : f32 to vector<16xf32>
    %mul3A_368 = arith.mulf %min3A_365, %mul3A_367 : vector<16xf32>
    %swap3A_369 = arith.constant 48 : index
    %swap3A_370 = tpu.vector_load %arg16[%swap3A_369] {strides = array<i32>} : memref<256xf32, #tpu.memory_space<vmem>>, vector<16xf32>,
    tpu.vector_store %arg16[%swap3A_369], %mul3A_368 {strides = array<i32>} : memref<256xf32, #tpu.memory_space<vmem>>, vector<16xf32>,
    %add3A_371 = arith.constant 64 : i32
    %add3A_372 = arith.addi %mul3A_2, %add3A_371 : i32
    %add3A_373 = vector.broadcast %add3A_372 : i32 to vector<16xi32>
    %add3A_374 = arith.addi %add3A_373, %iota3A : vector<16xi32>
    %gather3A_375 = tpu.vector_load_idx %arg9[%add3A_374] : memref<8192xf32, #tpu.memory_space<vmem>>[vector<16xi32>], vector<16xf32>,
    %gather3A_376 = tpu.vector_load_idx %arg10[%add3A_374] : memref<8192xf32, #tpu.memory_space<vmem>>[vector<16xi32>], vector<16xf32>,
    %gather3A_377 = tpu.vector_load_idx %arg11[%add3A_374] : memref<8192xf32, #tpu.memory_space<vmem>>[vector<16xi32>], vector<16xf32>,
    %gather3A_378 = tpu.vector_load_idx %arg12[%add3A_374] : memref<8192xi32, #tpu.memory_space<vmem>>[vector<16xi32>], vector<16xi32>,
    %mul3A_379 = arith.mulf %gather3A_375, %gather3A_375 : vector<16xf32>
    %mul3A_380 = arith.mulf %gather3A_376, %gather3A_376 : vector<16xf32>
    %add3A_381 = arith.addf %mul3A_379, %mul3A_380 : vector<16xf32>
    %mul3A_382 = arith.mulf %gather3A_377, %gather3A_377 : vector<16xf32>
    %add3A_383 = arith.addf %add3A_381, %mul3A_382 : vector<16xf32>
    %sub3A_384 = arith.constant 4.000000e-02 : f32
    %sub3A_385 = vector.broadcast %sub3A_384 : f32 to vector<16xf32>
    %sub3A_386 = arith.subf %sub3A_385, %add3A_383 : vector<16xf32>
    %mul3A_387 = arith.constant 5.000000e-01 : f32
    %mul3A_388 = vector.broadcast %mul3A_387 : f32 to vector<16xf32>
    %mul3A_389 = arith.mulf %sub3A_386, %mul3A_388 : vector<16xf32>
    %sub3A_390 = arith.constant 1.600000e-01 : f32
    %sub3A_391 = vector.broadcast %sub3A_390 : f32 to vector<16xf32>
    %sub3A_392 = arith.subf %sub3A_391, %add3A_383 : vector<16xf32>
    %mul3A_393 = arith.constant 5.000000e-01 : f32
    %mul3A_394 = vector.broadcast %mul3A_393 : f32 to vector<16xf32>
    %mul3A_395 = arith.mulf %sub3A_392, %mul3A_394 : vector<16xf32>
    %gather3A_396 = tpu.vector_load_idx %arg13[%gather3A_378] : memref<16xi32, #tpu.memory_space<vmem>>[vector<16xi32>], vector<16xi32>,
    %add3A_397 = arith.constant 1 : i32
    %add3A_398 = vector.broadcast %add3A_397 : i32 to vector<16xi32>
    %add3A_399 = arith.addi %gather3A_378, %add3A_398 : vector<16xi32>
    %gather3A_400 = tpu.vector_load_idx %arg13[%add3A_399] : memref<16xi32, #tpu.memory_space<vmem>>[vector<16xi32>], vector<16xi32>,
    %reduce_min3A_401 = arith.constant true
    %reduce_min3A_402 = vector.broadcast %reduce_min3A_401 : i1 to vector<16xi1>
    %reduce_min3A_403 = arith.constant -2147483648 : i32
    %reduce_min3A_404 = vector.broadcast %reduce_min3A_403 : i32 to vector<16xi32>
    %reduce_min3A_405 = arith.xori %gather3A_396, %reduce_min3A_404 : vector<16xi32>
    %reduce_min3A_406 = tpu.scan <min>, %reduce_min3A_405 masked %reduce_min3A_402 : vector<16xi32>, vector<16xi1> -> vector<16xi32>
    %reduce_min3A_407 = arith.xori %reduce_min3A_406, %reduce_min3A_404 : vector<16xi32>
    %reduce_min3A_408 = vector.extract %reduce_min3A_407[15] : i32 from vector<16xi32>
    %min3A_409 = arith.constant 8192 : i32
    %min3A_410 = arith.minsi %min3A_409, %reduce_min3A_408 : i32
    %reduce_max3A_411 = arith.constant true
    %reduce_max3A_412 = vector.broadcast %reduce_max3A_411 : i1 to vector<16xi1>
    %reduce_max3A_413 = arith.constant -2147483648 : i32
    %reduce_max3A_414 = vector.broadcast %reduce_max3A_413 : i32 to vector<16xi32>
    %reduce_max3A_415 = arith.xori %gather3A_400, %reduce_max3A_414 : vector<16xi32>
    %reduce_max3A_416 = tpu.scan <max>, %reduce_max3A_415 masked %reduce_max3A_412 : vector<16xi32>, vector<16xi1> -> vector<16xi32>
    %reduce_max3A_417 = arith.xori %reduce_max3A_416, %reduce_max3A_414 : vector<16xi32>
    %reduce_max3A_418 = vector.extract %reduce_max3A_417[15] : i32 from vector<16xi32>
    %max3A_419 = arith.constant 0 : i32
    %max3A_420 = arith.maxsi %max3A_419, %reduce_max3A_418 : i32
    %reduce_min3A_421 = arith.constant true
    %reduce_min3A_422 = vector.broadcast %reduce_min3A_421 : i1 to vector<16xi1>
    %reduce_min3A_423 = arith.constant -2147483648 : i32
    %reduce_min3A_424 = vector.broadcast %reduce_min3A_423 : i32 to vector<16xi32>
    %reduce_min3A_425 = arith.xori %gather3A_378, %reduce_min3A_424 : vector<16xi32>
    %reduce_min3A_426 = tpu.scan <min>, %reduce_min3A_425 masked %reduce_min3A_422 : vector<16xi32>, vector<16xi1> -> vector<16xi32>
    %reduce_min3A_427 = arith.xori %reduce_min3A_426, %reduce_min3A_424 : vector<16xi32>
    %reduce_min3A_428 = vector.extract %reduce_min3A_427[15] : i32 from vector<16xi32>
    %min3A_429 = arith.constant 127 : i32
    %min3A_430 = arith.minsi %min3A_429, %reduce_min3A_428 : i32
    %reduce_max3A_431 = arith.constant true
    %reduce_max3A_432 = vector.broadcast %reduce_max3A_431 : i1 to vector<16xi1>
    %reduce_max3A_433 = arith.constant -2147483648 : i32
    %reduce_max3A_434 = vector.broadcast %reduce_max3A_433 : i32 to vector<16xi32>
    %reduce_max3A_435 = arith.xori %gather3A_378, %reduce_max3A_434 : vector<16xi32>
    %reduce_max3A_436 = tpu.scan <max>, %reduce_max3A_435 masked %reduce_max3A_432 : vector<16xi32>, vector<16xi1> -> vector<16xi32>
    %reduce_max3A_437 = arith.xori %reduce_max3A_436, %reduce_max3A_434 : vector<16xi32>
    %reduce_max3A_438 = vector.extract %reduce_max3A_437[15] : i32 from vector<16xi32>
    %max3A_439 = arith.constant -1 : i32
    %max3A_440 = arith.maxsi %max3A_439, %reduce_max3A_438 : i32
    %add3A_441 = arith.constant 80 : i32
    %add3A_442 = arith.addi %mul3A_2, %add3A_441 : i32
    %add3A_443 = vector.broadcast %add3A_442 : i32 to vector<16xi32>
    %add3A_444 = arith.addi %add3A_443, %iota3A : vector<16xi32>
    %gather3A_445 = tpu.vector_load_idx %arg9[%add3A_444] : memref<8192xf32, #tpu.memory_space<vmem>>[vector<16xi32>], vector<16xf32>,
    %gather3A_446 = tpu.vector_load_idx %arg10[%add3A_444] : memref<8192xf32, #tpu.memory_space<vmem>>[vector<16xi32>], vector<16xf32>,
    %gather3A_447 = tpu.vector_load_idx %arg11[%add3A_444] : memref<8192xf32, #tpu.memory_space<vmem>>[vector<16xi32>], vector<16xf32>,
    %gather3A_448 = tpu.vector_load_idx %arg12[%add3A_444] : memref<8192xi32, #tpu.memory_space<vmem>>[vector<16xi32>], vector<16xi32>,
    %mul3A_449 = arith.mulf %gather3A_445, %gather3A_445 : vector<16xf32>
    %mul3A_450 = arith.mulf %gather3A_446, %gather3A_446 : vector<16xf32>
    %add3A_451 = arith.addf %mul3A_449, %mul3A_450 : vector<16xf32>
    %mul3A_452 = arith.mulf %gather3A_447, %gather3A_447 : vector<16xf32>
    %add3A_453 = arith.addf %add3A_451, %mul3A_452 : vector<16xf32>
    %sub3A_454 = arith.constant 4.000000e-02 : f32
    %sub3A_455 = vector.broadcast %sub3A_454 : f32 to vector<16xf32>
    %sub3A_456 = arith.subf %sub3A_455, %add3A_453 : vector<16xf32>
    %mul3A_457 = arith.constant 5.000000e-01 : f32
    %mul3A_458 = vector.broadcast %mul3A_457 : f32 to vector<16xf32>
    %mul3A_459 = arith.mulf %sub3A_456, %mul3A_458 : vector<16xf32>
    %sub3A_460 = arith.constant 1.600000e-01 : f32
    %sub3A_461 = vector.broadcast %sub3A_460 : f32 to vector<16xf32>
    %sub3A_462 = arith.subf %sub3A_461, %add3A_453 : vector<16xf32>
    %mul3A_463 = arith.constant 5.000000e-01 : f32
    %mul3A_464 = vector.broadcast %mul3A_463 : f32 to vector<16xf32>
    %mul3A_465 = arith.mulf %sub3A_462, %mul3A_464 : vector<16xf32>
    %gather3A_466 = tpu.vector_load_idx %arg13[%gather3A_448] : memref<16xi32, #tpu.memory_space<vmem>>[vector<16xi32>], vector<16xi32>,
    %add3A_467 = arith.constant 1 : i32
    %add3A_468 = vector.broadcast %add3A_467 : i32 to vector<16xi32>
    %add3A_469 = arith.addi %gather3A_448, %add3A_468 : vector<16xi32>
    %gather3A_470 = tpu.vector_load_idx %arg13[%add3A_469] : memref<16xi32, #tpu.memory_space<vmem>>[vector<16xi32>], vector<16xi32>,
    %reduce_min3A_471 = arith.constant true
    %reduce_min3A_472 = vector.broadcast %reduce_min3A_471 : i1 to vector<16xi1>
    %reduce_min3A_473 = arith.constant -2147483648 : i32
    %reduce_min3A_474 = vector.broadcast %reduce_min3A_473 : i32 to vector<16xi32>
    %reduce_min3A_475 = arith.xori %gather3A_466, %reduce_min3A_474 : vector<16xi32>
    %reduce_min3A_476 = tpu.scan <min>, %reduce_min3A_475 masked %reduce_min3A_472 : vector<16xi32>, vector<16xi1> -> vector<16xi32>
    %reduce_min3A_477 = arith.xori %reduce_min3A_476, %reduce_min3A_474 : vector<16xi32>
    %reduce_min3A_478 = vector.extract %reduce_min3A_477[15] : i32 from vector<16xi32>
    %min3A_479 = arith.minsi %min3A_410, %reduce_min3A_478 : i32
    %reduce_max3A_480 = arith.constant true
    %reduce_max3A_481 = vector.broadcast %reduce_max3A_480 : i1 to vector<16xi1>
    %reduce_max3A_482 = arith.constant -2147483648 : i32
    %reduce_max3A_483 = vector.broadcast %reduce_max3A_482 : i32 to vector<16xi32>
    %reduce_max3A_484 = arith.xori %gather3A_470, %reduce_max3A_483 : vector<16xi32>
    %reduce_max3A_485 = tpu.scan <max>, %reduce_max3A_484 masked %reduce_max3A_481 : vector<16xi32>, vector<16xi1> -> vector<16xi32>
    %reduce_max3A_486 = arith.xori %reduce_max3A_485, %reduce_max3A_483 : vector<16xi32>
    %reduce_max3A_487 = vector.extract %reduce_max3A_486[15] : i32 from vector<16xi32>
    %max3A_488 = arith.maxsi %max3A_420, %reduce_max3A_487 : i32
    %reduce_min3A_489 = arith.constant true
    %reduce_min3A_490 = vector.broadcast %reduce_min3A_489 : i1 to vector<16xi1>
    %reduce_min3A_491 = arith.constant -2147483648 : i32
    %reduce_min3A_492 = vector.broadcast %reduce_min3A_491 : i32 to vector<16xi32>
    %reduce_min3A_493 = arith.xori %gather3A_448, %reduce_min3A_492 : vector<16xi32>
    %reduce_min3A_494 = tpu.scan <min>, %reduce_min3A_493 masked %reduce_min3A_490 : vector<16xi32>, vector<16xi1> -> vector<16xi32>
    %reduce_min3A_495 = arith.xori %reduce_min3A_494, %reduce_min3A_492 : vector<16xi32>
    %reduce_min3A_496 = vector.extract %reduce_min3A_495[15] : i32 from vector<16xi32>
    %min3A_497 = arith.minsi %min3A_430, %reduce_min3A_496 : i32
    %reduce_max3A_498 = arith.constant true
    %reduce_max3A_499 = vector.broadcast %reduce_max3A_498 : i1 to vector<16xi1>
    %reduce_max3A_500 = arith.constant -2147483648 : i32
    %reduce_max3A_501 = vector.broadcast %reduce_max3A_500 : i32 to vector<16xi32>
    %reduce_max3A_502 = arith.xori %gather3A_448, %reduce_max3A_501 : vector<16xi32>
    %reduce_max3A_503 = tpu.scan <max>, %reduce_max3A_502 masked %reduce_max3A_499 : vector<16xi32>, vector<16xi1> -> vector<16xi32>
    %reduce_max3A_504 = arith.xori %reduce_max3A_503, %reduce_max3A_501 : vector<16xi32>
    %reduce_max3A_505 = vector.extract %reduce_max3A_504[15] : i32 from vector<16xi32>
    %max3A_506 = arith.maxsi %max3A_440, %reduce_max3A_505 : i32
    %add3A_507 = arith.constant 96 : i32
    %add3A_508 = arith.addi %mul3A_2, %add3A_507 : i32
    %add3A_509 = vector.broadcast %add3A_508 : i32 to vector<16xi32>
    %add3A_510 = arith.addi %add3A_509, %iota3A : vector<16xi32>
    %gather3A_511 = tpu.vector_load_idx %arg9[%add3A_510] : memref<8192xf32, #tpu.memory_space<vmem>>[vector<16xi32>], vector<16xf32>,
    %gather3A_512 = tpu.vector_load_idx %arg10[%add3A_510] : memref<8192xf32, #tpu.memory_space<vmem>>[vector<16xi32>], vector<16xf32>,
    %gather3A_513 = tpu.vector_load_idx %arg11[%add3A_510] : memref<8192xf32, #tpu.memory_space<vmem>>[vector<16xi32>], vector<16xf32>,
    %gather3A_514 = tpu.vector_load_idx %arg12[%add3A_510] : memref<8192xi32, #tpu.memory_space<vmem>>[vector<16xi32>], vector<16xi32>,
    %mul3A_515 = arith.mulf %gather3A_511, %gather3A_511 : vector<16xf32>
    %mul3A_516 = arith.mulf %gather3A_512, %gather3A_512 : vector<16xf32>
    %add3A_517 = arith.addf %mul3A_515, %mul3A_516 : vector<16xf32>
    %mul3A_518 = arith.mulf %gather3A_513, %gather3A_513 : vector<16xf32>
    %add3A_519 = arith.addf %add3A_517, %mul3A_518 : vector<16xf32>
    %sub3A_520 = arith.constant 4.000000e-02 : f32
    %sub3A_521 = vector.broadcast %sub3A_520 : f32 to vector<16xf32>
    %sub3A_522 = arith.subf %sub3A_521, %add3A_519 : vector<16xf32>
    %mul3A_523 = arith.constant 5.000000e-01 : f32
    %mul3A_524 = vector.broadcast %mul3A_523 : f32 to vector<16xf32>
    %mul3A_525 = arith.mulf %sub3A_522, %mul3A_524 : vector<16xf32>
    %sub3A_526 = arith.constant 1.600000e-01 : f32
    %sub3A_527 = vector.broadcast %sub3A_526 : f32 to vector<16xf32>
    %sub3A_528 = arith.subf %sub3A_527, %add3A_519 : vector<16xf32>
    %mul3A_529 = arith.constant 5.000000e-01 : f32
    %mul3A_530 = vector.broadcast %mul3A_529 : f32 to vector<16xf32>
    %mul3A_531 = arith.mulf %sub3A_528, %mul3A_530 : vector<16xf32>
    %gather3A_532 = tpu.vector_load_idx %arg13[%gather3A_514] : memref<16xi32, #tpu.memory_space<vmem>>[vector<16xi32>], vector<16xi32>,
    %add3A_533 = arith.constant 1 : i32
    %add3A_534 = vector.broadcast %add3A_533 : i32 to vector<16xi32>
    %add3A_535 = arith.addi %gather3A_514, %add3A_534 : vector<16xi32>
    %gather3A_536 = tpu.vector_load_idx %arg13[%add3A_535] : memref<16xi32, #tpu.memory_space<vmem>>[vector<16xi32>], vector<16xi32>,
    %reduce_min3A_537 = arith.constant true
    %reduce_min3A_538 = vector.broadcast %reduce_min3A_537 : i1 to vector<16xi1>
    %reduce_min3A_539 = arith.constant -2147483648 : i32
    %reduce_min3A_540 = vector.broadcast %reduce_min3A_539 : i32 to vector<16xi32>
    %reduce_min3A_541 = arith.xori %gather3A_532, %reduce_min3A_540 : vector<16xi32>
    %reduce_min3A_542 = tpu.scan <min>, %reduce_min3A_541 masked %reduce_min3A_538 : vector<16xi32>, vector<16xi1> -> vector<16xi32>
    %reduce_min3A_543 = arith.xori %reduce_min3A_542, %reduce_min3A_540 : vector<16xi32>
    %reduce_min3A_544 = vector.extract %reduce_min3A_543[15] : i32 from vector<16xi32>
    %min3A_545 = arith.minsi %min3A_479, %reduce_min3A_544 : i32
    %reduce_max3A_546 = arith.constant true
    %reduce_max3A_547 = vector.broadcast %reduce_max3A_546 : i1 to vector<16xi1>
    %reduce_max3A_548 = arith.constant -2147483648 : i32
    %reduce_max3A_549 = vector.broadcast %reduce_max3A_548 : i32 to vector<16xi32>
    %reduce_max3A_550 = arith.xori %gather3A_536, %reduce_max3A_549 : vector<16xi32>
    %reduce_max3A_551 = tpu.scan <max>, %reduce_max3A_550 masked %reduce_max3A_547 : vector<16xi32>, vector<16xi1> -> vector<16xi32>
    %reduce_max3A_552 = arith.xori %reduce_max3A_551, %reduce_max3A_549 : vector<16xi32>
    %reduce_max3A_553 = vector.extract %reduce_max3A_552[15] : i32 from vector<16xi32>
    %max3A_554 = arith.maxsi %max3A_488, %reduce_max3A_553 : i32
    %reduce_min3A_555 = arith.constant true
    %reduce_min3A_556 = vector.broadcast %reduce_min3A_555 : i1 to vector<16xi1>
    %reduce_min3A_557 = arith.constant -2147483648 : i32
    %reduce_min3A_558 = vector.broadcast %reduce_min3A_557 : i32 to vector<16xi32>
    %reduce_min3A_559 = arith.xori %gather3A_514, %reduce_min3A_558 : vector<16xi32>
    %reduce_min3A_560 = tpu.scan <min>, %reduce_min3A_559 masked %reduce_min3A_556 : vector<16xi32>, vector<16xi1> -> vector<16xi32>
    %reduce_min3A_561 = arith.xori %reduce_min3A_560, %reduce_min3A_558 : vector<16xi32>
    %reduce_min3A_562 = vector.extract %reduce_min3A_561[15] : i32 from vector<16xi32>
    %min3A_563 = arith.minsi %min3A_497, %reduce_min3A_562 : i32
    %reduce_max3A_564 = arith.constant true
    %reduce_max3A_565 = vector.broadcast %reduce_max3A_564 : i1 to vector<16xi1>
    %reduce_max3A_566 = arith.constant -2147483648 : i32
    %reduce_max3A_567 = vector.broadcast %reduce_max3A_566 : i32 to vector<16xi32>
    %reduce_max3A_568 = arith.xori %gather3A_514, %reduce_max3A_567 : vector<16xi32>
    %reduce_max3A_569 = tpu.scan <max>, %reduce_max3A_568 masked %reduce_max3A_565 : vector<16xi32>, vector<16xi1> -> vector<16xi32>
    %reduce_max3A_570 = arith.xori %reduce_max3A_569, %reduce_max3A_567 : vector<16xi32>
    %reduce_max3A_571 = vector.extract %reduce_max3A_570[15] : i32 from vector<16xi32>
    %max3A_572 = arith.maxsi %max3A_506, %reduce_max3A_571 : i32
    %add3A_573 = arith.constant 112 : i32
    %add3A_574 = arith.addi %mul3A_2, %add3A_573 : i32
    %add3A_575 = vector.broadcast %add3A_574 : i32 to vector<16xi32>
    %add3A_576 = arith.addi %add3A_575, %iota3A : vector<16xi32>
    %gather3A_577 = tpu.vector_load_idx %arg9[%add3A_576] : memref<8192xf32, #tpu.memory_space<vmem>>[vector<16xi32>], vector<16xf32>,
    %gather3A_578 = tpu.vector_load_idx %arg10[%add3A_576] : memref<8192xf32, #tpu.memory_space<vmem>>[vector<16xi32>], vector<16xf32>,
    %gather3A_579 = tpu.vector_load_idx %arg11[%add3A_576] : memref<8192xf32, #tpu.memory_space<vmem>>[vector<16xi32>], vector<16xf32>,
    %gather3A_580 = tpu.vector_load_idx %arg12[%add3A_576] : memref<8192xi32, #tpu.memory_space<vmem>>[vector<16xi32>], vector<16xi32>,
    %mul3A_581 = arith.mulf %gather3A_577, %gather3A_577 : vector<16xf32>
    %mul3A_582 = arith.mulf %gather3A_578, %gather3A_578 : vector<16xf32>
    %add3A_583 = arith.addf %mul3A_581, %mul3A_582 : vector<16xf32>
    %mul3A_584 = arith.mulf %gather3A_579, %gather3A_579 : vector<16xf32>
    %add3A_585 = arith.addf %add3A_583, %mul3A_584 : vector<16xf32>
    %sub3A_586 = arith.constant 4.000000e-02 : f32
    %sub3A_587 = vector.broadcast %sub3A_586 : f32 to vector<16xf32>
    %sub3A_588 = arith.subf %sub3A_587, %add3A_585 : vector<16xf32>
    %mul3A_589 = arith.constant 5.000000e-01 : f32
    %mul3A_590 = vector.broadcast %mul3A_589 : f32 to vector<16xf32>
    %mul3A_591 = arith.mulf %sub3A_588, %mul3A_590 : vector<16xf32>
    %sub3A_592 = arith.constant 1.600000e-01 : f32
    %sub3A_593 = vector.broadcast %sub3A_592 : f32 to vector<16xf32>
    %sub3A_594 = arith.subf %sub3A_593, %add3A_585 : vector<16xf32>
    %mul3A_595 = arith.constant 5.000000e-01 : f32
    %mul3A_596 = vector.broadcast %mul3A_595 : f32 to vector<16xf32>
    %mul3A_597 = arith.mulf %sub3A_594, %mul3A_596 : vector<16xf32>
    %gather3A_598 = tpu.vector_load_idx %arg13[%gather3A_580] : memref<16xi32, #tpu.memory_space<vmem>>[vector<16xi32>], vector<16xi32>,
    %add3A_599 = arith.constant 1 : i32
    %add3A_600 = vector.broadcast %add3A_599 : i32 to vector<16xi32>
    %add3A_601 = arith.addi %gather3A_580, %add3A_600 : vector<16xi32>
    %gather3A_602 = tpu.vector_load_idx %arg13[%add3A_601] : memref<16xi32, #tpu.memory_space<vmem>>[vector<16xi32>], vector<16xi32>,
    %reduce_min3A_603 = arith.constant true
    %reduce_min3A_604 = vector.broadcast %reduce_min3A_603 : i1 to vector<16xi1>
    %reduce_min3A_605 = arith.constant -2147483648 : i32
    %reduce_min3A_606 = vector.broadcast %reduce_min3A_605 : i32 to vector<16xi32>
    %reduce_min3A_607 = arith.xori %gather3A_598, %reduce_min3A_606 : vector<16xi32>
    %reduce_min3A_608 = tpu.scan <min>, %reduce_min3A_607 masked %reduce_min3A_604 : vector<16xi32>, vector<16xi1> -> vector<16xi32>
    %reduce_min3A_609 = arith.xori %reduce_min3A_608, %reduce_min3A_606 : vector<16xi32>
    %reduce_min3A_610 = vector.extract %reduce_min3A_609[15] : i32 from vector<16xi32>
    %min3A_611 = arith.minsi %min3A_545, %reduce_min3A_610 : i32
    %reduce_max3A_612 = arith.constant true
    %reduce_max3A_613 = vector.broadcast %reduce_max3A_612 : i1 to vector<16xi1>
    %reduce_max3A_614 = arith.constant -2147483648 : i32
    %reduce_max3A_615 = vector.broadcast %reduce_max3A_614 : i32 to vector<16xi32>
    %reduce_max3A_616 = arith.xori %gather3A_602, %reduce_max3A_615 : vector<16xi32>
    %reduce_max3A_617 = tpu.scan <max>, %reduce_max3A_616 masked %reduce_max3A_613 : vector<16xi32>, vector<16xi1> -> vector<16xi32>
    %reduce_max3A_618 = arith.xori %reduce_max3A_617, %reduce_max3A_615 : vector<16xi32>
    %reduce_max3A_619 = vector.extract %reduce_max3A_618[15] : i32 from vector<16xi32>
    %max3A_620 = arith.maxsi %max3A_554, %reduce_max3A_619 : i32
    %reduce_min3A_621 = arith.constant true
    %reduce_min3A_622 = vector.broadcast %reduce_min3A_621 : i1 to vector<16xi1>
    %reduce_min3A_623 = arith.constant -2147483648 : i32
    %reduce_min3A_624 = vector.broadcast %reduce_min3A_623 : i32 to vector<16xi32>
    %reduce_min3A_625 = arith.xori %gather3A_580, %reduce_min3A_624 : vector<16xi32>
    %reduce_min3A_626 = tpu.scan <min>, %reduce_min3A_625 masked %reduce_min3A_622 : vector<16xi32>, vector<16xi1> -> vector<16xi32>
    %reduce_min3A_627 = arith.xori %reduce_min3A_626, %reduce_min3A_624 : vector<16xi32>
    %reduce_min3A_628 = vector.extract %reduce_min3A_627[15] : i32 from vector<16xi32>
    %min3A_629 = arith.minsi %min3A_563, %reduce_min3A_628 : i32
    %reduce_max3A_630 = arith.constant true
    %reduce_max3A_631 = vector.broadcast %reduce_max3A_630 : i1 to vector<16xi1>
    %reduce_max3A_632 = arith.constant -2147483648 : i32
    %reduce_max3A_633 = vector.broadcast %reduce_max3A_632 : i32 to vector<16xi32>
    %reduce_max3A_634 = arith.xori %gather3A_580, %reduce_max3A_633 : vector<16xi32>
    %reduce_max3A_635 = tpu.scan <max>, %reduce_max3A_634 masked %reduce_max3A_631 : vector<16xi32>, vector<16xi1> -> vector<16xi32>
    %reduce_max3A_636 = arith.xori %reduce_max3A_635, %reduce_max3A_633 : vector<16xi32>
    %reduce_max3A_637 = vector.extract %reduce_max3A_636[15] : i32 from vector<16xi32>
    %max3A_638 = arith.maxsi %max3A_572, %reduce_max3A_637 : i32
    %broadcast_in_dim3A_639 = arith.constant 0 : i32
    %broadcast_in_dim3A_640 = vector.broadcast %broadcast_in_dim3A_639 : i32 to vector<16xi32>
    %eq3A_641 = arith.cmpi eq, %min3A_629, %max3A_638 : i32
    %convert_element_type3A_642 = arith.extui %eq3A_641 : i1 to i32
    %cond3A_643 = arith.constant 65537 : i32
    %cond3A_644 = arith.constant 1 : i32
    %cond3A_645 = arith.constant 0 : i32
    %cond3A_646 = arith.constant 0 : i32
    %cond3A_647 = arith.constant 0 : i32
    %cond3A_648 = arith.cmpi ne, %convert_element_type3A_642, %cond3A_647 : i32
    %cond3A_649:4 = scf.if %cond3A_648 -> (vector<16xi32>, vector<16xi32>, vector<16xi32>, vector<16xi32>) {
      %parallel_loop3A = arith.constant 1 : i32
      %parallel_loop3A_1496:4 = scf.for %parallel_loop3A_1497 = %min3A_611 to %max3A_620 step %parallel_loop3A iter_args(%parallel_loop3A_1498 = %broadcast_in_dim3A_640, %parallel_loop3A_1499 = %broadcast_in_dim3A_640, %parallel_loop3A_1500 = %broadcast_in_dim3A_640, %parallel_loop3A_1501 = %broadcast_in_dim3A_640) -> (vector<16xi32>, vector<16xi32>, vector<16xi32>, vector<16xi32>)  : i32 {
        %parallel_loop3A_1502 = vector.broadcast %parallel_loop3A_1497 : i32 to vector<16xi32>
        %parallel_loop3A_1503 = tpu.vector_load_idx %arg9[%parallel_loop3A_1502] : memref<8192xf32, #tpu.memory_space<vmem>>[vector<16xi32>], vector<16xf32>,
        %parallel_loop3A_1504 = tpu.vector_load_idx %arg10[%parallel_loop3A_1502] : memref<8192xf32, #tpu.memory_space<vmem>>[vector<16xi32>], vector<16xf32>,
        %parallel_loop3A_1505 = tpu.vector_load_idx %arg11[%parallel_loop3A_1502] : memref<8192xf32, #tpu.memory_space<vmem>>[vector<16xi32>], vector<16xf32>,
        %parallel_loop3A_1506 = tpu.vector_load_idx %arg14[%parallel_loop3A_1502] : memref<8192xf32, #tpu.memory_space<vmem>>[vector<16xi32>], vector<16xf32>,
        %parallel_loop3A_1507 = arith.mulf %gather3A_375, %parallel_loop3A_1503 : vector<16xf32>
        %parallel_loop3A_1508 = arith.mulf %gather3A_376, %parallel_loop3A_1504 : vector<16xf32>
        %parallel_loop3A_1509 = arith.addf %parallel_loop3A_1507, %parallel_loop3A_1508 : vector<16xf32>
        %parallel_loop3A_1510 = arith.mulf %gather3A_377, %parallel_loop3A_1505 : vector<16xf32>
        %parallel_loop3A_1511 = arith.addf %parallel_loop3A_1509, %parallel_loop3A_1510 : vector<16xf32>
        %parallel_loop3A_1512 = arith.subf %parallel_loop3A_1506, %parallel_loop3A_1511 : vector<16xf32>
        %parallel_loop3A_1513 = arith.cmpf ole, %parallel_loop3A_1512, %mul3A_389 : vector<16xf32>
        %parallel_loop3A_1514 = arith.cmpf ole, %parallel_loop3A_1512, %mul3A_395 : vector<16xf32>
        %parallel_loop3A_1515 = vector.broadcast %cond3A_643 : i32 to vector<16xi32>
        %parallel_loop3A_1516 = vector.broadcast %cond3A_644 : i32 to vector<16xi32>
        %parallel_loop3A_1517 = arith.select %parallel_loop3A_1513, %parallel_loop3A_1515, %parallel_loop3A_1516 : vector<16xi1>, vector<16xi32>
        %parallel_loop3A_1518 = vector.broadcast %cond3A_645 : i32 to vector<16xi32>
        %parallel_loop3A_1519 = arith.select %parallel_loop3A_1514, %parallel_loop3A_1517, %parallel_loop3A_1518 : vector<16xi1>, vector<16xi32>
        %parallel_loop3A_1520 = arith.addi %parallel_loop3A_1498, %parallel_loop3A_1519 : vector<16xi32>
        %parallel_loop3A_1521 = arith.mulf %gather3A_445, %parallel_loop3A_1503 : vector<16xf32>
        %parallel_loop3A_1522 = arith.mulf %gather3A_446, %parallel_loop3A_1504 : vector<16xf32>
        %parallel_loop3A_1523 = arith.addf %parallel_loop3A_1521, %parallel_loop3A_1522 : vector<16xf32>
        %parallel_loop3A_1524 = arith.mulf %gather3A_447, %parallel_loop3A_1505 : vector<16xf32>
        %parallel_loop3A_1525 = arith.addf %parallel_loop3A_1523, %parallel_loop3A_1524 : vector<16xf32>
        %parallel_loop3A_1526 = arith.subf %parallel_loop3A_1506, %parallel_loop3A_1525 : vector<16xf32>
        %parallel_loop3A_1527 = arith.cmpf ole, %parallel_loop3A_1526, %mul3A_459 : vector<16xf32>
        %parallel_loop3A_1528 = arith.cmpf ole, %parallel_loop3A_1526, %mul3A_465 : vector<16xf32>
        %parallel_loop3A_1529 = vector.broadcast %cond3A_643 : i32 to vector<16xi32>
        %parallel_loop3A_1530 = vector.broadcast %cond3A_644 : i32 to vector<16xi32>
        %parallel_loop3A_1531 = arith.select %parallel_loop3A_1527, %parallel_loop3A_1529, %parallel_loop3A_1530 : vector<16xi1>, vector<16xi32>
        %parallel_loop3A_1532 = vector.broadcast %cond3A_645 : i32 to vector<16xi32>
        %parallel_loop3A_1533 = arith.select %parallel_loop3A_1528, %parallel_loop3A_1531, %parallel_loop3A_1532 : vector<16xi1>, vector<16xi32>
        %parallel_loop3A_1534 = arith.addi %parallel_loop3A_1499, %parallel_loop3A_1533 : vector<16xi32>
        %parallel_loop3A_1535 = arith.mulf %gather3A_511, %parallel_loop3A_1503 : vector<16xf32>
        %parallel_loop3A_1536 = arith.mulf %gather3A_512, %parallel_loop3A_1504 : vector<16xf32>
        %parallel_loop3A_1537 = arith.addf %parallel_loop3A_1535, %parallel_loop3A_1536 : vector<16xf32>
        %parallel_loop3A_1538 = arith.mulf %gather3A_513, %parallel_loop3A_1505 : vector<16xf32>
        %parallel_loop3A_1539 = arith.addf %parallel_loop3A_1537, %parallel_loop3A_1538 : vector<16xf32>
        %parallel_loop3A_1540 = arith.subf %parallel_loop3A_1506, %parallel_loop3A_1539 : vector<16xf32>
        %parallel_loop3A_1541 = arith.cmpf ole, %parallel_loop3A_1540, %mul3A_525 : vector<16xf32>
        %parallel_loop3A_1542 = arith.cmpf ole, %parallel_loop3A_1540, %mul3A_531 : vector<16xf32>
        %parallel_loop3A_1543 = vector.broadcast %cond3A_643 : i32 to vector<16xi32>
        %parallel_loop3A_1544 = vector.broadcast %cond3A_644 : i32 to vector<16xi32>
        %parallel_loop3A_1545 = arith.select %parallel_loop3A_1541, %parallel_loop3A_1543, %parallel_loop3A_1544 : vector<16xi1>, vector<16xi32>
        %parallel_loop3A_1546 = vector.broadcast %cond3A_645 : i32 to vector<16xi32>
        %parallel_loop3A_1547 = arith.select %parallel_loop3A_1542, %parallel_loop3A_1545, %parallel_loop3A_1546 : vector<16xi1>, vector<16xi32>
        %parallel_loop3A_1548 = arith.addi %parallel_loop3A_1500, %parallel_loop3A_1547 : vector<16xi32>
        %parallel_loop3A_1549 = arith.mulf %gather3A_577, %parallel_loop3A_1503 : vector<16xf32>
        %parallel_loop3A_1550 = arith.mulf %gather3A_578, %parallel_loop3A_1504 : vector<16xf32>
        %parallel_loop3A_1551 = arith.addf %parallel_loop3A_1549, %parallel_loop3A_1550 : vector<16xf32>
        %parallel_loop3A_1552 = arith.mulf %gather3A_579, %parallel_loop3A_1505 : vector<16xf32>
        %parallel_loop3A_1553 = arith.addf %parallel_loop3A_1551, %parallel_loop3A_1552 : vector<16xf32>
        %parallel_loop3A_1554 = arith.subf %parallel_loop3A_1506, %parallel_loop3A_1553 : vector<16xf32>
        %parallel_loop3A_1555 = arith.cmpf ole, %parallel_loop3A_1554, %mul3A_591 : vector<16xf32>
        %parallel_loop3A_1556 = arith.cmpf ole, %parallel_loop3A_1554, %mul3A_597 : vector<16xf32>
        %parallel_loop3A_1557 = vector.broadcast %cond3A_643 : i32 to vector<16xi32>
        %parallel_loop3A_1558 = vector.broadcast %cond3A_644 : i32 to vector<16xi32>
        %parallel_loop3A_1559 = arith.select %parallel_loop3A_1555, %parallel_loop3A_1557, %parallel_loop3A_1558 : vector<16xi1>, vector<16xi32>
        %parallel_loop3A_1560 = vector.broadcast %cond3A_645 : i32 to vector<16xi32>
        %parallel_loop3A_1561 = arith.select %parallel_loop3A_1556, %parallel_loop3A_1559, %parallel_loop3A_1560 : vector<16xi1>, vector<16xi32>
        %parallel_loop3A_1562 = arith.addi %parallel_loop3A_1501, %parallel_loop3A_1561 : vector<16xi32>
        scf.yield %parallel_loop3A_1520, %parallel_loop3A_1534, %parallel_loop3A_1548, %parallel_loop3A_1562 : vector<16xi32>, vector<16xi32>, vector<16xi32>, vector<16xi32>
      } {sc.loop_unroll_factor = 2 : i64, sc.parallel_access}
      scf.yield %parallel_loop3A_1496#0, %parallel_loop3A_1496#1, %parallel_loop3A_1496#2, %parallel_loop3A_1496#3 : vector<16xi32>, vector<16xi32>, vector<16xi32>, vector<16xi32>
    } else {
      %add3A_1496 = arith.constant 1 : i32
      %add3A_1497 = arith.addi %max3A_638, %add3A_1496 : i32
      %while3A = arith.subi %add3A_1497, %min3A_629 : i32
      %while3A_1498 = arith.addi %min3A_629, %while3A : i32
      %while3A_1499 = arith.constant 1 : i32
      %while3A_1500 = arith.divsi %while3A, %while3A_1499 : i32
      %while3A_1501 = arith.muli %while3A_1500, %while3A_1499 : i32
      %while3A_1502 = arith.addi %min3A_629, %while3A_1501 : i32
      %while3A_1503 = arith.constant 1 : i32
      %while3A_1504:4 = scf.for %while3A_1507 = %min3A_629 to %while3A_1502 step %while3A_1503 iter_args(%while3A_1508 = %broadcast_in_dim3A_640, %while3A_1509 = %broadcast_in_dim3A_640, %while3A_1510 = %broadcast_in_dim3A_640, %while3A_1511 = %broadcast_in_dim3A_640) -> (vector<16xi32>, vector<16xi32>, vector<16xi32>, vector<16xi32>)  : i32 {
        %broadcast_in_dim3A_1512 = vector.broadcast %while3A_1507 : i32 to vector<16xi32>
        %gather3A_1513 = tpu.vector_load_idx %arg13[%broadcast_in_dim3A_1512] : memref<16xi32, #tpu.memory_space<vmem>>[vector<16xi32>], vector<16xi32>,
        %reduce_min3A_1514 = arith.constant true
        %reduce_min3A_1515 = vector.broadcast %reduce_min3A_1514 : i1 to vector<16xi1>
        %reduce_min3A_1516 = arith.constant -2147483648 : i32
        %reduce_min3A_1517 = vector.broadcast %reduce_min3A_1516 : i32 to vector<16xi32>
        %reduce_min3A_1518 = arith.xori %gather3A_1513, %reduce_min3A_1517 : vector<16xi32>
        %reduce_min3A_1519 = tpu.scan <min>, %reduce_min3A_1518 masked %reduce_min3A_1515 : vector<16xi32>, vector<16xi1> -> vector<16xi32>
        %reduce_min3A_1520 = arith.xori %reduce_min3A_1519, %reduce_min3A_1517 : vector<16xi32>
        %reduce_min3A_1521 = vector.extract %reduce_min3A_1520[15] : i32 from vector<16xi32>
        %add3A_1522 = arith.constant 1 : i32
        %add3A_1523 = vector.broadcast %add3A_1522 : i32 to vector<16xi32>
        %add3A_1524 = arith.addi %broadcast_in_dim3A_1512, %add3A_1523 : vector<16xi32>
        %gather3A_1525 = tpu.vector_load_idx %arg13[%add3A_1524] : memref<16xi32, #tpu.memory_space<vmem>>[vector<16xi32>], vector<16xi32>,
        %reduce_max3A_1526 = arith.constant true
        %reduce_max3A_1527 = vector.broadcast %reduce_max3A_1526 : i1 to vector<16xi1>
        %reduce_max3A_1528 = arith.constant -2147483648 : i32
        %reduce_max3A_1529 = vector.broadcast %reduce_max3A_1528 : i32 to vector<16xi32>
        %reduce_max3A_1530 = arith.xori %gather3A_1525, %reduce_max3A_1529 : vector<16xi32>
        %reduce_max3A_1531 = tpu.scan <max>, %reduce_max3A_1530 masked %reduce_max3A_1527 : vector<16xi32>, vector<16xi1> -> vector<16xi32>
        %reduce_max3A_1532 = arith.xori %reduce_max3A_1531, %reduce_max3A_1529 : vector<16xi32>
        %reduce_max3A_1533 = vector.extract %reduce_max3A_1532[15] : i32 from vector<16xi32>
        %eq3A_1534 = arith.cmpi eq, %gather3A_378, %broadcast_in_dim3A_1512 : vector<16xi32>
        %eq3A_1535 = arith.cmpi eq, %gather3A_448, %broadcast_in_dim3A_1512 : vector<16xi32>
        %eq3A_1536 = arith.cmpi eq, %gather3A_514, %broadcast_in_dim3A_1512 : vector<16xi32>
        %eq3A_1537 = arith.cmpi eq, %gather3A_580, %broadcast_in_dim3A_1512 : vector<16xi32>
        %parallel_loop3A = arith.constant 1 : i32
        %parallel_loop3A_1538:4 = scf.for %parallel_loop3A_1539 = %reduce_min3A_1521 to %reduce_max3A_1533 step %parallel_loop3A iter_args(%parallel_loop3A_1540 = %while3A_1508, %parallel_loop3A_1541 = %while3A_1509, %parallel_loop3A_1542 = %while3A_1510, %parallel_loop3A_1543 = %while3A_1511) -> (vector<16xi32>, vector<16xi32>, vector<16xi32>, vector<16xi32>)  : i32 {
          %parallel_loop3A_1544 = vector.broadcast %parallel_loop3A_1539 : i32 to vector<16xi32>
          %parallel_loop3A_1545 = tpu.vector_load_idx %arg9[%parallel_loop3A_1544] : memref<8192xf32, #tpu.memory_space<vmem>>[vector<16xi32>], vector<16xf32>,
          %parallel_loop3A_1546 = tpu.vector_load_idx %arg10[%parallel_loop3A_1544] : memref<8192xf32, #tpu.memory_space<vmem>>[vector<16xi32>], vector<16xf32>,
          %parallel_loop3A_1547 = tpu.vector_load_idx %arg11[%parallel_loop3A_1544] : memref<8192xf32, #tpu.memory_space<vmem>>[vector<16xi32>], vector<16xf32>,
          %parallel_loop3A_1548 = tpu.vector_load_idx %arg14[%parallel_loop3A_1544] : memref<8192xf32, #tpu.memory_space<vmem>>[vector<16xi32>], vector<16xf32>,
          %parallel_loop3A_1549 = arith.mulf %gather3A_375, %parallel_loop3A_1545 : vector<16xf32>
          %parallel_loop3A_1550 = arith.mulf %gather3A_376, %parallel_loop3A_1546 : vector<16xf32>
          %parallel_loop3A_1551 = arith.addf %parallel_loop3A_1549, %parallel_loop3A_1550 : vector<16xf32>
          %parallel_loop3A_1552 = arith.mulf %gather3A_377, %parallel_loop3A_1547 : vector<16xf32>
          %parallel_loop3A_1553 = arith.addf %parallel_loop3A_1551, %parallel_loop3A_1552 : vector<16xf32>
          %parallel_loop3A_1554 = arith.subf %parallel_loop3A_1548, %parallel_loop3A_1553 : vector<16xf32>
          %parallel_loop3A_1555 = arith.cmpf ole, %parallel_loop3A_1554, %mul3A_389 : vector<16xf32>
          %parallel_loop3A_1556 = arith.cmpf ole, %parallel_loop3A_1554, %mul3A_395 : vector<16xf32>
          %parallel_loop3A_1557 = arith.andi %parallel_loop3A_1556, %eq3A_1534 : vector<16xi1>
          %parallel_loop3A_1558 = vector.broadcast %cond3A_643 : i32 to vector<16xi32>
          %parallel_loop3A_1559 = vector.broadcast %cond3A_644 : i32 to vector<16xi32>
          %parallel_loop3A_1560 = arith.select %parallel_loop3A_1555, %parallel_loop3A_1558, %parallel_loop3A_1559 : vector<16xi1>, vector<16xi32>
          %parallel_loop3A_1561 = vector.broadcast %cond3A_645 : i32 to vector<16xi32>
          %parallel_loop3A_1562 = arith.select %parallel_loop3A_1557, %parallel_loop3A_1560, %parallel_loop3A_1561 : vector<16xi1>, vector<16xi32>
          %parallel_loop3A_1563 = arith.addi %parallel_loop3A_1540, %parallel_loop3A_1562 : vector<16xi32>
          %parallel_loop3A_1564 = arith.mulf %gather3A_445, %parallel_loop3A_1545 : vector<16xf32>
          %parallel_loop3A_1565 = arith.mulf %gather3A_446, %parallel_loop3A_1546 : vector<16xf32>
          %parallel_loop3A_1566 = arith.addf %parallel_loop3A_1564, %parallel_loop3A_1565 : vector<16xf32>
          %parallel_loop3A_1567 = arith.mulf %gather3A_447, %parallel_loop3A_1547 : vector<16xf32>
          %parallel_loop3A_1568 = arith.addf %parallel_loop3A_1566, %parallel_loop3A_1567 : vector<16xf32>
          %parallel_loop3A_1569 = arith.subf %parallel_loop3A_1548, %parallel_loop3A_1568 : vector<16xf32>
          %parallel_loop3A_1570 = arith.cmpf ole, %parallel_loop3A_1569, %mul3A_459 : vector<16xf32>
          %parallel_loop3A_1571 = arith.cmpf ole, %parallel_loop3A_1569, %mul3A_465 : vector<16xf32>
          %parallel_loop3A_1572 = arith.andi %parallel_loop3A_1571, %eq3A_1535 : vector<16xi1>
          %parallel_loop3A_1573 = vector.broadcast %cond3A_643 : i32 to vector<16xi32>
          %parallel_loop3A_1574 = vector.broadcast %cond3A_644 : i32 to vector<16xi32>
          %parallel_loop3A_1575 = arith.select %parallel_loop3A_1570, %parallel_loop3A_1573, %parallel_loop3A_1574 : vector<16xi1>, vector<16xi32>
          %parallel_loop3A_1576 = vector.broadcast %cond3A_645 : i32 to vector<16xi32>
          %parallel_loop3A_1577 = arith.select %parallel_loop3A_1572, %parallel_loop3A_1575, %parallel_loop3A_1576 : vector<16xi1>, vector<16xi32>
          %parallel_loop3A_1578 = arith.addi %parallel_loop3A_1541, %parallel_loop3A_1577 : vector<16xi32>
          %parallel_loop3A_1579 = arith.mulf %gather3A_511, %parallel_loop3A_1545 : vector<16xf32>
          %parallel_loop3A_1580 = arith.mulf %gather3A_512, %parallel_loop3A_1546 : vector<16xf32>
          %parallel_loop3A_1581 = arith.addf %parallel_loop3A_1579, %parallel_loop3A_1580 : vector<16xf32>
          %parallel_loop3A_1582 = arith.mulf %gather3A_513, %parallel_loop3A_1547 : vector<16xf32>
          %parallel_loop3A_1583 = arith.addf %parallel_loop3A_1581, %parallel_loop3A_1582 : vector<16xf32>
          %parallel_loop3A_1584 = arith.subf %parallel_loop3A_1548, %parallel_loop3A_1583 : vector<16xf32>
          %parallel_loop3A_1585 = arith.cmpf ole, %parallel_loop3A_1584, %mul3A_525 : vector<16xf32>
          %parallel_loop3A_1586 = arith.cmpf ole, %parallel_loop3A_1584, %mul3A_531 : vector<16xf32>
          %parallel_loop3A_1587 = arith.andi %parallel_loop3A_1586, %eq3A_1536 : vector<16xi1>
          %parallel_loop3A_1588 = vector.broadcast %cond3A_643 : i32 to vector<16xi32>
          %parallel_loop3A_1589 = vector.broadcast %cond3A_644 : i32 to vector<16xi32>
          %parallel_loop3A_1590 = arith.select %parallel_loop3A_1585, %parallel_loop3A_1588, %parallel_loop3A_1589 : vector<16xi1>, vector<16xi32>
          %parallel_loop3A_1591 = vector.broadcast %cond3A_645 : i32 to vector<16xi32>
          %parallel_loop3A_1592 = arith.select %parallel_loop3A_1587, %parallel_loop3A_1590, %parallel_loop3A_1591 : vector<16xi1>, vector<16xi32>
          %parallel_loop3A_1593 = arith.addi %parallel_loop3A_1542, %parallel_loop3A_1592 : vector<16xi32>
          %parallel_loop3A_1594 = arith.mulf %gather3A_577, %parallel_loop3A_1545 : vector<16xf32>
          %parallel_loop3A_1595 = arith.mulf %gather3A_578, %parallel_loop3A_1546 : vector<16xf32>
          %parallel_loop3A_1596 = arith.addf %parallel_loop3A_1594, %parallel_loop3A_1595 : vector<16xf32>
          %parallel_loop3A_1597 = arith.mulf %gather3A_579, %parallel_loop3A_1547 : vector<16xf32>
          %parallel_loop3A_1598 = arith.addf %parallel_loop3A_1596, %parallel_loop3A_1597 : vector<16xf32>
          %parallel_loop3A_1599 = arith.subf %parallel_loop3A_1548, %parallel_loop3A_1598 : vector<16xf32>
          %parallel_loop3A_1600 = arith.cmpf ole, %parallel_loop3A_1599, %mul3A_591 : vector<16xf32>
          %parallel_loop3A_1601 = arith.cmpf ole, %parallel_loop3A_1599, %mul3A_597 : vector<16xf32>
          %parallel_loop3A_1602 = arith.andi %parallel_loop3A_1601, %eq3A_1537 : vector<16xi1>
          %parallel_loop3A_1603 = vector.broadcast %cond3A_643 : i32 to vector<16xi32>
          %parallel_loop3A_1604 = vector.broadcast %cond3A_644 : i32 to vector<16xi32>
          %parallel_loop3A_1605 = arith.select %parallel_loop3A_1600, %parallel_loop3A_1603, %parallel_loop3A_1604 : vector<16xi1>, vector<16xi32>
          %parallel_loop3A_1606 = vector.broadcast %cond3A_645 : i32 to vector<16xi32>
          %parallel_loop3A_1607 = arith.select %parallel_loop3A_1602, %parallel_loop3A_1605, %parallel_loop3A_1606 : vector<16xi1>, vector<16xi32>
          %parallel_loop3A_1608 = arith.addi %parallel_loop3A_1543, %parallel_loop3A_1607 : vector<16xi32>
          scf.yield %parallel_loop3A_1563, %parallel_loop3A_1578, %parallel_loop3A_1593, %parallel_loop3A_1608 : vector<16xi32>, vector<16xi32>, vector<16xi32>, vector<16xi32>
        } {sc.loop_unroll_factor = 2 : i64, sc.parallel_access}
        scf.yield %parallel_loop3A_1538#0, %parallel_loop3A_1538#1, %parallel_loop3A_1538#2, %parallel_loop3A_1538#3 : vector<16xi32>, vector<16xi32>, vector<16xi32>, vector<16xi32>
      }
      %while3A_1505 = arith.constant 1 : i32
      %while3A_1506:4 = scf.for %while3A_1507 = %while3A_1502 to %while3A_1498 step %while3A_1505 iter_args(%while3A_1508 = %while3A_1504#0, %while3A_1509 = %while3A_1504#1, %while3A_1510 = %while3A_1504#2, %while3A_1511 = %while3A_1504#3) -> (vector<16xi32>, vector<16xi32>, vector<16xi32>, vector<16xi32>)  : i32 {
        %broadcast_in_dim3A_1512 = vector.broadcast %while3A_1507 : i32 to vector<16xi32>
        %gather3A_1513 = tpu.vector_load_idx %arg13[%broadcast_in_dim3A_1512] : memref<16xi32, #tpu.memory_space<vmem>>[vector<16xi32>], vector<16xi32>,
        %reduce_min3A_1514 = arith.constant true
        %reduce_min3A_1515 = vector.broadcast %reduce_min3A_1514 : i1 to vector<16xi1>
        %reduce_min3A_1516 = arith.constant -2147483648 : i32
        %reduce_min3A_1517 = vector.broadcast %reduce_min3A_1516 : i32 to vector<16xi32>
        %reduce_min3A_1518 = arith.xori %gather3A_1513, %reduce_min3A_1517 : vector<16xi32>
        %reduce_min3A_1519 = tpu.scan <min>, %reduce_min3A_1518 masked %reduce_min3A_1515 : vector<16xi32>, vector<16xi1> -> vector<16xi32>
        %reduce_min3A_1520 = arith.xori %reduce_min3A_1519, %reduce_min3A_1517 : vector<16xi32>
        %reduce_min3A_1521 = vector.extract %reduce_min3A_1520[15] : i32 from vector<16xi32>
        %add3A_1522 = arith.constant 1 : i32
        %add3A_1523 = vector.broadcast %add3A_1522 : i32 to vector<16xi32>
        %add3A_1524 = arith.addi %broadcast_in_dim3A_1512, %add3A_1523 : vector<16xi32>
        %gather3A_1525 = tpu.vector_load_idx %arg13[%add3A_1524] : memref<16xi32, #tpu.memory_space<vmem>>[vector<16xi32>], vector<16xi32>,
        %reduce_max3A_1526 = arith.constant true
        %reduce_max3A_1527 = vector.broadcast %reduce_max3A_1526 : i1 to vector<16xi1>
        %reduce_max3A_1528 = arith.constant -2147483648 : i32
        %reduce_max3A_1529 = vector.broadcast %reduce_max3A_1528 : i32 to vector<16xi32>
        %reduce_max3A_1530 = arith.xori %gather3A_1525, %reduce_max3A_1529 : vector<16xi32>
        %reduce_max3A_1531 = tpu.scan <max>, %reduce_max3A_1530 masked %reduce_max3A_1527 : vector<16xi32>, vector<16xi1> -> vector<16xi32>
        %reduce_max3A_1532 = arith.xori %reduce_max3A_1531, %reduce_max3A_1529 : vector<16xi32>
        %reduce_max3A_1533 = vector.extract %reduce_max3A_1532[15] : i32 from vector<16xi32>
        %eq3A_1534 = arith.cmpi eq, %gather3A_378, %broadcast_in_dim3A_1512 : vector<16xi32>
        %eq3A_1535 = arith.cmpi eq, %gather3A_448, %broadcast_in_dim3A_1512 : vector<16xi32>
        %eq3A_1536 = arith.cmpi eq, %gather3A_514, %broadcast_in_dim3A_1512 : vector<16xi32>
        %eq3A_1537 = arith.cmpi eq, %gather3A_580, %broadcast_in_dim3A_1512 : vector<16xi32>
        %parallel_loop3A = arith.constant 1 : i32
        %parallel_loop3A_1538:4 = scf.for %parallel_loop3A_1539 = %reduce_min3A_1521 to %reduce_max3A_1533 step %parallel_loop3A iter_args(%parallel_loop3A_1540 = %while3A_1508, %parallel_loop3A_1541 = %while3A_1509, %parallel_loop3A_1542 = %while3A_1510, %parallel_loop3A_1543 = %while3A_1511) -> (vector<16xi32>, vector<16xi32>, vector<16xi32>, vector<16xi32>)  : i32 {
          %parallel_loop3A_1544 = vector.broadcast %parallel_loop3A_1539 : i32 to vector<16xi32>
          %parallel_loop3A_1545 = tpu.vector_load_idx %arg9[%parallel_loop3A_1544] : memref<8192xf32, #tpu.memory_space<vmem>>[vector<16xi32>], vector<16xf32>,
          %parallel_loop3A_1546 = tpu.vector_load_idx %arg10[%parallel_loop3A_1544] : memref<8192xf32, #tpu.memory_space<vmem>>[vector<16xi32>], vector<16xf32>,
          %parallel_loop3A_1547 = tpu.vector_load_idx %arg11[%parallel_loop3A_1544] : memref<8192xf32, #tpu.memory_space<vmem>>[vector<16xi32>], vector<16xf32>,
          %parallel_loop3A_1548 = tpu.vector_load_idx %arg14[%parallel_loop3A_1544] : memref<8192xf32, #tpu.memory_space<vmem>>[vector<16xi32>], vector<16xf32>,
          %parallel_loop3A_1549 = arith.mulf %gather3A_375, %parallel_loop3A_1545 : vector<16xf32>
          %parallel_loop3A_1550 = arith.mulf %gather3A_376, %parallel_loop3A_1546 : vector<16xf32>
          %parallel_loop3A_1551 = arith.addf %parallel_loop3A_1549, %parallel_loop3A_1550 : vector<16xf32>
          %parallel_loop3A_1552 = arith.mulf %gather3A_377, %parallel_loop3A_1547 : vector<16xf32>
          %parallel_loop3A_1553 = arith.addf %parallel_loop3A_1551, %parallel_loop3A_1552 : vector<16xf32>
          %parallel_loop3A_1554 = arith.subf %parallel_loop3A_1548, %parallel_loop3A_1553 : vector<16xf32>
          %parallel_loop3A_1555 = arith.cmpf ole, %parallel_loop3A_1554, %mul3A_389 : vector<16xf32>
          %parallel_loop3A_1556 = arith.cmpf ole, %parallel_loop3A_1554, %mul3A_395 : vector<16xf32>
          %parallel_loop3A_1557 = arith.andi %parallel_loop3A_1556, %eq3A_1534 : vector<16xi1>
          %parallel_loop3A_1558 = vector.broadcast %cond3A_643 : i32 to vector<16xi32>
          %parallel_loop3A_1559 = vector.broadcast %cond3A_644 : i32 to vector<16xi32>
          %parallel_loop3A_1560 = arith.select %parallel_loop3A_1555, %parallel_loop3A_1558, %parallel_loop3A_1559 : vector<16xi1>, vector<16xi32>
          %parallel_loop3A_1561 = vector.broadcast %cond3A_645 : i32 to vector<16xi32>
          %parallel_loop3A_1562 = arith.select %parallel_loop3A_1557, %parallel_loop3A_1560, %parallel_loop3A_1561 : vector<16xi1>, vector<16xi32>
          %parallel_loop3A_1563 = arith.addi %parallel_loop3A_1540, %parallel_loop3A_1562 : vector<16xi32>
          %parallel_loop3A_1564 = arith.mulf %gather3A_445, %parallel_loop3A_1545 : vector<16xf32>
          %parallel_loop3A_1565 = arith.mulf %gather3A_446, %parallel_loop3A_1546 : vector<16xf32>
          %parallel_loop3A_1566 = arith.addf %parallel_loop3A_1564, %parallel_loop3A_1565 : vector<16xf32>
          %parallel_loop3A_1567 = arith.mulf %gather3A_447, %parallel_loop3A_1547 : vector<16xf32>
          %parallel_loop3A_1568 = arith.addf %parallel_loop3A_1566, %parallel_loop3A_1567 : vector<16xf32>
          %parallel_loop3A_1569 = arith.subf %parallel_loop3A_1548, %parallel_loop3A_1568 : vector<16xf32>
          %parallel_loop3A_1570 = arith.cmpf ole, %parallel_loop3A_1569, %mul3A_459 : vector<16xf32>
          %parallel_loop3A_1571 = arith.cmpf ole, %parallel_loop3A_1569, %mul3A_465 : vector<16xf32>
          %parallel_loop3A_1572 = arith.andi %parallel_loop3A_1571, %eq3A_1535 : vector<16xi1>
          %parallel_loop3A_1573 = vector.broadcast %cond3A_643 : i32 to vector<16xi32>
          %parallel_loop3A_1574 = vector.broadcast %cond3A_644 : i32 to vector<16xi32>
          %parallel_loop3A_1575 = arith.select %parallel_loop3A_1570, %parallel_loop3A_1573, %parallel_loop3A_1574 : vector<16xi1>, vector<16xi32>
          %parallel_loop3A_1576 = vector.broadcast %cond3A_645 : i32 to vector<16xi32>
          %parallel_loop3A_1577 = arith.select %parallel_loop3A_1572, %parallel_loop3A_1575, %parallel_loop3A_1576 : vector<16xi1>, vector<16xi32>
          %parallel_loop3A_1578 = arith.addi %parallel_loop3A_1541, %parallel_loop3A_1577 : vector<16xi32>
          %parallel_loop3A_1579 = arith.mulf %gather3A_511, %parallel_loop3A_1545 : vector<16xf32>
          %parallel_loop3A_1580 = arith.mulf %gather3A_512, %parallel_loop3A_1546 : vector<16xf32>
          %parallel_loop3A_1581 = arith.addf %parallel_loop3A_1579, %parallel_loop3A_1580 : vector<16xf32>
          %parallel_loop3A_1582 = arith.mulf %gather3A_513, %parallel_loop3A_1547 : vector<16xf32>
          %parallel_loop3A_1583 = arith.addf %parallel_loop3A_1581, %parallel_loop3A_1582 : vector<16xf32>
          %parallel_loop3A_1584 = arith.subf %parallel_loop3A_1548, %parallel_loop3A_1583 : vector<16xf32>
          %parallel_loop3A_1585 = arith.cmpf ole, %parallel_loop3A_1584, %mul3A_525 : vector<16xf32>
          %parallel_loop3A_1586 = arith.cmpf ole, %parallel_loop3A_1584, %mul3A_531 : vector<16xf32>
          %parallel_loop3A_1587 = arith.andi %parallel_loop3A_1586, %eq3A_1536 : vector<16xi1>
          %parallel_loop3A_1588 = vector.broadcast %cond3A_643 : i32 to vector<16xi32>
          %parallel_loop3A_1589 = vector.broadcast %cond3A_644 : i32 to vector<16xi32>
          %parallel_loop3A_1590 = arith.select %parallel_loop3A_1585, %parallel_loop3A_1588, %parallel_loop3A_1589 : vector<16xi1>, vector<16xi32>
          %parallel_loop3A_1591 = vector.broadcast %cond3A_645 : i32 to vector<16xi32>
          %parallel_loop3A_1592 = arith.select %parallel_loop3A_1587, %parallel_loop3A_1590, %parallel_loop3A_1591 : vector<16xi1>, vector<16xi32>
          %parallel_loop3A_1593 = arith.addi %parallel_loop3A_1542, %parallel_loop3A_1592 : vector<16xi32>
          %parallel_loop3A_1594 = arith.mulf %gather3A_577, %parallel_loop3A_1545 : vector<16xf32>
          %parallel_loop3A_1595 = arith.mulf %gather3A_578, %parallel_loop3A_1546 : vector<16xf32>
          %parallel_loop3A_1596 = arith.addf %parallel_loop3A_1594, %parallel_loop3A_1595 : vector<16xf32>
          %parallel_loop3A_1597 = arith.mulf %gather3A_579, %parallel_loop3A_1547 : vector<16xf32>
          %parallel_loop3A_1598 = arith.addf %parallel_loop3A_1596, %parallel_loop3A_1597 : vector<16xf32>
          %parallel_loop3A_1599 = arith.subf %parallel_loop3A_1548, %parallel_loop3A_1598 : vector<16xf32>
          %parallel_loop3A_1600 = arith.cmpf ole, %parallel_loop3A_1599, %mul3A_591 : vector<16xf32>
          %parallel_loop3A_1601 = arith.cmpf ole, %parallel_loop3A_1599, %mul3A_597 : vector<16xf32>
          %parallel_loop3A_1602 = arith.andi %parallel_loop3A_1601, %eq3A_1537 : vector<16xi1>
          %parallel_loop3A_1603 = vector.broadcast %cond3A_643 : i32 to vector<16xi32>
          %parallel_loop3A_1604 = vector.broadcast %cond3A_644 : i32 to vector<16xi32>
          %parallel_loop3A_1605 = arith.select %parallel_loop3A_1600, %parallel_loop3A_1603, %parallel_loop3A_1604 : vector<16xi1>, vector<16xi32>
          %parallel_loop3A_1606 = vector.broadcast %cond3A_645 : i32 to vector<16xi32>
          %parallel_loop3A_1607 = arith.select %parallel_loop3A_1602, %parallel_loop3A_1605, %parallel_loop3A_1606 : vector<16xi1>, vector<16xi32>
          %parallel_loop3A_1608 = arith.addi %parallel_loop3A_1543, %parallel_loop3A_1607 : vector<16xi32>
          scf.yield %parallel_loop3A_1563, %parallel_loop3A_1578, %parallel_loop3A_1593, %parallel_loop3A_1608 : vector<16xi32>, vector<16xi32>, vector<16xi32>, vector<16xi32>
        } {sc.loop_unroll_factor = 2 : i64, sc.parallel_access}
        scf.yield %parallel_loop3A_1538#0, %parallel_loop3A_1538#1, %parallel_loop3A_1538#2, %parallel_loop3A_1538#3 : vector<16xi32>, vector<16xi32>, vector<16xi32>, vector<16xi32>
      }
      scf.yield %while3A_1506#0, %while3A_1506#1, %while3A_1506#2, %while3A_1506#3 : vector<16xi32>, vector<16xi32>, vector<16xi32>, vector<16xi32>
    }
    %shift_right_arithmetic3A_650 = arith.constant 16 : i32
    %shift_right_arithmetic3A_651 = vector.broadcast %shift_right_arithmetic3A_650 : i32 to vector<16xi32>
    %shift_right_arithmetic3A_652 = arith.shrsi %cond3A_649#0, %shift_right_arithmetic3A_651 : vector<16xi32>
    %convert_element_type3A_653 = arith.sitofp %shift_right_arithmetic3A_652 : vector<16xi32> to vector<16xf32>
    %and3A_654 = arith.constant 65535 : i32
    %and3A_655 = vector.broadcast %and3A_654 : i32 to vector<16xi32>
    %and3A_656 = arith.andi %cond3A_649#0, %and3A_655 : vector<16xi32>
    %convert_element_type3A_657 = arith.sitofp %and3A_656 : vector<16xi32> to vector<16xf32>
    %min3A_658 = arith.constant 3.200000e+01 : f32
    %min3A_659 = vector.broadcast %min3A_658 : f32 to vector<16xf32>
    %min3A_660 = arith.minimumf %convert_element_type3A_653, %min3A_659 : vector<16xf32>
    %mul3A_661 = arith.constant 3.125000e-02 : f32
    %mul3A_662 = vector.broadcast %mul3A_661 : f32 to vector<16xf32>
    %mul3A_663 = arith.mulf %min3A_660, %mul3A_662 : vector<16xf32>
    %swap3A_664 = arith.constant 64 : index
    %swap3A_665 = tpu.vector_load %arg15[%swap3A_664] {strides = array<i32>} : memref<256xf32, #tpu.memory_space<vmem>>, vector<16xf32>,
    tpu.vector_store %arg15[%swap3A_664], %mul3A_663 {strides = array<i32>} : memref<256xf32, #tpu.memory_space<vmem>>, vector<16xf32>,
    %min3A_666 = arith.constant 6.400000e+01 : f32
    %min3A_667 = vector.broadcast %min3A_666 : f32 to vector<16xf32>
    %min3A_668 = arith.minimumf %convert_element_type3A_657, %min3A_667 : vector<16xf32>
    %mul3A_669 = arith.constant 1.562500e-02 : f32
    %mul3A_670 = vector.broadcast %mul3A_669 : f32 to vector<16xf32>
    %mul3A_671 = arith.mulf %min3A_668, %mul3A_670 : vector<16xf32>
    %swap3A_672 = arith.constant 64 : index
    %swap3A_673 = tpu.vector_load %arg16[%swap3A_672] {strides = array<i32>} : memref<256xf32, #tpu.memory_space<vmem>>, vector<16xf32>,
    tpu.vector_store %arg16[%swap3A_672], %mul3A_671 {strides = array<i32>} : memref<256xf32, #tpu.memory_space<vmem>>, vector<16xf32>,
    %shift_right_arithmetic3A_674 = arith.constant 16 : i32
    %shift_right_arithmetic3A_675 = vector.broadcast %shift_right_arithmetic3A_674 : i32 to vector<16xi32>
    %shift_right_arithmetic3A_676 = arith.shrsi %cond3A_649#1, %shift_right_arithmetic3A_675 : vector<16xi32>
    %convert_element_type3A_677 = arith.sitofp %shift_right_arithmetic3A_676 : vector<16xi32> to vector<16xf32>
    %and3A_678 = arith.constant 65535 : i32
    %and3A_679 = vector.broadcast %and3A_678 : i32 to vector<16xi32>
    %and3A_680 = arith.andi %cond3A_649#1, %and3A_679 : vector<16xi32>
    %convert_element_type3A_681 = arith.sitofp %and3A_680 : vector<16xi32> to vector<16xf32>
    %min3A_682 = arith.constant 3.200000e+01 : f32
    %min3A_683 = vector.broadcast %min3A_682 : f32 to vector<16xf32>
    %min3A_684 = arith.minimumf %convert_element_type3A_677, %min3A_683 : vector<16xf32>
    %mul3A_685 = arith.constant 3.125000e-02 : f32
    %mul3A_686 = vector.broadcast %mul3A_685 : f32 to vector<16xf32>
    %mul3A_687 = arith.mulf %min3A_684, %mul3A_686 : vector<16xf32>
    %swap3A_688 = arith.constant 80 : index
    %swap3A_689 = tpu.vector_load %arg15[%swap3A_688] {strides = array<i32>} : memref<256xf32, #tpu.memory_space<vmem>>, vector<16xf32>,
    tpu.vector_store %arg15[%swap3A_688], %mul3A_687 {strides = array<i32>} : memref<256xf32, #tpu.memory_space<vmem>>, vector<16xf32>,
    %min3A_690 = arith.constant 6.400000e+01 : f32
    %min3A_691 = vector.broadcast %min3A_690 : f32 to vector<16xf32>
    %min3A_692 = arith.minimumf %convert_element_type3A_681, %min3A_691 : vector<16xf32>
    %mul3A_693 = arith.constant 1.562500e-02 : f32
    %mul3A_694 = vector.broadcast %mul3A_693 : f32 to vector<16xf32>
    %mul3A_695 = arith.mulf %min3A_692, %mul3A_694 : vector<16xf32>
    %swap3A_696 = arith.constant 80 : index
    %swap3A_697 = tpu.vector_load %arg16[%swap3A_696] {strides = array<i32>} : memref<256xf32, #tpu.memory_space<vmem>>, vector<16xf32>,
    tpu.vector_store %arg16[%swap3A_696], %mul3A_695 {strides = array<i32>} : memref<256xf32, #tpu.memory_space<vmem>>, vector<16xf32>,
    %shift_right_arithmetic3A_698 = arith.constant 16 : i32
    %shift_right_arithmetic3A_699 = vector.broadcast %shift_right_arithmetic3A_698 : i32 to vector<16xi32>
    %shift_right_arithmetic3A_700 = arith.shrsi %cond3A_649#2, %shift_right_arithmetic3A_699 : vector<16xi32>
    %convert_element_type3A_701 = arith.sitofp %shift_right_arithmetic3A_700 : vector<16xi32> to vector<16xf32>
    %and3A_702 = arith.constant 65535 : i32
    %and3A_703 = vector.broadcast %and3A_702 : i32 to vector<16xi32>
    %and3A_704 = arith.andi %cond3A_649#2, %and3A_703 : vector<16xi32>
    %convert_element_type3A_705 = arith.sitofp %and3A_704 : vector<16xi32> to vector<16xf32>
    %min3A_706 = arith.constant 3.200000e+01 : f32
    %min3A_707 = vector.broadcast %min3A_706 : f32 to vector<16xf32>
    %min3A_708 = arith.minimumf %convert_element_type3A_701, %min3A_707 : vector<16xf32>
    %mul3A_709 = arith.constant 3.125000e-02 : f32
    %mul3A_710 = vector.broadcast %mul3A_709 : f32 to vector<16xf32>
    %mul3A_711 = arith.mulf %min3A_708, %mul3A_710 : vector<16xf32>
    %swap3A_712 = arith.constant 96 : index
    %swap3A_713 = tpu.vector_load %arg15[%swap3A_712] {strides = array<i32>} : memref<256xf32, #tpu.memory_space<vmem>>, vector<16xf32>,
    tpu.vector_store %arg15[%swap3A_712], %mul3A_711 {strides = array<i32>} : memref<256xf32, #tpu.memory_space<vmem>>, vector<16xf32>,
    %min3A_714 = arith.constant 6.400000e+01 : f32
    %min3A_715 = vector.broadcast %min3A_714 : f32 to vector<16xf32>
    %min3A_716 = arith.minimumf %convert_element_type3A_705, %min3A_715 : vector<16xf32>
    %mul3A_717 = arith.constant 1.562500e-02 : f32
    %mul3A_718 = vector.broadcast %mul3A_717 : f32 to vector<16xf32>
    %mul3A_719 = arith.mulf %min3A_716, %mul3A_718 : vector<16xf32>
    %swap3A_720 = arith.constant 96 : index
    %swap3A_721 = tpu.vector_load %arg16[%swap3A_720] {strides = array<i32>} : memref<256xf32, #tpu.memory_space<vmem>>, vector<16xf32>,
    tpu.vector_store %arg16[%swap3A_720], %mul3A_719 {strides = array<i32>} : memref<256xf32, #tpu.memory_space<vmem>>, vector<16xf32>,
    %shift_right_arithmetic3A_722 = arith.constant 16 : i32
    %shift_right_arithmetic3A_723 = vector.broadcast %shift_right_arithmetic3A_722 : i32 to vector<16xi32>
    %shift_right_arithmetic3A_724 = arith.shrsi %cond3A_649#3, %shift_right_arithmetic3A_723 : vector<16xi32>
    %convert_element_type3A_725 = arith.sitofp %shift_right_arithmetic3A_724 : vector<16xi32> to vector<16xf32>
    %and3A_726 = arith.constant 65535 : i32
    %and3A_727 = vector.broadcast %and3A_726 : i32 to vector<16xi32>
    %and3A_728 = arith.andi %cond3A_649#3, %and3A_727 : vector<16xi32>
    %convert_element_type3A_729 = arith.sitofp %and3A_728 : vector<16xi32> to vector<16xf32>
    %min3A_730 = arith.constant 3.200000e+01 : f32
    %min3A_731 = vector.broadcast %min3A_730 : f32 to vector<16xf32>
    %min3A_732 = arith.minimumf %convert_element_type3A_725, %min3A_731 : vector<16xf32>
    %mul3A_733 = arith.constant 3.125000e-02 : f32
    %mul3A_734 = vector.broadcast %mul3A_733 : f32 to vector<16xf32>
    %mul3A_735 = arith.mulf %min3A_732, %mul3A_734 : vector<16xf32>
    %swap3A_736 = arith.constant 112 : index
    %swap3A_737 = tpu.vector_load %arg15[%swap3A_736] {strides = array<i32>} : memref<256xf32, #tpu.memory_space<vmem>>, vector<16xf32>,
    tpu.vector_store %arg15[%swap3A_736], %mul3A_735 {strides = array<i32>} : memref<256xf32, #tpu.memory_space<vmem>>, vector<16xf32>,
    %min3A_738 = arith.constant 6.400000e+01 : f32
    %min3A_739 = vector.broadcast %min3A_738 : f32 to vector<16xf32>
    %min3A_740 = arith.minimumf %convert_element_type3A_729, %min3A_739 : vector<16xf32>
    %mul3A_741 = arith.constant 1.562500e-02 : f32
    %mul3A_742 = vector.broadcast %mul3A_741 : f32 to vector<16xf32>
    %mul3A_743 = arith.mulf %min3A_740, %mul3A_742 : vector<16xf32>
    %swap3A_744 = arith.constant 112 : index
    %swap3A_745 = tpu.vector_load %arg16[%swap3A_744] {strides = array<i32>} : memref<256xf32, #tpu.memory_space<vmem>>, vector<16xf32>,
    tpu.vector_store %arg16[%swap3A_744], %mul3A_743 {strides = array<i32>} : memref<256xf32, #tpu.memory_space<vmem>>, vector<16xf32>,
    %add3A_746 = arith.constant 128 : i32
    %add3A_747 = arith.addi %mul3A_2, %add3A_746 : i32
    %add3A_748 = vector.broadcast %add3A_747 : i32 to vector<16xi32>
    %add3A_749 = arith.addi %add3A_748, %iota3A : vector<16xi32>
    %gather3A_750 = tpu.vector_load_idx %arg9[%add3A_749] : memref<8192xf32, #tpu.memory_space<vmem>>[vector<16xi32>], vector<16xf32>,
    %gather3A_751 = tpu.vector_load_idx %arg10[%add3A_749] : memref<8192xf32, #tpu.memory_space<vmem>>[vector<16xi32>], vector<16xf32>,
    %gather3A_752 = tpu.vector_load_idx %arg11[%add3A_749] : memref<8192xf32, #tpu.memory_space<vmem>>[vector<16xi32>], vector<16xf32>,
    %gather3A_753 = tpu.vector_load_idx %arg12[%add3A_749] : memref<8192xi32, #tpu.memory_space<vmem>>[vector<16xi32>], vector<16xi32>,
    %mul3A_754 = arith.mulf %gather3A_750, %gather3A_750 : vector<16xf32>
    %mul3A_755 = arith.mulf %gather3A_751, %gather3A_751 : vector<16xf32>
    %add3A_756 = arith.addf %mul3A_754, %mul3A_755 : vector<16xf32>
    %mul3A_757 = arith.mulf %gather3A_752, %gather3A_752 : vector<16xf32>
    %add3A_758 = arith.addf %add3A_756, %mul3A_757 : vector<16xf32>
    %sub3A_759 = arith.constant 4.000000e-02 : f32
    %sub3A_760 = vector.broadcast %sub3A_759 : f32 to vector<16xf32>
    %sub3A_761 = arith.subf %sub3A_760, %add3A_758 : vector<16xf32>
    %mul3A_762 = arith.constant 5.000000e-01 : f32
    %mul3A_763 = vector.broadcast %mul3A_762 : f32 to vector<16xf32>
    %mul3A_764 = arith.mulf %sub3A_761, %mul3A_763 : vector<16xf32>
    %sub3A_765 = arith.constant 1.600000e-01 : f32
    %sub3A_766 = vector.broadcast %sub3A_765 : f32 to vector<16xf32>
    %sub3A_767 = arith.subf %sub3A_766, %add3A_758 : vector<16xf32>
    %mul3A_768 = arith.constant 5.000000e-01 : f32
    %mul3A_769 = vector.broadcast %mul3A_768 : f32 to vector<16xf32>
    %mul3A_770 = arith.mulf %sub3A_767, %mul3A_769 : vector<16xf32>
    %gather3A_771 = tpu.vector_load_idx %arg13[%gather3A_753] : memref<16xi32, #tpu.memory_space<vmem>>[vector<16xi32>], vector<16xi32>,
    %add3A_772 = arith.constant 1 : i32
    %add3A_773 = vector.broadcast %add3A_772 : i32 to vector<16xi32>
    %add3A_774 = arith.addi %gather3A_753, %add3A_773 : vector<16xi32>
    %gather3A_775 = tpu.vector_load_idx %arg13[%add3A_774] : memref<16xi32, #tpu.memory_space<vmem>>[vector<16xi32>], vector<16xi32>,
    %reduce_min3A_776 = arith.constant true
    %reduce_min3A_777 = vector.broadcast %reduce_min3A_776 : i1 to vector<16xi1>
    %reduce_min3A_778 = arith.constant -2147483648 : i32
    %reduce_min3A_779 = vector.broadcast %reduce_min3A_778 : i32 to vector<16xi32>
    %reduce_min3A_780 = arith.xori %gather3A_771, %reduce_min3A_779 : vector<16xi32>
    %reduce_min3A_781 = tpu.scan <min>, %reduce_min3A_780 masked %reduce_min3A_777 : vector<16xi32>, vector<16xi1> -> vector<16xi32>
    %reduce_min3A_782 = arith.xori %reduce_min3A_781, %reduce_min3A_779 : vector<16xi32>
    %reduce_min3A_783 = vector.extract %reduce_min3A_782[15] : i32 from vector<16xi32>
    %min3A_784 = arith.constant 8192 : i32
    %min3A_785 = arith.minsi %min3A_784, %reduce_min3A_783 : i32
    %reduce_max3A_786 = arith.constant true
    %reduce_max3A_787 = vector.broadcast %reduce_max3A_786 : i1 to vector<16xi1>
    %reduce_max3A_788 = arith.constant -2147483648 : i32
    %reduce_max3A_789 = vector.broadcast %reduce_max3A_788 : i32 to vector<16xi32>
    %reduce_max3A_790 = arith.xori %gather3A_775, %reduce_max3A_789 : vector<16xi32>
    %reduce_max3A_791 = tpu.scan <max>, %reduce_max3A_790 masked %reduce_max3A_787 : vector<16xi32>, vector<16xi1> -> vector<16xi32>
    %reduce_max3A_792 = arith.xori %reduce_max3A_791, %reduce_max3A_789 : vector<16xi32>
    %reduce_max3A_793 = vector.extract %reduce_max3A_792[15] : i32 from vector<16xi32>
    %max3A_794 = arith.constant 0 : i32
    %max3A_795 = arith.maxsi %max3A_794, %reduce_max3A_793 : i32
    %reduce_min3A_796 = arith.constant true
    %reduce_min3A_797 = vector.broadcast %reduce_min3A_796 : i1 to vector<16xi1>
    %reduce_min3A_798 = arith.constant -2147483648 : i32
    %reduce_min3A_799 = vector.broadcast %reduce_min3A_798 : i32 to vector<16xi32>
    %reduce_min3A_800 = arith.xori %gather3A_753, %reduce_min3A_799 : vector<16xi32>
    %reduce_min3A_801 = tpu.scan <min>, %reduce_min3A_800 masked %reduce_min3A_797 : vector<16xi32>, vector<16xi1> -> vector<16xi32>
    %reduce_min3A_802 = arith.xori %reduce_min3A_801, %reduce_min3A_799 : vector<16xi32>
    %reduce_min3A_803 = vector.extract %reduce_min3A_802[15] : i32 from vector<16xi32>
    %min3A_804 = arith.constant 127 : i32
    %min3A_805 = arith.minsi %min3A_804, %reduce_min3A_803 : i32
    %reduce_max3A_806 = arith.constant true
    %reduce_max3A_807 = vector.broadcast %reduce_max3A_806 : i1 to vector<16xi1>
    %reduce_max3A_808 = arith.constant -2147483648 : i32
    %reduce_max3A_809 = vector.broadcast %reduce_max3A_808 : i32 to vector<16xi32>
    %reduce_max3A_810 = arith.xori %gather3A_753, %reduce_max3A_809 : vector<16xi32>
    %reduce_max3A_811 = tpu.scan <max>, %reduce_max3A_810 masked %reduce_max3A_807 : vector<16xi32>, vector<16xi1> -> vector<16xi32>
    %reduce_max3A_812 = arith.xori %reduce_max3A_811, %reduce_max3A_809 : vector<16xi32>
    %reduce_max3A_813 = vector.extract %reduce_max3A_812[15] : i32 from vector<16xi32>
    %max3A_814 = arith.constant -1 : i32
    %max3A_815 = arith.maxsi %max3A_814, %reduce_max3A_813 : i32
    %add3A_816 = arith.constant 144 : i32
    %add3A_817 = arith.addi %mul3A_2, %add3A_816 : i32
    %add3A_818 = vector.broadcast %add3A_817 : i32 to vector<16xi32>
    %add3A_819 = arith.addi %add3A_818, %iota3A : vector<16xi32>
    %gather3A_820 = tpu.vector_load_idx %arg9[%add3A_819] : memref<8192xf32, #tpu.memory_space<vmem>>[vector<16xi32>], vector<16xf32>,
    %gather3A_821 = tpu.vector_load_idx %arg10[%add3A_819] : memref<8192xf32, #tpu.memory_space<vmem>>[vector<16xi32>], vector<16xf32>,
    %gather3A_822 = tpu.vector_load_idx %arg11[%add3A_819] : memref<8192xf32, #tpu.memory_space<vmem>>[vector<16xi32>], vector<16xf32>,
    %gather3A_823 = tpu.vector_load_idx %arg12[%add3A_819] : memref<8192xi32, #tpu.memory_space<vmem>>[vector<16xi32>], vector<16xi32>,
    %mul3A_824 = arith.mulf %gather3A_820, %gather3A_820 : vector<16xf32>
    %mul3A_825 = arith.mulf %gather3A_821, %gather3A_821 : vector<16xf32>
    %add3A_826 = arith.addf %mul3A_824, %mul3A_825 : vector<16xf32>
    %mul3A_827 = arith.mulf %gather3A_822, %gather3A_822 : vector<16xf32>
    %add3A_828 = arith.addf %add3A_826, %mul3A_827 : vector<16xf32>
    %sub3A_829 = arith.constant 4.000000e-02 : f32
    %sub3A_830 = vector.broadcast %sub3A_829 : f32 to vector<16xf32>
    %sub3A_831 = arith.subf %sub3A_830, %add3A_828 : vector<16xf32>
    %mul3A_832 = arith.constant 5.000000e-01 : f32
    %mul3A_833 = vector.broadcast %mul3A_832 : f32 to vector<16xf32>
    %mul3A_834 = arith.mulf %sub3A_831, %mul3A_833 : vector<16xf32>
    %sub3A_835 = arith.constant 1.600000e-01 : f32
    %sub3A_836 = vector.broadcast %sub3A_835 : f32 to vector<16xf32>
    %sub3A_837 = arith.subf %sub3A_836, %add3A_828 : vector<16xf32>
    %mul3A_838 = arith.constant 5.000000e-01 : f32
    %mul3A_839 = vector.broadcast %mul3A_838 : f32 to vector<16xf32>
    %mul3A_840 = arith.mulf %sub3A_837, %mul3A_839 : vector<16xf32>
    %gather3A_841 = tpu.vector_load_idx %arg13[%gather3A_823] : memref<16xi32, #tpu.memory_space<vmem>>[vector<16xi32>], vector<16xi32>,
    %add3A_842 = arith.constant 1 : i32
    %add3A_843 = vector.broadcast %add3A_842 : i32 to vector<16xi32>
    %add3A_844 = arith.addi %gather3A_823, %add3A_843 : vector<16xi32>
    %gather3A_845 = tpu.vector_load_idx %arg13[%add3A_844] : memref<16xi32, #tpu.memory_space<vmem>>[vector<16xi32>], vector<16xi32>,
    %reduce_min3A_846 = arith.constant true
    %reduce_min3A_847 = vector.broadcast %reduce_min3A_846 : i1 to vector<16xi1>
    %reduce_min3A_848 = arith.constant -2147483648 : i32
    %reduce_min3A_849 = vector.broadcast %reduce_min3A_848 : i32 to vector<16xi32>
    %reduce_min3A_850 = arith.xori %gather3A_841, %reduce_min3A_849 : vector<16xi32>
    %reduce_min3A_851 = tpu.scan <min>, %reduce_min3A_850 masked %reduce_min3A_847 : vector<16xi32>, vector<16xi1> -> vector<16xi32>
    %reduce_min3A_852 = arith.xori %reduce_min3A_851, %reduce_min3A_849 : vector<16xi32>
    %reduce_min3A_853 = vector.extract %reduce_min3A_852[15] : i32 from vector<16xi32>
    %min3A_854 = arith.minsi %min3A_785, %reduce_min3A_853 : i32
    %reduce_max3A_855 = arith.constant true
    %reduce_max3A_856 = vector.broadcast %reduce_max3A_855 : i1 to vector<16xi1>
    %reduce_max3A_857 = arith.constant -2147483648 : i32
    %reduce_max3A_858 = vector.broadcast %reduce_max3A_857 : i32 to vector<16xi32>
    %reduce_max3A_859 = arith.xori %gather3A_845, %reduce_max3A_858 : vector<16xi32>
    %reduce_max3A_860 = tpu.scan <max>, %reduce_max3A_859 masked %reduce_max3A_856 : vector<16xi32>, vector<16xi1> -> vector<16xi32>
    %reduce_max3A_861 = arith.xori %reduce_max3A_860, %reduce_max3A_858 : vector<16xi32>
    %reduce_max3A_862 = vector.extract %reduce_max3A_861[15] : i32 from vector<16xi32>
    %max3A_863 = arith.maxsi %max3A_795, %reduce_max3A_862 : i32
    %reduce_min3A_864 = arith.constant true
    %reduce_min3A_865 = vector.broadcast %reduce_min3A_864 : i1 to vector<16xi1>
    %reduce_min3A_866 = arith.constant -2147483648 : i32
    %reduce_min3A_867 = vector.broadcast %reduce_min3A_866 : i32 to vector<16xi32>
    %reduce_min3A_868 = arith.xori %gather3A_823, %reduce_min3A_867 : vector<16xi32>
    %reduce_min3A_869 = tpu.scan <min>, %reduce_min3A_868 masked %reduce_min3A_865 : vector<16xi32>, vector<16xi1> -> vector<16xi32>
    %reduce_min3A_870 = arith.xori %reduce_min3A_869, %reduce_min3A_867 : vector<16xi32>
    %reduce_min3A_871 = vector.extract %reduce_min3A_870[15] : i32 from vector<16xi32>
    %min3A_872 = arith.minsi %min3A_805, %reduce_min3A_871 : i32
    %reduce_max3A_873 = arith.constant true
    %reduce_max3A_874 = vector.broadcast %reduce_max3A_873 : i1 to vector<16xi1>
    %reduce_max3A_875 = arith.constant -2147483648 : i32
    %reduce_max3A_876 = vector.broadcast %reduce_max3A_875 : i32 to vector<16xi32>
    %reduce_max3A_877 = arith.xori %gather3A_823, %reduce_max3A_876 : vector<16xi32>
    %reduce_max3A_878 = tpu.scan <max>, %reduce_max3A_877 masked %reduce_max3A_874 : vector<16xi32>, vector<16xi1> -> vector<16xi32>
    %reduce_max3A_879 = arith.xori %reduce_max3A_878, %reduce_max3A_876 : vector<16xi32>
    %reduce_max3A_880 = vector.extract %reduce_max3A_879[15] : i32 from vector<16xi32>
    %max3A_881 = arith.maxsi %max3A_815, %reduce_max3A_880 : i32
    %add3A_882 = arith.constant 160 : i32
    %add3A_883 = arith.addi %mul3A_2, %add3A_882 : i32
    %add3A_884 = vector.broadcast %add3A_883 : i32 to vector<16xi32>
    %add3A_885 = arith.addi %add3A_884, %iota3A : vector<16xi32>
    %gather3A_886 = tpu.vector_load_idx %arg9[%add3A_885] : memref<8192xf32, #tpu.memory_space<vmem>>[vector<16xi32>], vector<16xf32>,
    %gather3A_887 = tpu.vector_load_idx %arg10[%add3A_885] : memref<8192xf32, #tpu.memory_space<vmem>>[vector<16xi32>], vector<16xf32>,
    %gather3A_888 = tpu.vector_load_idx %arg11[%add3A_885] : memref<8192xf32, #tpu.memory_space<vmem>>[vector<16xi32>], vector<16xf32>,
    %gather3A_889 = tpu.vector_load_idx %arg12[%add3A_885] : memref<8192xi32, #tpu.memory_space<vmem>>[vector<16xi32>], vector<16xi32>,
    %mul3A_890 = arith.mulf %gather3A_886, %gather3A_886 : vector<16xf32>
    %mul3A_891 = arith.mulf %gather3A_887, %gather3A_887 : vector<16xf32>
    %add3A_892 = arith.addf %mul3A_890, %mul3A_891 : vector<16xf32>
    %mul3A_893 = arith.mulf %gather3A_888, %gather3A_888 : vector<16xf32>
    %add3A_894 = arith.addf %add3A_892, %mul3A_893 : vector<16xf32>
    %sub3A_895 = arith.constant 4.000000e-02 : f32
    %sub3A_896 = vector.broadcast %sub3A_895 : f32 to vector<16xf32>
    %sub3A_897 = arith.subf %sub3A_896, %add3A_894 : vector<16xf32>
    %mul3A_898 = arith.constant 5.000000e-01 : f32
    %mul3A_899 = vector.broadcast %mul3A_898 : f32 to vector<16xf32>
    %mul3A_900 = arith.mulf %sub3A_897, %mul3A_899 : vector<16xf32>
    %sub3A_901 = arith.constant 1.600000e-01 : f32
    %sub3A_902 = vector.broadcast %sub3A_901 : f32 to vector<16xf32>
    %sub3A_903 = arith.subf %sub3A_902, %add3A_894 : vector<16xf32>
    %mul3A_904 = arith.constant 5.000000e-01 : f32
    %mul3A_905 = vector.broadcast %mul3A_904 : f32 to vector<16xf32>
    %mul3A_906 = arith.mulf %sub3A_903, %mul3A_905 : vector<16xf32>
    %gather3A_907 = tpu.vector_load_idx %arg13[%gather3A_889] : memref<16xi32, #tpu.memory_space<vmem>>[vector<16xi32>], vector<16xi32>,
    %add3A_908 = arith.constant 1 : i32
    %add3A_909 = vector.broadcast %add3A_908 : i32 to vector<16xi32>
    %add3A_910 = arith.addi %gather3A_889, %add3A_909 : vector<16xi32>
    %gather3A_911 = tpu.vector_load_idx %arg13[%add3A_910] : memref<16xi32, #tpu.memory_space<vmem>>[vector<16xi32>], vector<16xi32>,
    %reduce_min3A_912 = arith.constant true
    %reduce_min3A_913 = vector.broadcast %reduce_min3A_912 : i1 to vector<16xi1>
    %reduce_min3A_914 = arith.constant -2147483648 : i32
    %reduce_min3A_915 = vector.broadcast %reduce_min3A_914 : i32 to vector<16xi32>
    %reduce_min3A_916 = arith.xori %gather3A_907, %reduce_min3A_915 : vector<16xi32>
    %reduce_min3A_917 = tpu.scan <min>, %reduce_min3A_916 masked %reduce_min3A_913 : vector<16xi32>, vector<16xi1> -> vector<16xi32>
    %reduce_min3A_918 = arith.xori %reduce_min3A_917, %reduce_min3A_915 : vector<16xi32>
    %reduce_min3A_919 = vector.extract %reduce_min3A_918[15] : i32 from vector<16xi32>
    %min3A_920 = arith.minsi %min3A_854, %reduce_min3A_919 : i32
    %reduce_max3A_921 = arith.constant true
    %reduce_max3A_922 = vector.broadcast %reduce_max3A_921 : i1 to vector<16xi1>
    %reduce_max3A_923 = arith.constant -2147483648 : i32
    %reduce_max3A_924 = vector.broadcast %reduce_max3A_923 : i32 to vector<16xi32>
    %reduce_max3A_925 = arith.xori %gather3A_911, %reduce_max3A_924 : vector<16xi32>
    %reduce_max3A_926 = tpu.scan <max>, %reduce_max3A_925 masked %reduce_max3A_922 : vector<16xi32>, vector<16xi1> -> vector<16xi32>
    %reduce_max3A_927 = arith.xori %reduce_max3A_926, %reduce_max3A_924 : vector<16xi32>
    %reduce_max3A_928 = vector.extract %reduce_max3A_927[15] : i32 from vector<16xi32>
    %max3A_929 = arith.maxsi %max3A_863, %reduce_max3A_928 : i32
    %reduce_min3A_930 = arith.constant true
    %reduce_min3A_931 = vector.broadcast %reduce_min3A_930 : i1 to vector<16xi1>
    %reduce_min3A_932 = arith.constant -2147483648 : i32
    %reduce_min3A_933 = vector.broadcast %reduce_min3A_932 : i32 to vector<16xi32>
    %reduce_min3A_934 = arith.xori %gather3A_889, %reduce_min3A_933 : vector<16xi32>
    %reduce_min3A_935 = tpu.scan <min>, %reduce_min3A_934 masked %reduce_min3A_931 : vector<16xi32>, vector<16xi1> -> vector<16xi32>
    %reduce_min3A_936 = arith.xori %reduce_min3A_935, %reduce_min3A_933 : vector<16xi32>
    %reduce_min3A_937 = vector.extract %reduce_min3A_936[15] : i32 from vector<16xi32>
    %min3A_938 = arith.minsi %min3A_872, %reduce_min3A_937 : i32
    %reduce_max3A_939 = arith.constant true
    %reduce_max3A_940 = vector.broadcast %reduce_max3A_939 : i1 to vector<16xi1>
    %reduce_max3A_941 = arith.constant -2147483648 : i32
    %reduce_max3A_942 = vector.broadcast %reduce_max3A_941 : i32 to vector<16xi32>
    %reduce_max3A_943 = arith.xori %gather3A_889, %reduce_max3A_942 : vector<16xi32>
    %reduce_max3A_944 = tpu.scan <max>, %reduce_max3A_943 masked %reduce_max3A_940 : vector<16xi32>, vector<16xi1> -> vector<16xi32>
    %reduce_max3A_945 = arith.xori %reduce_max3A_944, %reduce_max3A_942 : vector<16xi32>
    %reduce_max3A_946 = vector.extract %reduce_max3A_945[15] : i32 from vector<16xi32>
    %max3A_947 = arith.maxsi %max3A_881, %reduce_max3A_946 : i32
    %add3A_948 = arith.constant 176 : i32
    %add3A_949 = arith.addi %mul3A_2, %add3A_948 : i32
    %add3A_950 = vector.broadcast %add3A_949 : i32 to vector<16xi32>
    %add3A_951 = arith.addi %add3A_950, %iota3A : vector<16xi32>
    %gather3A_952 = tpu.vector_load_idx %arg9[%add3A_951] : memref<8192xf32, #tpu.memory_space<vmem>>[vector<16xi32>], vector<16xf32>,
    %gather3A_953 = tpu.vector_load_idx %arg10[%add3A_951] : memref<8192xf32, #tpu.memory_space<vmem>>[vector<16xi32>], vector<16xf32>,
    %gather3A_954 = tpu.vector_load_idx %arg11[%add3A_951] : memref<8192xf32, #tpu.memory_space<vmem>>[vector<16xi32>], vector<16xf32>,
    %gather3A_955 = tpu.vector_load_idx %arg12[%add3A_951] : memref<8192xi32, #tpu.memory_space<vmem>>[vector<16xi32>], vector<16xi32>,
    %mul3A_956 = arith.mulf %gather3A_952, %gather3A_952 : vector<16xf32>
    %mul3A_957 = arith.mulf %gather3A_953, %gather3A_953 : vector<16xf32>
    %add3A_958 = arith.addf %mul3A_956, %mul3A_957 : vector<16xf32>
    %mul3A_959 = arith.mulf %gather3A_954, %gather3A_954 : vector<16xf32>
    %add3A_960 = arith.addf %add3A_958, %mul3A_959 : vector<16xf32>
    %sub3A_961 = arith.constant 4.000000e-02 : f32
    %sub3A_962 = vector.broadcast %sub3A_961 : f32 to vector<16xf32>
    %sub3A_963 = arith.subf %sub3A_962, %add3A_960 : vector<16xf32>
    %mul3A_964 = arith.constant 5.000000e-01 : f32
    %mul3A_965 = vector.broadcast %mul3A_964 : f32 to vector<16xf32>
    %mul3A_966 = arith.mulf %sub3A_963, %mul3A_965 : vector<16xf32>
    %sub3A_967 = arith.constant 1.600000e-01 : f32
    %sub3A_968 = vector.broadcast %sub3A_967 : f32 to vector<16xf32>
    %sub3A_969 = arith.subf %sub3A_968, %add3A_960 : vector<16xf32>
    %mul3A_970 = arith.constant 5.000000e-01 : f32
    %mul3A_971 = vector.broadcast %mul3A_970 : f32 to vector<16xf32>
    %mul3A_972 = arith.mulf %sub3A_969, %mul3A_971 : vector<16xf32>
    %gather3A_973 = tpu.vector_load_idx %arg13[%gather3A_955] : memref<16xi32, #tpu.memory_space<vmem>>[vector<16xi32>], vector<16xi32>,
    %add3A_974 = arith.constant 1 : i32
    %add3A_975 = vector.broadcast %add3A_974 : i32 to vector<16xi32>
    %add3A_976 = arith.addi %gather3A_955, %add3A_975 : vector<16xi32>
    %gather3A_977 = tpu.vector_load_idx %arg13[%add3A_976] : memref<16xi32, #tpu.memory_space<vmem>>[vector<16xi32>], vector<16xi32>,
    %reduce_min3A_978 = arith.constant true
    %reduce_min3A_979 = vector.broadcast %reduce_min3A_978 : i1 to vector<16xi1>
    %reduce_min3A_980 = arith.constant -2147483648 : i32
    %reduce_min3A_981 = vector.broadcast %reduce_min3A_980 : i32 to vector<16xi32>
    %reduce_min3A_982 = arith.xori %gather3A_973, %reduce_min3A_981 : vector<16xi32>
    %reduce_min3A_983 = tpu.scan <min>, %reduce_min3A_982 masked %reduce_min3A_979 : vector<16xi32>, vector<16xi1> -> vector<16xi32>
    %reduce_min3A_984 = arith.xori %reduce_min3A_983, %reduce_min3A_981 : vector<16xi32>
    %reduce_min3A_985 = vector.extract %reduce_min3A_984[15] : i32 from vector<16xi32>
    %min3A_986 = arith.minsi %min3A_920, %reduce_min3A_985 : i32
    %reduce_max3A_987 = arith.constant true
    %reduce_max3A_988 = vector.broadcast %reduce_max3A_987 : i1 to vector<16xi1>
    %reduce_max3A_989 = arith.constant -2147483648 : i32
    %reduce_max3A_990 = vector.broadcast %reduce_max3A_989 : i32 to vector<16xi32>
    %reduce_max3A_991 = arith.xori %gather3A_977, %reduce_max3A_990 : vector<16xi32>
    %reduce_max3A_992 = tpu.scan <max>, %reduce_max3A_991 masked %reduce_max3A_988 : vector<16xi32>, vector<16xi1> -> vector<16xi32>
    %reduce_max3A_993 = arith.xori %reduce_max3A_992, %reduce_max3A_990 : vector<16xi32>
    %reduce_max3A_994 = vector.extract %reduce_max3A_993[15] : i32 from vector<16xi32>
    %max3A_995 = arith.maxsi %max3A_929, %reduce_max3A_994 : i32
    %reduce_min3A_996 = arith.constant true
    %reduce_min3A_997 = vector.broadcast %reduce_min3A_996 : i1 to vector<16xi1>
    %reduce_min3A_998 = arith.constant -2147483648 : i32
    %reduce_min3A_999 = vector.broadcast %reduce_min3A_998 : i32 to vector<16xi32>
    %reduce_min3A_1000 = arith.xori %gather3A_955, %reduce_min3A_999 : vector<16xi32>
    %reduce_min3A_1001 = tpu.scan <min>, %reduce_min3A_1000 masked %reduce_min3A_997 : vector<16xi32>, vector<16xi1> -> vector<16xi32>
    %reduce_min3A_1002 = arith.xori %reduce_min3A_1001, %reduce_min3A_999 : vector<16xi32>
    %reduce_min3A_1003 = vector.extract %reduce_min3A_1002[15] : i32 from vector<16xi32>
    %min3A_1004 = arith.minsi %min3A_938, %reduce_min3A_1003 : i32
    %reduce_max3A_1005 = arith.constant true
    %reduce_max3A_1006 = vector.broadcast %reduce_max3A_1005 : i1 to vector<16xi1>
    %reduce_max3A_1007 = arith.constant -2147483648 : i32
    %reduce_max3A_1008 = vector.broadcast %reduce_max3A_1007 : i32 to vector<16xi32>
    %reduce_max3A_1009 = arith.xori %gather3A_955, %reduce_max3A_1008 : vector<16xi32>
    %reduce_max3A_1010 = tpu.scan <max>, %reduce_max3A_1009 masked %reduce_max3A_1006 : vector<16xi32>, vector<16xi1> -> vector<16xi32>
    %reduce_max3A_1011 = arith.xori %reduce_max3A_1010, %reduce_max3A_1008 : vector<16xi32>
    %reduce_max3A_1012 = vector.extract %reduce_max3A_1011[15] : i32 from vector<16xi32>
    %max3A_1013 = arith.maxsi %max3A_947, %reduce_max3A_1012 : i32
    %broadcast_in_dim3A_1014 = arith.constant 0 : i32
    %broadcast_in_dim3A_1015 = vector.broadcast %broadcast_in_dim3A_1014 : i32 to vector<16xi32>
    %eq3A_1016 = arith.cmpi eq, %min3A_1004, %max3A_1013 : i32
    %convert_element_type3A_1017 = arith.extui %eq3A_1016 : i1 to i32
    %cond3A_1018 = arith.constant 65537 : i32
    %cond3A_1019 = arith.constant 1 : i32
    %cond3A_1020 = arith.constant 0 : i32
    %cond3A_1021 = arith.constant 0 : i32
    %cond3A_1022 = arith.constant 0 : i32
    %cond3A_1023 = arith.cmpi ne, %convert_element_type3A_1017, %cond3A_1022 : i32
    %cond3A_1024:4 = scf.if %cond3A_1023 -> (vector<16xi32>, vector<16xi32>, vector<16xi32>, vector<16xi32>) {
      %parallel_loop3A = arith.constant 1 : i32
      %parallel_loop3A_1496:4 = scf.for %parallel_loop3A_1497 = %min3A_986 to %max3A_995 step %parallel_loop3A iter_args(%parallel_loop3A_1498 = %broadcast_in_dim3A_1015, %parallel_loop3A_1499 = %broadcast_in_dim3A_1015, %parallel_loop3A_1500 = %broadcast_in_dim3A_1015, %parallel_loop3A_1501 = %broadcast_in_dim3A_1015) -> (vector<16xi32>, vector<16xi32>, vector<16xi32>, vector<16xi32>)  : i32 {
        %parallel_loop3A_1502 = vector.broadcast %parallel_loop3A_1497 : i32 to vector<16xi32>
        %parallel_loop3A_1503 = tpu.vector_load_idx %arg9[%parallel_loop3A_1502] : memref<8192xf32, #tpu.memory_space<vmem>>[vector<16xi32>], vector<16xf32>,
        %parallel_loop3A_1504 = tpu.vector_load_idx %arg10[%parallel_loop3A_1502] : memref<8192xf32, #tpu.memory_space<vmem>>[vector<16xi32>], vector<16xf32>,
        %parallel_loop3A_1505 = tpu.vector_load_idx %arg11[%parallel_loop3A_1502] : memref<8192xf32, #tpu.memory_space<vmem>>[vector<16xi32>], vector<16xf32>,
        %parallel_loop3A_1506 = tpu.vector_load_idx %arg14[%parallel_loop3A_1502] : memref<8192xf32, #tpu.memory_space<vmem>>[vector<16xi32>], vector<16xf32>,
        %parallel_loop3A_1507 = arith.mulf %gather3A_750, %parallel_loop3A_1503 : vector<16xf32>
        %parallel_loop3A_1508 = arith.mulf %gather3A_751, %parallel_loop3A_1504 : vector<16xf32>
        %parallel_loop3A_1509 = arith.addf %parallel_loop3A_1507, %parallel_loop3A_1508 : vector<16xf32>
        %parallel_loop3A_1510 = arith.mulf %gather3A_752, %parallel_loop3A_1505 : vector<16xf32>
        %parallel_loop3A_1511 = arith.addf %parallel_loop3A_1509, %parallel_loop3A_1510 : vector<16xf32>
        %parallel_loop3A_1512 = arith.subf %parallel_loop3A_1506, %parallel_loop3A_1511 : vector<16xf32>
        %parallel_loop3A_1513 = arith.cmpf ole, %parallel_loop3A_1512, %mul3A_764 : vector<16xf32>
        %parallel_loop3A_1514 = arith.cmpf ole, %parallel_loop3A_1512, %mul3A_770 : vector<16xf32>
        %parallel_loop3A_1515 = vector.broadcast %cond3A_1018 : i32 to vector<16xi32>
        %parallel_loop3A_1516 = vector.broadcast %cond3A_1019 : i32 to vector<16xi32>
        %parallel_loop3A_1517 = arith.select %parallel_loop3A_1513, %parallel_loop3A_1515, %parallel_loop3A_1516 : vector<16xi1>, vector<16xi32>
        %parallel_loop3A_1518 = vector.broadcast %cond3A_1020 : i32 to vector<16xi32>
        %parallel_loop3A_1519 = arith.select %parallel_loop3A_1514, %parallel_loop3A_1517, %parallel_loop3A_1518 : vector<16xi1>, vector<16xi32>
        %parallel_loop3A_1520 = arith.addi %parallel_loop3A_1498, %parallel_loop3A_1519 : vector<16xi32>
        %parallel_loop3A_1521 = arith.mulf %gather3A_820, %parallel_loop3A_1503 : vector<16xf32>
        %parallel_loop3A_1522 = arith.mulf %gather3A_821, %parallel_loop3A_1504 : vector<16xf32>
        %parallel_loop3A_1523 = arith.addf %parallel_loop3A_1521, %parallel_loop3A_1522 : vector<16xf32>
        %parallel_loop3A_1524 = arith.mulf %gather3A_822, %parallel_loop3A_1505 : vector<16xf32>
        %parallel_loop3A_1525 = arith.addf %parallel_loop3A_1523, %parallel_loop3A_1524 : vector<16xf32>
        %parallel_loop3A_1526 = arith.subf %parallel_loop3A_1506, %parallel_loop3A_1525 : vector<16xf32>
        %parallel_loop3A_1527 = arith.cmpf ole, %parallel_loop3A_1526, %mul3A_834 : vector<16xf32>
        %parallel_loop3A_1528 = arith.cmpf ole, %parallel_loop3A_1526, %mul3A_840 : vector<16xf32>
        %parallel_loop3A_1529 = vector.broadcast %cond3A_1018 : i32 to vector<16xi32>
        %parallel_loop3A_1530 = vector.broadcast %cond3A_1019 : i32 to vector<16xi32>
        %parallel_loop3A_1531 = arith.select %parallel_loop3A_1527, %parallel_loop3A_1529, %parallel_loop3A_1530 : vector<16xi1>, vector<16xi32>
        %parallel_loop3A_1532 = vector.broadcast %cond3A_1020 : i32 to vector<16xi32>
        %parallel_loop3A_1533 = arith.select %parallel_loop3A_1528, %parallel_loop3A_1531, %parallel_loop3A_1532 : vector<16xi1>, vector<16xi32>
        %parallel_loop3A_1534 = arith.addi %parallel_loop3A_1499, %parallel_loop3A_1533 : vector<16xi32>
        %parallel_loop3A_1535 = arith.mulf %gather3A_886, %parallel_loop3A_1503 : vector<16xf32>
        %parallel_loop3A_1536 = arith.mulf %gather3A_887, %parallel_loop3A_1504 : vector<16xf32>
        %parallel_loop3A_1537 = arith.addf %parallel_loop3A_1535, %parallel_loop3A_1536 : vector<16xf32>
        %parallel_loop3A_1538 = arith.mulf %gather3A_888, %parallel_loop3A_1505 : vector<16xf32>
        %parallel_loop3A_1539 = arith.addf %parallel_loop3A_1537, %parallel_loop3A_1538 : vector<16xf32>
        %parallel_loop3A_1540 = arith.subf %parallel_loop3A_1506, %parallel_loop3A_1539 : vector<16xf32>
        %parallel_loop3A_1541 = arith.cmpf ole, %parallel_loop3A_1540, %mul3A_900 : vector<16xf32>
        %parallel_loop3A_1542 = arith.cmpf ole, %parallel_loop3A_1540, %mul3A_906 : vector<16xf32>
        %parallel_loop3A_1543 = vector.broadcast %cond3A_1018 : i32 to vector<16xi32>
        %parallel_loop3A_1544 = vector.broadcast %cond3A_1019 : i32 to vector<16xi32>
        %parallel_loop3A_1545 = arith.select %parallel_loop3A_1541, %parallel_loop3A_1543, %parallel_loop3A_1544 : vector<16xi1>, vector<16xi32>
        %parallel_loop3A_1546 = vector.broadcast %cond3A_1020 : i32 to vector<16xi32>
        %parallel_loop3A_1547 = arith.select %parallel_loop3A_1542, %parallel_loop3A_1545, %parallel_loop3A_1546 : vector<16xi1>, vector<16xi32>
        %parallel_loop3A_1548 = arith.addi %parallel_loop3A_1500, %parallel_loop3A_1547 : vector<16xi32>
        %parallel_loop3A_1549 = arith.mulf %gather3A_952, %parallel_loop3A_1503 : vector<16xf32>
        %parallel_loop3A_1550 = arith.mulf %gather3A_953, %parallel_loop3A_1504 : vector<16xf32>
        %parallel_loop3A_1551 = arith.addf %parallel_loop3A_1549, %parallel_loop3A_1550 : vector<16xf32>
        %parallel_loop3A_1552 = arith.mulf %gather3A_954, %parallel_loop3A_1505 : vector<16xf32>
        %parallel_loop3A_1553 = arith.addf %parallel_loop3A_1551, %parallel_loop3A_1552 : vector<16xf32>
        %parallel_loop3A_1554 = arith.subf %parallel_loop3A_1506, %parallel_loop3A_1553 : vector<16xf32>
        %parallel_loop3A_1555 = arith.cmpf ole, %parallel_loop3A_1554, %mul3A_966 : vector<16xf32>
        %parallel_loop3A_1556 = arith.cmpf ole, %parallel_loop3A_1554, %mul3A_972 : vector<16xf32>
        %parallel_loop3A_1557 = vector.broadcast %cond3A_1018 : i32 to vector<16xi32>
        %parallel_loop3A_1558 = vector.broadcast %cond3A_1019 : i32 to vector<16xi32>
        %parallel_loop3A_1559 = arith.select %parallel_loop3A_1555, %parallel_loop3A_1557, %parallel_loop3A_1558 : vector<16xi1>, vector<16xi32>
        %parallel_loop3A_1560 = vector.broadcast %cond3A_1020 : i32 to vector<16xi32>
        %parallel_loop3A_1561 = arith.select %parallel_loop3A_1556, %parallel_loop3A_1559, %parallel_loop3A_1560 : vector<16xi1>, vector<16xi32>
        %parallel_loop3A_1562 = arith.addi %parallel_loop3A_1501, %parallel_loop3A_1561 : vector<16xi32>
        scf.yield %parallel_loop3A_1520, %parallel_loop3A_1534, %parallel_loop3A_1548, %parallel_loop3A_1562 : vector<16xi32>, vector<16xi32>, vector<16xi32>, vector<16xi32>
      } {sc.loop_unroll_factor = 2 : i64, sc.parallel_access}
      scf.yield %parallel_loop3A_1496#0, %parallel_loop3A_1496#1, %parallel_loop3A_1496#2, %parallel_loop3A_1496#3 : vector<16xi32>, vector<16xi32>, vector<16xi32>, vector<16xi32>
    } else {
      %add3A_1496 = arith.constant 1 : i32
      %add3A_1497 = arith.addi %max3A_1013, %add3A_1496 : i32
      %while3A = arith.subi %add3A_1497, %min3A_1004 : i32
      %while3A_1498 = arith.addi %min3A_1004, %while3A : i32
      %while3A_1499 = arith.constant 1 : i32
      %while3A_1500 = arith.divsi %while3A, %while3A_1499 : i32
      %while3A_1501 = arith.muli %while3A_1500, %while3A_1499 : i32
      %while3A_1502 = arith.addi %min3A_1004, %while3A_1501 : i32
      %while3A_1503 = arith.constant 1 : i32
      %while3A_1504:4 = scf.for %while3A_1507 = %min3A_1004 to %while3A_1502 step %while3A_1503 iter_args(%while3A_1508 = %broadcast_in_dim3A_1015, %while3A_1509 = %broadcast_in_dim3A_1015, %while3A_1510 = %broadcast_in_dim3A_1015, %while3A_1511 = %broadcast_in_dim3A_1015) -> (vector<16xi32>, vector<16xi32>, vector<16xi32>, vector<16xi32>)  : i32 {
        %broadcast_in_dim3A_1512 = vector.broadcast %while3A_1507 : i32 to vector<16xi32>
        %gather3A_1513 = tpu.vector_load_idx %arg13[%broadcast_in_dim3A_1512] : memref<16xi32, #tpu.memory_space<vmem>>[vector<16xi32>], vector<16xi32>,
        %reduce_min3A_1514 = arith.constant true
        %reduce_min3A_1515 = vector.broadcast %reduce_min3A_1514 : i1 to vector<16xi1>
        %reduce_min3A_1516 = arith.constant -2147483648 : i32
        %reduce_min3A_1517 = vector.broadcast %reduce_min3A_1516 : i32 to vector<16xi32>
        %reduce_min3A_1518 = arith.xori %gather3A_1513, %reduce_min3A_1517 : vector<16xi32>
        %reduce_min3A_1519 = tpu.scan <min>, %reduce_min3A_1518 masked %reduce_min3A_1515 : vector<16xi32>, vector<16xi1> -> vector<16xi32>
        %reduce_min3A_1520 = arith.xori %reduce_min3A_1519, %reduce_min3A_1517 : vector<16xi32>
        %reduce_min3A_1521 = vector.extract %reduce_min3A_1520[15] : i32 from vector<16xi32>
        %add3A_1522 = arith.constant 1 : i32
        %add3A_1523 = vector.broadcast %add3A_1522 : i32 to vector<16xi32>
        %add3A_1524 = arith.addi %broadcast_in_dim3A_1512, %add3A_1523 : vector<16xi32>
        %gather3A_1525 = tpu.vector_load_idx %arg13[%add3A_1524] : memref<16xi32, #tpu.memory_space<vmem>>[vector<16xi32>], vector<16xi32>,
        %reduce_max3A_1526 = arith.constant true
        %reduce_max3A_1527 = vector.broadcast %reduce_max3A_1526 : i1 to vector<16xi1>
        %reduce_max3A_1528 = arith.constant -2147483648 : i32
        %reduce_max3A_1529 = vector.broadcast %reduce_max3A_1528 : i32 to vector<16xi32>
        %reduce_max3A_1530 = arith.xori %gather3A_1525, %reduce_max3A_1529 : vector<16xi32>
        %reduce_max3A_1531 = tpu.scan <max>, %reduce_max3A_1530 masked %reduce_max3A_1527 : vector<16xi32>, vector<16xi1> -> vector<16xi32>
        %reduce_max3A_1532 = arith.xori %reduce_max3A_1531, %reduce_max3A_1529 : vector<16xi32>
        %reduce_max3A_1533 = vector.extract %reduce_max3A_1532[15] : i32 from vector<16xi32>
        %eq3A_1534 = arith.cmpi eq, %gather3A_753, %broadcast_in_dim3A_1512 : vector<16xi32>
        %eq3A_1535 = arith.cmpi eq, %gather3A_823, %broadcast_in_dim3A_1512 : vector<16xi32>
        %eq3A_1536 = arith.cmpi eq, %gather3A_889, %broadcast_in_dim3A_1512 : vector<16xi32>
        %eq3A_1537 = arith.cmpi eq, %gather3A_955, %broadcast_in_dim3A_1512 : vector<16xi32>
        %parallel_loop3A = arith.constant 1 : i32
        %parallel_loop3A_1538:4 = scf.for %parallel_loop3A_1539 = %reduce_min3A_1521 to %reduce_max3A_1533 step %parallel_loop3A iter_args(%parallel_loop3A_1540 = %while3A_1508, %parallel_loop3A_1541 = %while3A_1509, %parallel_loop3A_1542 = %while3A_1510, %parallel_loop3A_1543 = %while3A_1511) -> (vector<16xi32>, vector<16xi32>, vector<16xi32>, vector<16xi32>)  : i32 {
          %parallel_loop3A_1544 = vector.broadcast %parallel_loop3A_1539 : i32 to vector<16xi32>
          %parallel_loop3A_1545 = tpu.vector_load_idx %arg9[%parallel_loop3A_1544] : memref<8192xf32, #tpu.memory_space<vmem>>[vector<16xi32>], vector<16xf32>,
          %parallel_loop3A_1546 = tpu.vector_load_idx %arg10[%parallel_loop3A_1544] : memref<8192xf32, #tpu.memory_space<vmem>>[vector<16xi32>], vector<16xf32>,
          %parallel_loop3A_1547 = tpu.vector_load_idx %arg11[%parallel_loop3A_1544] : memref<8192xf32, #tpu.memory_space<vmem>>[vector<16xi32>], vector<16xf32>,
          %parallel_loop3A_1548 = tpu.vector_load_idx %arg14[%parallel_loop3A_1544] : memref<8192xf32, #tpu.memory_space<vmem>>[vector<16xi32>], vector<16xf32>,
          %parallel_loop3A_1549 = arith.mulf %gather3A_750, %parallel_loop3A_1545 : vector<16xf32>
          %parallel_loop3A_1550 = arith.mulf %gather3A_751, %parallel_loop3A_1546 : vector<16xf32>
          %parallel_loop3A_1551 = arith.addf %parallel_loop3A_1549, %parallel_loop3A_1550 : vector<16xf32>
          %parallel_loop3A_1552 = arith.mulf %gather3A_752, %parallel_loop3A_1547 : vector<16xf32>
          %parallel_loop3A_1553 = arith.addf %parallel_loop3A_1551, %parallel_loop3A_1552 : vector<16xf32>
          %parallel_loop3A_1554 = arith.subf %parallel_loop3A_1548, %parallel_loop3A_1553 : vector<16xf32>
          %parallel_loop3A_1555 = arith.cmpf ole, %parallel_loop3A_1554, %mul3A_764 : vector<16xf32>
          %parallel_loop3A_1556 = arith.cmpf ole, %parallel_loop3A_1554, %mul3A_770 : vector<16xf32>
          %parallel_loop3A_1557 = arith.andi %parallel_loop3A_1556, %eq3A_1534 : vector<16xi1>
          %parallel_loop3A_1558 = vector.broadcast %cond3A_1018 : i32 to vector<16xi32>
          %parallel_loop3A_1559 = vector.broadcast %cond3A_1019 : i32 to vector<16xi32>
          %parallel_loop3A_1560 = arith.select %parallel_loop3A_1555, %parallel_loop3A_1558, %parallel_loop3A_1559 : vector<16xi1>, vector<16xi32>
          %parallel_loop3A_1561 = vector.broadcast %cond3A_1020 : i32 to vector<16xi32>
          %parallel_loop3A_1562 = arith.select %parallel_loop3A_1557, %parallel_loop3A_1560, %parallel_loop3A_1561 : vector<16xi1>, vector<16xi32>
          %parallel_loop3A_1563 = arith.addi %parallel_loop3A_1540, %parallel_loop3A_1562 : vector<16xi32>
          %parallel_loop3A_1564 = arith.mulf %gather3A_820, %parallel_loop3A_1545 : vector<16xf32>
          %parallel_loop3A_1565 = arith.mulf %gather3A_821, %parallel_loop3A_1546 : vector<16xf32>
          %parallel_loop3A_1566 = arith.addf %parallel_loop3A_1564, %parallel_loop3A_1565 : vector<16xf32>
          %parallel_loop3A_1567 = arith.mulf %gather3A_822, %parallel_loop3A_1547 : vector<16xf32>
          %parallel_loop3A_1568 = arith.addf %parallel_loop3A_1566, %parallel_loop3A_1567 : vector<16xf32>
          %parallel_loop3A_1569 = arith.subf %parallel_loop3A_1548, %parallel_loop3A_1568 : vector<16xf32>
          %parallel_loop3A_1570 = arith.cmpf ole, %parallel_loop3A_1569, %mul3A_834 : vector<16xf32>
          %parallel_loop3A_1571 = arith.cmpf ole, %parallel_loop3A_1569, %mul3A_840 : vector<16xf32>
          %parallel_loop3A_1572 = arith.andi %parallel_loop3A_1571, %eq3A_1535 : vector<16xi1>
          %parallel_loop3A_1573 = vector.broadcast %cond3A_1018 : i32 to vector<16xi32>
          %parallel_loop3A_1574 = vector.broadcast %cond3A_1019 : i32 to vector<16xi32>
          %parallel_loop3A_1575 = arith.select %parallel_loop3A_1570, %parallel_loop3A_1573, %parallel_loop3A_1574 : vector<16xi1>, vector<16xi32>
          %parallel_loop3A_1576 = vector.broadcast %cond3A_1020 : i32 to vector<16xi32>
          %parallel_loop3A_1577 = arith.select %parallel_loop3A_1572, %parallel_loop3A_1575, %parallel_loop3A_1576 : vector<16xi1>, vector<16xi32>
          %parallel_loop3A_1578 = arith.addi %parallel_loop3A_1541, %parallel_loop3A_1577 : vector<16xi32>
          %parallel_loop3A_1579 = arith.mulf %gather3A_886, %parallel_loop3A_1545 : vector<16xf32>
          %parallel_loop3A_1580 = arith.mulf %gather3A_887, %parallel_loop3A_1546 : vector<16xf32>
          %parallel_loop3A_1581 = arith.addf %parallel_loop3A_1579, %parallel_loop3A_1580 : vector<16xf32>
          %parallel_loop3A_1582 = arith.mulf %gather3A_888, %parallel_loop3A_1547 : vector<16xf32>
          %parallel_loop3A_1583 = arith.addf %parallel_loop3A_1581, %parallel_loop3A_1582 : vector<16xf32>
          %parallel_loop3A_1584 = arith.subf %parallel_loop3A_1548, %parallel_loop3A_1583 : vector<16xf32>
          %parallel_loop3A_1585 = arith.cmpf ole, %parallel_loop3A_1584, %mul3A_900 : vector<16xf32>
          %parallel_loop3A_1586 = arith.cmpf ole, %parallel_loop3A_1584, %mul3A_906 : vector<16xf32>
          %parallel_loop3A_1587 = arith.andi %parallel_loop3A_1586, %eq3A_1536 : vector<16xi1>
          %parallel_loop3A_1588 = vector.broadcast %cond3A_1018 : i32 to vector<16xi32>
          %parallel_loop3A_1589 = vector.broadcast %cond3A_1019 : i32 to vector<16xi32>
          %parallel_loop3A_1590 = arith.select %parallel_loop3A_1585, %parallel_loop3A_1588, %parallel_loop3A_1589 : vector<16xi1>, vector<16xi32>
          %parallel_loop3A_1591 = vector.broadcast %cond3A_1020 : i32 to vector<16xi32>
          %parallel_loop3A_1592 = arith.select %parallel_loop3A_1587, %parallel_loop3A_1590, %parallel_loop3A_1591 : vector<16xi1>, vector<16xi32>
          %parallel_loop3A_1593 = arith.addi %parallel_loop3A_1542, %parallel_loop3A_1592 : vector<16xi32>
          %parallel_loop3A_1594 = arith.mulf %gather3A_952, %parallel_loop3A_1545 : vector<16xf32>
          %parallel_loop3A_1595 = arith.mulf %gather3A_953, %parallel_loop3A_1546 : vector<16xf32>
          %parallel_loop3A_1596 = arith.addf %parallel_loop3A_1594, %parallel_loop3A_1595 : vector<16xf32>
          %parallel_loop3A_1597 = arith.mulf %gather3A_954, %parallel_loop3A_1547 : vector<16xf32>
          %parallel_loop3A_1598 = arith.addf %parallel_loop3A_1596, %parallel_loop3A_1597 : vector<16xf32>
          %parallel_loop3A_1599 = arith.subf %parallel_loop3A_1548, %parallel_loop3A_1598 : vector<16xf32>
          %parallel_loop3A_1600 = arith.cmpf ole, %parallel_loop3A_1599, %mul3A_966 : vector<16xf32>
          %parallel_loop3A_1601 = arith.cmpf ole, %parallel_loop3A_1599, %mul3A_972 : vector<16xf32>
          %parallel_loop3A_1602 = arith.andi %parallel_loop3A_1601, %eq3A_1537 : vector<16xi1>
          %parallel_loop3A_1603 = vector.broadcast %cond3A_1018 : i32 to vector<16xi32>
          %parallel_loop3A_1604 = vector.broadcast %cond3A_1019 : i32 to vector<16xi32>
          %parallel_loop3A_1605 = arith.select %parallel_loop3A_1600, %parallel_loop3A_1603, %parallel_loop3A_1604 : vector<16xi1>, vector<16xi32>
          %parallel_loop3A_1606 = vector.broadcast %cond3A_1020 : i32 to vector<16xi32>
          %parallel_loop3A_1607 = arith.select %parallel_loop3A_1602, %parallel_loop3A_1605, %parallel_loop3A_1606 : vector<16xi1>, vector<16xi32>
          %parallel_loop3A_1608 = arith.addi %parallel_loop3A_1543, %parallel_loop3A_1607 : vector<16xi32>
          scf.yield %parallel_loop3A_1563, %parallel_loop3A_1578, %parallel_loop3A_1593, %parallel_loop3A_1608 : vector<16xi32>, vector<16xi32>, vector<16xi32>, vector<16xi32>
        } {sc.loop_unroll_factor = 2 : i64, sc.parallel_access}
        scf.yield %parallel_loop3A_1538#0, %parallel_loop3A_1538#1, %parallel_loop3A_1538#2, %parallel_loop3A_1538#3 : vector<16xi32>, vector<16xi32>, vector<16xi32>, vector<16xi32>
      }
      %while3A_1505 = arith.constant 1 : i32
      %while3A_1506:4 = scf.for %while3A_1507 = %while3A_1502 to %while3A_1498 step %while3A_1505 iter_args(%while3A_1508 = %while3A_1504#0, %while3A_1509 = %while3A_1504#1, %while3A_1510 = %while3A_1504#2, %while3A_1511 = %while3A_1504#3) -> (vector<16xi32>, vector<16xi32>, vector<16xi32>, vector<16xi32>)  : i32 {
        %broadcast_in_dim3A_1512 = vector.broadcast %while3A_1507 : i32 to vector<16xi32>
        %gather3A_1513 = tpu.vector_load_idx %arg13[%broadcast_in_dim3A_1512] : memref<16xi32, #tpu.memory_space<vmem>>[vector<16xi32>], vector<16xi32>,
        %reduce_min3A_1514 = arith.constant true
        %reduce_min3A_1515 = vector.broadcast %reduce_min3A_1514 : i1 to vector<16xi1>
        %reduce_min3A_1516 = arith.constant -2147483648 : i32
        %reduce_min3A_1517 = vector.broadcast %reduce_min3A_1516 : i32 to vector<16xi32>
        %reduce_min3A_1518 = arith.xori %gather3A_1513, %reduce_min3A_1517 : vector<16xi32>
        %reduce_min3A_1519 = tpu.scan <min>, %reduce_min3A_1518 masked %reduce_min3A_1515 : vector<16xi32>, vector<16xi1> -> vector<16xi32>
        %reduce_min3A_1520 = arith.xori %reduce_min3A_1519, %reduce_min3A_1517 : vector<16xi32>
        %reduce_min3A_1521 = vector.extract %reduce_min3A_1520[15] : i32 from vector<16xi32>
        %add3A_1522 = arith.constant 1 : i32
        %add3A_1523 = vector.broadcast %add3A_1522 : i32 to vector<16xi32>
        %add3A_1524 = arith.addi %broadcast_in_dim3A_1512, %add3A_1523 : vector<16xi32>
        %gather3A_1525 = tpu.vector_load_idx %arg13[%add3A_1524] : memref<16xi32, #tpu.memory_space<vmem>>[vector<16xi32>], vector<16xi32>,
        %reduce_max3A_1526 = arith.constant true
        %reduce_max3A_1527 = vector.broadcast %reduce_max3A_1526 : i1 to vector<16xi1>
        %reduce_max3A_1528 = arith.constant -2147483648 : i32
        %reduce_max3A_1529 = vector.broadcast %reduce_max3A_1528 : i32 to vector<16xi32>
        %reduce_max3A_1530 = arith.xori %gather3A_1525, %reduce_max3A_1529 : vector<16xi32>
        %reduce_max3A_1531 = tpu.scan <max>, %reduce_max3A_1530 masked %reduce_max3A_1527 : vector<16xi32>, vector<16xi1> -> vector<16xi32>
        %reduce_max3A_1532 = arith.xori %reduce_max3A_1531, %reduce_max3A_1529 : vector<16xi32>
        %reduce_max3A_1533 = vector.extract %reduce_max3A_1532[15] : i32 from vector<16xi32>
        %eq3A_1534 = arith.cmpi eq, %gather3A_753, %broadcast_in_dim3A_1512 : vector<16xi32>
        %eq3A_1535 = arith.cmpi eq, %gather3A_823, %broadcast_in_dim3A_1512 : vector<16xi32>
        %eq3A_1536 = arith.cmpi eq, %gather3A_889, %broadcast_in_dim3A_1512 : vector<16xi32>
        %eq3A_1537 = arith.cmpi eq, %gather3A_955, %broadcast_in_dim3A_1512 : vector<16xi32>
        %parallel_loop3A = arith.constant 1 : i32
        %parallel_loop3A_1538:4 = scf.for %parallel_loop3A_1539 = %reduce_min3A_1521 to %reduce_max3A_1533 step %parallel_loop3A iter_args(%parallel_loop3A_1540 = %while3A_1508, %parallel_loop3A_1541 = %while3A_1509, %parallel_loop3A_1542 = %while3A_1510, %parallel_loop3A_1543 = %while3A_1511) -> (vector<16xi32>, vector<16xi32>, vector<16xi32>, vector<16xi32>)  : i32 {
          %parallel_loop3A_1544 = vector.broadcast %parallel_loop3A_1539 : i32 to vector<16xi32>
          %parallel_loop3A_1545 = tpu.vector_load_idx %arg9[%parallel_loop3A_1544] : memref<8192xf32, #tpu.memory_space<vmem>>[vector<16xi32>], vector<16xf32>,
          %parallel_loop3A_1546 = tpu.vector_load_idx %arg10[%parallel_loop3A_1544] : memref<8192xf32, #tpu.memory_space<vmem>>[vector<16xi32>], vector<16xf32>,
          %parallel_loop3A_1547 = tpu.vector_load_idx %arg11[%parallel_loop3A_1544] : memref<8192xf32, #tpu.memory_space<vmem>>[vector<16xi32>], vector<16xf32>,
          %parallel_loop3A_1548 = tpu.vector_load_idx %arg14[%parallel_loop3A_1544] : memref<8192xf32, #tpu.memory_space<vmem>>[vector<16xi32>], vector<16xf32>,
          %parallel_loop3A_1549 = arith.mulf %gather3A_750, %parallel_loop3A_1545 : vector<16xf32>
          %parallel_loop3A_1550 = arith.mulf %gather3A_751, %parallel_loop3A_1546 : vector<16xf32>
          %parallel_loop3A_1551 = arith.addf %parallel_loop3A_1549, %parallel_loop3A_1550 : vector<16xf32>
          %parallel_loop3A_1552 = arith.mulf %gather3A_752, %parallel_loop3A_1547 : vector<16xf32>
          %parallel_loop3A_1553 = arith.addf %parallel_loop3A_1551, %parallel_loop3A_1552 : vector<16xf32>
          %parallel_loop3A_1554 = arith.subf %parallel_loop3A_1548, %parallel_loop3A_1553 : vector<16xf32>
          %parallel_loop3A_1555 = arith.cmpf ole, %parallel_loop3A_1554, %mul3A_764 : vector<16xf32>
          %parallel_loop3A_1556 = arith.cmpf ole, %parallel_loop3A_1554, %mul3A_770 : vector<16xf32>
          %parallel_loop3A_1557 = arith.andi %parallel_loop3A_1556, %eq3A_1534 : vector<16xi1>
          %parallel_loop3A_1558 = vector.broadcast %cond3A_1018 : i32 to vector<16xi32>
          %parallel_loop3A_1559 = vector.broadcast %cond3A_1019 : i32 to vector<16xi32>
          %parallel_loop3A_1560 = arith.select %parallel_loop3A_1555, %parallel_loop3A_1558, %parallel_loop3A_1559 : vector<16xi1>, vector<16xi32>
          %parallel_loop3A_1561 = vector.broadcast %cond3A_1020 : i32 to vector<16xi32>
          %parallel_loop3A_1562 = arith.select %parallel_loop3A_1557, %parallel_loop3A_1560, %parallel_loop3A_1561 : vector<16xi1>, vector<16xi32>
          %parallel_loop3A_1563 = arith.addi %parallel_loop3A_1540, %parallel_loop3A_1562 : vector<16xi32>
          %parallel_loop3A_1564 = arith.mulf %gather3A_820, %parallel_loop3A_1545 : vector<16xf32>
          %parallel_loop3A_1565 = arith.mulf %gather3A_821, %parallel_loop3A_1546 : vector<16xf32>
          %parallel_loop3A_1566 = arith.addf %parallel_loop3A_1564, %parallel_loop3A_1565 : vector<16xf32>
          %parallel_loop3A_1567 = arith.mulf %gather3A_822, %parallel_loop3A_1547 : vector<16xf32>
          %parallel_loop3A_1568 = arith.addf %parallel_loop3A_1566, %parallel_loop3A_1567 : vector<16xf32>
          %parallel_loop3A_1569 = arith.subf %parallel_loop3A_1548, %parallel_loop3A_1568 : vector<16xf32>
          %parallel_loop3A_1570 = arith.cmpf ole, %parallel_loop3A_1569, %mul3A_834 : vector<16xf32>
          %parallel_loop3A_1571 = arith.cmpf ole, %parallel_loop3A_1569, %mul3A_840 : vector<16xf32>
          %parallel_loop3A_1572 = arith.andi %parallel_loop3A_1571, %eq3A_1535 : vector<16xi1>
          %parallel_loop3A_1573 = vector.broadcast %cond3A_1018 : i32 to vector<16xi32>
          %parallel_loop3A_1574 = vector.broadcast %cond3A_1019 : i32 to vector<16xi32>
          %parallel_loop3A_1575 = arith.select %parallel_loop3A_1570, %parallel_loop3A_1573, %parallel_loop3A_1574 : vector<16xi1>, vector<16xi32>
          %parallel_loop3A_1576 = vector.broadcast %cond3A_1020 : i32 to vector<16xi32>
          %parallel_loop3A_1577 = arith.select %parallel_loop3A_1572, %parallel_loop3A_1575, %parallel_loop3A_1576 : vector<16xi1>, vector<16xi32>
          %parallel_loop3A_1578 = arith.addi %parallel_loop3A_1541, %parallel_loop3A_1577 : vector<16xi32>
          %parallel_loop3A_1579 = arith.mulf %gather3A_886, %parallel_loop3A_1545 : vector<16xf32>
          %parallel_loop3A_1580 = arith.mulf %gather3A_887, %parallel_loop3A_1546 : vector<16xf32>
          %parallel_loop3A_1581 = arith.addf %parallel_loop3A_1579, %parallel_loop3A_1580 : vector<16xf32>
          %parallel_loop3A_1582 = arith.mulf %gather3A_888, %parallel_loop3A_1547 : vector<16xf32>
          %parallel_loop3A_1583 = arith.addf %parallel_loop3A_1581, %parallel_loop3A_1582 : vector<16xf32>
          %parallel_loop3A_1584 = arith.subf %parallel_loop3A_1548, %parallel_loop3A_1583 : vector<16xf32>
          %parallel_loop3A_1585 = arith.cmpf ole, %parallel_loop3A_1584, %mul3A_900 : vector<16xf32>
          %parallel_loop3A_1586 = arith.cmpf ole, %parallel_loop3A_1584, %mul3A_906 : vector<16xf32>
          %parallel_loop3A_1587 = arith.andi %parallel_loop3A_1586, %eq3A_1536 : vector<16xi1>
          %parallel_loop3A_1588 = vector.broadcast %cond3A_1018 : i32 to vector<16xi32>
          %parallel_loop3A_1589 = vector.broadcast %cond3A_1019 : i32 to vector<16xi32>
          %parallel_loop3A_1590 = arith.select %parallel_loop3A_1585, %parallel_loop3A_1588, %parallel_loop3A_1589 : vector<16xi1>, vector<16xi32>
          %parallel_loop3A_1591 = vector.broadcast %cond3A_1020 : i32 to vector<16xi32>
          %parallel_loop3A_1592 = arith.select %parallel_loop3A_1587, %parallel_loop3A_1590, %parallel_loop3A_1591 : vector<16xi1>, vector<16xi32>
          %parallel_loop3A_1593 = arith.addi %parallel_loop3A_1542, %parallel_loop3A_1592 : vector<16xi32>
          %parallel_loop3A_1594 = arith.mulf %gather3A_952, %parallel_loop3A_1545 : vector<16xf32>
          %parallel_loop3A_1595 = arith.mulf %gather3A_953, %parallel_loop3A_1546 : vector<16xf32>
          %parallel_loop3A_1596 = arith.addf %parallel_loop3A_1594, %parallel_loop3A_1595 : vector<16xf32>
          %parallel_loop3A_1597 = arith.mulf %gather3A_954, %parallel_loop3A_1547 : vector<16xf32>
          %parallel_loop3A_1598 = arith.addf %parallel_loop3A_1596, %parallel_loop3A_1597 : vector<16xf32>
          %parallel_loop3A_1599 = arith.subf %parallel_loop3A_1548, %parallel_loop3A_1598 : vector<16xf32>
          %parallel_loop3A_1600 = arith.cmpf ole, %parallel_loop3A_1599, %mul3A_966 : vector<16xf32>
          %parallel_loop3A_1601 = arith.cmpf ole, %parallel_loop3A_1599, %mul3A_972 : vector<16xf32>
          %parallel_loop3A_1602 = arith.andi %parallel_loop3A_1601, %eq3A_1537 : vector<16xi1>
          %parallel_loop3A_1603 = vector.broadcast %cond3A_1018 : i32 to vector<16xi32>
          %parallel_loop3A_1604 = vector.broadcast %cond3A_1019 : i32 to vector<16xi32>
          %parallel_loop3A_1605 = arith.select %parallel_loop3A_1600, %parallel_loop3A_1603, %parallel_loop3A_1604 : vector<16xi1>, vector<16xi32>
          %parallel_loop3A_1606 = vector.broadcast %cond3A_1020 : i32 to vector<16xi32>
          %parallel_loop3A_1607 = arith.select %parallel_loop3A_1602, %parallel_loop3A_1605, %parallel_loop3A_1606 : vector<16xi1>, vector<16xi32>
          %parallel_loop3A_1608 = arith.addi %parallel_loop3A_1543, %parallel_loop3A_1607 : vector<16xi32>
          scf.yield %parallel_loop3A_1563, %parallel_loop3A_1578, %parallel_loop3A_1593, %parallel_loop3A_1608 : vector<16xi32>, vector<16xi32>, vector<16xi32>, vector<16xi32>
        } {sc.loop_unroll_factor = 2 : i64, sc.parallel_access}
        scf.yield %parallel_loop3A_1538#0, %parallel_loop3A_1538#1, %parallel_loop3A_1538#2, %parallel_loop3A_1538#3 : vector<16xi32>, vector<16xi32>, vector<16xi32>, vector<16xi32>
      }
      scf.yield %while3A_1506#0, %while3A_1506#1, %while3A_1506#2, %while3A_1506#3 : vector<16xi32>, vector<16xi32>, vector<16xi32>, vector<16xi32>
    }
    %shift_right_arithmetic3A_1025 = arith.constant 16 : i32
    %shift_right_arithmetic3A_1026 = vector.broadcast %shift_right_arithmetic3A_1025 : i32 to vector<16xi32>
    %shift_right_arithmetic3A_1027 = arith.shrsi %cond3A_1024#0, %shift_right_arithmetic3A_1026 : vector<16xi32>
    %convert_element_type3A_1028 = arith.sitofp %shift_right_arithmetic3A_1027 : vector<16xi32> to vector<16xf32>
    %and3A_1029 = arith.constant 65535 : i32
    %and3A_1030 = vector.broadcast %and3A_1029 : i32 to vector<16xi32>
    %and3A_1031 = arith.andi %cond3A_1024#0, %and3A_1030 : vector<16xi32>
    %convert_element_type3A_1032 = arith.sitofp %and3A_1031 : vector<16xi32> to vector<16xf32>
    %min3A_1033 = arith.constant 3.200000e+01 : f32
    %min3A_1034 = vector.broadcast %min3A_1033 : f32 to vector<16xf32>
    %min3A_1035 = arith.minimumf %convert_element_type3A_1028, %min3A_1034 : vector<16xf32>
    %mul3A_1036 = arith.constant 3.125000e-02 : f32
    %mul3A_1037 = vector.broadcast %mul3A_1036 : f32 to vector<16xf32>
    %mul3A_1038 = arith.mulf %min3A_1035, %mul3A_1037 : vector<16xf32>
    %swap3A_1039 = arith.constant 128 : index
    %swap3A_1040 = tpu.vector_load %arg15[%swap3A_1039] {strides = array<i32>} : memref<256xf32, #tpu.memory_space<vmem>>, vector<16xf32>,
    tpu.vector_store %arg15[%swap3A_1039], %mul3A_1038 {strides = array<i32>} : memref<256xf32, #tpu.memory_space<vmem>>, vector<16xf32>,
    %min3A_1041 = arith.constant 6.400000e+01 : f32
    %min3A_1042 = vector.broadcast %min3A_1041 : f32 to vector<16xf32>
    %min3A_1043 = arith.minimumf %convert_element_type3A_1032, %min3A_1042 : vector<16xf32>
    %mul3A_1044 = arith.constant 1.562500e-02 : f32
    %mul3A_1045 = vector.broadcast %mul3A_1044 : f32 to vector<16xf32>
    %mul3A_1046 = arith.mulf %min3A_1043, %mul3A_1045 : vector<16xf32>
    %swap3A_1047 = arith.constant 128 : index
    %swap3A_1048 = tpu.vector_load %arg16[%swap3A_1047] {strides = array<i32>} : memref<256xf32, #tpu.memory_space<vmem>>, vector<16xf32>,
    tpu.vector_store %arg16[%swap3A_1047], %mul3A_1046 {strides = array<i32>} : memref<256xf32, #tpu.memory_space<vmem>>, vector<16xf32>,
    %shift_right_arithmetic3A_1049 = arith.constant 16 : i32
    %shift_right_arithmetic3A_1050 = vector.broadcast %shift_right_arithmetic3A_1049 : i32 to vector<16xi32>
    %shift_right_arithmetic3A_1051 = arith.shrsi %cond3A_1024#1, %shift_right_arithmetic3A_1050 : vector<16xi32>
    %convert_element_type3A_1052 = arith.sitofp %shift_right_arithmetic3A_1051 : vector<16xi32> to vector<16xf32>
    %and3A_1053 = arith.constant 65535 : i32
    %and3A_1054 = vector.broadcast %and3A_1053 : i32 to vector<16xi32>
    %and3A_1055 = arith.andi %cond3A_1024#1, %and3A_1054 : vector<16xi32>
    %convert_element_type3A_1056 = arith.sitofp %and3A_1055 : vector<16xi32> to vector<16xf32>
    %min3A_1057 = arith.constant 3.200000e+01 : f32
    %min3A_1058 = vector.broadcast %min3A_1057 : f32 to vector<16xf32>
    %min3A_1059 = arith.minimumf %convert_element_type3A_1052, %min3A_1058 : vector<16xf32>
    %mul3A_1060 = arith.constant 3.125000e-02 : f32
    %mul3A_1061 = vector.broadcast %mul3A_1060 : f32 to vector<16xf32>
    %mul3A_1062 = arith.mulf %min3A_1059, %mul3A_1061 : vector<16xf32>
    %swap3A_1063 = arith.constant 144 : index
    %swap3A_1064 = tpu.vector_load %arg15[%swap3A_1063] {strides = array<i32>} : memref<256xf32, #tpu.memory_space<vmem>>, vector<16xf32>,
    tpu.vector_store %arg15[%swap3A_1063], %mul3A_1062 {strides = array<i32>} : memref<256xf32, #tpu.memory_space<vmem>>, vector<16xf32>,
    %min3A_1065 = arith.constant 6.400000e+01 : f32
    %min3A_1066 = vector.broadcast %min3A_1065 : f32 to vector<16xf32>
    %min3A_1067 = arith.minimumf %convert_element_type3A_1056, %min3A_1066 : vector<16xf32>
    %mul3A_1068 = arith.constant 1.562500e-02 : f32
    %mul3A_1069 = vector.broadcast %mul3A_1068 : f32 to vector<16xf32>
    %mul3A_1070 = arith.mulf %min3A_1067, %mul3A_1069 : vector<16xf32>
    %swap3A_1071 = arith.constant 144 : index
    %swap3A_1072 = tpu.vector_load %arg16[%swap3A_1071] {strides = array<i32>} : memref<256xf32, #tpu.memory_space<vmem>>, vector<16xf32>,
    tpu.vector_store %arg16[%swap3A_1071], %mul3A_1070 {strides = array<i32>} : memref<256xf32, #tpu.memory_space<vmem>>, vector<16xf32>,
    %shift_right_arithmetic3A_1073 = arith.constant 16 : i32
    %shift_right_arithmetic3A_1074 = vector.broadcast %shift_right_arithmetic3A_1073 : i32 to vector<16xi32>
    %shift_right_arithmetic3A_1075 = arith.shrsi %cond3A_1024#2, %shift_right_arithmetic3A_1074 : vector<16xi32>
    %convert_element_type3A_1076 = arith.sitofp %shift_right_arithmetic3A_1075 : vector<16xi32> to vector<16xf32>
    %and3A_1077 = arith.constant 65535 : i32
    %and3A_1078 = vector.broadcast %and3A_1077 : i32 to vector<16xi32>
    %and3A_1079 = arith.andi %cond3A_1024#2, %and3A_1078 : vector<16xi32>
    %convert_element_type3A_1080 = arith.sitofp %and3A_1079 : vector<16xi32> to vector<16xf32>
    %min3A_1081 = arith.constant 3.200000e+01 : f32
    %min3A_1082 = vector.broadcast %min3A_1081 : f32 to vector<16xf32>
    %min3A_1083 = arith.minimumf %convert_element_type3A_1076, %min3A_1082 : vector<16xf32>
    %mul3A_1084 = arith.constant 3.125000e-02 : f32
    %mul3A_1085 = vector.broadcast %mul3A_1084 : f32 to vector<16xf32>
    %mul3A_1086 = arith.mulf %min3A_1083, %mul3A_1085 : vector<16xf32>
    %swap3A_1087 = arith.constant 160 : index
    %swap3A_1088 = tpu.vector_load %arg15[%swap3A_1087] {strides = array<i32>} : memref<256xf32, #tpu.memory_space<vmem>>, vector<16xf32>,
    tpu.vector_store %arg15[%swap3A_1087], %mul3A_1086 {strides = array<i32>} : memref<256xf32, #tpu.memory_space<vmem>>, vector<16xf32>,
    %min3A_1089 = arith.constant 6.400000e+01 : f32
    %min3A_1090 = vector.broadcast %min3A_1089 : f32 to vector<16xf32>
    %min3A_1091 = arith.minimumf %convert_element_type3A_1080, %min3A_1090 : vector<16xf32>
    %mul3A_1092 = arith.constant 1.562500e-02 : f32
    %mul3A_1093 = vector.broadcast %mul3A_1092 : f32 to vector<16xf32>
    %mul3A_1094 = arith.mulf %min3A_1091, %mul3A_1093 : vector<16xf32>
    %swap3A_1095 = arith.constant 160 : index
    %swap3A_1096 = tpu.vector_load %arg16[%swap3A_1095] {strides = array<i32>} : memref<256xf32, #tpu.memory_space<vmem>>, vector<16xf32>,
    tpu.vector_store %arg16[%swap3A_1095], %mul3A_1094 {strides = array<i32>} : memref<256xf32, #tpu.memory_space<vmem>>, vector<16xf32>,
    %shift_right_arithmetic3A_1097 = arith.constant 16 : i32
    %shift_right_arithmetic3A_1098 = vector.broadcast %shift_right_arithmetic3A_1097 : i32 to vector<16xi32>
    %shift_right_arithmetic3A_1099 = arith.shrsi %cond3A_1024#3, %shift_right_arithmetic3A_1098 : vector<16xi32>
    %convert_element_type3A_1100 = arith.sitofp %shift_right_arithmetic3A_1099 : vector<16xi32> to vector<16xf32>
    %and3A_1101 = arith.constant 65535 : i32
    %and3A_1102 = vector.broadcast %and3A_1101 : i32 to vector<16xi32>
    %and3A_1103 = arith.andi %cond3A_1024#3, %and3A_1102 : vector<16xi32>
    %convert_element_type3A_1104 = arith.sitofp %and3A_1103 : vector<16xi32> to vector<16xf32>
    %min3A_1105 = arith.constant 3.200000e+01 : f32
    %min3A_1106 = vector.broadcast %min3A_1105 : f32 to vector<16xf32>
    %min3A_1107 = arith.minimumf %convert_element_type3A_1100, %min3A_1106 : vector<16xf32>
    %mul3A_1108 = arith.constant 3.125000e-02 : f32
    %mul3A_1109 = vector.broadcast %mul3A_1108 : f32 to vector<16xf32>
    %mul3A_1110 = arith.mulf %min3A_1107, %mul3A_1109 : vector<16xf32>
    %swap3A_1111 = arith.constant 176 : index
    %swap3A_1112 = tpu.vector_load %arg15[%swap3A_1111] {strides = array<i32>} : memref<256xf32, #tpu.memory_space<vmem>>, vector<16xf32>,
    tpu.vector_store %arg15[%swap3A_1111], %mul3A_1110 {strides = array<i32>} : memref<256xf32, #tpu.memory_space<vmem>>, vector<16xf32>,
    %min3A_1113 = arith.constant 6.400000e+01 : f32
    %min3A_1114 = vector.broadcast %min3A_1113 : f32 to vector<16xf32>
    %min3A_1115 = arith.minimumf %convert_element_type3A_1104, %min3A_1114 : vector<16xf32>
    %mul3A_1116 = arith.constant 1.562500e-02 : f32
    %mul3A_1117 = vector.broadcast %mul3A_1116 : f32 to vector<16xf32>
    %mul3A_1118 = arith.mulf %min3A_1115, %mul3A_1117 : vector<16xf32>
    %swap3A_1119 = arith.constant 176 : index
    %swap3A_1120 = tpu.vector_load %arg16[%swap3A_1119] {strides = array<i32>} : memref<256xf32, #tpu.memory_space<vmem>>, vector<16xf32>,
    tpu.vector_store %arg16[%swap3A_1119], %mul3A_1118 {strides = array<i32>} : memref<256xf32, #tpu.memory_space<vmem>>, vector<16xf32>,
    %add3A_1121 = arith.constant 192 : i32
    %add3A_1122 = arith.addi %mul3A_2, %add3A_1121 : i32
    %add3A_1123 = vector.broadcast %add3A_1122 : i32 to vector<16xi32>
    %add3A_1124 = arith.addi %add3A_1123, %iota3A : vector<16xi32>
    %gather3A_1125 = tpu.vector_load_idx %arg9[%add3A_1124] : memref<8192xf32, #tpu.memory_space<vmem>>[vector<16xi32>], vector<16xf32>,
    %gather3A_1126 = tpu.vector_load_idx %arg10[%add3A_1124] : memref<8192xf32, #tpu.memory_space<vmem>>[vector<16xi32>], vector<16xf32>,
    %gather3A_1127 = tpu.vector_load_idx %arg11[%add3A_1124] : memref<8192xf32, #tpu.memory_space<vmem>>[vector<16xi32>], vector<16xf32>,
    %gather3A_1128 = tpu.vector_load_idx %arg12[%add3A_1124] : memref<8192xi32, #tpu.memory_space<vmem>>[vector<16xi32>], vector<16xi32>,
    %mul3A_1129 = arith.mulf %gather3A_1125, %gather3A_1125 : vector<16xf32>
    %mul3A_1130 = arith.mulf %gather3A_1126, %gather3A_1126 : vector<16xf32>
    %add3A_1131 = arith.addf %mul3A_1129, %mul3A_1130 : vector<16xf32>
    %mul3A_1132 = arith.mulf %gather3A_1127, %gather3A_1127 : vector<16xf32>
    %add3A_1133 = arith.addf %add3A_1131, %mul3A_1132 : vector<16xf32>
    %sub3A_1134 = arith.constant 4.000000e-02 : f32
    %sub3A_1135 = vector.broadcast %sub3A_1134 : f32 to vector<16xf32>
    %sub3A_1136 = arith.subf %sub3A_1135, %add3A_1133 : vector<16xf32>
    %mul3A_1137 = arith.constant 5.000000e-01 : f32
    %mul3A_1138 = vector.broadcast %mul3A_1137 : f32 to vector<16xf32>
    %mul3A_1139 = arith.mulf %sub3A_1136, %mul3A_1138 : vector<16xf32>
    %sub3A_1140 = arith.constant 1.600000e-01 : f32
    %sub3A_1141 = vector.broadcast %sub3A_1140 : f32 to vector<16xf32>
    %sub3A_1142 = arith.subf %sub3A_1141, %add3A_1133 : vector<16xf32>
    %mul3A_1143 = arith.constant 5.000000e-01 : f32
    %mul3A_1144 = vector.broadcast %mul3A_1143 : f32 to vector<16xf32>
    %mul3A_1145 = arith.mulf %sub3A_1142, %mul3A_1144 : vector<16xf32>
    %gather3A_1146 = tpu.vector_load_idx %arg13[%gather3A_1128] : memref<16xi32, #tpu.memory_space<vmem>>[vector<16xi32>], vector<16xi32>,
    %add3A_1147 = arith.constant 1 : i32
    %add3A_1148 = vector.broadcast %add3A_1147 : i32 to vector<16xi32>
    %add3A_1149 = arith.addi %gather3A_1128, %add3A_1148 : vector<16xi32>
    %gather3A_1150 = tpu.vector_load_idx %arg13[%add3A_1149] : memref<16xi32, #tpu.memory_space<vmem>>[vector<16xi32>], vector<16xi32>,
    %reduce_min3A_1151 = arith.constant true
    %reduce_min3A_1152 = vector.broadcast %reduce_min3A_1151 : i1 to vector<16xi1>
    %reduce_min3A_1153 = arith.constant -2147483648 : i32
    %reduce_min3A_1154 = vector.broadcast %reduce_min3A_1153 : i32 to vector<16xi32>
    %reduce_min3A_1155 = arith.xori %gather3A_1146, %reduce_min3A_1154 : vector<16xi32>
    %reduce_min3A_1156 = tpu.scan <min>, %reduce_min3A_1155 masked %reduce_min3A_1152 : vector<16xi32>, vector<16xi1> -> vector<16xi32>
    %reduce_min3A_1157 = arith.xori %reduce_min3A_1156, %reduce_min3A_1154 : vector<16xi32>
    %reduce_min3A_1158 = vector.extract %reduce_min3A_1157[15] : i32 from vector<16xi32>
    %min3A_1159 = arith.constant 8192 : i32
    %min3A_1160 = arith.minsi %min3A_1159, %reduce_min3A_1158 : i32
    %reduce_max3A_1161 = arith.constant true
    %reduce_max3A_1162 = vector.broadcast %reduce_max3A_1161 : i1 to vector<16xi1>
    %reduce_max3A_1163 = arith.constant -2147483648 : i32
    %reduce_max3A_1164 = vector.broadcast %reduce_max3A_1163 : i32 to vector<16xi32>
    %reduce_max3A_1165 = arith.xori %gather3A_1150, %reduce_max3A_1164 : vector<16xi32>
    %reduce_max3A_1166 = tpu.scan <max>, %reduce_max3A_1165 masked %reduce_max3A_1162 : vector<16xi32>, vector<16xi1> -> vector<16xi32>
    %reduce_max3A_1167 = arith.xori %reduce_max3A_1166, %reduce_max3A_1164 : vector<16xi32>
    %reduce_max3A_1168 = vector.extract %reduce_max3A_1167[15] : i32 from vector<16xi32>
    %max3A_1169 = arith.constant 0 : i32
    %max3A_1170 = arith.maxsi %max3A_1169, %reduce_max3A_1168 : i32
    %reduce_min3A_1171 = arith.constant true
    %reduce_min3A_1172 = vector.broadcast %reduce_min3A_1171 : i1 to vector<16xi1>
    %reduce_min3A_1173 = arith.constant -2147483648 : i32
    %reduce_min3A_1174 = vector.broadcast %reduce_min3A_1173 : i32 to vector<16xi32>
    %reduce_min3A_1175 = arith.xori %gather3A_1128, %reduce_min3A_1174 : vector<16xi32>
    %reduce_min3A_1176 = tpu.scan <min>, %reduce_min3A_1175 masked %reduce_min3A_1172 : vector<16xi32>, vector<16xi1> -> vector<16xi32>
    %reduce_min3A_1177 = arith.xori %reduce_min3A_1176, %reduce_min3A_1174 : vector<16xi32>
    %reduce_min3A_1178 = vector.extract %reduce_min3A_1177[15] : i32 from vector<16xi32>
    %min3A_1179 = arith.constant 127 : i32
    %min3A_1180 = arith.minsi %min3A_1179, %reduce_min3A_1178 : i32
    %reduce_max3A_1181 = arith.constant true
    %reduce_max3A_1182 = vector.broadcast %reduce_max3A_1181 : i1 to vector<16xi1>
    %reduce_max3A_1183 = arith.constant -2147483648 : i32
    %reduce_max3A_1184 = vector.broadcast %reduce_max3A_1183 : i32 to vector<16xi32>
    %reduce_max3A_1185 = arith.xori %gather3A_1128, %reduce_max3A_1184 : vector<16xi32>
    %reduce_max3A_1186 = tpu.scan <max>, %reduce_max3A_1185 masked %reduce_max3A_1182 : vector<16xi32>, vector<16xi1> -> vector<16xi32>
    %reduce_max3A_1187 = arith.xori %reduce_max3A_1186, %reduce_max3A_1184 : vector<16xi32>
    %reduce_max3A_1188 = vector.extract %reduce_max3A_1187[15] : i32 from vector<16xi32>
    %max3A_1189 = arith.constant -1 : i32
    %max3A_1190 = arith.maxsi %max3A_1189, %reduce_max3A_1188 : i32
    %add3A_1191 = arith.constant 208 : i32
    %add3A_1192 = arith.addi %mul3A_2, %add3A_1191 : i32
    %add3A_1193 = vector.broadcast %add3A_1192 : i32 to vector<16xi32>
    %add3A_1194 = arith.addi %add3A_1193, %iota3A : vector<16xi32>
    %gather3A_1195 = tpu.vector_load_idx %arg9[%add3A_1194] : memref<8192xf32, #tpu.memory_space<vmem>>[vector<16xi32>], vector<16xf32>,
    %gather3A_1196 = tpu.vector_load_idx %arg10[%add3A_1194] : memref<8192xf32, #tpu.memory_space<vmem>>[vector<16xi32>], vector<16xf32>,
    %gather3A_1197 = tpu.vector_load_idx %arg11[%add3A_1194] : memref<8192xf32, #tpu.memory_space<vmem>>[vector<16xi32>], vector<16xf32>,
    %gather3A_1198 = tpu.vector_load_idx %arg12[%add3A_1194] : memref<8192xi32, #tpu.memory_space<vmem>>[vector<16xi32>], vector<16xi32>,
    %mul3A_1199 = arith.mulf %gather3A_1195, %gather3A_1195 : vector<16xf32>
    %mul3A_1200 = arith.mulf %gather3A_1196, %gather3A_1196 : vector<16xf32>
    %add3A_1201 = arith.addf %mul3A_1199, %mul3A_1200 : vector<16xf32>
    %mul3A_1202 = arith.mulf %gather3A_1197, %gather3A_1197 : vector<16xf32>
    %add3A_1203 = arith.addf %add3A_1201, %mul3A_1202 : vector<16xf32>
    %sub3A_1204 = arith.constant 4.000000e-02 : f32
    %sub3A_1205 = vector.broadcast %sub3A_1204 : f32 to vector<16xf32>
    %sub3A_1206 = arith.subf %sub3A_1205, %add3A_1203 : vector<16xf32>
    %mul3A_1207 = arith.constant 5.000000e-01 : f32
    %mul3A_1208 = vector.broadcast %mul3A_1207 : f32 to vector<16xf32>
    %mul3A_1209 = arith.mulf %sub3A_1206, %mul3A_1208 : vector<16xf32>
    %sub3A_1210 = arith.constant 1.600000e-01 : f32
    %sub3A_1211 = vector.broadcast %sub3A_1210 : f32 to vector<16xf32>
    %sub3A_1212 = arith.subf %sub3A_1211, %add3A_1203 : vector<16xf32>
    %mul3A_1213 = arith.constant 5.000000e-01 : f32
    %mul3A_1214 = vector.broadcast %mul3A_1213 : f32 to vector<16xf32>
    %mul3A_1215 = arith.mulf %sub3A_1212, %mul3A_1214 : vector<16xf32>
    %gather3A_1216 = tpu.vector_load_idx %arg13[%gather3A_1198] : memref<16xi32, #tpu.memory_space<vmem>>[vector<16xi32>], vector<16xi32>,
    %add3A_1217 = arith.constant 1 : i32
    %add3A_1218 = vector.broadcast %add3A_1217 : i32 to vector<16xi32>
    %add3A_1219 = arith.addi %gather3A_1198, %add3A_1218 : vector<16xi32>
    %gather3A_1220 = tpu.vector_load_idx %arg13[%add3A_1219] : memref<16xi32, #tpu.memory_space<vmem>>[vector<16xi32>], vector<16xi32>,
    %reduce_min3A_1221 = arith.constant true
    %reduce_min3A_1222 = vector.broadcast %reduce_min3A_1221 : i1 to vector<16xi1>
    %reduce_min3A_1223 = arith.constant -2147483648 : i32
    %reduce_min3A_1224 = vector.broadcast %reduce_min3A_1223 : i32 to vector<16xi32>
    %reduce_min3A_1225 = arith.xori %gather3A_1216, %reduce_min3A_1224 : vector<16xi32>
    %reduce_min3A_1226 = tpu.scan <min>, %reduce_min3A_1225 masked %reduce_min3A_1222 : vector<16xi32>, vector<16xi1> -> vector<16xi32>
    %reduce_min3A_1227 = arith.xori %reduce_min3A_1226, %reduce_min3A_1224 : vector<16xi32>
    %reduce_min3A_1228 = vector.extract %reduce_min3A_1227[15] : i32 from vector<16xi32>
    %min3A_1229 = arith.minsi %min3A_1160, %reduce_min3A_1228 : i32
    %reduce_max3A_1230 = arith.constant true
    %reduce_max3A_1231 = vector.broadcast %reduce_max3A_1230 : i1 to vector<16xi1>
    %reduce_max3A_1232 = arith.constant -2147483648 : i32
    %reduce_max3A_1233 = vector.broadcast %reduce_max3A_1232 : i32 to vector<16xi32>
    %reduce_max3A_1234 = arith.xori %gather3A_1220, %reduce_max3A_1233 : vector<16xi32>
    %reduce_max3A_1235 = tpu.scan <max>, %reduce_max3A_1234 masked %reduce_max3A_1231 : vector<16xi32>, vector<16xi1> -> vector<16xi32>
    %reduce_max3A_1236 = arith.xori %reduce_max3A_1235, %reduce_max3A_1233 : vector<16xi32>
    %reduce_max3A_1237 = vector.extract %reduce_max3A_1236[15] : i32 from vector<16xi32>
    %max3A_1238 = arith.maxsi %max3A_1170, %reduce_max3A_1237 : i32
    %reduce_min3A_1239 = arith.constant true
    %reduce_min3A_1240 = vector.broadcast %reduce_min3A_1239 : i1 to vector<16xi1>
    %reduce_min3A_1241 = arith.constant -2147483648 : i32
    %reduce_min3A_1242 = vector.broadcast %reduce_min3A_1241 : i32 to vector<16xi32>
    %reduce_min3A_1243 = arith.xori %gather3A_1198, %reduce_min3A_1242 : vector<16xi32>
    %reduce_min3A_1244 = tpu.scan <min>, %reduce_min3A_1243 masked %reduce_min3A_1240 : vector<16xi32>, vector<16xi1> -> vector<16xi32>
    %reduce_min3A_1245 = arith.xori %reduce_min3A_1244, %reduce_min3A_1242 : vector<16xi32>
    %reduce_min3A_1246 = vector.extract %reduce_min3A_1245[15] : i32 from vector<16xi32>
    %min3A_1247 = arith.minsi %min3A_1180, %reduce_min3A_1246 : i32
    %reduce_max3A_1248 = arith.constant true
    %reduce_max3A_1249 = vector.broadcast %reduce_max3A_1248 : i1 to vector<16xi1>
    %reduce_max3A_1250 = arith.constant -2147483648 : i32
    %reduce_max3A_1251 = vector.broadcast %reduce_max3A_1250 : i32 to vector<16xi32>
    %reduce_max3A_1252 = arith.xori %gather3A_1198, %reduce_max3A_1251 : vector<16xi32>
    %reduce_max3A_1253 = tpu.scan <max>, %reduce_max3A_1252 masked %reduce_max3A_1249 : vector<16xi32>, vector<16xi1> -> vector<16xi32>
    %reduce_max3A_1254 = arith.xori %reduce_max3A_1253, %reduce_max3A_1251 : vector<16xi32>
    %reduce_max3A_1255 = vector.extract %reduce_max3A_1254[15] : i32 from vector<16xi32>
    %max3A_1256 = arith.maxsi %max3A_1190, %reduce_max3A_1255 : i32
    %add3A_1257 = arith.constant 224 : i32
    %add3A_1258 = arith.addi %mul3A_2, %add3A_1257 : i32
    %add3A_1259 = vector.broadcast %add3A_1258 : i32 to vector<16xi32>
    %add3A_1260 = arith.addi %add3A_1259, %iota3A : vector<16xi32>
    %gather3A_1261 = tpu.vector_load_idx %arg9[%add3A_1260] : memref<8192xf32, #tpu.memory_space<vmem>>[vector<16xi32>], vector<16xf32>,
    %gather3A_1262 = tpu.vector_load_idx %arg10[%add3A_1260] : memref<8192xf32, #tpu.memory_space<vmem>>[vector<16xi32>], vector<16xf32>,
    %gather3A_1263 = tpu.vector_load_idx %arg11[%add3A_1260] : memref<8192xf32, #tpu.memory_space<vmem>>[vector<16xi32>], vector<16xf32>,
    %gather3A_1264 = tpu.vector_load_idx %arg12[%add3A_1260] : memref<8192xi32, #tpu.memory_space<vmem>>[vector<16xi32>], vector<16xi32>,
    %mul3A_1265 = arith.mulf %gather3A_1261, %gather3A_1261 : vector<16xf32>
    %mul3A_1266 = arith.mulf %gather3A_1262, %gather3A_1262 : vector<16xf32>
    %add3A_1267 = arith.addf %mul3A_1265, %mul3A_1266 : vector<16xf32>
    %mul3A_1268 = arith.mulf %gather3A_1263, %gather3A_1263 : vector<16xf32>
    %add3A_1269 = arith.addf %add3A_1267, %mul3A_1268 : vector<16xf32>
    %sub3A_1270 = arith.constant 4.000000e-02 : f32
    %sub3A_1271 = vector.broadcast %sub3A_1270 : f32 to vector<16xf32>
    %sub3A_1272 = arith.subf %sub3A_1271, %add3A_1269 : vector<16xf32>
    %mul3A_1273 = arith.constant 5.000000e-01 : f32
    %mul3A_1274 = vector.broadcast %mul3A_1273 : f32 to vector<16xf32>
    %mul3A_1275 = arith.mulf %sub3A_1272, %mul3A_1274 : vector<16xf32>
    %sub3A_1276 = arith.constant 1.600000e-01 : f32
    %sub3A_1277 = vector.broadcast %sub3A_1276 : f32 to vector<16xf32>
    %sub3A_1278 = arith.subf %sub3A_1277, %add3A_1269 : vector<16xf32>
    %mul3A_1279 = arith.constant 5.000000e-01 : f32
    %mul3A_1280 = vector.broadcast %mul3A_1279 : f32 to vector<16xf32>
    %mul3A_1281 = arith.mulf %sub3A_1278, %mul3A_1280 : vector<16xf32>
    %gather3A_1282 = tpu.vector_load_idx %arg13[%gather3A_1264] : memref<16xi32, #tpu.memory_space<vmem>>[vector<16xi32>], vector<16xi32>,
    %add3A_1283 = arith.constant 1 : i32
    %add3A_1284 = vector.broadcast %add3A_1283 : i32 to vector<16xi32>
    %add3A_1285 = arith.addi %gather3A_1264, %add3A_1284 : vector<16xi32>
    %gather3A_1286 = tpu.vector_load_idx %arg13[%add3A_1285] : memref<16xi32, #tpu.memory_space<vmem>>[vector<16xi32>], vector<16xi32>,
    %reduce_min3A_1287 = arith.constant true
    %reduce_min3A_1288 = vector.broadcast %reduce_min3A_1287 : i1 to vector<16xi1>
    %reduce_min3A_1289 = arith.constant -2147483648 : i32
    %reduce_min3A_1290 = vector.broadcast %reduce_min3A_1289 : i32 to vector<16xi32>
    %reduce_min3A_1291 = arith.xori %gather3A_1282, %reduce_min3A_1290 : vector<16xi32>
    %reduce_min3A_1292 = tpu.scan <min>, %reduce_min3A_1291 masked %reduce_min3A_1288 : vector<16xi32>, vector<16xi1> -> vector<16xi32>
    %reduce_min3A_1293 = arith.xori %reduce_min3A_1292, %reduce_min3A_1290 : vector<16xi32>
    %reduce_min3A_1294 = vector.extract %reduce_min3A_1293[15] : i32 from vector<16xi32>
    %min3A_1295 = arith.minsi %min3A_1229, %reduce_min3A_1294 : i32
    %reduce_max3A_1296 = arith.constant true
    %reduce_max3A_1297 = vector.broadcast %reduce_max3A_1296 : i1 to vector<16xi1>
    %reduce_max3A_1298 = arith.constant -2147483648 : i32
    %reduce_max3A_1299 = vector.broadcast %reduce_max3A_1298 : i32 to vector<16xi32>
    %reduce_max3A_1300 = arith.xori %gather3A_1286, %reduce_max3A_1299 : vector<16xi32>
    %reduce_max3A_1301 = tpu.scan <max>, %reduce_max3A_1300 masked %reduce_max3A_1297 : vector<16xi32>, vector<16xi1> -> vector<16xi32>
    %reduce_max3A_1302 = arith.xori %reduce_max3A_1301, %reduce_max3A_1299 : vector<16xi32>
    %reduce_max3A_1303 = vector.extract %reduce_max3A_1302[15] : i32 from vector<16xi32>
    %max3A_1304 = arith.maxsi %max3A_1238, %reduce_max3A_1303 : i32
    %reduce_min3A_1305 = arith.constant true
    %reduce_min3A_1306 = vector.broadcast %reduce_min3A_1305 : i1 to vector<16xi1>
    %reduce_min3A_1307 = arith.constant -2147483648 : i32
    %reduce_min3A_1308 = vector.broadcast %reduce_min3A_1307 : i32 to vector<16xi32>
    %reduce_min3A_1309 = arith.xori %gather3A_1264, %reduce_min3A_1308 : vector<16xi32>
    %reduce_min3A_1310 = tpu.scan <min>, %reduce_min3A_1309 masked %reduce_min3A_1306 : vector<16xi32>, vector<16xi1> -> vector<16xi32>
    %reduce_min3A_1311 = arith.xori %reduce_min3A_1310, %reduce_min3A_1308 : vector<16xi32>
    %reduce_min3A_1312 = vector.extract %reduce_min3A_1311[15] : i32 from vector<16xi32>
    %min3A_1313 = arith.minsi %min3A_1247, %reduce_min3A_1312 : i32
    %reduce_max3A_1314 = arith.constant true
    %reduce_max3A_1315 = vector.broadcast %reduce_max3A_1314 : i1 to vector<16xi1>
    %reduce_max3A_1316 = arith.constant -2147483648 : i32
    %reduce_max3A_1317 = vector.broadcast %reduce_max3A_1316 : i32 to vector<16xi32>
    %reduce_max3A_1318 = arith.xori %gather3A_1264, %reduce_max3A_1317 : vector<16xi32>
    %reduce_max3A_1319 = tpu.scan <max>, %reduce_max3A_1318 masked %reduce_max3A_1315 : vector<16xi32>, vector<16xi1> -> vector<16xi32>
    %reduce_max3A_1320 = arith.xori %reduce_max3A_1319, %reduce_max3A_1317 : vector<16xi32>
    %reduce_max3A_1321 = vector.extract %reduce_max3A_1320[15] : i32 from vector<16xi32>
    %max3A_1322 = arith.maxsi %max3A_1256, %reduce_max3A_1321 : i32
    %add3A_1323 = arith.constant 240 : i32
    %add3A_1324 = arith.addi %mul3A_2, %add3A_1323 : i32
    %add3A_1325 = vector.broadcast %add3A_1324 : i32 to vector<16xi32>
    %add3A_1326 = arith.addi %add3A_1325, %iota3A : vector<16xi32>
    %gather3A_1327 = tpu.vector_load_idx %arg9[%add3A_1326] : memref<8192xf32, #tpu.memory_space<vmem>>[vector<16xi32>], vector<16xf32>,
    %gather3A_1328 = tpu.vector_load_idx %arg10[%add3A_1326] : memref<8192xf32, #tpu.memory_space<vmem>>[vector<16xi32>], vector<16xf32>,
    %gather3A_1329 = tpu.vector_load_idx %arg11[%add3A_1326] : memref<8192xf32, #tpu.memory_space<vmem>>[vector<16xi32>], vector<16xf32>,
    %gather3A_1330 = tpu.vector_load_idx %arg12[%add3A_1326] : memref<8192xi32, #tpu.memory_space<vmem>>[vector<16xi32>], vector<16xi32>,
    %mul3A_1331 = arith.mulf %gather3A_1327, %gather3A_1327 : vector<16xf32>
    %mul3A_1332 = arith.mulf %gather3A_1328, %gather3A_1328 : vector<16xf32>
    %add3A_1333 = arith.addf %mul3A_1331, %mul3A_1332 : vector<16xf32>
    %mul3A_1334 = arith.mulf %gather3A_1329, %gather3A_1329 : vector<16xf32>
    %add3A_1335 = arith.addf %add3A_1333, %mul3A_1334 : vector<16xf32>
    %sub3A_1336 = arith.constant 4.000000e-02 : f32
    %sub3A_1337 = vector.broadcast %sub3A_1336 : f32 to vector<16xf32>
    %sub3A_1338 = arith.subf %sub3A_1337, %add3A_1335 : vector<16xf32>
    %mul3A_1339 = arith.constant 5.000000e-01 : f32
    %mul3A_1340 = vector.broadcast %mul3A_1339 : f32 to vector<16xf32>
    %mul3A_1341 = arith.mulf %sub3A_1338, %mul3A_1340 : vector<16xf32>
    %sub3A_1342 = arith.constant 1.600000e-01 : f32
    %sub3A_1343 = vector.broadcast %sub3A_1342 : f32 to vector<16xf32>
    %sub3A_1344 = arith.subf %sub3A_1343, %add3A_1335 : vector<16xf32>
    %mul3A_1345 = arith.constant 5.000000e-01 : f32
    %mul3A_1346 = vector.broadcast %mul3A_1345 : f32 to vector<16xf32>
    %mul3A_1347 = arith.mulf %sub3A_1344, %mul3A_1346 : vector<16xf32>
    %gather3A_1348 = tpu.vector_load_idx %arg13[%gather3A_1330] : memref<16xi32, #tpu.memory_space<vmem>>[vector<16xi32>], vector<16xi32>,
    %add3A_1349 = arith.constant 1 : i32
    %add3A_1350 = vector.broadcast %add3A_1349 : i32 to vector<16xi32>
    %add3A_1351 = arith.addi %gather3A_1330, %add3A_1350 : vector<16xi32>
    %gather3A_1352 = tpu.vector_load_idx %arg13[%add3A_1351] : memref<16xi32, #tpu.memory_space<vmem>>[vector<16xi32>], vector<16xi32>,
    %reduce_min3A_1353 = arith.constant true
    %reduce_min3A_1354 = vector.broadcast %reduce_min3A_1353 : i1 to vector<16xi1>
    %reduce_min3A_1355 = arith.constant -2147483648 : i32
    %reduce_min3A_1356 = vector.broadcast %reduce_min3A_1355 : i32 to vector<16xi32>
    %reduce_min3A_1357 = arith.xori %gather3A_1348, %reduce_min3A_1356 : vector<16xi32>
    %reduce_min3A_1358 = tpu.scan <min>, %reduce_min3A_1357 masked %reduce_min3A_1354 : vector<16xi32>, vector<16xi1> -> vector<16xi32>
    %reduce_min3A_1359 = arith.xori %reduce_min3A_1358, %reduce_min3A_1356 : vector<16xi32>
    %reduce_min3A_1360 = vector.extract %reduce_min3A_1359[15] : i32 from vector<16xi32>
    %min3A_1361 = arith.minsi %min3A_1295, %reduce_min3A_1360 : i32
    %reduce_max3A_1362 = arith.constant true
    %reduce_max3A_1363 = vector.broadcast %reduce_max3A_1362 : i1 to vector<16xi1>
    %reduce_max3A_1364 = arith.constant -2147483648 : i32
    %reduce_max3A_1365 = vector.broadcast %reduce_max3A_1364 : i32 to vector<16xi32>
    %reduce_max3A_1366 = arith.xori %gather3A_1352, %reduce_max3A_1365 : vector<16xi32>
    %reduce_max3A_1367 = tpu.scan <max>, %reduce_max3A_1366 masked %reduce_max3A_1363 : vector<16xi32>, vector<16xi1> -> vector<16xi32>
    %reduce_max3A_1368 = arith.xori %reduce_max3A_1367, %reduce_max3A_1365 : vector<16xi32>
    %reduce_max3A_1369 = vector.extract %reduce_max3A_1368[15] : i32 from vector<16xi32>
    %max3A_1370 = arith.maxsi %max3A_1304, %reduce_max3A_1369 : i32
    %reduce_min3A_1371 = arith.constant true
    %reduce_min3A_1372 = vector.broadcast %reduce_min3A_1371 : i1 to vector<16xi1>
    %reduce_min3A_1373 = arith.constant -2147483648 : i32
    %reduce_min3A_1374 = vector.broadcast %reduce_min3A_1373 : i32 to vector<16xi32>
    %reduce_min3A_1375 = arith.xori %gather3A_1330, %reduce_min3A_1374 : vector<16xi32>
    %reduce_min3A_1376 = tpu.scan <min>, %reduce_min3A_1375 masked %reduce_min3A_1372 : vector<16xi32>, vector<16xi1> -> vector<16xi32>
    %reduce_min3A_1377 = arith.xori %reduce_min3A_1376, %reduce_min3A_1374 : vector<16xi32>
    %reduce_min3A_1378 = vector.extract %reduce_min3A_1377[15] : i32 from vector<16xi32>
    %min3A_1379 = arith.minsi %min3A_1313, %reduce_min3A_1378 : i32
    %reduce_max3A_1380 = arith.constant true
    %reduce_max3A_1381 = vector.broadcast %reduce_max3A_1380 : i1 to vector<16xi1>
    %reduce_max3A_1382 = arith.constant -2147483648 : i32
    %reduce_max3A_1383 = vector.broadcast %reduce_max3A_1382 : i32 to vector<16xi32>
    %reduce_max3A_1384 = arith.xori %gather3A_1330, %reduce_max3A_1383 : vector<16xi32>
    %reduce_max3A_1385 = tpu.scan <max>, %reduce_max3A_1384 masked %reduce_max3A_1381 : vector<16xi32>, vector<16xi1> -> vector<16xi32>
    %reduce_max3A_1386 = arith.xori %reduce_max3A_1385, %reduce_max3A_1383 : vector<16xi32>
    %reduce_max3A_1387 = vector.extract %reduce_max3A_1386[15] : i32 from vector<16xi32>
    %max3A_1388 = arith.maxsi %max3A_1322, %reduce_max3A_1387 : i32
    %broadcast_in_dim3A_1389 = arith.constant 0 : i32
    %broadcast_in_dim3A_1390 = vector.broadcast %broadcast_in_dim3A_1389 : i32 to vector<16xi32>
    %eq3A_1391 = arith.cmpi eq, %min3A_1379, %max3A_1388 : i32
    %convert_element_type3A_1392 = arith.extui %eq3A_1391 : i1 to i32
    %cond3A_1393 = arith.constant 65537 : i32
    %cond3A_1394 = arith.constant 1 : i32
    %cond3A_1395 = arith.constant 0 : i32
    %cond3A_1396 = arith.constant 0 : i32
    %cond3A_1397 = arith.constant 0 : i32
    %cond3A_1398 = arith.cmpi ne, %convert_element_type3A_1392, %cond3A_1397 : i32
    %cond3A_1399:4 = scf.if %cond3A_1398 -> (vector<16xi32>, vector<16xi32>, vector<16xi32>, vector<16xi32>) {
      %parallel_loop3A = arith.constant 1 : i32
      %parallel_loop3A_1496:4 = scf.for %parallel_loop3A_1497 = %min3A_1361 to %max3A_1370 step %parallel_loop3A iter_args(%parallel_loop3A_1498 = %broadcast_in_dim3A_1390, %parallel_loop3A_1499 = %broadcast_in_dim3A_1390, %parallel_loop3A_1500 = %broadcast_in_dim3A_1390, %parallel_loop3A_1501 = %broadcast_in_dim3A_1390) -> (vector<16xi32>, vector<16xi32>, vector<16xi32>, vector<16xi32>)  : i32 {
        %parallel_loop3A_1502 = vector.broadcast %parallel_loop3A_1497 : i32 to vector<16xi32>
        %parallel_loop3A_1503 = tpu.vector_load_idx %arg9[%parallel_loop3A_1502] : memref<8192xf32, #tpu.memory_space<vmem>>[vector<16xi32>], vector<16xf32>,
        %parallel_loop3A_1504 = tpu.vector_load_idx %arg10[%parallel_loop3A_1502] : memref<8192xf32, #tpu.memory_space<vmem>>[vector<16xi32>], vector<16xf32>,
        %parallel_loop3A_1505 = tpu.vector_load_idx %arg11[%parallel_loop3A_1502] : memref<8192xf32, #tpu.memory_space<vmem>>[vector<16xi32>], vector<16xf32>,
        %parallel_loop3A_1506 = tpu.vector_load_idx %arg14[%parallel_loop3A_1502] : memref<8192xf32, #tpu.memory_space<vmem>>[vector<16xi32>], vector<16xf32>,
        %parallel_loop3A_1507 = arith.mulf %gather3A_1125, %parallel_loop3A_1503 : vector<16xf32>
        %parallel_loop3A_1508 = arith.mulf %gather3A_1126, %parallel_loop3A_1504 : vector<16xf32>
        %parallel_loop3A_1509 = arith.addf %parallel_loop3A_1507, %parallel_loop3A_1508 : vector<16xf32>
        %parallel_loop3A_1510 = arith.mulf %gather3A_1127, %parallel_loop3A_1505 : vector<16xf32>
        %parallel_loop3A_1511 = arith.addf %parallel_loop3A_1509, %parallel_loop3A_1510 : vector<16xf32>
        %parallel_loop3A_1512 = arith.subf %parallel_loop3A_1506, %parallel_loop3A_1511 : vector<16xf32>
        %parallel_loop3A_1513 = arith.cmpf ole, %parallel_loop3A_1512, %mul3A_1139 : vector<16xf32>
        %parallel_loop3A_1514 = arith.cmpf ole, %parallel_loop3A_1512, %mul3A_1145 : vector<16xf32>
        %parallel_loop3A_1515 = vector.broadcast %cond3A_1393 : i32 to vector<16xi32>
        %parallel_loop3A_1516 = vector.broadcast %cond3A_1394 : i32 to vector<16xi32>
        %parallel_loop3A_1517 = arith.select %parallel_loop3A_1513, %parallel_loop3A_1515, %parallel_loop3A_1516 : vector<16xi1>, vector<16xi32>
        %parallel_loop3A_1518 = vector.broadcast %cond3A_1395 : i32 to vector<16xi32>
        %parallel_loop3A_1519 = arith.select %parallel_loop3A_1514, %parallel_loop3A_1517, %parallel_loop3A_1518 : vector<16xi1>, vector<16xi32>
        %parallel_loop3A_1520 = arith.addi %parallel_loop3A_1498, %parallel_loop3A_1519 : vector<16xi32>
        %parallel_loop3A_1521 = arith.mulf %gather3A_1195, %parallel_loop3A_1503 : vector<16xf32>
        %parallel_loop3A_1522 = arith.mulf %gather3A_1196, %parallel_loop3A_1504 : vector<16xf32>
        %parallel_loop3A_1523 = arith.addf %parallel_loop3A_1521, %parallel_loop3A_1522 : vector<16xf32>
        %parallel_loop3A_1524 = arith.mulf %gather3A_1197, %parallel_loop3A_1505 : vector<16xf32>
        %parallel_loop3A_1525 = arith.addf %parallel_loop3A_1523, %parallel_loop3A_1524 : vector<16xf32>
        %parallel_loop3A_1526 = arith.subf %parallel_loop3A_1506, %parallel_loop3A_1525 : vector<16xf32>
        %parallel_loop3A_1527 = arith.cmpf ole, %parallel_loop3A_1526, %mul3A_1209 : vector<16xf32>
        %parallel_loop3A_1528 = arith.cmpf ole, %parallel_loop3A_1526, %mul3A_1215 : vector<16xf32>
        %parallel_loop3A_1529 = vector.broadcast %cond3A_1393 : i32 to vector<16xi32>
        %parallel_loop3A_1530 = vector.broadcast %cond3A_1394 : i32 to vector<16xi32>
        %parallel_loop3A_1531 = arith.select %parallel_loop3A_1527, %parallel_loop3A_1529, %parallel_loop3A_1530 : vector<16xi1>, vector<16xi32>
        %parallel_loop3A_1532 = vector.broadcast %cond3A_1395 : i32 to vector<16xi32>
        %parallel_loop3A_1533 = arith.select %parallel_loop3A_1528, %parallel_loop3A_1531, %parallel_loop3A_1532 : vector<16xi1>, vector<16xi32>
        %parallel_loop3A_1534 = arith.addi %parallel_loop3A_1499, %parallel_loop3A_1533 : vector<16xi32>
        %parallel_loop3A_1535 = arith.mulf %gather3A_1261, %parallel_loop3A_1503 : vector<16xf32>
        %parallel_loop3A_1536 = arith.mulf %gather3A_1262, %parallel_loop3A_1504 : vector<16xf32>
        %parallel_loop3A_1537 = arith.addf %parallel_loop3A_1535, %parallel_loop3A_1536 : vector<16xf32>
        %parallel_loop3A_1538 = arith.mulf %gather3A_1263, %parallel_loop3A_1505 : vector<16xf32>
        %parallel_loop3A_1539 = arith.addf %parallel_loop3A_1537, %parallel_loop3A_1538 : vector<16xf32>
        %parallel_loop3A_1540 = arith.subf %parallel_loop3A_1506, %parallel_loop3A_1539 : vector<16xf32>
        %parallel_loop3A_1541 = arith.cmpf ole, %parallel_loop3A_1540, %mul3A_1275 : vector<16xf32>
        %parallel_loop3A_1542 = arith.cmpf ole, %parallel_loop3A_1540, %mul3A_1281 : vector<16xf32>
        %parallel_loop3A_1543 = vector.broadcast %cond3A_1393 : i32 to vector<16xi32>
        %parallel_loop3A_1544 = vector.broadcast %cond3A_1394 : i32 to vector<16xi32>
        %parallel_loop3A_1545 = arith.select %parallel_loop3A_1541, %parallel_loop3A_1543, %parallel_loop3A_1544 : vector<16xi1>, vector<16xi32>
        %parallel_loop3A_1546 = vector.broadcast %cond3A_1395 : i32 to vector<16xi32>
        %parallel_loop3A_1547 = arith.select %parallel_loop3A_1542, %parallel_loop3A_1545, %parallel_loop3A_1546 : vector<16xi1>, vector<16xi32>
        %parallel_loop3A_1548 = arith.addi %parallel_loop3A_1500, %parallel_loop3A_1547 : vector<16xi32>
        %parallel_loop3A_1549 = arith.mulf %gather3A_1327, %parallel_loop3A_1503 : vector<16xf32>
        %parallel_loop3A_1550 = arith.mulf %gather3A_1328, %parallel_loop3A_1504 : vector<16xf32>
        %parallel_loop3A_1551 = arith.addf %parallel_loop3A_1549, %parallel_loop3A_1550 : vector<16xf32>
        %parallel_loop3A_1552 = arith.mulf %gather3A_1329, %parallel_loop3A_1505 : vector<16xf32>
        %parallel_loop3A_1553 = arith.addf %parallel_loop3A_1551, %parallel_loop3A_1552 : vector<16xf32>
        %parallel_loop3A_1554 = arith.subf %parallel_loop3A_1506, %parallel_loop3A_1553 : vector<16xf32>
        %parallel_loop3A_1555 = arith.cmpf ole, %parallel_loop3A_1554, %mul3A_1341 : vector<16xf32>
        %parallel_loop3A_1556 = arith.cmpf ole, %parallel_loop3A_1554, %mul3A_1347 : vector<16xf32>
        %parallel_loop3A_1557 = vector.broadcast %cond3A_1393 : i32 to vector<16xi32>
        %parallel_loop3A_1558 = vector.broadcast %cond3A_1394 : i32 to vector<16xi32>
        %parallel_loop3A_1559 = arith.select %parallel_loop3A_1555, %parallel_loop3A_1557, %parallel_loop3A_1558 : vector<16xi1>, vector<16xi32>
        %parallel_loop3A_1560 = vector.broadcast %cond3A_1395 : i32 to vector<16xi32>
        %parallel_loop3A_1561 = arith.select %parallel_loop3A_1556, %parallel_loop3A_1559, %parallel_loop3A_1560 : vector<16xi1>, vector<16xi32>
        %parallel_loop3A_1562 = arith.addi %parallel_loop3A_1501, %parallel_loop3A_1561 : vector<16xi32>
        scf.yield %parallel_loop3A_1520, %parallel_loop3A_1534, %parallel_loop3A_1548, %parallel_loop3A_1562 : vector<16xi32>, vector<16xi32>, vector<16xi32>, vector<16xi32>
      } {sc.loop_unroll_factor = 2 : i64, sc.parallel_access}
      scf.yield %parallel_loop3A_1496#0, %parallel_loop3A_1496#1, %parallel_loop3A_1496#2, %parallel_loop3A_1496#3 : vector<16xi32>, vector<16xi32>, vector<16xi32>, vector<16xi32>
    } else {
      %add3A_1496 = arith.constant 1 : i32
      %add3A_1497 = arith.addi %max3A_1388, %add3A_1496 : i32
      %while3A = arith.subi %add3A_1497, %min3A_1379 : i32
      %while3A_1498 = arith.addi %min3A_1379, %while3A : i32
      %while3A_1499 = arith.constant 1 : i32
      %while3A_1500 = arith.divsi %while3A, %while3A_1499 : i32
      %while3A_1501 = arith.muli %while3A_1500, %while3A_1499 : i32
      %while3A_1502 = arith.addi %min3A_1379, %while3A_1501 : i32
      %while3A_1503 = arith.constant 1 : i32
      %while3A_1504:4 = scf.for %while3A_1507 = %min3A_1379 to %while3A_1502 step %while3A_1503 iter_args(%while3A_1508 = %broadcast_in_dim3A_1390, %while3A_1509 = %broadcast_in_dim3A_1390, %while3A_1510 = %broadcast_in_dim3A_1390, %while3A_1511 = %broadcast_in_dim3A_1390) -> (vector<16xi32>, vector<16xi32>, vector<16xi32>, vector<16xi32>)  : i32 {
        %broadcast_in_dim3A_1512 = vector.broadcast %while3A_1507 : i32 to vector<16xi32>
        %gather3A_1513 = tpu.vector_load_idx %arg13[%broadcast_in_dim3A_1512] : memref<16xi32, #tpu.memory_space<vmem>>[vector<16xi32>], vector<16xi32>,
        %reduce_min3A_1514 = arith.constant true
        %reduce_min3A_1515 = vector.broadcast %reduce_min3A_1514 : i1 to vector<16xi1>
        %reduce_min3A_1516 = arith.constant -2147483648 : i32
        %reduce_min3A_1517 = vector.broadcast %reduce_min3A_1516 : i32 to vector<16xi32>
        %reduce_min3A_1518 = arith.xori %gather3A_1513, %reduce_min3A_1517 : vector<16xi32>
        %reduce_min3A_1519 = tpu.scan <min>, %reduce_min3A_1518 masked %reduce_min3A_1515 : vector<16xi32>, vector<16xi1> -> vector<16xi32>
        %reduce_min3A_1520 = arith.xori %reduce_min3A_1519, %reduce_min3A_1517 : vector<16xi32>
        %reduce_min3A_1521 = vector.extract %reduce_min3A_1520[15] : i32 from vector<16xi32>
        %add3A_1522 = arith.constant 1 : i32
        %add3A_1523 = vector.broadcast %add3A_1522 : i32 to vector<16xi32>
        %add3A_1524 = arith.addi %broadcast_in_dim3A_1512, %add3A_1523 : vector<16xi32>
        %gather3A_1525 = tpu.vector_load_idx %arg13[%add3A_1524] : memref<16xi32, #tpu.memory_space<vmem>>[vector<16xi32>], vector<16xi32>,
        %reduce_max3A_1526 = arith.constant true
        %reduce_max3A_1527 = vector.broadcast %reduce_max3A_1526 : i1 to vector<16xi1>
        %reduce_max3A_1528 = arith.constant -2147483648 : i32
        %reduce_max3A_1529 = vector.broadcast %reduce_max3A_1528 : i32 to vector<16xi32>
        %reduce_max3A_1530 = arith.xori %gather3A_1525, %reduce_max3A_1529 : vector<16xi32>
        %reduce_max3A_1531 = tpu.scan <max>, %reduce_max3A_1530 masked %reduce_max3A_1527 : vector<16xi32>, vector<16xi1> -> vector<16xi32>
        %reduce_max3A_1532 = arith.xori %reduce_max3A_1531, %reduce_max3A_1529 : vector<16xi32>
        %reduce_max3A_1533 = vector.extract %reduce_max3A_1532[15] : i32 from vector<16xi32>
        %eq3A_1534 = arith.cmpi eq, %gather3A_1128, %broadcast_in_dim3A_1512 : vector<16xi32>
        %eq3A_1535 = arith.cmpi eq, %gather3A_1198, %broadcast_in_dim3A_1512 : vector<16xi32>
        %eq3A_1536 = arith.cmpi eq, %gather3A_1264, %broadcast_in_dim3A_1512 : vector<16xi32>
        %eq3A_1537 = arith.cmpi eq, %gather3A_1330, %broadcast_in_dim3A_1512 : vector<16xi32>
        %parallel_loop3A = arith.constant 1 : i32
        %parallel_loop3A_1538:4 = scf.for %parallel_loop3A_1539 = %reduce_min3A_1521 to %reduce_max3A_1533 step %parallel_loop3A iter_args(%parallel_loop3A_1540 = %while3A_1508, %parallel_loop3A_1541 = %while3A_1509, %parallel_loop3A_1542 = %while3A_1510, %parallel_loop3A_1543 = %while3A_1511) -> (vector<16xi32>, vector<16xi32>, vector<16xi32>, vector<16xi32>)  : i32 {
          %parallel_loop3A_1544 = vector.broadcast %parallel_loop3A_1539 : i32 to vector<16xi32>
          %parallel_loop3A_1545 = tpu.vector_load_idx %arg9[%parallel_loop3A_1544] : memref<8192xf32, #tpu.memory_space<vmem>>[vector<16xi32>], vector<16xf32>,
          %parallel_loop3A_1546 = tpu.vector_load_idx %arg10[%parallel_loop3A_1544] : memref<8192xf32, #tpu.memory_space<vmem>>[vector<16xi32>], vector<16xf32>,
          %parallel_loop3A_1547 = tpu.vector_load_idx %arg11[%parallel_loop3A_1544] : memref<8192xf32, #tpu.memory_space<vmem>>[vector<16xi32>], vector<16xf32>,
          %parallel_loop3A_1548 = tpu.vector_load_idx %arg14[%parallel_loop3A_1544] : memref<8192xf32, #tpu.memory_space<vmem>>[vector<16xi32>], vector<16xf32>,
          %parallel_loop3A_1549 = arith.mulf %gather3A_1125, %parallel_loop3A_1545 : vector<16xf32>
          %parallel_loop3A_1550 = arith.mulf %gather3A_1126, %parallel_loop3A_1546 : vector<16xf32>
          %parallel_loop3A_1551 = arith.addf %parallel_loop3A_1549, %parallel_loop3A_1550 : vector<16xf32>
          %parallel_loop3A_1552 = arith.mulf %gather3A_1127, %parallel_loop3A_1547 : vector<16xf32>
          %parallel_loop3A_1553 = arith.addf %parallel_loop3A_1551, %parallel_loop3A_1552 : vector<16xf32>
          %parallel_loop3A_1554 = arith.subf %parallel_loop3A_1548, %parallel_loop3A_1553 : vector<16xf32>
          %parallel_loop3A_1555 = arith.cmpf ole, %parallel_loop3A_1554, %mul3A_1139 : vector<16xf32>
          %parallel_loop3A_1556 = arith.cmpf ole, %parallel_loop3A_1554, %mul3A_1145 : vector<16xf32>
          %parallel_loop3A_1557 = arith.andi %parallel_loop3A_1556, %eq3A_1534 : vector<16xi1>
          %parallel_loop3A_1558 = vector.broadcast %cond3A_1393 : i32 to vector<16xi32>
          %parallel_loop3A_1559 = vector.broadcast %cond3A_1394 : i32 to vector<16xi32>
          %parallel_loop3A_1560 = arith.select %parallel_loop3A_1555, %parallel_loop3A_1558, %parallel_loop3A_1559 : vector<16xi1>, vector<16xi32>
          %parallel_loop3A_1561 = vector.broadcast %cond3A_1395 : i32 to vector<16xi32>
          %parallel_loop3A_1562 = arith.select %parallel_loop3A_1557, %parallel_loop3A_1560, %parallel_loop3A_1561 : vector<16xi1>, vector<16xi32>
          %parallel_loop3A_1563 = arith.addi %parallel_loop3A_1540, %parallel_loop3A_1562 : vector<16xi32>
          %parallel_loop3A_1564 = arith.mulf %gather3A_1195, %parallel_loop3A_1545 : vector<16xf32>
          %parallel_loop3A_1565 = arith.mulf %gather3A_1196, %parallel_loop3A_1546 : vector<16xf32>
          %parallel_loop3A_1566 = arith.addf %parallel_loop3A_1564, %parallel_loop3A_1565 : vector<16xf32>
          %parallel_loop3A_1567 = arith.mulf %gather3A_1197, %parallel_loop3A_1547 : vector<16xf32>
          %parallel_loop3A_1568 = arith.addf %parallel_loop3A_1566, %parallel_loop3A_1567 : vector<16xf32>
          %parallel_loop3A_1569 = arith.subf %parallel_loop3A_1548, %parallel_loop3A_1568 : vector<16xf32>
          %parallel_loop3A_1570 = arith.cmpf ole, %parallel_loop3A_1569, %mul3A_1209 : vector<16xf32>
          %parallel_loop3A_1571 = arith.cmpf ole, %parallel_loop3A_1569, %mul3A_1215 : vector<16xf32>
          %parallel_loop3A_1572 = arith.andi %parallel_loop3A_1571, %eq3A_1535 : vector<16xi1>
          %parallel_loop3A_1573 = vector.broadcast %cond3A_1393 : i32 to vector<16xi32>
          %parallel_loop3A_1574 = vector.broadcast %cond3A_1394 : i32 to vector<16xi32>
          %parallel_loop3A_1575 = arith.select %parallel_loop3A_1570, %parallel_loop3A_1573, %parallel_loop3A_1574 : vector<16xi1>, vector<16xi32>
          %parallel_loop3A_1576 = vector.broadcast %cond3A_1395 : i32 to vector<16xi32>
          %parallel_loop3A_1577 = arith.select %parallel_loop3A_1572, %parallel_loop3A_1575, %parallel_loop3A_1576 : vector<16xi1>, vector<16xi32>
          %parallel_loop3A_1578 = arith.addi %parallel_loop3A_1541, %parallel_loop3A_1577 : vector<16xi32>
          %parallel_loop3A_1579 = arith.mulf %gather3A_1261, %parallel_loop3A_1545 : vector<16xf32>
          %parallel_loop3A_1580 = arith.mulf %gather3A_1262, %parallel_loop3A_1546 : vector<16xf32>
          %parallel_loop3A_1581 = arith.addf %parallel_loop3A_1579, %parallel_loop3A_1580 : vector<16xf32>
          %parallel_loop3A_1582 = arith.mulf %gather3A_1263, %parallel_loop3A_1547 : vector<16xf32>
          %parallel_loop3A_1583 = arith.addf %parallel_loop3A_1581, %parallel_loop3A_1582 : vector<16xf32>
          %parallel_loop3A_1584 = arith.subf %parallel_loop3A_1548, %parallel_loop3A_1583 : vector<16xf32>
          %parallel_loop3A_1585 = arith.cmpf ole, %parallel_loop3A_1584, %mul3A_1275 : vector<16xf32>
          %parallel_loop3A_1586 = arith.cmpf ole, %parallel_loop3A_1584, %mul3A_1281 : vector<16xf32>
          %parallel_loop3A_1587 = arith.andi %parallel_loop3A_1586, %eq3A_1536 : vector<16xi1>
          %parallel_loop3A_1588 = vector.broadcast %cond3A_1393 : i32 to vector<16xi32>
          %parallel_loop3A_1589 = vector.broadcast %cond3A_1394 : i32 to vector<16xi32>
          %parallel_loop3A_1590 = arith.select %parallel_loop3A_1585, %parallel_loop3A_1588, %parallel_loop3A_1589 : vector<16xi1>, vector<16xi32>
          %parallel_loop3A_1591 = vector.broadcast %cond3A_1395 : i32 to vector<16xi32>
          %parallel_loop3A_1592 = arith.select %parallel_loop3A_1587, %parallel_loop3A_1590, %parallel_loop3A_1591 : vector<16xi1>, vector<16xi32>
          %parallel_loop3A_1593 = arith.addi %parallel_loop3A_1542, %parallel_loop3A_1592 : vector<16xi32>
          %parallel_loop3A_1594 = arith.mulf %gather3A_1327, %parallel_loop3A_1545 : vector<16xf32>
          %parallel_loop3A_1595 = arith.mulf %gather3A_1328, %parallel_loop3A_1546 : vector<16xf32>
          %parallel_loop3A_1596 = arith.addf %parallel_loop3A_1594, %parallel_loop3A_1595 : vector<16xf32>
          %parallel_loop3A_1597 = arith.mulf %gather3A_1329, %parallel_loop3A_1547 : vector<16xf32>
          %parallel_loop3A_1598 = arith.addf %parallel_loop3A_1596, %parallel_loop3A_1597 : vector<16xf32>
          %parallel_loop3A_1599 = arith.subf %parallel_loop3A_1548, %parallel_loop3A_1598 : vector<16xf32>
          %parallel_loop3A_1600 = arith.cmpf ole, %parallel_loop3A_1599, %mul3A_1341 : vector<16xf32>
          %parallel_loop3A_1601 = arith.cmpf ole, %parallel_loop3A_1599, %mul3A_1347 : vector<16xf32>
          %parallel_loop3A_1602 = arith.andi %parallel_loop3A_1601, %eq3A_1537 : vector<16xi1>
          %parallel_loop3A_1603 = vector.broadcast %cond3A_1393 : i32 to vector<16xi32>
          %parallel_loop3A_1604 = vector.broadcast %cond3A_1394 : i32 to vector<16xi32>
          %parallel_loop3A_1605 = arith.select %parallel_loop3A_1600, %parallel_loop3A_1603, %parallel_loop3A_1604 : vector<16xi1>, vector<16xi32>
          %parallel_loop3A_1606 = vector.broadcast %cond3A_1395 : i32 to vector<16xi32>
          %parallel_loop3A_1607 = arith.select %parallel_loop3A_1602, %parallel_loop3A_1605, %parallel_loop3A_1606 : vector<16xi1>, vector<16xi32>
          %parallel_loop3A_1608 = arith.addi %parallel_loop3A_1543, %parallel_loop3A_1607 : vector<16xi32>
          scf.yield %parallel_loop3A_1563, %parallel_loop3A_1578, %parallel_loop3A_1593, %parallel_loop3A_1608 : vector<16xi32>, vector<16xi32>, vector<16xi32>, vector<16xi32>
        } {sc.loop_unroll_factor = 2 : i64, sc.parallel_access}
        scf.yield %parallel_loop3A_1538#0, %parallel_loop3A_1538#1, %parallel_loop3A_1538#2, %parallel_loop3A_1538#3 : vector<16xi32>, vector<16xi32>, vector<16xi32>, vector<16xi32>
      }
      %while3A_1505 = arith.constant 1 : i32
      %while3A_1506:4 = scf.for %while3A_1507 = %while3A_1502 to %while3A_1498 step %while3A_1505 iter_args(%while3A_1508 = %while3A_1504#0, %while3A_1509 = %while3A_1504#1, %while3A_1510 = %while3A_1504#2, %while3A_1511 = %while3A_1504#3) -> (vector<16xi32>, vector<16xi32>, vector<16xi32>, vector<16xi32>)  : i32 {
        %broadcast_in_dim3A_1512 = vector.broadcast %while3A_1507 : i32 to vector<16xi32>
        %gather3A_1513 = tpu.vector_load_idx %arg13[%broadcast_in_dim3A_1512] : memref<16xi32, #tpu.memory_space<vmem>>[vector<16xi32>], vector<16xi32>,
        %reduce_min3A_1514 = arith.constant true
        %reduce_min3A_1515 = vector.broadcast %reduce_min3A_1514 : i1 to vector<16xi1>
        %reduce_min3A_1516 = arith.constant -2147483648 : i32
        %reduce_min3A_1517 = vector.broadcast %reduce_min3A_1516 : i32 to vector<16xi32>
        %reduce_min3A_1518 = arith.xori %gather3A_1513, %reduce_min3A_1517 : vector<16xi32>
        %reduce_min3A_1519 = tpu.scan <min>, %reduce_min3A_1518 masked %reduce_min3A_1515 : vector<16xi32>, vector<16xi1> -> vector<16xi32>
        %reduce_min3A_1520 = arith.xori %reduce_min3A_1519, %reduce_min3A_1517 : vector<16xi32>
        %reduce_min3A_1521 = vector.extract %reduce_min3A_1520[15] : i32 from vector<16xi32>
        %add3A_1522 = arith.constant 1 : i32
        %add3A_1523 = vector.broadcast %add3A_1522 : i32 to vector<16xi32>
        %add3A_1524 = arith.addi %broadcast_in_dim3A_1512, %add3A_1523 : vector<16xi32>
        %gather3A_1525 = tpu.vector_load_idx %arg13[%add3A_1524] : memref<16xi32, #tpu.memory_space<vmem>>[vector<16xi32>], vector<16xi32>,
        %reduce_max3A_1526 = arith.constant true
        %reduce_max3A_1527 = vector.broadcast %reduce_max3A_1526 : i1 to vector<16xi1>
        %reduce_max3A_1528 = arith.constant -2147483648 : i32
        %reduce_max3A_1529 = vector.broadcast %reduce_max3A_1528 : i32 to vector<16xi32>
        %reduce_max3A_1530 = arith.xori %gather3A_1525, %reduce_max3A_1529 : vector<16xi32>
        %reduce_max3A_1531 = tpu.scan <max>, %reduce_max3A_1530 masked %reduce_max3A_1527 : vector<16xi32>, vector<16xi1> -> vector<16xi32>
        %reduce_max3A_1532 = arith.xori %reduce_max3A_1531, %reduce_max3A_1529 : vector<16xi32>
        %reduce_max3A_1533 = vector.extract %reduce_max3A_1532[15] : i32 from vector<16xi32>
        %eq3A_1534 = arith.cmpi eq, %gather3A_1128, %broadcast_in_dim3A_1512 : vector<16xi32>
        %eq3A_1535 = arith.cmpi eq, %gather3A_1198, %broadcast_in_dim3A_1512 : vector<16xi32>
        %eq3A_1536 = arith.cmpi eq, %gather3A_1264, %broadcast_in_dim3A_1512 : vector<16xi32>
        %eq3A_1537 = arith.cmpi eq, %gather3A_1330, %broadcast_in_dim3A_1512 : vector<16xi32>
        %parallel_loop3A = arith.constant 1 : i32
        %parallel_loop3A_1538:4 = scf.for %parallel_loop3A_1539 = %reduce_min3A_1521 to %reduce_max3A_1533 step %parallel_loop3A iter_args(%parallel_loop3A_1540 = %while3A_1508, %parallel_loop3A_1541 = %while3A_1509, %parallel_loop3A_1542 = %while3A_1510, %parallel_loop3A_1543 = %while3A_1511) -> (vector<16xi32>, vector<16xi32>, vector<16xi32>, vector<16xi32>)  : i32 {
          %parallel_loop3A_1544 = vector.broadcast %parallel_loop3A_1539 : i32 to vector<16xi32>
          %parallel_loop3A_1545 = tpu.vector_load_idx %arg9[%parallel_loop3A_1544] : memref<8192xf32, #tpu.memory_space<vmem>>[vector<16xi32>], vector<16xf32>,
          %parallel_loop3A_1546 = tpu.vector_load_idx %arg10[%parallel_loop3A_1544] : memref<8192xf32, #tpu.memory_space<vmem>>[vector<16xi32>], vector<16xf32>,
          %parallel_loop3A_1547 = tpu.vector_load_idx %arg11[%parallel_loop3A_1544] : memref<8192xf32, #tpu.memory_space<vmem>>[vector<16xi32>], vector<16xf32>,
          %parallel_loop3A_1548 = tpu.vector_load_idx %arg14[%parallel_loop3A_1544] : memref<8192xf32, #tpu.memory_space<vmem>>[vector<16xi32>], vector<16xf32>,
          %parallel_loop3A_1549 = arith.mulf %gather3A_1125, %parallel_loop3A_1545 : vector<16xf32>
          %parallel_loop3A_1550 = arith.mulf %gather3A_1126, %parallel_loop3A_1546 : vector<16xf32>
          %parallel_loop3A_1551 = arith.addf %parallel_loop3A_1549, %parallel_loop3A_1550 : vector<16xf32>
          %parallel_loop3A_1552 = arith.mulf %gather3A_1127, %parallel_loop3A_1547 : vector<16xf32>
          %parallel_loop3A_1553 = arith.addf %parallel_loop3A_1551, %parallel_loop3A_1552 : vector<16xf32>
          %parallel_loop3A_1554 = arith.subf %parallel_loop3A_1548, %parallel_loop3A_1553 : vector<16xf32>
          %parallel_loop3A_1555 = arith.cmpf ole, %parallel_loop3A_1554, %mul3A_1139 : vector<16xf32>
          %parallel_loop3A_1556 = arith.cmpf ole, %parallel_loop3A_1554, %mul3A_1145 : vector<16xf32>
          %parallel_loop3A_1557 = arith.andi %parallel_loop3A_1556, %eq3A_1534 : vector<16xi1>
          %parallel_loop3A_1558 = vector.broadcast %cond3A_1393 : i32 to vector<16xi32>
          %parallel_loop3A_1559 = vector.broadcast %cond3A_1394 : i32 to vector<16xi32>
          %parallel_loop3A_1560 = arith.select %parallel_loop3A_1555, %parallel_loop3A_1558, %parallel_loop3A_1559 : vector<16xi1>, vector<16xi32>
          %parallel_loop3A_1561 = vector.broadcast %cond3A_1395 : i32 to vector<16xi32>
          %parallel_loop3A_1562 = arith.select %parallel_loop3A_1557, %parallel_loop3A_1560, %parallel_loop3A_1561 : vector<16xi1>, vector<16xi32>
          %parallel_loop3A_1563 = arith.addi %parallel_loop3A_1540, %parallel_loop3A_1562 : vector<16xi32>
          %parallel_loop3A_1564 = arith.mulf %gather3A_1195, %parallel_loop3A_1545 : vector<16xf32>
          %parallel_loop3A_1565 = arith.mulf %gather3A_1196, %parallel_loop3A_1546 : vector<16xf32>
          %parallel_loop3A_1566 = arith.addf %parallel_loop3A_1564, %parallel_loop3A_1565 : vector<16xf32>
          %parallel_loop3A_1567 = arith.mulf %gather3A_1197, %parallel_loop3A_1547 : vector<16xf32>
          %parallel_loop3A_1568 = arith.addf %parallel_loop3A_1566, %parallel_loop3A_1567 : vector<16xf32>
          %parallel_loop3A_1569 = arith.subf %parallel_loop3A_1548, %parallel_loop3A_1568 : vector<16xf32>
          %parallel_loop3A_1570 = arith.cmpf ole, %parallel_loop3A_1569, %mul3A_1209 : vector<16xf32>
          %parallel_loop3A_1571 = arith.cmpf ole, %parallel_loop3A_1569, %mul3A_1215 : vector<16xf32>
          %parallel_loop3A_1572 = arith.andi %parallel_loop3A_1571, %eq3A_1535 : vector<16xi1>
          %parallel_loop3A_1573 = vector.broadcast %cond3A_1393 : i32 to vector<16xi32>
          %parallel_loop3A_1574 = vector.broadcast %cond3A_1394 : i32 to vector<16xi32>
          %parallel_loop3A_1575 = arith.select %parallel_loop3A_1570, %parallel_loop3A_1573, %parallel_loop3A_1574 : vector<16xi1>, vector<16xi32>
          %parallel_loop3A_1576 = vector.broadcast %cond3A_1395 : i32 to vector<16xi32>
          %parallel_loop3A_1577 = arith.select %parallel_loop3A_1572, %parallel_loop3A_1575, %parallel_loop3A_1576 : vector<16xi1>, vector<16xi32>
          %parallel_loop3A_1578 = arith.addi %parallel_loop3A_1541, %parallel_loop3A_1577 : vector<16xi32>
          %parallel_loop3A_1579 = arith.mulf %gather3A_1261, %parallel_loop3A_1545 : vector<16xf32>
          %parallel_loop3A_1580 = arith.mulf %gather3A_1262, %parallel_loop3A_1546 : vector<16xf32>
          %parallel_loop3A_1581 = arith.addf %parallel_loop3A_1579, %parallel_loop3A_1580 : vector<16xf32>
          %parallel_loop3A_1582 = arith.mulf %gather3A_1263, %parallel_loop3A_1547 : vector<16xf32>
          %parallel_loop3A_1583 = arith.addf %parallel_loop3A_1581, %parallel_loop3A_1582 : vector<16xf32>
          %parallel_loop3A_1584 = arith.subf %parallel_loop3A_1548, %parallel_loop3A_1583 : vector<16xf32>
          %parallel_loop3A_1585 = arith.cmpf ole, %parallel_loop3A_1584, %mul3A_1275 : vector<16xf32>
          %parallel_loop3A_1586 = arith.cmpf ole, %parallel_loop3A_1584, %mul3A_1281 : vector<16xf32>
          %parallel_loop3A_1587 = arith.andi %parallel_loop3A_1586, %eq3A_1536 : vector<16xi1>
          %parallel_loop3A_1588 = vector.broadcast %cond3A_1393 : i32 to vector<16xi32>
          %parallel_loop3A_1589 = vector.broadcast %cond3A_1394 : i32 to vector<16xi32>
          %parallel_loop3A_1590 = arith.select %parallel_loop3A_1585, %parallel_loop3A_1588, %parallel_loop3A_1589 : vector<16xi1>, vector<16xi32>
          %parallel_loop3A_1591 = vector.broadcast %cond3A_1395 : i32 to vector<16xi32>
          %parallel_loop3A_1592 = arith.select %parallel_loop3A_1587, %parallel_loop3A_1590, %parallel_loop3A_1591 : vector<16xi1>, vector<16xi32>
          %parallel_loop3A_1593 = arith.addi %parallel_loop3A_1542, %parallel_loop3A_1592 : vector<16xi32>
          %parallel_loop3A_1594 = arith.mulf %gather3A_1327, %parallel_loop3A_1545 : vector<16xf32>
          %parallel_loop3A_1595 = arith.mulf %gather3A_1328, %parallel_loop3A_1546 : vector<16xf32>
          %parallel_loop3A_1596 = arith.addf %parallel_loop3A_1594, %parallel_loop3A_1595 : vector<16xf32>
          %parallel_loop3A_1597 = arith.mulf %gather3A_1329, %parallel_loop3A_1547 : vector<16xf32>
          %parallel_loop3A_1598 = arith.addf %parallel_loop3A_1596, %parallel_loop3A_1597 : vector<16xf32>
          %parallel_loop3A_1599 = arith.subf %parallel_loop3A_1548, %parallel_loop3A_1598 : vector<16xf32>
          %parallel_loop3A_1600 = arith.cmpf ole, %parallel_loop3A_1599, %mul3A_1341 : vector<16xf32>
          %parallel_loop3A_1601 = arith.cmpf ole, %parallel_loop3A_1599, %mul3A_1347 : vector<16xf32>
          %parallel_loop3A_1602 = arith.andi %parallel_loop3A_1601, %eq3A_1537 : vector<16xi1>
          %parallel_loop3A_1603 = vector.broadcast %cond3A_1393 : i32 to vector<16xi32>
          %parallel_loop3A_1604 = vector.broadcast %cond3A_1394 : i32 to vector<16xi32>
          %parallel_loop3A_1605 = arith.select %parallel_loop3A_1600, %parallel_loop3A_1603, %parallel_loop3A_1604 : vector<16xi1>, vector<16xi32>
          %parallel_loop3A_1606 = vector.broadcast %cond3A_1395 : i32 to vector<16xi32>
          %parallel_loop3A_1607 = arith.select %parallel_loop3A_1602, %parallel_loop3A_1605, %parallel_loop3A_1606 : vector<16xi1>, vector<16xi32>
          %parallel_loop3A_1608 = arith.addi %parallel_loop3A_1543, %parallel_loop3A_1607 : vector<16xi32>
          scf.yield %parallel_loop3A_1563, %parallel_loop3A_1578, %parallel_loop3A_1593, %parallel_loop3A_1608 : vector<16xi32>, vector<16xi32>, vector<16xi32>, vector<16xi32>
        } {sc.loop_unroll_factor = 2 : i64, sc.parallel_access}
        scf.yield %parallel_loop3A_1538#0, %parallel_loop3A_1538#1, %parallel_loop3A_1538#2, %parallel_loop3A_1538#3 : vector<16xi32>, vector<16xi32>, vector<16xi32>, vector<16xi32>
      }
      scf.yield %while3A_1506#0, %while3A_1506#1, %while3A_1506#2, %while3A_1506#3 : vector<16xi32>, vector<16xi32>, vector<16xi32>, vector<16xi32>
    }
    %shift_right_arithmetic3A_1400 = arith.constant 16 : i32
    %shift_right_arithmetic3A_1401 = vector.broadcast %shift_right_arithmetic3A_1400 : i32 to vector<16xi32>
    %shift_right_arithmetic3A_1402 = arith.shrsi %cond3A_1399#0, %shift_right_arithmetic3A_1401 : vector<16xi32>
    %convert_element_type3A_1403 = arith.sitofp %shift_right_arithmetic3A_1402 : vector<16xi32> to vector<16xf32>
    %and3A_1404 = arith.constant 65535 : i32
    %and3A_1405 = vector.broadcast %and3A_1404 : i32 to vector<16xi32>
    %and3A_1406 = arith.andi %cond3A_1399#0, %and3A_1405 : vector<16xi32>
    %convert_element_type3A_1407 = arith.sitofp %and3A_1406 : vector<16xi32> to vector<16xf32>
    %min3A_1408 = arith.constant 3.200000e+01 : f32
    %min3A_1409 = vector.broadcast %min3A_1408 : f32 to vector<16xf32>
    %min3A_1410 = arith.minimumf %convert_element_type3A_1403, %min3A_1409 : vector<16xf32>
    %mul3A_1411 = arith.constant 3.125000e-02 : f32
    %mul3A_1412 = vector.broadcast %mul3A_1411 : f32 to vector<16xf32>
    %mul3A_1413 = arith.mulf %min3A_1410, %mul3A_1412 : vector<16xf32>
    %swap3A_1414 = arith.constant 192 : index
    %swap3A_1415 = tpu.vector_load %arg15[%swap3A_1414] {strides = array<i32>} : memref<256xf32, #tpu.memory_space<vmem>>, vector<16xf32>,
    tpu.vector_store %arg15[%swap3A_1414], %mul3A_1413 {strides = array<i32>} : memref<256xf32, #tpu.memory_space<vmem>>, vector<16xf32>,
    %min3A_1416 = arith.constant 6.400000e+01 : f32
    %min3A_1417 = vector.broadcast %min3A_1416 : f32 to vector<16xf32>
    %min3A_1418 = arith.minimumf %convert_element_type3A_1407, %min3A_1417 : vector<16xf32>
    %mul3A_1419 = arith.constant 1.562500e-02 : f32
    %mul3A_1420 = vector.broadcast %mul3A_1419 : f32 to vector<16xf32>
    %mul3A_1421 = arith.mulf %min3A_1418, %mul3A_1420 : vector<16xf32>
    %swap3A_1422 = arith.constant 192 : index
    %swap3A_1423 = tpu.vector_load %arg16[%swap3A_1422] {strides = array<i32>} : memref<256xf32, #tpu.memory_space<vmem>>, vector<16xf32>,
    tpu.vector_store %arg16[%swap3A_1422], %mul3A_1421 {strides = array<i32>} : memref<256xf32, #tpu.memory_space<vmem>>, vector<16xf32>,
    %shift_right_arithmetic3A_1424 = arith.constant 16 : i32
    %shift_right_arithmetic3A_1425 = vector.broadcast %shift_right_arithmetic3A_1424 : i32 to vector<16xi32>
    %shift_right_arithmetic3A_1426 = arith.shrsi %cond3A_1399#1, %shift_right_arithmetic3A_1425 : vector<16xi32>
    %convert_element_type3A_1427 = arith.sitofp %shift_right_arithmetic3A_1426 : vector<16xi32> to vector<16xf32>
    %and3A_1428 = arith.constant 65535 : i32
    %and3A_1429 = vector.broadcast %and3A_1428 : i32 to vector<16xi32>
    %and3A_1430 = arith.andi %cond3A_1399#1, %and3A_1429 : vector<16xi32>
    %convert_element_type3A_1431 = arith.sitofp %and3A_1430 : vector<16xi32> to vector<16xf32>
    %min3A_1432 = arith.constant 3.200000e+01 : f32
    %min3A_1433 = vector.broadcast %min3A_1432 : f32 to vector<16xf32>
    %min3A_1434 = arith.minimumf %convert_element_type3A_1427, %min3A_1433 : vector<16xf32>
    %mul3A_1435 = arith.constant 3.125000e-02 : f32
    %mul3A_1436 = vector.broadcast %mul3A_1435 : f32 to vector<16xf32>
    %mul3A_1437 = arith.mulf %min3A_1434, %mul3A_1436 : vector<16xf32>
    %swap3A_1438 = arith.constant 208 : index
    %swap3A_1439 = tpu.vector_load %arg15[%swap3A_1438] {strides = array<i32>} : memref<256xf32, #tpu.memory_space<vmem>>, vector<16xf32>,
    tpu.vector_store %arg15[%swap3A_1438], %mul3A_1437 {strides = array<i32>} : memref<256xf32, #tpu.memory_space<vmem>>, vector<16xf32>,
    %min3A_1440 = arith.constant 6.400000e+01 : f32
    %min3A_1441 = vector.broadcast %min3A_1440 : f32 to vector<16xf32>
    %min3A_1442 = arith.minimumf %convert_element_type3A_1431, %min3A_1441 : vector<16xf32>
    %mul3A_1443 = arith.constant 1.562500e-02 : f32
    %mul3A_1444 = vector.broadcast %mul3A_1443 : f32 to vector<16xf32>
    %mul3A_1445 = arith.mulf %min3A_1442, %mul3A_1444 : vector<16xf32>
    %swap3A_1446 = arith.constant 208 : index
    %swap3A_1447 = tpu.vector_load %arg16[%swap3A_1446] {strides = array<i32>} : memref<256xf32, #tpu.memory_space<vmem>>, vector<16xf32>,
    tpu.vector_store %arg16[%swap3A_1446], %mul3A_1445 {strides = array<i32>} : memref<256xf32, #tpu.memory_space<vmem>>, vector<16xf32>,
    %shift_right_arithmetic3A_1448 = arith.constant 16 : i32
    %shift_right_arithmetic3A_1449 = vector.broadcast %shift_right_arithmetic3A_1448 : i32 to vector<16xi32>
    %shift_right_arithmetic3A_1450 = arith.shrsi %cond3A_1399#2, %shift_right_arithmetic3A_1449 : vector<16xi32>
    %convert_element_type3A_1451 = arith.sitofp %shift_right_arithmetic3A_1450 : vector<16xi32> to vector<16xf32>
    %and3A_1452 = arith.constant 65535 : i32
    %and3A_1453 = vector.broadcast %and3A_1452 : i32 to vector<16xi32>
    %and3A_1454 = arith.andi %cond3A_1399#2, %and3A_1453 : vector<16xi32>
    %convert_element_type3A_1455 = arith.sitofp %and3A_1454 : vector<16xi32> to vector<16xf32>
    %min3A_1456 = arith.constant 3.200000e+01 : f32
    %min3A_1457 = vector.broadcast %min3A_1456 : f32 to vector<16xf32>
    %min3A_1458 = arith.minimumf %convert_element_type3A_1451, %min3A_1457 : vector<16xf32>
    %mul3A_1459 = arith.constant 3.125000e-02 : f32
    %mul3A_1460 = vector.broadcast %mul3A_1459 : f32 to vector<16xf32>
    %mul3A_1461 = arith.mulf %min3A_1458, %mul3A_1460 : vector<16xf32>
    %swap3A_1462 = arith.constant 224 : index
    %swap3A_1463 = tpu.vector_load %arg15[%swap3A_1462] {strides = array<i32>} : memref<256xf32, #tpu.memory_space<vmem>>, vector<16xf32>,
    tpu.vector_store %arg15[%swap3A_1462], %mul3A_1461 {strides = array<i32>} : memref<256xf32, #tpu.memory_space<vmem>>, vector<16xf32>,
    %min3A_1464 = arith.constant 6.400000e+01 : f32
    %min3A_1465 = vector.broadcast %min3A_1464 : f32 to vector<16xf32>
    %min3A_1466 = arith.minimumf %convert_element_type3A_1455, %min3A_1465 : vector<16xf32>
    %mul3A_1467 = arith.constant 1.562500e-02 : f32
    %mul3A_1468 = vector.broadcast %mul3A_1467 : f32 to vector<16xf32>
    %mul3A_1469 = arith.mulf %min3A_1466, %mul3A_1468 : vector<16xf32>
    %swap3A_1470 = arith.constant 224 : index
    %swap3A_1471 = tpu.vector_load %arg16[%swap3A_1470] {strides = array<i32>} : memref<256xf32, #tpu.memory_space<vmem>>, vector<16xf32>,
    tpu.vector_store %arg16[%swap3A_1470], %mul3A_1469 {strides = array<i32>} : memref<256xf32, #tpu.memory_space<vmem>>, vector<16xf32>,
    %shift_right_arithmetic3A_1472 = arith.constant 16 : i32
    %shift_right_arithmetic3A_1473 = vector.broadcast %shift_right_arithmetic3A_1472 : i32 to vector<16xi32>
    %shift_right_arithmetic3A_1474 = arith.shrsi %cond3A_1399#3, %shift_right_arithmetic3A_1473 : vector<16xi32>
    %convert_element_type3A_1475 = arith.sitofp %shift_right_arithmetic3A_1474 : vector<16xi32> to vector<16xf32>
    %and3A_1476 = arith.constant 65535 : i32
    %and3A_1477 = vector.broadcast %and3A_1476 : i32 to vector<16xi32>
    %and3A_1478 = arith.andi %cond3A_1399#3, %and3A_1477 : vector<16xi32>
    %convert_element_type3A_1479 = arith.sitofp %and3A_1478 : vector<16xi32> to vector<16xf32>
    %min3A_1480 = arith.constant 3.200000e+01 : f32
    %min3A_1481 = vector.broadcast %min3A_1480 : f32 to vector<16xf32>
    %min3A_1482 = arith.minimumf %convert_element_type3A_1475, %min3A_1481 : vector<16xf32>
    %mul3A_1483 = arith.constant 3.125000e-02 : f32
    %mul3A_1484 = vector.broadcast %mul3A_1483 : f32 to vector<16xf32>
    %mul3A_1485 = arith.mulf %min3A_1482, %mul3A_1484 : vector<16xf32>
    %swap3A_1486 = arith.constant 240 : index
    %swap3A_1487 = tpu.vector_load %arg15[%swap3A_1486] {strides = array<i32>} : memref<256xf32, #tpu.memory_space<vmem>>, vector<16xf32>,
    tpu.vector_store %arg15[%swap3A_1486], %mul3A_1485 {strides = array<i32>} : memref<256xf32, #tpu.memory_space<vmem>>, vector<16xf32>,
    %min3A_1488 = arith.constant 6.400000e+01 : f32
    %min3A_1489 = vector.broadcast %min3A_1488 : f32 to vector<16xf32>
    %min3A_1490 = arith.minimumf %convert_element_type3A_1479, %min3A_1489 : vector<16xf32>
    %mul3A_1491 = arith.constant 1.562500e-02 : f32
    %mul3A_1492 = vector.broadcast %mul3A_1491 : f32 to vector<16xf32>
    %mul3A_1493 = arith.mulf %min3A_1490, %mul3A_1492 : vector<16xf32>
    %swap3A_1494 = arith.constant 240 : index
    %swap3A_1495 = tpu.vector_load %arg16[%swap3A_1494] {strides = array<i32>} : memref<256xf32, #tpu.memory_space<vmem>>, vector<16xf32>,
    tpu.vector_store %arg16[%swap3A_1494], %mul3A_1493 {strides = array<i32>} : memref<256xf32, #tpu.memory_space<vmem>>, vector<16xf32>,
    "tpu.region"() ({
      %run_scoped3A = tpu.sem_alloc : memref<!tpu.dma_semaphore, #tpu.memory_space<semaphore_mem>>
      %dma_start3A = tpu.memref_slice %arg7[%mul3A_2] : memref<8192xf32, #tpu.memory_space<hbm>> -> memref<256xf32, #tpu.memory_space<hbm>>
      %dma_start3A_1496 = tpu.memref_slice %arg7[%mul3A_2] : memref<8192xf32, #tpu.memory_space<hbm>> -> memref<256xf32, #tpu.memory_space<hbm>>
      tpu.enqueue_dma source(%arg15 : memref<256xf32, #tpu.memory_space<vmem>>) target(%dma_start3A_1496 : memref<256xf32, #tpu.memory_space<hbm>>) target_semaphore(%run_scoped3A : memref<!tpu.dma_semaphore, #tpu.memory_space<semaphore_mem>>)
      %dma_wait3A = tpu.memref_slice %arg7[%mul3A_2] : memref<8192xf32, #tpu.memory_space<hbm>> -> memref<256xf32, #tpu.memory_space<hbm>>
      %dma_wait3A_1497 = tpu.memref_slice %arg7[%mul3A_2] : memref<8192xf32, #tpu.memory_space<hbm>> -> memref<256xf32, #tpu.memory_space<hbm>>
      tpu.wait_dma2 semaphore(%run_scoped3A : memref<!tpu.dma_semaphore, #tpu.memory_space<semaphore_mem>>) src(%arg15 : memref<256xf32, #tpu.memory_space<vmem>>) dst(%dma_wait3A_1497 : memref<256xf32, #tpu.memory_space<hbm>>)
      tpu.yield
    }) : () -> ()
    "tpu.region"() ({
      %run_scoped3A = tpu.sem_alloc : memref<!tpu.dma_semaphore, #tpu.memory_space<semaphore_mem>>
      %dma_start3A = tpu.memref_slice %arg8[%mul3A_2] : memref<8192xf32, #tpu.memory_space<hbm>> -> memref<256xf32, #tpu.memory_space<hbm>>
      %dma_start3A_1496 = tpu.memref_slice %arg8[%mul3A_2] : memref<8192xf32, #tpu.memory_space<hbm>> -> memref<256xf32, #tpu.memory_space<hbm>>
      tpu.enqueue_dma source(%arg16 : memref<256xf32, #tpu.memory_space<vmem>>) target(%dma_start3A_1496 : memref<256xf32, #tpu.memory_space<hbm>>) target_semaphore(%run_scoped3A : memref<!tpu.dma_semaphore, #tpu.memory_space<semaphore_mem>>)
      %dma_wait3A = tpu.memref_slice %arg8[%mul3A_2] : memref<8192xf32, #tpu.memory_space<hbm>> -> memref<256xf32, #tpu.memory_space<hbm>>
      %dma_wait3A_1497 = tpu.memref_slice %arg8[%mul3A_2] : memref<8192xf32, #tpu.memory_space<hbm>> -> memref<256xf32, #tpu.memory_space<hbm>>
      tpu.wait_dma2 semaphore(%run_scoped3A : memref<!tpu.dma_semaphore, #tpu.memory_space<semaphore_mem>>) src(%arg16 : memref<256xf32, #tpu.memory_space<vmem>>) dst(%dma_wait3A_1497 : memref<256xf32, #tpu.memory_space<hbm>>)
      tpu.yield
    }) : () -> ()
    return
  }
}

</mosaic_0001>

<sc_bundles>
// kernel: kernel.3.cloned.1.call-start
scs
__scs_entry_jumppad:
0x0: {  	(pc) =	sbr.rel $0x88, $3  }
0x1: {  	(tag) =	ssettag $0x0;
	lr =	simm.s32 $0x1  }
0x2: {  	[smem:$0x3F9E] =	sst lr;
	_ =	strace $0xD0000000  }
0x3: {  	_ = 	snop  }
0x4: {  	_ = 	snop  }
0x5: {  	_ = 	snop  }
0x6: {  	_ = 	snop  }
0x7: {  	_ = 	snop  }
__scs_overlays_trampoline_lowered:
0x8: {  	[smem:$0x3FAD] =	sst s0  }
0x9: {  	[smem:$0x3FAE] =	sst s1  }
0xa: {  	[smem:$0x3FAF] =	sst s2  }
0xb: {  	[smem:$0x3FB0] =	sst s3  }
0xc: {  	[smem:$0x3FB1] =	sst s4  }
0xd: {  	[smem:$0x3FB2] =	sst s5  }
0xe: {  	[smem:$0x3FB3] =	sst s6  }
0xf: {  	[smem:$0x3FB4] =	sst s7  }
0x10: {  	[smem:$0x3FB5] =	sst s8  }
0x11: {  	[smem:$0x3FB6] =	sst s9;
	s0 =	simm.s32 @!p0 $0x0  }
0x12: {  	s1 =	sld [smem:$0x3F9C];
	s0 =	simm.s32 @p0 $0x1  }
0x13: {  	[smem:$0x3FB7] =	sst s0;
	s0 =	simm.s32 @!p1 $0x0  }
0x14: {  	s2 =	sld [smem:$0x3F9B];
	s0 =	simm.s32 @p1 $0x1  }
0x15: {  	[smem:$0x3FB8] =	sst s0;
	s0 =	simm.s32 @!p2 $0x0  }
0x16: {  	s3 =	sld [smem:$0x3FDB];
	s0 =	simm.s32 @p2 $0x1  }
0x17: {  	s4 =	simm.s32 $0x1BF5;
	[smem:$0x3FBA] =	sst s0  }
0x18: {  	s0 =	sld [smem:$0x3F9D];
	_ =	swait.ge [sflag:s4], $0x0  }
0x19: {  	s7 =	sld [smem:$0x3F9E]  }
0x1a: {  	s8 =	sadd.s32 $0xFFFFE003, lr  }
0x1b: {  	s9 =	sadd.s32 $0xFFFFFEF7, lr;
	s5 =	simm.s32 $0xFFFFFFFF;
	p2 =	slt.u32 s8, $0xFFFFF086  }
0x1c: {  	p1 =	slt.u32 s9, $0xF7A;
	s5 =	simm.s32 @!p2 $0x0  }
0x1d: {  	s5 =	simm.s32 @p1 $0x1;
	p0 =	seq.s32 s7, s2  }
0x1e: {  	s7 =	smul.u32 @!p0 $0xF7A, s2;
	p2 =	seq.s32 @!p0 s5, $0x0  }
0x1f: {  	s9 =	smul.u32 $0xF7A, s1;
	s8 =	simm.s32 @!p0 $0x1BF5;
	p2 =	por !p2, p0  }
0x20: {  	[sflag:s8] =	ssyncset.s32 @!p0 $0xFFFFF086;
	s6 =	sadd.s32 @!p0 s3, s7;
	s7 =	simm.s32 @!p0 $0x108  }
0x21: {  	s3 =	sadd.s32 s3, s9;
	s6 =	sadd.s32 @!p0 $0x88, s6;
	s7 =	simm.s32 @p2 $0x1082  }
0x22: {  	[simem:s7], [sflag:s8] =	dma.local @!p0 [hbm:s6], $0xF7A  }
0x23: {  	s9 =	sor.u32 $0xD0000000, s2;
	s6 =	simm.s32 $0x108;
	_ =	swait.ge @!p0 [sflag:s8], $0x0  }
0x24: {  	s3 =	sadd.s32 $0x88, s3;
	s6 =	simm.s32 @!p1 $0x1082;
	[sflag:s4] =	ssyncset.s32 $0xFFFFF086  }
0x25: {  	[simem:s6], [sflag:s4] =	dma.local [hbm:s3], $0xF7A  }
0x26: {  	[smem:$0x3F9E] =	sst s1;
	(tag) =	ssettag s2;
	_ =	strace s9  }
0x27: {  	s1 =	sld [smem:$0x3FAE]  }
0x28: {  	s2 =	sld [smem:$0x3FAF]  }
0x29: {  	s4 =	sld [smem:$0x3FB1]  }
0x2a: {  	p0 =	seq.s32 s5, $0x0;
	s5 =	sld [smem:$0x3FB2]  }
0x2b: {  	s6 =	sld [smem:$0x3FB3]  }
0x2c: {  	s7 =	sld [smem:$0x3FB4]  }
0x2d: {  	s3 =	simm.s32 $0x108;
	s8 =	sld [smem:$0x3FB5]  }
0x2e: {  	s3 =	simm.s32 @!p0 $0x1082;
	s9 =	sld [smem:$0x3FB6]  }
0x2f: {  	lr =	sadd.s32 s0, s3;
	s0 =	sld [smem:$0x3FAD]  }
0x30: {  	s3 =	sld [smem:$0x3FB0]  }
0x31: {  	[smem:$0x3FB9] =	sst s10  }
0x32: {  	s10 =	sld [smem:$0x3FB7];
	_ =	sdelay $0x3  }
0x33: {  	p0 =	seq.s32 s10, $0x1;
	s10 =	sld [smem:$0x3FB9];
	_ =	sdelay $0x3  }
0x34: {  	[smem:$0x3FB9] =	sst s10  }
0x35: {  	s10 =	sld [smem:$0x3FB8];
	_ =	sdelay $0x3  }
0x36: {  	p1 =	seq.s32 s10, $0x1;
	s10 =	sld [smem:$0x3FB9];
	_ =	sdelay $0x3  }
0x37: {  	[smem:$0x3FB9] =	sst s10  }
0x38: {  	s10 =	sld [smem:$0x3FBA]  }
0x39: {  	_ = 	snop;
	(pc) =	sbr.ind lr, $3  }
0x3a: {  	_ = 	snop  }
0x3b: {  	_ = 	snop  }
0x3c: {  	p2 =	seq.s32 s10, $0x1;
	s10 =	sld [smem:$0x3FB9]  }
0x3d: {  	_ =	shalt  }
0x3e: {  	_ =	shalt  }
0x3f: {  	_ =	shalt  }
0x40: {  	_ =	shalt  }
0x41: {  	_ =	shalt  }
0x42: {  	_ =	shalt  }
0x43: {  	_ =	shalt  }
0x44: {  	_ =	shalt  }
0x45: {  	_ =	shalt  }
0x46: {  	_ =	shalt  }
0x47: {  	_ =	shalt  }
0x48: {  	_ =	shalt  }
0x49: {  	_ =	shalt  }
0x4a: {  	_ =	shalt  }
0x4b: {  	_ =	shalt  }
0x4c: {  	_ =	shalt  }
0x4d: {  	_ =	shalt  }
0x4e: {  	_ =	shalt  }
0x4f: {  	_ =	shalt  }
0x50: {  	_ =	shalt  }
0x51: {  	_ =	shalt  }
0x52: {  	_ =	shalt  }
0x53: {  	_ =	shalt  }
0x54: {  	_ =	shalt  }
0x55: {  	_ =	shalt  }
0x56: {  	_ =	shalt  }
0x57: {  	_ =	shalt  }
0x58: {  	_ =	shalt  }
0x59: {  	_ =	shalt  }
0x5a: {  	_ =	shalt  }
0x5b: {  	_ =	shalt  }
0x5c: {  	_ =	shalt  }
0x5d: {  	_ =	shalt  }
0x5e: {  	_ =	shalt  }
0x5f: {  	_ =	shalt  }
0x60: {  	_ =	shalt  }
0x61: {  	_ =	shalt  }
0x62: {  	_ =	shalt  }
0x63: {  	_ =	shalt  }
0x64: {  	_ =	shalt  }
0x65: {  	_ =	shalt  }
0x66: {  	_ =	shalt  }
0x67: {  	_ =	shalt  }
0x68: {  	_ =	shalt  }
0x69: {  	_ =	shalt  }
0x6a: {  	_ =	shalt  }
0x6b: {  	_ =	shalt  }
0x6c: {  	_ =	shalt  }
0x6d: {  	_ =	shalt  }
0x6e: {  	_ =	shalt  }
0x6f: {  	_ =	shalt  }
0x70: {  	_ =	shalt  }
0x71: {  	_ =	shalt  }
0x72: {  	_ =	shalt  }
0x73: {  	_ =	shalt  }
0x74: {  	_ =	shalt  }
0x75: {  	_ =	shalt  }
0x76: {  	_ =	shalt  }
0x77: {  	_ =	shalt  }
0x78: {  	_ =	shalt  }
0x79: {  	_ =	shalt  }
0x7a: {  	_ =	shalt  }
0x7b: {  	_ =	shalt  }
0x7c: {  	_ =	shalt  }
0x7d: {  	_ =	shalt  }
0x7e: {  	_ =	shalt  }
0x7f: {  	_ =	shalt  }
0x80: {  	_ =	shalt  }
0x81: {  	_ =	shalt  }
0x82: {  	_ =	shalt  }
0x83: {  	_ =	shalt  }
0x84: {  	_ =	shalt  }
0x85: {  	_ =	shalt  }
0x86: {  	_ =	shalt  }
0x87: {  	_ =	shalt  }
.Lfunc_end0:
.L_simem_size_0:
called_computation_lowered:
.L_overlay_start_0:
0x88: {  	s2 =	sld [smem:$0x3FD9]  }
0x89: {  	s3 =	sld [smem:$0x3FFE];
	_ =	sdelay $0x1  }
0x8a: {  	s1 =	srdreg.scid  }
0x8b: {  	s0 =	sand.u32 $0x1, s1  }
0x8c: {  	s14 =	sshll.u32 s0, $0xA;
	s2 =	sadd.s32 s3, s2  }
0x8d: {  	s2 =	sadd.s32 s2, s14  }
0x8e: {  	[smem:$0x3FC5] =	sst s2  }
0x8f: {  	_ = 	snop  }
0x90: {  	s2 =	sld [smem:$0x3FD0];
	_ =	sdelay $0x2  }
0x91: {  	s4 =	simm.s32 $0xA;
	s5 =	simm.s32 $0x10;
	s15 =	sld [smem:$0x3FC7]  }
0x92: {  	[smem:s5], [sflag:s4] =	dma.local [hbm:s2], $0x1  }
0x93: {  	_ =	swait.eq [sflag:s4], $0x1  }
0x94: {  	s16 =	sld [smem:$0x10];
	[sflag:s4] =	ssyncset.done $0x0  }
0x95: {  	s17 =	sld [smem:$0x11];
	[sflag:s4] =	ssyncadd.s32 $0xFFFFFFFF  }
0x96: {  	s18 =	sld [smem:$0x12];
	(tm) =	ssettm $0x1  }
0x97: {  	s6 =	sld [smem:$0x3FFB];
	_ =	sdelay $0x3  }
0x98: {  	_ =	strace s6  }
0x99: {  	s6 =	sld [smem:$0x3FFC];
	_ =	sdelay $0x3  }
0x9a: {  	_ =	strace s6  }
0x9b: {  	s6 =	sld [smem:$0x3FFD];
	_ =	sdelay $0x3  }
0x9c: {  	_ =	strace s6  }
0x9d: {  	_ =	strace $0x8FFFFFFF  }
0x9e: {  	s19 =	sld [smem:$0x3FDB];
	_ =	sdelay $0x1  }
0x9f: {  	s7 =	simm.s32 $_scs_section_size  }
0xa0: {  	s8 =	simm.s32 $_size__tile_overlayer_lowered;
	s9 =	simm.s32 $_tile_overlayer_lowered  }
0xa1: {  	s22 =	simm.s32 $0x1BFF;
	s21 =	sshll.u32 s9, $0x1;
	s6 =	sadd.s32 s7, s19  }
0xa2: {  	s10 =	simm.s32 $0x0;
	s20 =	sshll.u32 s8, $0x1;
	s8 =	sadd.s32 s21, s6  }
0xa3: {  	[timem:s10], [sflag:s22] =	dma.local [hbm:s8], s20  }
0xa4: {  	_ =	swait.ge [sflag:s22], s20  }
0xa5: {  	s7 =	ssub.s32 $0x0, s20;
	[sflag:s22] =	ssyncset.done $0x0  }
0xa6: {  	[sflag:s22] =	ssyncadd.s32 s7;
	_ =	sdelay $0x1  }
0xa7: {  	s23 =	simm.s32 $0x1B8B  }
0xa8: {  	_ =	swait.ge [sflag:s23], $0x1  }
0xa9: {  	[sflag:s23] =	ssyncset.done $0x0  }
0xaa: {  	s25 =	simm.s32 $0x1B8E;
	s24 =	sld [smem:$0x3FFE];
	[sflag:s23] =	ssyncadd.s32 $0xFFFFFFFF  }
0xab: {  	s26 =	simm.s32 $execute0_lowered;
	[smem:$0x3FD2] =	sst s25  }
0xac: {  	s8 =	sshll.u32 s26, $0x1;
	_ =	strace $0x80000046;
	[dreg:$0x1] =	wrdreg $0xFFFFFFFF  }
0xad: {  	s28 =	simm.s32 $_size_execute0_lowered;
	s6 =	sadd.s32 s6, s8;
	[dreg:$0x0] =	wrdreg $0x0  }
0xae: {  	s8 =	sshll.u32 s28, $0x1;
	[dreg:$0x2] =	wrdreg s6  }
0xaf: {  	[dreg:$0x3] =	wrdreg s8  }
0xb0: {  	[dreg:$0x4] =	wrdreg $0xC0  }
0xb1: {  	_ =	task [dreg:s10], $0x5FFFF  }
0xb2: {  	[dreg:$0x1] =	wrdreg $0xFFFFFFFF  }
0xb3: {  	[dreg:$0x0] =	wrdreg $0x60  }
0xb4: {  	[dreg:$0x2] =	wrdreg s16  }
0xb5: {  	[dreg:$0x3] =	wrdreg s17  }
0xb6: {  	[dreg:$0x4] =	wrdreg s18  }
0xb7: {  	[dreg:$0x5] =	wrdreg s15  }
0xb8: {  	[dreg:$0x6] =	wrdreg s24  }
0xb9: {  	[dreg:$0x7] =	wrdreg $0x9  }
0xba: {  	_ =	task.clear_ibuf [dreg:s10], $0x8FFFF;
	_ =	strace $0x90000046  }
0xbb: {  	s29 =	simm.s32 $0x9;
	_ =	strace $0x80000048  }
0xbc: {  	_ =	swait.ge [sflag:s29], $0x1  }
0xbd: {  	[sflag:s29] =	ssyncadd.s32 $0xFFFFFFFF  }
0xbe: {  	_ =	strace $0x90000048  }
0xbf: {  	_ =	sfence  }
0xc0: {  	s30 =	sld [smem:$0x0];
	_ =	sdelay $0x2  }
0xc1: {  	s31 =	sshll.u32 s1, $0xD;
	s1 =	sshrl.u32 s1, $0x2  }
0xc2: {  	s3 =	sand.u32 $0x4000, s31;
	s1 =	sadd.s32 s1, s30  }
0xc3: {  	s0 =	sor.u32 s3, s0;
	s1 =	sshll.u32 s1, $0x11  }
0xc4: {  	s0 =	sor.u32 s1, s0  }
0xc5: {  	s0 =	sadd.s32 $0x8F2B, s0  }
0xc6: {  	[sflag:s0] =	ssyncadd.remote.s32 $0x1  }
0xc7: {  	_ =	sfence.sel $0xFFFF  }
0xc8: {  	[dreg:$0x0] =	wrdreg $0xFFFFFFFF;
	(pc) =	sbr.abs _section_cstart, $3  }
0xc9: {  	[dreg:$0x1] =	wrdreg $0xFFFFFFFF  }
0xca: {  	_ =	task.clear_ibuf [dreg:s10], $0x2FFFF;
	_ =	strace $0x9FFFFFFF  }
0xcb: {  	(tm) =	ssettm $0x7FFFFFFF  }
tec
execute0_lowered:
.L_overlay_start_1:
0x0: {  	(tag) =	ssettag $0x1  }
0x1: {  	s1 =	rddreg [dreg:$0x0]  }
0x2: {  	s2 =	rddreg [dreg:$0x1]  }
0x3: {  	s3 =	rddreg [dreg:$0x2]  }
0x4: {  	s4 =	rddreg [dreg:$0x3]  }
0x5: {  	s8 =	rddreg [dreg:$0x4]  }
0x6: {  	s0 =	rddreg [dreg:$0x5];
	s7 =	srdreg.scid;
	s6 =	simm.s32 $0x0  }
0x7: {  	s5 =	stileid.u32;
	s7 =	sand.u32 $0x1, s7;
	[smem:$0x7FF] =	sst s6  }
0x8: {  	s9 =	sshll.u32 s5, $0x9;
	s10 =	sshll.u32 s7, $0x8;
	s29 =	ssub.s32 $0x2, s7  }
0x9: {  	_ =	strace $0x80000047;
	s9 =	sor.u32 s10, s9;
	s12 =	sshrl.u32 s29, $0x1  }
0xa: {  	s7 =	sadd.s32 $0xA00, s8;
	s11 =	sshrl.u32 s9, $0x3;
	s10 =	ssub.s32 s29, s12  }
0xb: {  	s30 =	sor.u32 $0x10, s9;
	s31 =	sor.u32 $0x20, s9;
	s13 =	sor.u32 $0x30, s9  }
0xc: {  	s14 =	sor.u32 $0x40, s9;
	s15 =	sor.u32 $0x50, s9;
	s16 =	sor.u32 $0x60, s9  }
0xd: {  	s17 =	sor.u32 $0x70, s9;
	s18 =	sor.u32 $0x80, s9;
	s19 =	sor.u32 $0x90, s9  }
0xe: {  	v0 =	vlaneseq.u32;
	s20 =	sor.u32 $0xA0, s9;
	s21 =	sor.u32 $0xB0, s9;
	s22 =	sor.u32 $0xC0, s9  }
0xf: {  	v17 =	vimm.s32 $0x1;
	s23 =	sor.u32 $0xD0, s9;
	v3 =	vor.u32 s9, v0;
	s24 =	sor.u32 $0xE0, s9;
	s25 =	sor.u32 $0xF0, s9  }
.Ltmp0:
0x10: {  	s12 =	simm.s32 $0x4000;
	s11 =	sadd.s32 s11, s8;
	v1 =	vor.u32 s30, v0;
	v2 =	vor.u32 s31, v0;
	v4 =	vor.u32 s13, v0;
	(pc) =	sbr.rel .LBB2_1-.Ltmp0, $4  }
0x11: {  	v5 =	vor.u32 s14, v0;
	v6 =	vor.u32 s15, v0;
	v7 =	vor.u32 s16, v0;
	s10 =	smax.u32 s10, $0x1;
	s13 =	simm.s32 $0x6000;
	s14 =	simm.s32 $0x8000  }
0x12: {  	v8 =	vor.u32 s17, v0;
	v9 =	vor.u32 s18, v0;
	v10 =	vor.u32 s19, v0;
	s15 =	simm.s32 $0x1;
	s16 =	simm.s32 $0x8010;
	s17 =	simm.s32 $0xA010  }
0x13: {  	v11 =	vor.u32 s20, v0;
	v12 =	vor.u32 s21, v0;
	v13 =	vor.u32 s22, v0;
	s18 =	simm.s32 $0x2;
	s19 =	simm.s32 $0xA110;
	s20 =	simm.s32 $0x0  }
0x14: {  	v14 =	vor.u32 s23, v0;
	v15 =	vor.u32 s24, v0;
	v16 =	vor.u32 s25, v0;
	[tilespmem:$0x1FFF0] =	vst v1;
	s8 =	sadd.s32 $0xC00, s11;
	s9 =	sadd.s32 $0x1000, s11;
	s11 =	simm.s32 $0x2000  }
.LBB2_68:
0x15: {  	v1 =	vshra.s32 v45, $0x10;
	v18 =	vand.u32 $0xFFFF, v45;
	v19 =	vshra.s32 v44, $0x10  }
0x16: {  	v20 =	vand.u32 $0xFFFF, v44;
	v21 =	vshra.s32 v43, $0x10;
	v1 =	vcvt.s32.f32 v1  }
0x17: {  	v22 =	vand.u32 $0xFFFF, v43;
	v60 =	vshra.s32 v42, $0x10;
	v18 =	vcvt.s32.f32 v18  }
0x18: {  	v62 =	vand.u32 $0xFFFF, v42;
	v19 =	vcvt.s32.f32 v19;
	v1 =	vmin.f32 v1, $3.200000000e+01  }
0x19: {  	v20 =	vcvt.s32.f32 v20;
	v18 =	vmin.f32 v18, $6.400000000e+01;
	v1 =	vmul.f32 $3.125000000e-02, v1  }
0x1a: {  	v21 =	vcvt.s32.f32 v21;
	v19 =	vmin.f32 v19, $3.200000000e+01;
	v18 =	vmul.f32 $1.562500000e-02, v18  }
0x1b: {  	v59 =	vcvt.s32.f32 v22;
	v20 =	vmin.f32 v20, $6.400000000e+01;
	v19 =	vmul.f32 $3.125000000e-02, v19;
	[tilespmem:$0xA0D0] =	vst v1  }
0x1c: {  	v61 =	vcvt.s32.f32 v60;
	v1 =	vmul.f32 $1.562500000e-02, v20;
	[tilespmem:$0xA1D0] =	vst v18;
	v18 =	vmin.f32 v21, $3.200000000e+01  }
0x1d: {  	v63 =	vcvt.s32.f32 v62;
	[tilespmem:$0xA0E0] =	vst v19;
	v19 =	vmin.f32 v59, $6.400000000e+01;
	v18 =	vmul.f32 $3.125000000e-02, v18  }
0x1e: {  	[tilespmem:$0xA1E0] =	vst v1;
	v1 =	vmul.f32 $1.562500000e-02, v19;
	v19 =	vmin.f32 v61, $3.200000000e+01  }
0x1f: {  	[tilespmem:$0xA0F0] =	vst v18;
	v18 =	vmul.f32 $3.125000000e-02, v19;
	v19 =	vmin.f32 v63, $6.400000000e+01  }
0x20: {  	[tilespmem:$0xA1F0] =	vst v1;
	v1 =	vmul.f32 $1.562500000e-02, v19  }
0x21: {  	[tilespmem:$0xA100] =	vst v18  }
0x22: {  	[tilespmem:$0xA200] =	vst v1  }
0x23: {  	[hbm4b:s8+s6] =	stream.linear.scatter [tilespmem:s17], [sflag:$0x2], $0x100, $0x38;
	[tilespmem:$0xA210] =	vst v63  }
0x24: {  	s20 =	sadd.s32 $0x1, s20;
	_ =	swait.ge [sflag:s18], $0x100  }
0x25: {  	p0 =	sne.s32 s20, s10;
	[sflag:s18] =	ssyncset.done $0x0  }
.Ltmp1:
0x26: {  	[sflag:s18] =	ssyncadd.s32 $0xFFFFFF00;
	(pc) =	sbr.rel @!p0 .LBB2_69-.Ltmp1, $4  }
0x27: {  	[hbm4b:s9+s6] =	stream.linear.scatter [tilespmem:s19], [sflag:$0x2], $0x100, $0x38;
	[tilespmem:$0xA210] =	vst v63  }
0x28: {  	_ =	swait.ge [sflag:s18], $0x100  }
0x29: {  	[sflag:s18] =	ssyncset.done $0x0  }
0x2a: {  	[sflag:s18] =	ssyncadd.s32 $0xFFFFFF00  }
.LBB2_1:
0x2b: {  	[tilespmem:s6], [sflag:$0x1] =	stream.linear.gather [hbm4b:s1+s6], $0x2000, $0x38;
	[tilespmem:$0xA210] =	vst v63  }
0x2c: {  	_ = 	snop  }
0x2d: {  	[tilespmem:s11], [sflag:$0x1] =	stream.linear.gather [hbm4b:s2+s6], $0x2000, $0x38;
	[tilespmem:$0xA210] =	vst v63  }
0x2e: {  	_ = 	snop  }
0x2f: {  	[tilespmem:s12], [sflag:$0x1] =	stream.linear.gather [hbm4b:s3+s6], $0x2000, $0x38;
	[tilespmem:$0xA210] =	vst v63  }
0x30: {  	_ = 	snop  }
0x31: {  	[tilespmem:s13], [sflag:$0x1] =	stream.linear.gather [hbm4b:s4+s6], $0x2000, $0x38;
	[tilespmem:$0xA210] =	vst v63  }
0x32: {  	_ = 	snop  }
0x33: {  	[tilespmem:s14], [sflag:$0x1] =	stream.linear.gather [hbm4b:s7+s6], $0x10, $0x38;
	[tilespmem:$0xA210] =	vst v63  }
0x34: {  	_ =	swait.ge [sflag:s15], $0x2000  }
0x35: {  	[sflag:s15] =	ssyncset.done $0x0  }
0x36: {  	[sflag:s15] =	ssyncadd.s32 $0xFFFFE000  }
0x37: {  	_ =	swait.ge [sflag:s15], $0x2000  }
0x38: {  	[sflag:s15] =	ssyncset.done $0x0  }
0x39: {  	[sflag:s15] =	ssyncadd.s32 $0xFFFFE000  }
0x3a: {  	_ =	swait.ge [sflag:s15], $0x2000  }
0x3b: {  	[sflag:s15] =	ssyncset.done $0x0  }
0x3c: {  	[sflag:s15] =	ssyncadd.s32 $0xFFFFE000  }
0x3d: {  	s21 =	simm.s32 $0x0;
	_ =	swait.ge [sflag:s15], $0x2000  }
0x3e: {  	v18 =	vor.u32 s21, v0;
	[sflag:s15] =	ssyncset.done $0x0  }
0x3f: {  	[sflag:s15] =	ssyncadd.s32 $0xFFFFE000  }
0x40: {  	_ =	swait.ge [sflag:s15], $0x10  }
0x41: {  	[sflag:s15] =	ssyncset.done $0x0  }
0x42: {  	[sflag:s15] =	ssyncadd.s32 $0xFFFFFFF0  }
0x43: {  	v19 =	vld.idx.msk [tilespmem:v18+s6+$0x0], $0xffff  }
0x44: {  	v20 =	vld.idx.msk [tilespmem:v18+s11+$0x0], $0xffff;
	_ =	sdelay $0x1  }
0x45: {  	v21 =	vld.idx.msk [tilespmem:v18+s12+$0x0], $0xffff;
	_ =	sdelay $0x2  }
0x46: {  	v19 =	vmul.f32 v19, v19;
	v20 =	vmul.f32 v20, v20;
	_ =	sdelay $0x1  }
0x47: {  	v19 =	vadd.f32 v20, v19;
	v20 =	vmul.f32 v21, v21  }
0x48: {  	s29 =	simm.s32 $0x10  }
0x49: {  	v19 =	vadd.f32 v20, v19;
	v20 =	vor.u32 s29, v0;
	_ =	sdelay $0x1  }
0x4a: {  	v19 =	vmul.f32 $5.000000000e-01, v19;
	_ =	sdelay $0x1  }
0x4b: {  	[tilespmem:v18+s16+$0x0] =	vst.idx.msk $0xffff, v19  }
0x4c: {  	v18 =	vld.idx.msk [tilespmem:v20+s6+$0x0], $0xffff  }
0x4d: {  	v19 =	vld.idx.msk [tilespmem:v20+s11+$0x0], $0xffff;
	_ =	sdelay $0x1  }
0x4e: {  	v21 =	vld.idx.msk [tilespmem:v20+s12+$0x0], $0xffff;
	_ =	sdelay $0x2  }
0x4f: {  	v18 =	vmul.f32 v18, v18;
	v19 =	vmul.f32 v19, v19;
	_ =	sdelay $0x1  }
0x50: {  	v18 =	vadd.f32 v19, v18;
	v19 =	vmul.f32 v21, v21  }
0x51: {  	s30 =	simm.s32 $0x20  }
0x52: {  	v18 =	vadd.f32 v19, v18;
	v19 =	vor.u32 s30, v0;
	_ =	sdelay $0x1  }
0x53: {  	v18 =	vmul.f32 $5.000000000e-01, v18;
	_ =	sdelay $0x1  }
0x54: {  	[tilespmem:v20+s16+$0x0] =	vst.idx.msk $0xffff, v18  }
0x55: {  	v18 =	vld.idx.msk [tilespmem:v19+s6+$0x0], $0xffff  }
0x56: {  	v20 =	vld.idx.msk [tilespmem:v19+s11+$0x0], $0xffff;
	_ =	sdelay $0x1  }
0x57: {  	v21 =	vld.idx.msk [tilespmem:v19+s12+$0x0], $0xffff;
	_ =	sdelay $0x2  }
0x58: {  	v18 =	vmul.f32 v18, v18;
	v20 =	vmul.f32 v20, v20;
	_ =	sdelay $0x1  }
0x59: {  	v18 =	vadd.f32 v20, v18;
	v20 =	vmul.f32 v21, v21  }
0x5a: {  	s31 =	simm.s32 $0x30  }
0x5b: {  	v20 =	vadd.f32 v20, v18;
	v18 =	vor.u32 s31, v0;
	_ =	sdelay $0x1  }
0x5c: {  	v20 =	vmul.f32 $5.000000000e-01, v20;
	_ =	sdelay $0x1  }
0x5d: {  	[tilespmem:v19+s16+$0x0] =	vst.idx.msk $0xffff, v20  }
0x5e: {  	v19 =	vld.idx.msk [tilespmem:v18+s6+$0x0], $0xffff  }
0x5f: {  	v20 =	vld.idx.msk [tilespmem:v18+s11+$0x0], $0xffff  }
0x60: {  	s22 =	simm.s32 $0x4;
	s23 =	simm.s32 $0x40;
	s21 =	simm.s32 $0x70;
	v21 =	vld.idx.msk [tilespmem:v18+s12+$0x0], $0xffff  }
.LBB2_2:
0x61: {  	s22 =	sadd.s32 $0x4, s22;
	v22 =	vor.u32 s23, v0  }
0x62: {  	p0 =	slt.u32 s22, $0x1FC  }
0x63: {  	v19 =	vmul.f32 v19, v19  }
0x64: {  	v20 =	vmul.f32 v20, v20  }
0x65: {  	v21 =	vmul.f32 v21, v21  }
0x66: {  	v19 =	vadd.f32 v20, v19;
	_ =	sdelay $0x1  }
0x67: {  	v19 =	vadd.f32 v21, v19;
	_ =	sdelay $0x1  }
0x68: {  	v19 =	vmul.f32 $5.000000000e-01, v19;
	_ =	sdelay $0x1  }
0x69: {  	[tilespmem:v18+s16+$0x0] =	vst.idx.msk $0xffff, v19  }
0x6a: {  	v18 =	vld.idx.msk [tilespmem:v22+s6+$0x0], $0xffff  }
0x6b: {  	v19 =	vld.idx.msk [tilespmem:v22+s11+$0x0], $0xffff;
	_ =	sdelay $0x1  }
0x6c: {  	v20 =	vld.idx.msk [tilespmem:v22+s12+$0x0], $0xffff;
	_ =	sdelay $0x3  }
0x6d: {  	v18 =	vmul.f32 v18, v18;
	v19 =	vmul.f32 v19, v19;
	_ =	sdelay $0x1  }
0x6e: {  	v18 =	vadd.f32 v19, v18;
	v19 =	vmul.f32 v20, v20  }
0x6f: {  	s23 =	sadd.s32 $0xFFFFFFE0, s21  }
0x70: {  	v18 =	vadd.f32 v19, v18;
	v19 =	vor.u32 s23, v0;
	_ =	sdelay $0x1  }
0x71: {  	v18 =	vmul.f32 $5.000000000e-01, v18;
	_ =	sdelay $0x1  }
0x72: {  	[tilespmem:v22+s16+$0x0] =	vst.idx.msk $0xffff, v18  }
0x73: {  	v18 =	vld.idx.msk [tilespmem:v19+s6+$0x0], $0xffff  }
0x74: {  	v20 =	vld.idx.msk [tilespmem:v19+s11+$0x0], $0xffff;
	_ =	sdelay $0x1  }
0x75: {  	v21 =	vld.idx.msk [tilespmem:v19+s12+$0x0], $0xffff;
	_ =	sdelay $0x3  }
0x76: {  	v18 =	vmul.f32 v18, v18;
	v20 =	vmul.f32 v20, v20;
	_ =	sdelay $0x1  }
0x77: {  	v18 =	vadd.f32 v20, v18;
	v20 =	vmul.f32 v21, v21  }
0x78: {  	s23 =	sadd.s32 $0xFFFFFFF0, s21  }
0x79: {  	v18 =	vadd.f32 v20, v18;
	v20 =	vor.u32 s23, v0;
	_ =	sdelay $0x1  }
0x7a: {  	v18 =	vmul.f32 $5.000000000e-01, v18;
	_ =	sdelay $0x1  }
0x7b: {  	[tilespmem:v19+s16+$0x0] =	vst.idx.msk $0xffff, v18  }
0x7c: {  	v18 =	vld.idx.msk [tilespmem:v20+s6+$0x0], $0xffff  }
0x7d: {  	v19 =	vld.idx.msk [tilespmem:v20+s11+$0x0], $0xffff;
	_ =	sdelay $0x1  }
0x7e: {  	v21 =	vld.idx.msk [tilespmem:v20+s12+$0x0], $0xffff;
	_ =	sdelay $0x3  }
0x7f: {  	v18 =	vmul.f32 v18, v18;
	v19 =	vmul.f32 v19, v19;
	_ =	sdelay $0x1  }
0x80: {  	v18 =	vadd.f32 v19, v18;
	v19 =	vmul.f32 v21, v21;
	_ =	sdelay $0x1  }
0x81: {  	v19 =	vadd.f32 v19, v18;
	v18 =	vor.u32 s21, v0;
	_ =	sdelay $0x1  }
0x82: {  	v19 =	vmul.f32 $5.000000000e-01, v19;
	_ =	sdelay $0x1  }
.Ltmp2:
0x83: {  	[tilespmem:v20+s16+$0x0] =	vst.idx.msk $0xffff, v19;
	(pc) =	sbr.rel @p0 .LBB2_2-.Ltmp2, $4  }
0x84: {  	v19 =	vld.idx.msk [tilespmem:v18+s6+$0x0], $0xffff  }
0x85: {  	v20 =	vld.idx.msk [tilespmem:v18+s11+$0x0], $0xffff  }
0x86: {  	s21 =	sadd.s32 $0x40, s21;
	v21 =	vld.idx.msk [tilespmem:v18+s12+$0x0], $0xffff  }
0x87: {  	s23 =	sadd.s32 $0xFFFFFFD0, s21  }
0x88: {  	_ =	sdelay $0x1  }
0x89: {  	v19 =	vmul.f32 v19, v19;
	v20 =	vmul.f32 v20, v20;
	_ =	sdelay $0x1  }
0x8a: {  	v21 =	vmul.f32 v21, v21;
	v19 =	vadd.f32 v20, v19;
	_ =	sdelay $0x1  }
0x8b: {  	v20 =	vor.u32 s23, v0;
	v19 =	vadd.f32 v21, v19;
	_ =	sdelay $0x1  }
0x8c: {  	v19 =	vmul.f32 $5.000000000e-01, v19;
	_ =	sdelay $0x1  }
0x8d: {  	[tilespmem:v18+s16+$0x0] =	vst.idx.msk $0xffff, v19  }
0x8e: {  	v18 =	vld.idx.msk [tilespmem:v20+s6+$0x0], $0xffff  }
0x8f: {  	v19 =	vld.idx.msk [tilespmem:v20+s11+$0x0], $0xffff;
	_ =	sdelay $0x1  }
0x90: {  	v21 =	vld.idx.msk [tilespmem:v20+s12+$0x0], $0xffff;
	_ =	sdelay $0x2  }
0x91: {  	v18 =	vmul.f32 v18, v18;
	v19 =	vmul.f32 v19, v19;
	_ =	sdelay $0x1  }
0x92: {  	v18 =	vadd.f32 v19, v18;
	v19 =	vmul.f32 v21, v21  }
0x93: {  	s22 =	sadd.s32 $0xFFFFFFE0, s21  }
0x94: {  	v18 =	vadd.f32 v19, v18;
	v19 =	vor.u32 s22, v0;
	_ =	sdelay $0x1  }
0x95: {  	v18 =	vmul.f32 $5.000000000e-01, v18;
	_ =	sdelay $0x1  }
0x96: {  	[tilespmem:v20+s16+$0x0] =	vst.idx.msk $0xffff, v18  }
0x97: {  	v18 =	vld.idx.msk [tilespmem:v19+s6+$0x0], $0xffff  }
0x98: {  	v20 =	vld.idx.msk [tilespmem:v19+s11+$0x0], $0xffff;
	_ =	sdelay $0x1  }
0x99: {  	v21 =	vld.idx.msk [tilespmem:v19+s12+$0x0], $0xffff;
	_ =	sdelay $0x2  }
0x9a: {  	v18 =	vmul.f32 v18, v18;
	v20 =	vmul.f32 v20, v20;
	_ =	sdelay $0x1  }
0x9b: {  	v18 =	vadd.f32 v20, v18;
	v20 =	vmul.f32 v21, v21  }
0x9c: {  	s29 =	sadd.s32 $0xFFFFFFF0, s21  }
0x9d: {  	v18 =	vadd.f32 v20, v18;
	v20 =	vor.u32 s29, v0;
	_ =	sdelay $0x1  }
0x9e: {  	v18 =	vmul.f32 $5.000000000e-01, v18;
	_ =	sdelay $0x1  }
0x9f: {  	[tilespmem:v19+s16+$0x0] =	vst.idx.msk $0xffff, v18  }
0xa0: {  	v18 =	vld.idx.msk [tilespmem:v20+s6+$0x0], $0xffff  }
0xa1: {  	v19 =	vld.idx.msk [tilespmem:v20+s11+$0x0], $0xffff;
	_ =	sdelay $0x1  }
0xa2: {  	v21 =	vld.idx.msk [tilespmem:v20+s12+$0x0], $0xffff;
	_ =	sdelay $0x2  }
0xa3: {  	v18 =	vmul.f32 v18, v18;
	v19 =	vmul.f32 v19, v19;
	_ =	sdelay $0x1  }
0xa4: {  	v18 =	vadd.f32 v19, v18;
	v19 =	vmul.f32 v21, v21;
	_ =	sdelay $0x1  }
0xa5: {  	v18 =	vadd.f32 v19, v18;
	v19 =	vor.u32 s21, v0;
	_ =	sdelay $0x1  }
0xa6: {  	v18 =	vmul.f32 $5.000000000e-01, v18;
	_ =	sdelay $0x1  }
0xa7: {  	[tilespmem:v20+s16+$0x0] =	vst.idx.msk $0xffff, v18  }
0xa8: {  	v18 =	vld.idx.msk [tilespmem:v19+s6+$0x0], $0xffff  }
0xa9: {  	v20 =	vld.idx.msk [tilespmem:v19+s11+$0x0], $0xffff;
	_ =	sdelay $0x1  }
0xaa: {  	v21 =	vld.idx.msk [tilespmem:v19+s12+$0x0], $0xffff;
	_ =	sdelay $0x2  }
0xab: {  	v18 =	vmul.f32 v18, v18;
	v20 =	vmul.f32 v20, v20;
	_ =	sdelay $0x1  }
0xac: {  	v21 =	vmul.f32 v21, v21;
	v18 =	vadd.f32 v20, v18;
	_ =	sdelay $0x1  }
0xad: {  	v1 =	vld [tilespmem:$0x1FFF0];
	v18 =	vadd.f32 v21, v18;
	_ =	sdelay $0x1  }
0xae: {  	v18 =	vmul.f32 $5.000000000e-01, v18;
	_ =	sdelay $0x1  }
0xaf: {  	[tilespmem:v19+s16+$0x0] =	vst.idx.msk $0xffff, v18  }
0xb0: {  	v38 =	vld.idx.msk [tilespmem:v3+s13+$0x0], $0xffff;
	_ =	sdelay $0x2  }
0xb1: {  	v39 =	vld.idx.msk [tilespmem:v1+s13+$0x0], $0xffff;
	_ =	sdelay $0x1  }
0xb2: {  	v18 =	vadd.s32 $0x1, v38  }
0xb3: {  	v40 =	vld.idx.msk [tilespmem:v2+s13+$0x0], $0xffff;
	_ =	sdelay $0x1  }
0xb4: {  	v19 =	vadd.s32 $0x1, v39  }
0xb5: {  	v41 =	vld.idx.msk [tilespmem:v4+s13+$0x0], $0xffff  }
0xb6: {  	v18 =	vld.idx.msk [tilespmem:v18+s14+$0x0], $0xffff  }
0xb7: {  	v20 =	vadd.s32 $0x1, v40;
	_ =	sdelay $0x1  }
0xb8: {  	v19 =	vld.idx.msk [tilespmem:v19+s14+$0x0], $0xffff;
	_ =	sdelay $0x1  }
0xb9: {  	v21 =	vadd.s32 $0x1, v41;
	v18 =	vxor.u32 $0x80000000, v18  }
0xba: {  	v20 =	vld.idx.msk [tilespmem:v20+s14+$0x0], $0xffff;
	(xrf0) =	vmax.scan.msk.u32 $0xffff, v18;
	v18 =	vxor.u32 $0x80000000, v38  }
0xbb: {  	(xrf0) =	vmin.scan.msk.u32 $0xffff, v18  }
0xbc: {  	(xrf0) =	vmax.scan.msk.u32 $0xffff, v18;
	v18 =	vxor.u32 $0x80000000, v19  }
0xbd: {  	(xrf0) =	vmax.scan.msk.u32 $0xffff, v18;
	v18 =	vxor.u32 $0x80000000, v39  }
0xbe: {  	v19 =	vld.idx.msk [tilespmem:v21+s14+$0x0], $0xffff;
	(xrf0) =	vmin.scan.msk.u32 $0xffff, v18  }
0xbf: {  	(xrf0) =	vmax.scan.msk.u32 $0xffff, v18;
	v18 =	vxor.u32 $0x80000000, v20  }
0xc0: {  	v20, _, _ =	vpop (xrf0);
	(xrf0) =	vmax.scan.msk.u32 $0xffff, v18  }
0xc1: {  	v18 =	vxor.u32 $0x80000000, v40;
	(v2sf) =	vpush v20, $0xF;
	v20, _, _ =	vpop (xrf0)  }
0xc2: {  	(xrf0) =	vmin.scan.msk.u32 $0xffff, v18;
	v21, _, _ =	vpop (xrf0);
	(v2sf) =	vpush v20, $0xF  }
0xc3: {  	(xrf0) =	vmax.scan.msk.u32 $0xffff, v18;
	v18 =	vxor.u32 $0x80000000, v19;
	(v2sf) =	vpush v21, $0xF;
	v20, _, _ =	vpop (xrf0)  }
0xc4: {  	(xrf0) =	vmax.scan.msk.u32 $0xffff, v18;
	v18 =	vxor.u32 $0x80000000, v41;
	(v2sf) =	vpush v20, $0xF;
	v19, _, _ =	vpop (xrf0)  }
0xc5: {  	(xrf0) =	vmin.scan.msk.u32 $0xffff, v18;
	(v2sf) =	vpush v19, $0xF;
	v19, _, _ =	vpop (xrf0)  }
0xc6: {  	(v2sf) =	vpush v19, $0xF;
	v19, _, _ =	vpop (xrf0);
	(xrf0) =	vmax.scan.msk.u32 $0xffff, v18;
	_ =	sdelay $0x1  }
0xc7: {  	v18, _, _ =	vpop (xrf0);
	(v2sf) =	vpush v19, $0xF  }
0xc8: {  	(v2sf) =	vpush v18, $0xF;
	v18, _, _ =	vpop (xrf0)  }
0xc9: {  	v19, _, _ =	vpop (xrf0);
	(v2sf) =	vpush v18, $0xF  }
0xca: {  	v18, _, _ =	vpop (xrf0);
	(v2sf) =	vpush v19, $0xF  }
0xcb: {  	(v2sf) =	vpush v18, $0xF;
	v19, _, _ =	vpop (xrf0)  }
0xcc: {  	(v2sf) =	vpush v19, $0xF;
	_ =	sdelay $0x3  }
0xcd: {  	v22 =	vld.idx.msk [tilespmem:v1+s11+$0x0], $0xffff;
	s23 =	spop (v2sf)  }
0xce: {  	v23 =	vld.idx.msk [tilespmem:v1+s12+$0x0], $0xffff;
	s30 =	spop (v2sf)  }
0xcf: {  	v18 =	vld.idx.msk [tilespmem:v3+s6+$0x0], $0xffff;
	s31 =	spop (v2sf)  }
0xd0: {  	v19 =	vld.idx.msk [tilespmem:v3+s11+$0x0], $0xffff;
	s24 =	spop (v2sf)  }
0xd1: {  	v26 =	vld.idx.msk [tilespmem:v4+s6+$0x0], $0xffff;
	s26 =	spop (v2sf)  }
0xd2: {  	v21 =	vld.idx.msk [tilespmem:v1+s6+$0x0], $0xffff;
	s21 =	sxor.u32 $0x80000000, s30;
	s28 =	spop (v2sf)  }
0xd3: {  	v20 =	vld.idx.msk [tilespmem:v3+s12+$0x0], $0xffff;
	s22 =	sxor.u32 $0x80000000, s31;
	s30 =	sxor.u32 $0x80000000, s26;
	s25 =	spop (v2sf)  }
0xd4: {  	v27 =	vld.idx.msk [tilespmem:v4+s11+$0x0], $0xffff;
	p0 =	slt.s32 s21, s30;
	s28 =	sxor.u32 $0x80000000, s28;
	s29 =	spop (v2sf)  }
0xd5: {  	v24 =	vld.idx.msk [tilespmem:v2+s6+$0x0], $0xffff;
	v28 =	vmul.f32 v18, v18;
	v29 =	vmul.f32 v19, v19;
	s30 =	smov.u32 @p0 s21;
	p0 =	sgt.s32 s22, s28;
	s31 =	spop (v2sf)  }
0xd6: {  	v25 =	vld.idx.msk [tilespmem:v2+s11+$0x0], $0xffff;
	s28 =	smov.u32 @p0 s22;
	s22 =	sxor.u32 $0x80000000, s29;
	s26 =	spop (v2sf)  }
0xd7: {  	v33 =	vmul.f32 v22, v22;
	v30 =	vadd.f32 v29, v28;
	v29 =	vld.idx.msk [tilespmem:v4+s12+$0x0], $0xffff;
	p0 =	slt.s32 s30, s22;
	s29 =	sxor.u32 $0x80000000, s31;
	s21 =	spop (v2sf)  }
0xd8: {  	v32 =	vmul.f32 v21, v21;
	v31 =	vmul.f32 v20, v20;
	v28 =	vld.idx.msk [tilespmem:v2+s12+$0x0], $0xffff;
	s22 =	smov.u32 @p0 s30;
	p0 =	sgt.s32 s28, s29;
	s31 =	spop (v2sf)  }
0xd9: {  	v36 =	vmul.f32 v26, v26;
	v37 =	vmul.f32 v27, v27;
	s29 =	smov.u32 @p0 s28;
	s21 =	sxor.u32 $0x80000000, s21;
	s28 =	sxor.u32 $0x80000000, s31  }
0xda: {  	v32 =	vadd.f32 v33, v32;
	v30 =	vadd.f32 v31, v30;
	v31 =	vmul.f32 v23, v23;
	p0 =	slt.s32 s22, s21;
	p1 =	sgt.s32 s29, s28  }
0xdb: {  	v56 =	vmul.f32 v24, v24;
	v34 =	vmul.f32 v25, v25;
	v36 =	vadd.f32 v37, v36;
	s21 =	smov.u32 @p0 s22;
	s28 =	smov.u32 @p1 s29  }
0xdc: {  	v35 =	vsub.f32 $3.999999910e-02, v30;
	v32 =	vadd.f32 v31, v32;
	v59 =	vmul.f32 v29, v29;
	p0 =	slt.s32 s21, $0x7F;
	s31 =	sshra.s32 s28, $0x1F  }
0xdd: {  	v31 =	vadd.f32 v34, v56;
	v58 =	vsub.f32 $1.599999960e-01, v30;
	v57 =	vmul.f32 v28, v28;
	s21 =	simm.s32 @!p0 $0x7F;
	s22 =	sor.u32 s31, s28  }
0xde: {  	v30 =	vmul.f32 $5.000000000e-01, v35;
	v60 =	vsub.f32 $3.999999910e-02, v32;
	v36 =	vadd.f32 v59, v36;
	p0 =	sne.s32 s21, s22  }
.Ltmp3:
0xdf: {  	v61 =	vsub.f32 $1.599999960e-01, v32;
	v33 =	vadd.f32 v57, v31;
	v31 =	vmul.f32 $5.000000000e-01, v58;
	(pc) =	sbr.rel @p0 .LBB2_11-.Ltmp3, $4  }
0xe0: {  	v42 =	vld.idx.msk [tilespmem:v38+s14+$0x0], $0xffff;
	v32 =	vmul.f32 $5.000000000e-01, v60;
	v45 =	vsub.f32 $3.999999910e-02, v36;
	v46 =	vsub.f32 $1.599999960e-01, v36  }
0xe1: {  	v43 =	vld.idx.msk [tilespmem:v39+s14+$0x0], $0xffff;
	v62 =	vsub.f32 $3.999999910e-02, v33;
	v63 =	vsub.f32 $1.599999960e-01, v33;
	v33 =	vmul.f32 $5.000000000e-01, v61  }
0xe2: {  	v44 =	vld.idx.msk [tilespmem:v40+s14+$0x0], $0xffff;
	v36 =	vmul.f32 $5.000000000e-01, v45;
	v37 =	vmul.f32 $5.000000000e-01, v46  }
0xe3: {  	v34 =	vmul.f32 $5.000000000e-01, v62;
	v35 =	vmul.f32 $5.000000000e-01, v63;
	v45 =	vld.idx.msk [tilespmem:v41+s14+$0x0], $0xffff  }
0xe4: {  	_ =	sdelay $0x3  }
0xe5: {  	v38 =	vxor.u32 $0x80000000, v45  }
0xe6: {  	v58 =	vxor.u32 $0x80000000, v42;
	(xrf0) =	vmin.scan.msk.u32 $0xffff, v38  }
0xe7: {  	v59 =	vxor.u32 $0x80000000, v43;
	(xrf0) =	vmin.scan.msk.u32 $0xffff, v58  }
0xe8: {  	(xrf0) =	vmin.scan.msk.u32 $0xffff, v59  }
0xe9: {  	v60 =	vxor.u32 $0x80000000, v44  }
0xea: {  	(xrf0) =	vmin.scan.msk.u32 $0xffff, v60;
	_ =	sdelay $0x1  }
0xeb: {  	v61, _, _ =	vpop (xrf0)  }
0xec: {  	v39, _, _ =	vpop (xrf0);
	(v2sf) =	vpush v61, $0xF  }
0xed: {  	v62, _, _ =	vpop (xrf0);
	(v2sf) =	vpush v39, $0xF  }
0xee: {  	(v2sf) =	vpush v62, $0xF  }
0xef: {  	v63, _, _ =	vpop (xrf0)  }
0xf0: {  	(v2sf) =	vpush v63, $0xF;
	_ =	sdelay $0xa  }
0xf1: {  	s22 =	spop (v2sf)  }
0xf2: {  	s23 =	sxor.u32 $0x80000000, s23;
	s24 =	sxor.u32 $0x80000000, s24;
	s21 =	spop (v2sf)  }
0xf3: {  	p0 =	sgt.s32 s23, s24;
	s28 =	spop (v2sf)  }
0xf4: {  	s24 =	smov.u32 @p0 s23;
	s21 =	sxor.u32 $0x80000000, s21;
	s23 =	sxor.u32 $0x80000000, s28  }
0xf5: {  	s28 =	sxor.u32 $0x80000000, s25;
	s30 =	spop (v2sf);
	p0 =	slt.s32 s21, s23  }
0xf6: {  	s29 =	sxor.u32 $0x80000000, s30;
	s23 =	smov.u32 @p0 s21;
	p0 =	sgt.s32 s24, s28  }
0xf7: {  	s28 =	smov.u32 @p0 s24;
	p0 =	slt.s32 s23, s29  }
0xf8: {  	s25 =	sxor.u32 $0x80000000, s22;
	s21 =	sxor.u32 $0x80000000, s26;
	s29 =	smov.u32 @p0 s23  }
0xf9: {  	p0 =	sgt.s32 s28, s21;
	p1 =	slt.s32 s29, s25  }
0xfa: {  	s21 =	smov.u32 @p0 s28;
	s25 =	smov.u32 @p1 s29  }
0xfb: {  	p0 =	sgt.s32 s21, $0x0;
	p1 =	slt.s32 s25, $0x2000  }
0xfc: {  	s21 =	simm.s32 @!p0 $0x0;
	s25 =	simm.s32 @!p1 $0x2000  }
0xfd: {  	s22 =	ssub.s32 s21, s25  }
0xfe: {  	s31 =	sshrl.u32 s22, $0x1F  }
0xff: {  	s23 =	sadd.s32 s31, s22  }
0x100: {  	s23 =	sand.u32 $0xFFFFFFFE, s23  }
0x101: {  	s24 =	sadd.s32 s25, s23  }
0x102: {  	p0 =	sge.s32 s25, s24  }
.Ltmp4:
0x103: {  	_ = 	snop;
	(pc) =	sbr.rel @p0 .LBB2_8-.Ltmp4, $3  }
0x104: {  	_ =	sdelay $0x1  }
0x105: {  	v42 =	vimm.s32 $0x0  }
0x106: {  	v43 =	vimm.s32 $0x0;
	v44 =	vimm.s32 $0x0;
	v45 =	vimm.s32 $0x0  }
0x107: {  	v40 =	vmov s25;
	_ =	sdelay $0x2  }
0x108: {  	s26 =	sadd.s32 $0x1, s25  }
0x109: {  	v39 =	vmov s26  }
0x10a: {  	v49 =	vld.idx.msk [tilespmem:v40+s6+$0x0], $0xffff  }
0x10b: {  	v48 =	vld.idx.msk [tilespmem:v40+s11+$0x0], $0xffff;
	_ =	sdelay $0x1  }
0x10c: {  	v53 =	vld.idx.msk [tilespmem:v40+s12+$0x0], $0xffff  }
0x10d: {  	v44 =	vld.idx.msk [tilespmem:v39+s12+$0x0], $0xffff  }
0x10e: {  	v41 =	vld.idx.msk [tilespmem:v39+s6+$0x0], $0xffff  }
0x10f: {  	v42 =	vld.idx.msk [tilespmem:v39+s11+$0x0], $0xffff;
	v56 =	vmul.f32 v49, v18;
	v61 =	vmul.f32 v48, v19  }
0x110: {  	v58 =	vmul.f32 v49, v21;
	v62 =	vmul.f32 v49, v26  }
0x111: {  	v63 =	vmul.f32 v53, v20;
	v60 =	vmul.f32 v48, v27  }
0x112: {  	v59 =	vmul.f32 v53, v29;
	v43 =	vmul.f32 v44, v20  }
0x113: {  	v51 =	vmul.f32 v44, v29;
	v45 =	vmul.f32 v41, v21  }
0x114: {  	v46 =	vmul.f32 v41, v24;
	v50 =	vmul.f32 v42, v22  }
0x115: {  	v38 =	vimm.s32 $0x0;
	v52 =	vmul.f32 v41, v26;
	v55 =	vmul.f32 v42, v27  }
0x116: {  	v54 =	vmul.f32 v44, v23;
	v47 =	vmul.f32 v41, v18;
	v41 =	vld.idx.msk [tilespmem:v39+s16+$0x0], $0xffff;
	v39 =	vadd.f32 v61, v56  }
0x117: {  	s25 =	sadd.s32 $0x2, s25;
	v61 =	vmul.f32 v48, v22;
	v57 =	vadd.f32 v50, v45;
	v55 =	vadd.f32 v55, v52;
	v45 =	vld.idx.msk [tilespmem:v40+s16+$0x0], $0xffff  }
0x118: {  	p0 =	slt.s32 s25, s24;
	v50 =	vmul.f32 v48, v25;
	v48 =	vmul.f32 v53, v28;
	v40 =	vadd.f32 v60, v62  }
.Ltmp5:
0x119: {  	v39 =	vadd.f32 v63, v39;
	v62 =	vadd.f32 v61, v58;
	v63 =	vmul.f32 v53, v23;
	(pc) =	sbr.rel @!p0 .LBB2_7-.Ltmp5, $4  }
0x11a: {  	v53 =	vmul.f32 v42, v19;
	v52 =	vadd.f32 v54, v57;
	v55 =	vadd.f32 v51, v55  }
0x11b: {  	v54 =	vmul.f32 v49, v24;
	v57 =	vmul.f32 v42, v25;
	v56 =	vadd.f32 v63, v62  }
0x11c: {  	v42 =	vimm.s32 $0x0;
	v49 =	vsub.f32 v41, v55;
	v51 =	vsub.f32 v45, v39  }
0x11d: {  	v55 =	vadd.f32 v59, v40;
	v40 =	vimm.s32 $0x0;
	v39 =	vimm.s32 $0x0  }
.LBB2_6:
0x11e: {  	vm1 =	vle.f32 v51, v31;
	v52 =	vsub.f32 v41, v52;
	vm0 =	vle.f32 v49, v37;
	s26 =	smov.u32 s25;
	s25 =	sadd.s32 $0x2, s25  }
0x11f: {  	v44 =	vmul.f32 v44, v28;
	p0 =	slt.s32 s25, s24;
	v56 =	vsub.f32 v45, v56;
	v46 =	vadd.f32 v57, v46  }
0x120: {  	v50 =	vadd.f32 v50, v54;
	v54 =	vsub.f32 v45, v55;
	vm2 =	vle.f32 v52, v32  }
0x121: {  	v47 =	vadd.f32 v53, v47;
	vm3 =	vle.f32 v56, v32;
	vm4 =	vle.f32 v56, v33  }
0x122: {  	v55 =	vsel vm2, $0x10001, v17;
	v53 =	vsel vm3, $0x10001, v17;
	vm3 =	vle.f32 v54, v36  }
0x123: {  	s28 =	sadd.s32 $0x1, s26;
	vm5 =	vle.f32 v52, v33;
	vm2 =	vle.f32 v54, v37;
	v46 =	vadd.f32 v44, v46  }
0x124: {  	v52 =	vmov s28;
	v43 =	vadd.f32 v43, v47;
	v44 =	vsel vm3, $0x10001, v17  }
0x125: {  	v54 =	vmov s26;
	vm3 =	vle.f32 v51, v30;
	v47 =	vnsel vm4, $0x0, v53  }
0x126: {  	v48 =	vadd.f32 v48, v50;
	v50 =	vnsel vm5, $0x0, v55;
	v51 =	vsel vm3, $0x10001, v17  }
0x127: {  	v44 =	vnsel vm2, $0x0, v44;
	v51 =	vnsel vm1, $0x0, v51;
	vm1 =	vle.f32 v49, v36  }
0x128: {  	v42 =	vadd.s32 v42, v44;
	v38 =	vadd.s32 v38, v51;
	v49 =	vsel vm1, $0x10001, v17  }
0x129: {  	v45 =	vsub.f32 v45, v48;
	v43 =	vsub.f32 v41, v43;
	v48 =	vnsel vm0, $0x0, v49;
	v44 =	vld.idx.msk [tilespmem:v52+s12+$0x0], $0xffff  }
0x12a: {  	v41 =	vsub.f32 v41, v46;
	v40 =	vadd.s32 v40, v47;
	v42 =	vadd.s32 v48, v42;
	v49 =	vld.idx.msk [tilespmem:v52+s6+$0x0], $0xffff  }
0x12b: {  	v40 =	vadd.s32 v50, v40;
	vm1 =	vle.f32 v43, v31;
	vm0 =	vle.f32 v43, v30;
	v57 =	vld.idx.msk [tilespmem:v52+s11+$0x0], $0xffff  }
0x12c: {  	vm2 =	vle.f32 v45, v34;
	v43 =	vsel vm0, $0x10001, v17;
	vm0 =	vle.f32 v41, v35;
	v51 =	vld.idx.msk [tilespmem:v54+s12+$0x0], $0xffff  }
0x12d: {  	vm3 =	vle.f32 v45, v35;
	v43 =	vnsel vm1, $0x0, v43;
	vm1 =	vle.f32 v41, v34;
	v53 =	vld.idx.msk [tilespmem:v54+s6+$0x0], $0xffff  }
0x12e: {  	v41 =	vsel vm2, $0x10001, v17;
	v38 =	vadd.s32 v43, v38;
	v45 =	vsel vm1, $0x10001, v17;
	v48 =	vld.idx.msk [tilespmem:v54+s11+$0x0], $0xffff  }
0x12f: {  	v41 =	vnsel vm3, $0x0, v41;
	v43 =	vmul.f32 v44, v20;
	v55 =	vmul.f32 v44, v29  }
0x130: {  	v45 =	vnsel vm0, $0x0, v45;
	v50 =	vmul.f32 v49, v21;
	v46 =	vmul.f32 v49, v24  }
0x131: {  	v39 =	vadd.s32 v39, v41;
	v58 =	vmul.f32 v49, v26;
	v56 =	vmul.f32 v57, v22  }
0x132: {  	v39 =	vadd.s32 v45, v39;
	v59 =	vmul.f32 v44, v23;
	v60 =	vmul.f32 v57, v27  }
0x133: {  	v47 =	vmul.f32 v49, v18;
	v61 =	vmul.f32 v53, v18;
	v49 =	vadd.f32 v56, v50;
	v41 =	vld.idx.msk [tilespmem:v52+s16+$0x0], $0xffff  }
0x134: {  	v56 =	vmul.f32 v53, v21;
	v58 =	vadd.f32 v60, v58;
	v45 =	vld.idx.msk [tilespmem:v54+s16+$0x0], $0xffff;
	v54 =	vmul.f32 v48, v19  }
0x135: {  	v60 =	vmul.f32 v53, v26;
	v50 =	vmul.f32 v48, v25;
	v52 =	vadd.f32 v59, v49  }
0x136: {  	v59 =	vmul.f32 v48, v27;
	v49 =	vadd.f32 v54, v61;
	v54 =	vmul.f32 v51, v20  }
.Ltmp6:
0x137: {  	v62 =	vmul.f32 v51, v29;
	v55 =	vadd.f32 v55, v58;
	v61 =	vmul.f32 v48, v22;
	(pc) =	sbr.rel @p0 .LBB2_6-.Ltmp6, $4  }
0x138: {  	v48 =	vmul.f32 v51, v28;
	v58 =	vadd.f32 v59, v60;
	v49 =	vadd.f32 v54, v49  }
0x139: {  	v59 =	vmul.f32 v51, v23;
	v56 =	vadd.f32 v61, v56;
	v54 =	vmul.f32 v53, v24  }
0x13a: {  	v53 =	vmul.f32 v57, v19;
	v51 =	vsub.f32 v45, v49;
	v49 =	vsub.f32 v41, v55  }
0x13b: {  	v57 =	vmul.f32 v57, v25;
	v56 =	vadd.f32 v59, v56;
	v55 =	vadd.f32 v62, v58  }
.LBB2_7:
0x13c: {  	vm0 =	vle.f32 v51, v31;
	v52 =	vsub.f32 v41, v52  }
0x13d: {  	vm1 =	vle.f32 v49, v37;
	v44 =	vmul.f32 v44, v28;
	v50 =	vadd.f32 v50, v54  }
0x13e: {  	v47 =	vadd.f32 v53, v47;
	vm8 =	vle.f32 v51, v30;
	v56 =	vsub.f32 v45, v56  }
0x13f: {  	vm9 =	vle.f32 v49, v36;
	v46 =	vadd.f32 v57, v46;
	v61 =	vsub.f32 v45, v55  }
0x140: {  	v51 =	vsel vm8, $0x10001, v17;
	v58 =	vsel vm9, $0x10001, v17;
	vm2 =	vle.f32 v52, v32  }
0x141: {  	vm5 =	vle.f32 v52, v33;
	v43 =	vadd.f32 v43, v47;
	v48 =	vadd.f32 v48, v50  }
0x142: {  	v51 =	vnsel vm0, $0x0, v51;
	vm3 =	vle.f32 v56, v32;
	vm4 =	vle.f32 v56, v33  }
0x143: {  	vm14 =	vle.f32 v61, v36;
	v63 =	vsel vm2, $0x10001, v17;
	vm15 =	vle.f32 v61, v37  }
0x144: {  	v44 =	vadd.f32 v44, v46;
	v38 =	vadd.s32 v38, v51;
	v62 =	vsel vm3, $0x10001, v17  }
0x145: {  	v54 =	vsel vm14, $0x10001, v17;
	v57 =	vnsel vm5, $0x0, v63;
	v43 =	vsub.f32 v41, v43  }
0x146: {  	v59 =	vsub.f32 v45, v48;
	v56 =	vnsel vm4, $0x0, v62;
	v46 =	vnsel vm15, $0x0, v54  }
0x147: {  	v60 =	vsub.f32 v41, v44;
	v42 =	vadd.s32 v42, v46;
	v46 =	vnsel vm1, $0x0, v58  }
0x148: {  	v40 =	vadd.s32 v40, v56;
	vm10 =	vle.f32 v43, v30;
	vm11 =	vle.f32 v43, v31  }
0x149: {  	vm12 =	vle.f32 v59, v34;
	vm13 =	vle.f32 v59, v35;
	v42 =	vadd.s32 v46, v42  }
0x14a: {  	v61 =	vsel vm10, $0x10001, v17;
	vm14 =	vle.f32 v60, v34;
	v62 =	vsel vm12, $0x10001, v17  }
0x14b: {  	vm15 =	vle.f32 v60, v35;
	v63 =	vsel vm14, $0x10001, v17;
	v44 =	vnsel vm13, $0x0, v62  }
0x14c: {  	v43 =	vnsel vm11, $0x0, v61;
	v41 =	vnsel vm15, $0x0, v63;
	v39 =	vadd.s32 v39, v44  }
0x14d: {  	v44 =	vadd.s32 v57, v40;
	v45 =	vadd.s32 v43, v38;
	v43 =	vadd.s32 v41, v39  }
.LBB2_8:
0x14e: {  	p0 =	sge.s32 s24, s21  }
.Ltmp7:
0x14f: {  	_ = 	snop;
	(pc) =	sbr.rel @p0 .LBB2_17-.Ltmp7, $1  }
0x150: {  	_ =	sdelay $0x3  }
0x151: {  	s22 =	ssub.s32 s22, s23  }
0x152: {  	s22 =	ssub.s32 $0x0, s22  }
.LBB2_10:
0x153: {  	s23 =	sadd.s32 s22, s21  }
0x154: {  	v38 =	vmov s23;
	_ =	sdelay $0x4  }
0x155: {  	v39 =	vld.idx.msk [tilespmem:v38+s6+$0x0], $0xffff  }
0x156: {  	v40 =	vld.idx.msk [tilespmem:v38+s11+$0x0], $0xffff;
	_ =	sdelay $0x1  }
0x157: {  	v41 =	vld.idx.msk [tilespmem:v38+s12+$0x0], $0xffff;
	_ =	sdelay $0x2  }
0x158: {  	v46 =	vmul.f32 v39, v18;
	v47 =	vmul.f32 v40, v19  }
0x159: {  	v48 =	vmul.f32 v39, v21;
	v49 =	vmul.f32 v40, v22  }
0x15a: {  	v62 =	vmul.f32 v41, v20;
	v50 =	vmul.f32 v41, v23  }
0x15b: {  	v38 =	vld.idx.msk [tilespmem:v38+s16+$0x0], $0xffff;
	v63 =	vmul.f32 v39, v24;
	v51 =	vmul.f32 v40, v25  }
0x15c: {  	v39 =	vmul.f32 v39, v26;
	v40 =	vmul.f32 v40, v27;
	v46 =	vadd.f32 v47, v46  }
0x15d: {  	v54 =	vmul.f32 v41, v28;
	v48 =	vadd.f32 v49, v48;
	v53 =	vadd.f32 v51, v63  }
0x15e: {  	v41 =	vmul.f32 v41, v29;
	v39 =	vadd.f32 v40, v39;
	v46 =	vadd.f32 v62, v46  }
0x15f: {  	v52 =	vadd.f32 v50, v48;
	v56 =	vadd.f32 v54, v53  }
0x160: {  	v39 =	vadd.f32 v41, v39;
	v55 =	vsub.f32 v38, v46  }
0x161: {  	v57 =	vsub.f32 v38, v52;
	v46 =	vsub.f32 v38, v56  }
0x162: {  	s22 =	sadd.s32 $0x1, s22;
	v38 =	vsub.f32 v38, v39;
	vm0 =	vle.f32 v55, v30;
	vm1 =	vle.f32 v55, v31  }
0x163: {  	p0 =	seq.s32 s22, $0x0;
	vm10 =	vle.f32 v57, v32;
	vm11 =	vle.f32 v57, v33;
	vm12 =	vle.f32 v46, v34  }
.Ltmp8:
0x164: {  	vm13 =	vle.f32 v38, v36;
	vm14 =	vle.f32 v46, v35;
	vm15 =	vle.f32 v38, v37;
	(pc) =	sbr.rel @!p0 .LBB2_10-.Ltmp8, $4  }
0x165: {  	v58 =	vsel vm0, $0x10001, v17;
	v59 =	vsel vm10, $0x10001, v17;
	v60 =	vsel vm12, $0x10001, v17  }
0x166: {  	v61 =	vsel vm13, $0x10001, v17;
	v40 =	vnsel vm1, $0x0, v58;
	v39 =	vnsel vm11, $0x0, v59  }
0x167: {  	v62 =	vnsel vm14, $0x0, v60;
	v63 =	vnsel vm15, $0x0, v61;
	v45 =	vadd.s32 v45, v40  }
0x168: {  	v44 =	vadd.s32 v44, v39;
	v43 =	vadd.s32 v43, v62;
	v42 =	vadd.s32 v42, v63  }
.Ltmp9:
0x169: {  	_ = 	snop;
	(pc) =	sbr.rel .LBB2_17-.Ltmp9, $1  }
0x16a: {  	_ =	sdelay $0x3  }
.LBB2_11:
0x16b: {  	s23 =	sadd.s32 $0x1, s22  }
0x16c: {  	p0 =	sge.s32 s21, s23  }
.Ltmp10:
0x16d: {  	_ = 	snop;
	(pc) =	sbr.rel @!p0 .LBB2_12-.Ltmp10, $3  }
0x16e: {  	_ =	sdelay $0x1  }
0x16f: {  	v42 =	vimm.s32 $0x0  }
0x170: {  	v43 =	vimm.s32 $0x0;
	v44 =	vimm.s32 $0x0;
	v45 =	vimm.s32 $0x0  }
.LBB2_17:
0x171: {  	v1 =	vshra.s32 v45, $0x10;
	v18 =	vand.u32 $0xFFFF, v45;
	v19 =	vshra.s32 v44, $0x10  }
0x172: {  	v20 =	vand.u32 $0xFFFF, v44;
	v21 =	vshra.s32 v43, $0x10;
	v1 =	vcvt.s32.f32 v1  }
0x173: {  	v22 =	vand.u32 $0xFFFF, v43;
	v18 =	vcvt.s32.f32 v18;
	v19 =	vcvt.s32.f32 v19  }
0x174: {  	v20 =	vcvt.s32.f32 v20;
	v21 =	vcvt.s32.f32 v21;
	v1 =	vmin.f32 v1, $3.200000000e+01  }
0x175: {  	v18 =	vmin.f32 v18, $6.400000000e+01;
	v19 =	vmin.f32 v19, $3.200000000e+01;
	v1 =	vmul.f32 $3.125000000e-02, v1  }
0x176: {  	v20 =	vmin.f32 v20, $6.400000000e+01;
	v18 =	vmul.f32 $1.562500000e-02, v18;
	v19 =	vmul.f32 $3.125000000e-02, v19  }
0x177: {  	[tilespmem:$0xA010] =	vst v1;
	v1 =	vmul.f32 $1.562500000e-02, v20;
	v20 =	vcvt.s32.f32 v22;
	v22 =	vshra.s32 v42, $0x10  }
0x178: {  	[tilespmem:$0xA110] =	vst v18;
	v18 =	vmin.f32 v21, $3.200000000e+01;
	v21 =	vcvt.s32.f32 v22;
	v22 =	vand.u32 $0xFFFF, v42  }
0x179: {  	[tilespmem:$0xA020] =	vst v19;
	v18 =	vmul.f32 $3.125000000e-02, v18;
	v19 =	vmin.f32 v20, $6.400000000e+01;
	v20 =	vcvt.s32.f32 v22  }
0x17a: {  	[tilespmem:$0xA120] =	vst v1;
	v1 =	vmul.f32 $1.562500000e-02, v19;
	v19 =	vmin.f32 v21, $3.200000000e+01  }
0x17b: {  	[tilespmem:$0xA030] =	vst v18;
	v18 =	vmul.f32 $3.125000000e-02, v19;
	v19 =	vmin.f32 v20, $6.400000000e+01  }
0x17c: {  	[tilespmem:$0xA130] =	vst v1;
	v1 =	vmul.f32 $1.562500000e-02, v19  }
0x17d: {  	[tilespmem:$0xA040] =	vst v18  }
0x17e: {  	[tilespmem:$0xA140] =	vst v1  }
0x17f: {  	v38 =	vld.idx.msk [tilespmem:v5+s13+$0x0], $0xffff;
	_ =	sdelay $0x2  }
0x180: {  	v39 =	vld.idx.msk [tilespmem:v6+s13+$0x0], $0xffff;
	_ =	sdelay $0x1  }
0x181: {  	v1 =	vadd.s32 $0x1, v38  }
0x182: {  	v40 =	vld.idx.msk [tilespmem:v7+s13+$0x0], $0xffff;
	_ =	sdelay $0x1  }
0x183: {  	v18 =	vadd.s32 $0x1, v39  }
0x184: {  	v41 =	vld.idx.msk [tilespmem:v8+s13+$0x0], $0xffff  }
0x185: {  	v1 =	vld.idx.msk [tilespmem:v1+s14+$0x0], $0xffff  }
0x186: {  	v19 =	vadd.s32 $0x1, v40;
	_ =	sdelay $0x1  }
0x187: {  	v18 =	vld.idx.msk [tilespmem:v18+s14+$0x0], $0xffff;
	_ =	sdelay $0x1  }
0x188: {  	v20 =	vadd.s32 $0x1, v41;
	v1 =	vxor.u32 $0x80000000, v1  }
0x189: {  	v19 =	vld.idx.msk [tilespmem:v19+s14+$0x0], $0xffff;
	(xrf0) =	vmax.scan.msk.u32 $0xffff, v1;
	v1 =	vxor.u32 $0x80000000, v38  }
0x18a: {  	(xrf0) =	vmin.scan.msk.u32 $0xffff, v1  }
0x18b: {  	(xrf0) =	vmax.scan.msk.u32 $0xffff, v1;
	v1 =	vxor.u32 $0x80000000, v18  }
0x18c: {  	(xrf0) =	vmax.scan.msk.u32 $0xffff, v1;
	v1 =	vxor.u32 $0x80000000, v39  }
0x18d: {  	v18 =	vld.idx.msk [tilespmem:v20+s14+$0x0], $0xffff;
	(xrf0) =	vmin.scan.msk.u32 $0xffff, v1  }
0x18e: {  	(xrf0) =	vmax.scan.msk.u32 $0xffff, v1;
	v1 =	vxor.u32 $0x80000000, v19  }
0x18f: {  	v19, _, _ =	vpop (xrf0);
	(xrf0) =	vmax.scan.msk.u32 $0xffff, v1  }
0x190: {  	v1 =	vxor.u32 $0x80000000, v40;
	(v2sf) =	vpush v19, $0xF;
	v19, _, _ =	vpop (xrf0)  }
0x191: {  	(xrf0) =	vmin.scan.msk.u32 $0xffff, v1;
	v20, _, _ =	vpop (xrf0);
	(v2sf) =	vpush v19, $0xF  }
0x192: {  	(xrf0) =	vmax.scan.msk.u32 $0xffff, v1;
	v1 =	vxor.u32 $0x80000000, v18;
	(v2sf) =	vpush v20, $0xF;
	v19, _, _ =	vpop (xrf0)  }
0x193: {  	(xrf0) =	vmax.scan.msk.u32 $0xffff, v1;
	v1 =	vxor.u32 $0x80000000, v41;
	(v2sf) =	vpush v19, $0xF;
	v18, _, _ =	vpop (xrf0)  }
0x194: {  	(xrf0) =	vmin.scan.msk.u32 $0xffff, v1;
	(v2sf) =	vpush v18, $0xF;
	v18, _, _ =	vpop (xrf0)  }
0x195: {  	(v2sf) =	vpush v18, $0xF;
	v18, _, _ =	vpop (xrf0);
	(xrf0) =	vmax.scan.msk.u32 $0xffff, v1;
	_ =	sdelay $0x1  }
0x196: {  	v1, _, _ =	vpop (xrf0);
	(v2sf) =	vpush v18, $0xF  }
0x197: {  	(v2sf) =	vpush v1, $0xF;
	v1, _, _ =	vpop (xrf0)  }
0x198: {  	v18, _, _ =	vpop (xrf0);
	(v2sf) =	vpush v1, $0xF  }
0x199: {  	v1, _, _ =	vpop (xrf0);
	(v2sf) =	vpush v18, $0xF  }
0x19a: {  	(v2sf) =	vpush v1, $0xF;
	v1, _, _ =	vpop (xrf0)  }
0x19b: {  	(v2sf) =	vpush v1, $0xF;
	_ =	sdelay $0x2  }
0x19c: {  	v21 =	vld.idx.msk [tilespmem:v6+s6+$0x0], $0xffff  }
0x19d: {  	v22 =	vld.idx.msk [tilespmem:v6+s11+$0x0], $0xffff;
	s23 =	spop (v2sf)  }
0x19e: {  	v23 =	vld.idx.msk [tilespmem:v6+s12+$0x0], $0xffff;
	s21 =	spop (v2sf)  }
0x19f: {  	v19 =	vld.idx.msk [tilespmem:v5+s11+$0x0], $0xffff;
	s22 =	spop (v2sf)  }
0x1a0: {  	v18 =	vld.idx.msk [tilespmem:v5+s6+$0x0], $0xffff;
	s24 =	spop (v2sf)  }
0x1a1: {  	v26 =	vld.idx.msk [tilespmem:v8+s6+$0x0], $0xffff;
	s26 =	spop (v2sf)  }
0x1a2: {  	v20 =	vld.idx.msk [tilespmem:v5+s12+$0x0], $0xffff;
	s21 =	sxor.u32 $0x80000000, s21;
	s28 =	spop (v2sf)  }
0x1a3: {  	v27 =	vld.idx.msk [tilespmem:v8+s11+$0x0], $0xffff;
	s22 =	sxor.u32 $0x80000000, s22;
	s30 =	sxor.u32 $0x80000000, s26;
	s25 =	spop (v2sf)  }
0x1a4: {  	v24 =	vld.idx.msk [tilespmem:v7+s6+$0x0], $0xffff;
	p0 =	slt.s32 s21, s30;
	s28 =	sxor.u32 $0x80000000, s28;
	s29 =	spop (v2sf)  }
0x1a5: {  	v25 =	vld.idx.msk [tilespmem:v7+s11+$0x0], $0xffff;
	v28 =	vmul.f32 v19, v19;
	v1 =	vmul.f32 v18, v18;
	s30 =	smov.u32 @p0 s21;
	p0 =	sgt.s32 s22, s28;
	s31 =	spop (v2sf)  }
0x1a6: {  	v29 =	vld.idx.msk [tilespmem:v8+s12+$0x0], $0xffff;
	v31 =	vmul.f32 v21, v21;
	s28 =	smov.u32 @p0 s22;
	s22 =	sxor.u32 $0x80000000, s29;
	s26 =	spop (v2sf)  }
0x1a7: {  	v32 =	vmul.f32 v22, v22;
	v30 =	vmul.f32 v20, v20;
	v1 =	vadd.f32 v28, v1;
	v28 =	vld.idx.msk [tilespmem:v7+s12+$0x0], $0xffff;
	p0 =	slt.s32 s30, s22;
	s29 =	sxor.u32 $0x80000000, s31;
	s21 =	spop (v2sf)  }
0x1a8: {  	v35 =	vmul.f32 v26, v26;
	v36 =	vmul.f32 v27, v27;
	s22 =	smov.u32 @p0 s30;
	p0 =	sgt.s32 s28, s29;
	s31 =	spop (v2sf)  }
0x1a9: {  	v31 =	vadd.f32 v32, v31;
	v1 =	vadd.f32 v30, v1;
	v30 =	vmul.f32 v23, v23;
	s29 =	smov.u32 @p0 s28;
	s21 =	sxor.u32 $0x80000000, s21;
	s28 =	sxor.u32 $0x80000000, s31  }
0x1aa: {  	v56 =	vmul.f32 v24, v24;
	v33 =	vmul.f32 v25, v25;
	v58 =	vadd.f32 v36, v35;
	p0 =	slt.s32 s22, s21;
	p1 =	sgt.s32 s29, s28  }
0x1ab: {  	v59 =	vmul.f32 v29, v29;
	v34 =	vsub.f32 $3.999999910e-02, v1;
	v37 =	vadd.f32 v30, v31;
	s21 =	smov.u32 @p0 s22;
	s28 =	smov.u32 @p1 s29  }
0x1ac: {  	v31 =	vadd.f32 v33, v56;
	v1 =	vsub.f32 $1.599999960e-01, v1;
	v57 =	vmul.f32 v28, v28;
	p0 =	slt.s32 s21, $0x7F;
	s31 =	sshra.s32 s28, $0x1F  }
0x1ad: {  	v35 =	vadd.f32 v59, v58;
	s21 =	simm.s32 @!p0 $0x7F;
	s22 =	sor.u32 s31, s28  }
0x1ae: {  	v61 =	vadd.f32 v57, v31;
	v31 =	vmul.f32 $5.000000000e-01, v1;
	v1 =	vsub.f32 $1.599999960e-01, v37;
	p0 =	sne.s32 s21, s22  }
.Ltmp11:
0x1af: {  	v63 =	vsub.f32 $1.599999960e-01, v35;
	v30 =	vmul.f32 $5.000000000e-01, v34;
	(pc) =	sbr.rel @p0 .LBB2_28-.Ltmp11, $4  }
0x1b0: {  	v42 =	vld.idx.msk [tilespmem:v38+s14+$0x0], $0xffff;
	v36 =	vsub.f32 $1.599999960e-01, v61;
	v33 =	vmul.f32 $5.000000000e-01, v1;
	v1 =	vsub.f32 $3.999999910e-02, v35  }
0x1b1: {  	v43 =	vld.idx.msk [tilespmem:v39+s14+$0x0], $0xffff;
	v60 =	vsub.f32 $3.999999910e-02, v37;
	v37 =	vmul.f32 $5.000000000e-01, v63;
	v62 =	vsub.f32 $3.999999910e-02, v61  }
0x1b2: {  	v44 =	vld.idx.msk [tilespmem:v40+s14+$0x0], $0xffff;
	v35 =	vmul.f32 $5.000000000e-01, v36;
	v36 =	vmul.f32 $5.000000000e-01, v1  }
0x1b3: {  	v45 =	vld.idx.msk [tilespmem:v41+s14+$0x0], $0xffff;
	v32 =	vmul.f32 $5.000000000e-01, v60;
	v34 =	vmul.f32 $5.000000000e-01, v62  }
0x1b4: {  	_ =	sdelay $0x3  }
0x1b5: {  	v1 =	vxor.u32 $0x80000000, v45  }
0x1b6: {  	(xrf0) =	vmin.scan.msk.u32 $0xffff, v1;
	v1 =	vxor.u32 $0x80000000, v42  }
0x1b7: {  	(xrf0) =	vmin.scan.msk.u32 $0xffff, v1;
	v1 =	vxor.u32 $0x80000000, v43  }
0x1b8: {  	(xrf0) =	vmin.scan.msk.u32 $0xffff, v1  }
0x1b9: {  	v1 =	vxor.u32 $0x80000000, v44  }
0x1ba: {  	(xrf0) =	vmin.scan.msk.u32 $0xffff, v1;
	_ =	sdelay $0x1  }
0x1bb: {  	v1, _, _ =	vpop (xrf0)  }
0x1bc: {  	v38, _, _ =	vpop (xrf0);
	(v2sf) =	vpush v1, $0xF  }
0x1bd: {  	v1, _, _ =	vpop (xrf0);
	(v2sf) =	vpush v38, $0xF  }
0x1be: {  	(v2sf) =	vpush v1, $0xF  }
0x1bf: {  	v1, _, _ =	vpop (xrf0)  }
0x1c0: {  	(v2sf) =	vpush v1, $0xF;
	_ =	sdelay $0xa  }
0x1c1: {  	s22 =	spop (v2sf)  }
0x1c2: {  	s23 =	sxor.u32 $0x80000000, s23;
	s24 =	sxor.u32 $0x80000000, s24;
	s21 =	spop (v2sf)  }
0x1c3: {  	p0 =	sgt.s32 s23, s24;
	s28 =	spop (v2sf)  }
0x1c4: {  	s24 =	smov.u32 @p0 s23;
	s21 =	sxor.u32 $0x80000000, s21;
	s23 =	sxor.u32 $0x80000000, s28  }
0x1c5: {  	s28 =	sxor.u32 $0x80000000, s25;
	s30 =	spop (v2sf);
	p0 =	slt.s32 s21, s23  }
0x1c6: {  	s29 =	sxor.u32 $0x80000000, s30;
	s23 =	smov.u32 @p0 s21;
	p0 =	sgt.s32 s24, s28  }
0x1c7: {  	s28 =	smov.u32 @p0 s24;
	p0 =	slt.s32 s23, s29  }
0x1c8: {  	s25 =	sxor.u32 $0x80000000, s22;
	s21 =	sxor.u32 $0x80000000, s26;
	s29 =	smov.u32 @p0 s23  }
0x1c9: {  	p0 =	sgt.s32 s28, s21;
	p1 =	slt.s32 s29, s25  }
0x1ca: {  	s21 =	smov.u32 @p0 s28;
	s25 =	smov.u32 @p1 s29  }
0x1cb: {  	p0 =	sgt.s32 s21, $0x0;
	p1 =	slt.s32 s25, $0x2000  }
0x1cc: {  	s21 =	simm.s32 @!p0 $0x0;
	s25 =	simm.s32 @!p1 $0x2000  }
0x1cd: {  	s22 =	ssub.s32 s21, s25  }
0x1ce: {  	s31 =	sshrl.u32 s22, $0x1F  }
0x1cf: {  	s23 =	sadd.s32 s31, s22  }
0x1d0: {  	s23 =	sand.u32 $0xFFFFFFFE, s23  }
0x1d1: {  	s24 =	sadd.s32 s25, s23  }
0x1d2: {  	p0 =	sge.s32 s25, s24  }
.Ltmp12:
0x1d3: {  	_ = 	snop;
	(pc) =	sbr.rel @p0 .LBB2_22-.Ltmp12, $3  }
0x1d4: {  	_ =	sdelay $0x1  }
0x1d5: {  	v45 =	vimm.s32 $0x0  }
0x1d6: {  	v42 =	vimm.s32 $0x0;
	v43 =	vimm.s32 $0x0;
	v44 =	vimm.s32 $0x0  }
0x1d7: {  	v39 =	vmov s25;
	_ =	sdelay $0x1  }
0x1d8: {  	s26 =	sadd.s32 $0x1, s25  }
0x1d9: {  	v1 =	vmov s26;
	_ =	sdelay $0x1  }
0x1da: {  	v49 =	vld.idx.msk [tilespmem:v39+s6+$0x0], $0xffff  }
0x1db: {  	v53 =	vld.idx.msk [tilespmem:v39+s12+$0x0], $0xffff  }
0x1dc: {  	v48 =	vld.idx.msk [tilespmem:v39+s11+$0x0], $0xffff  }
0x1dd: {  	v44 =	vld.idx.msk [tilespmem:v1+s12+$0x0], $0xffff  }
0x1de: {  	v40 =	vld.idx.msk [tilespmem:v1+s6+$0x0], $0xffff  }
0x1df: {  	v42 =	vld.idx.msk [tilespmem:v1+s11+$0x0], $0xffff;
	v55 =	vmul.f32 v49, v18;
	v56 =	vmul.f32 v49, v21  }
0x1e0: {  	v63 =	vmul.f32 v49, v26;
	v60 =	vmul.f32 v53, v20  }
0x1e1: {  	v61 =	vmul.f32 v48, v27;
	v57 =	vmul.f32 v48, v22  }
0x1e2: {  	v58 =	vmul.f32 v53, v29;
	v43 =	vmul.f32 v44, v20  }
0x1e3: {  	v51 =	vmul.f32 v44, v29;
	v41 =	vmul.f32 v40, v21  }
0x1e4: {  	v46 =	vmul.f32 v40, v24;
	v45 =	vmul.f32 v42, v22  }
0x1e5: {  	v38 =	vimm.s32 $0x0;
	v50 =	vmul.f32 v40, v26;
	v54 =	vmul.f32 v42, v27  }
0x1e6: {  	v52 =	vmul.f32 v44, v23;
	v62 =	vadd.f32 v45, v41;
	v41 =	vld.idx.msk [tilespmem:v1+s16+$0x0], $0xffff;
	v1 =	vmul.f32 v48, v19  }
0x1e7: {  	s25 =	sadd.s32 $0x2, s25;
	v47 =	vmul.f32 v40, v18;
	v40 =	vimm.s32 $0x0;
	v54 =	vadd.f32 v54, v50;
	v45 =	vld.idx.msk [tilespmem:v39+s16+$0x0], $0xffff  }
0x1e8: {  	p0 =	slt.s32 s25, s24;
	v50 =	vmul.f32 v48, v25;
	v48 =	vmul.f32 v53, v28;
	v1 =	vadd.f32 v1, v55  }
.Ltmp13:
0x1e9: {  	v39 =	vadd.f32 v61, v63;
	v63 =	vmul.f32 v53, v23;
	v52 =	vadd.f32 v52, v62;
	(pc) =	sbr.rel @!p0 .LBB2_21-.Ltmp13, $4  }
0x1ea: {  	v53 =	vmul.f32 v42, v19;
	v59 =	vadd.f32 v51, v54;
	v1 =	vadd.f32 v60, v1  }
0x1eb: {  	v62 =	vadd.f32 v57, v56;
	v54 =	vmul.f32 v49, v24;
	v55 =	vadd.f32 v58, v39  }
0x1ec: {  	v57 =	vmul.f32 v42, v25;
	v49 =	vsub.f32 v41, v59;
	v51 =	vsub.f32 v45, v1  }
0x1ed: {  	v42 =	vimm.s32 $0x0;
	v39 =	vimm.s32 $0x0;
	v56 =	vadd.f32 v63, v62  }
.LBB2_20:
0x1ee: {  	vm1 =	vle.f32 v51, v31;
	v1 =	vsub.f32 v41, v52;
	vm0 =	vle.f32 v49, v37;
	s26 =	smov.u32 s25;
	s25 =	sadd.s32 $0x2, s25  }
0x1ef: {  	v44 =	vmul.f32 v44, v28;
	p0 =	slt.s32 s25, s24;
	v52 =	vsub.f32 v45, v56;
	v46 =	vadd.f32 v57, v46  }
0x1f0: {  	v50 =	vadd.f32 v50, v54;
	v54 =	vsub.f32 v45, v55;
	vm2 =	vle.f32 v1, v32  }
0x1f1: {  	v47 =	vadd.f32 v53, v47;
	vm3 =	vle.f32 v52, v32;
	vm4 =	vle.f32 v52, v33  }
0x1f2: {  	v53 =	vsel vm2, $0x10001, v17;
	v52 =	vsel vm3, $0x10001, v17;
	vm3 =	vle.f32 v54, v36  }
0x1f3: {  	s28 =	sadd.s32 $0x1, s26;
	vm5 =	vle.f32 v1, v33;
	vm2 =	vle.f32 v54, v37;
	v1 =	vadd.f32 v44, v46  }
0x1f4: {  	v43 =	vadd.f32 v43, v47;
	v54 =	vmov s28;
	v44 =	vsel vm3, $0x10001, v17  }
0x1f5: {  	v55 =	vmov s26;
	vm3 =	vle.f32 v51, v30;
	v46 =	vnsel vm4, $0x0, v52  }
0x1f6: {  	v48 =	vadd.f32 v48, v50;
	v50 =	vnsel vm5, $0x0, v53;
	v47 =	vsel vm3, $0x10001, v17  }
0x1f7: {  	v44 =	vnsel vm2, $0x0, v44;
	v47 =	vnsel vm1, $0x0, v47;
	vm1 =	vle.f32 v49, v36  }
0x1f8: {  	v42 =	vadd.s32 v42, v44;
	v38 =	vadd.s32 v38, v47;
	v47 =	vsel vm1, $0x10001, v17  }
0x1f9: {  	v45 =	vsub.f32 v45, v48;
	v43 =	vsub.f32 v41, v43;
	v47 =	vnsel vm0, $0x0, v47;
	v44 =	vld.idx.msk [tilespmem:v54+s12+$0x0], $0xffff  }
0x1fa: {  	v1 =	vsub.f32 v41, v1;
	v40 =	vadd.s32 v40, v46;
	v42 =	vadd.s32 v47, v42;
	v48 =	vld.idx.msk [tilespmem:v54+s6+$0x0], $0xffff  }
0x1fb: {  	v40 =	vadd.s32 v50, v40;
	vm1 =	vle.f32 v43, v31;
	vm0 =	vle.f32 v43, v30;
	v57 =	vld.idx.msk [tilespmem:v54+s11+$0x0], $0xffff  }
0x1fc: {  	vm2 =	vle.f32 v45, v34;
	v41 =	vsel vm0, $0x10001, v17;
	vm0 =	vle.f32 v1, v35;
	v49 =	vld.idx.msk [tilespmem:v55+s12+$0x0], $0xffff  }
0x1fd: {  	vm3 =	vle.f32 v45, v35;
	v41 =	vnsel vm1, $0x0, v41;
	vm1 =	vle.f32 v1, v34;
	v51 =	vld.idx.msk [tilespmem:v55+s6+$0x0], $0xffff  }
0x1fe: {  	v45 =	vsel vm2, $0x10001, v17;
	v38 =	vadd.s32 v41, v38;
	v41 =	vsel vm1, $0x10001, v17;
	v1 =	vld.idx.msk [tilespmem:v55+s11+$0x0], $0xffff  }
0x1ff: {  	v45 =	vnsel vm3, $0x0, v45;
	v43 =	vmul.f32 v44, v20;
	v53 =	vmul.f32 v44, v29  }
0x200: {  	v41 =	vnsel vm0, $0x0, v41;
	v50 =	vmul.f32 v48, v21;
	v46 =	vmul.f32 v48, v24  }
0x201: {  	v39 =	vadd.s32 v39, v45;
	v56 =	vmul.f32 v48, v26;
	v52 =	vmul.f32 v57, v22  }
0x202: {  	v39 =	vadd.s32 v41, v39;
	v58 =	vmul.f32 v44, v23;
	v59 =	vmul.f32 v57, v27  }
0x203: {  	v47 =	vmul.f32 v48, v18;
	v60 =	vmul.f32 v51, v18;
	v48 =	vadd.f32 v52, v50;
	v41 =	vld.idx.msk [tilespmem:v54+s16+$0x0], $0xffff  }
0x204: {  	v56 =	vadd.f32 v59, v56;
	v54 =	vmul.f32 v1, v19;
	v45 =	vld.idx.msk [tilespmem:v55+s16+$0x0], $0xffff;
	v55 =	vmul.f32 v51, v21  }
0x205: {  	v59 =	vmul.f32 v51, v26;
	v50 =	vmul.f32 v1, v25;
	v52 =	vadd.f32 v58, v48  }
0x206: {  	v58 =	vmul.f32 v1, v27;
	v48 =	vadd.f32 v54, v60;
	v54 =	vmul.f32 v49, v20  }
.Ltmp14:
0x207: {  	v1 =	vmul.f32 v1, v22;
	v56 =	vadd.f32 v53, v56;
	v60 =	vmul.f32 v49, v29;
	(pc) =	sbr.rel @p0 .LBB2_20-.Ltmp14, $4  }
0x208: {  	v58 =	vadd.f32 v58, v59;
	v53 =	vadd.f32 v54, v48;
	v48 =	vmul.f32 v49, v28  }
0x209: {  	v1 =	vadd.f32 v1, v55;
	v55 =	vmul.f32 v49, v23;
	v54 =	vmul.f32 v51, v24  }
0x20a: {  	v49 =	vsub.f32 v41, v56;
	v51 =	vsub.f32 v45, v53;
	v53 =	vmul.f32 v57, v19  }
0x20b: {  	v56 =	vadd.f32 v55, v1;
	v55 =	vadd.f32 v60, v58;
	v57 =	vmul.f32 v57, v25  }
.LBB2_21:
0x20c: {  	vm0 =	vle.f32 v51, v31;
	v1 =	vsub.f32 v41, v52  }
0x20d: {  	vm1 =	vle.f32 v49, v37;
	v44 =	vmul.f32 v44, v28;
	v50 =	vadd.f32 v50, v54  }
0x20e: {  	v47 =	vadd.f32 v53, v47;
	vm8 =	vle.f32 v51, v30;
	v60 =	vsub.f32 v45, v56  }
0x20f: {  	vm9 =	vle.f32 v49, v36;
	v46 =	vadd.f32 v57, v46;
	v61 =	vsub.f32 v45, v55  }
0x210: {  	v58 =	vsel vm8, $0x10001, v17;
	vm2 =	vle.f32 v1, v32;
	vm5 =	vle.f32 v1, v33  }
0x211: {  	v43 =	vadd.f32 v43, v47;
	v48 =	vadd.f32 v48, v50;
	v47 =	vnsel vm0, $0x0, v58  }
0x212: {  	vm3 =	vle.f32 v60, v32;
	vm4 =	vle.f32 v60, v33;
	vm14 =	vle.f32 v61, v36  }
0x213: {  	v63 =	vsel vm2, $0x10001, v17;
	vm15 =	vle.f32 v61, v37;
	v1 =	vadd.f32 v44, v46  }
0x214: {  	v38 =	vadd.s32 v38, v47;
	v60 =	vsel vm9, $0x10001, v17;
	v62 =	vsel vm3, $0x10001, v17  }
0x215: {  	v56 =	vsel vm14, $0x10001, v17;
	v59 =	vnsel vm5, $0x0, v63;
	v43 =	vsub.f32 v41, v43  }
0x216: {  	v61 =	vsub.f32 v45, v48;
	v57 =	vnsel vm4, $0x0, v62;
	v44 =	vnsel vm15, $0x0, v56  }
0x217: {  	v1 =	vsub.f32 v41, v1;
	v42 =	vadd.s32 v42, v44;
	v44 =	vnsel vm1, $0x0, v60  }
0x218: {  	v40 =	vadd.s32 v40, v57;
	vm10 =	vle.f32 v43, v30;
	vm11 =	vle.f32 v43, v31  }
0x219: {  	vm12 =	vle.f32 v61, v34;
	vm13 =	vle.f32 v61, v35;
	v42 =	vadd.s32 v44, v42  }
0x21a: {  	v62 =	vsel vm10, $0x10001, v17;
	vm14 =	vle.f32 v1, v34;
	v63 =	vsel vm12, $0x10001, v17  }
0x21b: {  	vm15 =	vle.f32 v1, v35;
	v1 =	vsel vm14, $0x10001, v17;
	v43 =	vnsel vm13, $0x0, v63  }
0x21c: {  	v41 =	vnsel vm11, $0x0, v62;
	v1 =	vnsel vm15, $0x0, v1;
	v39 =	vadd.s32 v39, v43  }
0x21d: {  	v44 =	vadd.s32 v59, v40;
	v45 =	vadd.s32 v41, v38;
	v43 =	vadd.s32 v1, v39  }
.LBB2_22:
0x21e: {  	p0 =	sge.s32 s24, s21  }
.Ltmp15:
0x21f: {  	_ = 	snop;
	(pc) =	sbr.rel @p0 .LBB2_34-.Ltmp15, $1  }
0x220: {  	_ =	sdelay $0x3  }
0x221: {  	s22 =	ssub.s32 s22, s23  }
0x222: {  	s22 =	ssub.s32 $0x0, s22  }
.LBB2_24:
0x223: {  	s23 =	sadd.s32 s22, s21  }
0x224: {  	v1 =	vmov s23;
	_ =	sdelay $0x4  }
0x225: {  	v38 =	vld.idx.msk [tilespmem:v1+s6+$0x0], $0xffff  }
0x226: {  	v39 =	vld.idx.msk [tilespmem:v1+s11+$0x0], $0xffff;
	_ =	sdelay $0x1  }
0x227: {  	v40 =	vld.idx.msk [tilespmem:v1+s12+$0x0], $0xffff;
	_ =	sdelay $0x2  }
0x228: {  	v41 =	vmul.f32 v38, v18;
	v46 =	vmul.f32 v39, v19  }
0x229: {  	v47 =	vmul.f32 v38, v21;
	v48 =	vmul.f32 v39, v22  }
0x22a: {  	v63 =	vmul.f32 v40, v20;
	v49 =	vmul.f32 v40, v23  }
0x22b: {  	v1 =	vld.idx.msk [tilespmem:v1+s16+$0x0], $0xffff;
	v52 =	vmul.f32 v38, v24;
	v50 =	vmul.f32 v39, v25  }
0x22c: {  	v38 =	vmul.f32 v38, v26;
	v39 =	vmul.f32 v39, v27;
	v41 =	vadd.f32 v46, v41  }
0x22d: {  	v55 =	vmul.f32 v40, v28;
	v47 =	vadd.f32 v48, v47;
	v54 =	vadd.f32 v50, v52  }
0x22e: {  	v40 =	vmul.f32 v40, v29;
	v38 =	vadd.f32 v39, v38;
	v41 =	vadd.f32 v63, v41  }
0x22f: {  	v53 =	vadd.f32 v49, v47;
	v57 =	vadd.f32 v55, v54  }
0x230: {  	v38 =	vadd.f32 v40, v38;
	v56 =	vsub.f32 v1, v41  }
0x231: {  	v58 =	vsub.f32 v1, v53;
	v41 =	vsub.f32 v1, v57  }
0x232: {  	s22 =	sadd.s32 $0x1, s22;
	v1 =	vsub.f32 v1, v38;
	vm0 =	vle.f32 v56, v30;
	vm1 =	vle.f32 v56, v31  }
0x233: {  	p0 =	seq.s32 s22, $0x0;
	vm10 =	vle.f32 v58, v32;
	vm11 =	vle.f32 v58, v33;
	vm12 =	vle.f32 v41, v34  }
.Ltmp16:
0x234: {  	vm13 =	vle.f32 v1, v36;
	vm14 =	vle.f32 v41, v35;
	vm15 =	vle.f32 v1, v37;
	(pc) =	sbr.rel @!p0 .LBB2_24-.Ltmp16, $4  }
0x235: {  	v59 =	vsel vm0, $0x10001, v17;
	v60 =	vsel vm10, $0x10001, v17;
	v61 =	vsel vm12, $0x10001, v17  }
0x236: {  	v62 =	vsel vm13, $0x10001, v17;
	v39 =	vnsel vm1, $0x0, v59;
	v38 =	vnsel vm11, $0x0, v60  }
0x237: {  	v1 =	vnsel vm14, $0x0, v61;
	v63 =	vnsel vm15, $0x0, v62;
	v45 =	vadd.s32 v45, v39  }
0x238: {  	v44 =	vadd.s32 v44, v38;
	v43 =	vadd.s32 v43, v1;
	v42 =	vadd.s32 v42, v63  }
.Ltmp17:
0x239: {  	_ = 	snop;
	(pc) =	sbr.rel .LBB2_34-.Ltmp17, $1  }
0x23a: {  	_ =	sdelay $0x3  }
.LBB2_16:
0x23b: {  	p0 =	sne.s32 s21, s22  }
.Ltmp18:
0x23c: {  	_ = 	snop;
	(pc) =	sbr.rel @!p0 .LBB2_17-.Ltmp18, $3  }
0x23d: {  	_ =	sdelay $0x1  }
0x23e: {  	s23 =	sadd.s32 $0x1, s21  }
0x23f: {  	s21 =	smov.u32 s23  }
.LBB2_12:
0x240: {  	v46 =	vmov s21  }
0x241: {  	v47 =	vadd.s32 $0x1, v46;
	_ =	sdelay $0x3  }
0x242: {  	v48 =	vld.idx.msk [tilespmem:v46+s14+$0x0], $0xffff  }
0x243: {  	v47 =	vld.idx.msk [tilespmem:v47+s14+$0x0], $0xffff;
	_ =	sdelay $0x3  }
0x244: {  	v48 =	vxor.u32 $0x80000000, v48  }
0x245: {  	(xrf0) =	vmin.scan.msk.u32 $0xffff, v48;
	v47 =	vxor.u32 $0x80000000, v47  }
0x246: {  	(xrf0) =	vmax.scan.msk.u32 $0xffff, v47;
	_ =	sdelay $0x4  }
0x247: {  	v62, _, _ =	vpop (xrf0)  }
0x248: {  	(v2sf) =	vpush v62, $0xF;
	v63, _, _ =	vpop (xrf0)  }
0x249: {  	(v2sf) =	vpush v63, $0xF;
	_ =	sdelay $0xd  }
0x24a: {  	s23 =	spop (v2sf)  }
0x24b: {  	s24 =	spop (v2sf)  }
0x24c: {  	s28 =	sxor.u32 $0x80000000, s23;
	s23 =	sxor.u32 $0x80000000, s24  }
0x24d: {  	s24 =	ssub.s32 s23, s28  }
0x24e: {  	s25 =	sshrl.u32 s24, $0x1F  }
0x24f: {  	s25 =	sadd.s32 s25, s24  }
0x250: {  	s25 =	sand.u32 $0xFFFFFFFE, s25  }
0x251: {  	s26 =	sadd.s32 s28, s25  }
0x252: {  	p0 =	sge.s32 s28, s26  }
.Ltmp19:
0x253: {  	_ = 	snop;
	(pc) =	sbr.rel @p0 .LBB2_13-.Ltmp19, $1  }
0x254: {  	_ =	sdelay $0x3  }
0x255: {  	s29 =	sadd.s32 $0x1, s28  }
0x256: {  	v47 =	vmov s29;
	_ =	sdelay $0x4  }
0x257: {  	v48 =	vld.idx.msk [tilespmem:v47+s6+$0x0], $0xffff  }
0x258: {  	v49 =	vld.idx.msk [tilespmem:v47+s11+$0x0], $0xffff;
	_ =	sdelay $0x1  }
0x259: {  	v51 =	vmov s28;
	v50 =	vld.idx.msk [tilespmem:v47+s12+$0x0], $0xffff;
	_ =	sdelay $0x1  }
0x25a: {  	v52 =	vmul.f32 v48, v21  }
0x25b: {  	v53 =	vmul.f32 v48, v24;
	v54 =	vmul.f32 v49, v25  }
0x25c: {  	v60 =	vmul.f32 v49, v22;
	v56 =	vmul.f32 v48, v18  }
0x25d: {  	vm2 =	veq.s32 v40, v46;
	v59 =	vld.idx.msk [tilespmem:v51+s12+$0x0], $0xffff;
	v57 =	vmul.f32 v50, v28;
	v61 =	vmul.f32 v49, v19  }
0x25e: {  	v55 =	vld.idx.msk [tilespmem:v47+s16+$0x0], $0xffff;
	v48 =	vmul.f32 v48, v26;
	v49 =	vmul.f32 v49, v27;
	v53 =	vadd.f32 v54, v53  }
0x25f: {  	v58 =	vmul.f32 v50, v23;
	v47 =	vadd.f32 v60, v52;
	v52 =	vadd.f32 v61, v56;
	v56 =	vld.idx.msk [tilespmem:v51+s11+$0x0], $0xffff  }
0x260: {  	v62 =	vmul.f32 v50, v20;
	v63 =	vmul.f32 v50, v29;
	v48 =	vadd.f32 v49, v48  }
0x261: {  	vm1 =	veq.s32 v41, v46;
	v53 =	vadd.f32 v57, v53;
	v47 =	vadd.f32 v58, v47  }
0x262: {  	vm0 =	veq.s32 v39, v46;
	v57 =	vld.idx.msk [tilespmem:v51+s6+$0x0], $0xffff;
	v52 =	vadd.f32 v62, v52;
	v48 =	vadd.f32 v63, v48  }
0x263: {  	v53 =	vsub.f32 v55, v53;
	v58 =	vsub.f32 v55, v47;
	v47 =	vmul.f32 v59, v20  }
0x264: {  	v50 =	vsub.f32 v55, v48;
	v62 =	vmul.f32 v56, v19;
	v63 =	vmul.f32 v56, v22  }
0x265: {  	v1 =	vmul.f32 v56, v25;
	v56 =	vmul.f32 v56, v27;
	vm3 =	vle.f32 v53, v34  }
0x266: {  	vm5 =	vle.f32 v53, v35;
	v53 =	vmul.f32 v59, v28;
	vm4 =	vle.f32 v50, v37  }
0x267: {  	vm7 =	vle.f32 v58, v32;
	v49 =	vmul.f32 v57, v18;
	v54 =	vmul.f32 v57, v24  }
0x268: {  	v48 =	vld.idx.msk [tilespmem:v51+s16+$0x0], $0xffff;
	v60 =	vmul.f32 v57, v21;
	v61 =	vsel vm3, $0x10001, v17;
	v51 =	vmul.f32 v57, v26  }
0x269: {  	s28 =	sadd.s32 $0x2, s28;
	vm3 =	vle.f32 v58, v33;
	v57 =	vmul.f32 v59, v23;
	v1 =	vadd.f32 v1, v54  }
0x26a: {  	p0 =	slt.s32 s28, s26;
	vm4 =	vmand vm1, vm4;
	v59 =	vmul.f32 v59, v29;
	v51 =	vadd.f32 v56, v51  }
.Ltmp20:
0x26b: {  	vm6 =	vmand vm0, vm3;
	v54 =	vsub.f32 v55, v52;
	v1 =	vadd.f32 v53, v1;
	(pc) =	sbr.rel @!p0 .LBB2_27-.Ltmp20, $4  }
0x26c: {  	vm3 =	vmand vm2, vm5;
	v63 =	vadd.f32 v63, v60;
	v53 =	vadd.f32 v59, v51  }
0x26d: {  	v52 =	vadd.f32 v62, v49;
	v51 =	vnsel vm3, $0x0, v61;
	v55 =	vsub.f32 v48, v1  }
0x26e: {  	vm3 =	veq.s32 v38, v46;
	v53 =	vsub.f32 v48, v53;
	v1 =	vsel vm7, $0x10001, v17  }
0x26f: {  	v56 =	vadd.f32 v57, v63;
	v49 =	vnsel vm6, $0x0, v1;
	vm5 =	vle.f32 v55, v35  }
.LBB2_26:
0x270: {  	s29 =	sadd.s32 $0x1, s28;
	vm5 =	vmand vm2, vm5;
	vm6 =	vle.f32 v53, v36;
	vm7 =	vle.f32 v54, v30;
	s30 =	smov.u32 s28;
	s28 =	sadd.s32 $0x2, s28  }
0x271: {  	v1 =	vmov s29;
	p0 =	slt.s32 s28, s26;
	v56 =	vsub.f32 v48, v56;
	v57 =	vsel vm7, $0x10001, v17  }
0x272: {  	vm8 =	vle.f32 v54, v31;
	vm9 =	vle.f32 v50, v36;
	vm7 =	vle.f32 v55, v34  }
0x273: {  	v54 =	vsel vm6, $0x10001, v17;
	vm6 =	vmand vm3, vm8;
	v50 =	vsel vm7, $0x10001, v17  }
0x274: {  	vm7 =	vle.f32 v56, v33;
	v50 =	vnsel vm5, $0x0, v50;
	vm5 =	vle.f32 v53, v37  }
0x275: {  	v47 =	vadd.f32 v47, v52;
	v43 =	vadd.s32 v43, v50;
	vm5 =	vmand vm1, vm5  }
0x276: {  	v52 =	vnsel vm5, $0x0, v54;
	v43 =	vadd.s32 v51, v43;
	v51 =	vsel vm9, $0x10001, v17;
	v50 =	vld.idx.msk [tilespmem:v1+s6+$0x0], $0xffff  }
0x277: {  	v47 =	vsub.f32 v48, v47;
	vm5 =	vmand vm0, vm7;
	v42 =	vadd.s32 v42, v52;
	v53 =	vld.idx.msk [tilespmem:v1+s11+$0x0], $0xffff  }
0x278: {  	vm7 =	vle.f32 v56, v32;
	v52 =	vnsel vm6, $0x0, v57;
	v51 =	vnsel vm4, $0x0, v51;
	v48 =	vld.idx.msk [tilespmem:v1+s12+$0x0], $0xffff  }
0x279: {  	vm4 =	vle.f32 v47, v30;
	vm6 =	vle.f32 v47, v31;
	v42 =	vadd.s32 v51, v42  }
0x27a: {  	vm6 =	vmand vm3, vm6;
	v47 =	vsel vm4, $0x10001, v17;
	v51 =	vsel vm7, $0x10001, v17  }
0x27b: {  	v54 =	vmov s30;
	v47 =	vnsel vm6, $0x0, v47;
	v51 =	vnsel vm5, $0x0, v51  }
0x27c: {  	v45 =	vadd.s32 v45, v47;
	v55 =	vmul.f32 v50, v21;
	v56 =	vmul.f32 v50, v24  }
0x27d: {  	v44 =	vadd.s32 v44, v51;
	v47 =	vmul.f32 v53, v22;
	v57 =	vmul.f32 v53, v25;
	v1 =	vld.idx.msk [tilespmem:v1+s16+$0x0], $0xffff  }
0x27e: {  	v44 =	vadd.s32 v49, v44;
	v51 =	vmul.f32 v50, v18;
	v58 =	vmul.f32 v48, v28  }
0x27f: {  	v49 =	vmul.f32 v48, v23;
	v47 =	vadd.f32 v47, v55;
	v55 =	vadd.f32 v57, v56  }
0x280: {  	v45 =	vadd.s32 v52, v45;
	v59 =	vmul.f32 v48, v20;
	v57 =	vmul.f32 v53, v19;
	v56 =	vld.idx.msk [tilespmem:v54+s12+$0x0], $0xffff  }
0x281: {  	v50 =	vmul.f32 v50, v26;
	v55 =	vadd.f32 v58, v55;
	v52 =	vld.idx.msk [tilespmem:v54+s6+$0x0], $0xffff  }
0x282: {  	v51 =	vadd.f32 v57, v51;
	v47 =	vadd.f32 v49, v47;
	v49 =	vmul.f32 v53, v27;
	v58 =	vld.idx.msk [tilespmem:v54+s11+$0x0], $0xffff  }
0x283: {  	v53 =	vsub.f32 v1, v55  }
0x284: {  	v48 =	vmul.f32 v48, v29;
	v55 =	vsub.f32 v1, v47;
	v49 =	vadd.f32 v49, v50  }
0x285: {  	v51 =	vadd.f32 v59, v51;
	vm4 =	vle.f32 v53, v34;
	vm5 =	vle.f32 v53, v35  }
0x286: {  	v49 =	vadd.f32 v48, v49;
	v47 =	vmul.f32 v56, v20;
	v53 =	vmul.f32 v56, v28  }
0x287: {  	v60 =	vsel vm4, $0x10001, v17;
	v57 =	vmul.f32 v52, v18;
	v59 =	vmul.f32 v52, v21  }
0x288: {  	v50 =	vsub.f32 v1, v49;
	v61 =	vmul.f32 v58, v19;
	v62 =	vmul.f32 v58, v22;
	v48 =	vld.idx.msk [tilespmem:v54+s16+$0x0], $0xffff  }
0x289: {  	vm6 =	vle.f32 v55, v33;
	v49 =	vmul.f32 v52, v24;
	v54 =	vmul.f32 v58, v25  }
0x28a: {  	v52 =	vmul.f32 v52, v26;
	v58 =	vmul.f32 v58, v27;
	vm4 =	vle.f32 v50, v37  }
0x28b: {  	v63 =	vmul.f32 v56, v23;
	vm4 =	vmand vm1, vm4;
	v49 =	vadd.f32 v54, v49  }
0x28c: {  	vm6 =	vmand vm0, vm6;
	v52 =	vadd.f32 v58, v52;
	v54 =	vmul.f32 v56, v29  }
.Ltmp21:
0x28d: {  	vm7 =	vle.f32 v55, v32;
	vm5 =	vmand vm2, vm5;
	v49 =	vadd.f32 v53, v49;
	(pc) =	sbr.rel @p0 .LBB2_26-.Ltmp21, $4  }
0x28e: {  	v53 =	vadd.f32 v54, v52;
	v54 =	vsub.f32 v1, v51;
	v51 =	vnsel vm5, $0x0, v60  }
0x28f: {  	v1 =	vadd.f32 v62, v59;
	v55 =	vsub.f32 v48, v49  }
0x290: {  	v52 =	vadd.f32 v61, v57;
	v53 =	vsub.f32 v48, v53;
	v49 =	vsel vm7, $0x10001, v17  }
0x291: {  	v56 =	vadd.f32 v63, v1;
	v49 =	vnsel vm6, $0x0, v49;
	vm5 =	vle.f32 v55, v35  }
.LBB2_27:
0x292: {  	vm2 =	vmand vm2, vm5;
	vm14 =	vle.f32 v54, v30  }
0x293: {  	vm6 =	vle.f32 v53, v36;
	vm15 =	vle.f32 v55, v34;
	vm7 =	vle.f32 v54, v31  }
0x294: {  	vm8 =	vle.f32 v50, v36;
	vm10 =	vle.f32 v53, v37;
	v47 =	vadd.f32 v47, v52  }
0x295: {  	v1 =	vsub.f32 v48, v56;
	v63 =	vsel vm14, $0x10001, v17;
	v58 =	vsel vm15, $0x10001, v17  }
0x296: {  	v59 =	vsel vm6, $0x10001, v17;
	vm9 =	vmand vm3, vm7;
	vm1 =	vmand vm1, vm10  }
0x297: {  	v61 =	vsel vm8, $0x10001, v17;
	v50 =	vnsel vm2, $0x0, v58;
	v60 =	vnsel vm1, $0x0, v59  }
0x298: {  	v47 =	vsub.f32 v48, v47;
	v63 =	vnsel vm9, $0x0, v63;
	v48 =	vnsel vm4, $0x0, v61  }
0x299: {  	vm11 =	vle.f32 v1, v33;
	v43 =	vadd.s32 v43, v50;
	vm12 =	vle.f32 v1, v32  }
0x29a: {  	vm0 =	vmand vm0, vm11;
	vm13 =	vle.f32 v47, v30;
	vm14 =	vle.f32 v47, v31  }
0x29b: {  	v62 =	vsel vm12, $0x10001, v17;
	vm15 =	vmand vm3, vm14;
	v1 =	vsel vm13, $0x10001, v17  }
0x29c: {  	v42 =	vadd.s32 v42, v60;
	v47 =	vnsel vm0, $0x0, v62;
	v1 =	vnsel vm15, $0x0, v1  }
0x29d: {  	v43 =	vadd.s32 v51, v43;
	v44 =	vadd.s32 v44, v47;
	v1 =	vadd.s32 v45, v1  }
0x29e: {  	v42 =	vadd.s32 v48, v42;
	v44 =	vadd.s32 v49, v44;
	v45 =	vadd.s32 v63, v1  }
.LBB2_13:
0x29f: {  	p0 =	sge.s32 s26, s23  }
.Ltmp22:
0x2a0: {  	_ = 	snop;
	(pc) =	sbr.rel @p0 .LBB2_16-.Ltmp22, $1  }
0x2a1: {  	_ =	sdelay $0x3  }
0x2a2: {  	s24 =	ssub.s32 s24, s25  }
0x2a3: {  	s24 =	ssub.s32 $0x0, s24  }
.LBB2_15:
0x2a4: {  	s25 =	sadd.s32 s24, s23  }
0x2a5: {  	v1 =	vmov s25;
	_ =	sdelay $0x4  }
0x2a6: {  	v47 =	vld.idx.msk [tilespmem:v1+s6+$0x0], $0xffff  }
0x2a7: {  	v48 =	vld.idx.msk [tilespmem:v1+s11+$0x0], $0xffff  }
0x2a8: {  	v49 =	vld.idx.msk [tilespmem:v1+s12+$0x0], $0xffff;
	_ =	sdelay $0x3  }
0x2a9: {  	v50 =	vmul.f32 v47, v18;
	v51 =	vmul.f32 v48, v19  }
0x2aa: {  	v55 =	vmul.f32 v49, v20;
	v56 =	vmul.f32 v47, v21  }
0x2ab: {  	vm2 =	veq.s32 v41, v46;
	v1 =	vld.idx.msk [tilespmem:v1+s16+$0x0], $0xffff;
	v57 =	vmul.f32 v47, v24;
	v54 =	vmul.f32 v48, v25  }
0x2ac: {  	v52 =	vmul.f32 v48, v22;
	v47 =	vmul.f32 v47, v26;
	v50 =	vadd.f32 v51, v50  }
0x2ad: {  	v48 =	vmul.f32 v48, v27;
	v60 =	vmul.f32 v49, v28;
	v59 =	vadd.f32 v54, v57  }
0x2ae: {  	v53 =	vmul.f32 v49, v23;
	v51 =	vadd.f32 v52, v56;
	v50 =	vadd.f32 v55, v50  }
0x2af: {  	v49 =	vmul.f32 v49, v29;
	v47 =	vadd.f32 v48, v47;
	v48 =	vadd.f32 v60, v59  }
0x2b0: {  	vm3 =	veq.s32 v38, v46;
	v58 =	vadd.f32 v53, v51;
	v50 =	vsub.f32 v1, v50  }
0x2b1: {  	vm9 =	veq.s32 v40, v46;
	v47 =	vadd.f32 v49, v47;
	v48 =	vsub.f32 v1, v48  }
0x2b2: {  	vm10 =	veq.s32 v39, v46;
	vm0 =	vle.f32 v50, v30;
	vm1 =	vle.f32 v50, v31  }
0x2b3: {  	v50 =	vsub.f32 v1, v58;
	v1 =	vsub.f32 v1, v47;
	vm12 =	vle.f32 v48, v34  }
0x2b4: {  	s24 =	sadd.s32 $0x1, s24;
	vm13 =	vle.f32 v48, v35;
	vm1 =	vmand vm3, vm1;
	v61 =	vsel vm0, $0x10001, v17  }
0x2b5: {  	p0 =	seq.s32 s24, $0x0;
	vm3 =	vmand vm9, vm13;
	v51 =	vnsel vm1, $0x0, v61;
	vm11 =	vle.f32 v50, v33  }
.Ltmp23:
0x2b6: {  	vm4 =	vle.f32 v50, v32;
	vm14 =	vle.f32 v1, v36;
	vm5 =	vle.f32 v1, v37;
	(pc) =	sbr.rel @!p0 .LBB2_15-.Ltmp23, $4  }
0x2b7: {  	v1 =	vsel vm12, $0x10001, v17;
	v45 =	vadd.s32 v45, v51;
	vm0 =	vmand vm10, vm11  }
0x2b8: {  	v62 =	vsel vm4, $0x10001, v17;
	vm15 =	vmand vm2, vm5;
	v63 =	vsel vm14, $0x10001, v17  }
0x2b9: {  	v1 =	vnsel vm3, $0x0, v1;
	v47 =	vnsel vm0, $0x0, v62;
	v48 =	vnsel vm15, $0x0, v63  }
0x2ba: {  	v43 =	vadd.s32 v43, v1;
	v44 =	vadd.s32 v44, v47;
	v42 =	vadd.s32 v42, v48  }
.Ltmp24:
0x2bb: {  	_ = 	snop;
	(pc) =	sbr.rel .LBB2_16-.Ltmp24, $1  }
0x2bc: {  	_ =	sdelay $0x3  }
.LBB2_28:
0x2bd: {  	s23 =	sadd.s32 $0x1, s22  }
0x2be: {  	p0 =	sge.s32 s21, s23  }
.Ltmp25:
0x2bf: {  	_ = 	snop;
	(pc) =	sbr.rel @!p0 .LBB2_29-.Ltmp25, $3  }
0x2c0: {  	_ =	sdelay $0x1  }
0x2c1: {  	v42 =	vimm.s32 $0x0  }
0x2c2: {  	v43 =	vimm.s32 $0x0;
	v44 =	vimm.s32 $0x0;
	v45 =	vimm.s32 $0x0  }
.LBB2_34:
0x2c3: {  	v1 =	vshra.s32 v45, $0x10;
	v18 =	vand.u32 $0xFFFF, v45;
	v19 =	vshra.s32 v44, $0x10  }
0x2c4: {  	v20 =	vand.u32 $0xFFFF, v44;
	v21 =	vshra.s32 v43, $0x10;
	v1 =	vcvt.s32.f32 v1  }
0x2c5: {  	v22 =	vand.u32 $0xFFFF, v43;
	v18 =	vcvt.s32.f32 v18;
	v19 =	vcvt.s32.f32 v19  }
0x2c6: {  	v20 =	vcvt.s32.f32 v20;
	v21 =	vcvt.s32.f32 v21;
	v1 =	vmin.f32 v1, $3.200000000e+01  }
0x2c7: {  	v18 =	vmin.f32 v18, $6.400000000e+01;
	v19 =	vmin.f32 v19, $3.200000000e+01;
	v1 =	vmul.f32 $3.125000000e-02, v1  }
0x2c8: {  	v20 =	vmin.f32 v20, $6.400000000e+01;
	v18 =	vmul.f32 $1.562500000e-02, v18;
	v19 =	vmul.f32 $3.125000000e-02, v19  }
0x2c9: {  	[tilespmem:$0xA050] =	vst v1;
	v1 =	vmul.f32 $1.562500000e-02, v20;
	v20 =	vcvt.s32.f32 v22;
	v22 =	vshra.s32 v42, $0x10  }
0x2ca: {  	[tilespmem:$0xA150] =	vst v18;
	v18 =	vmin.f32 v21, $3.200000000e+01;
	v21 =	vcvt.s32.f32 v22;
	v22 =	vand.u32 $0xFFFF, v42  }
0x2cb: {  	[tilespmem:$0xA060] =	vst v19;
	v18 =	vmul.f32 $3.125000000e-02, v18;
	v19 =	vmin.f32 v20, $6.400000000e+01;
	v20 =	vcvt.s32.f32 v22  }
0x2cc: {  	[tilespmem:$0xA160] =	vst v1;
	v1 =	vmul.f32 $1.562500000e-02, v19;
	v19 =	vmin.f32 v21, $3.200000000e+01  }
0x2cd: {  	[tilespmem:$0xA070] =	vst v18;
	v18 =	vmul.f32 $3.125000000e-02, v19;
	v19 =	vmin.f32 v20, $6.400000000e+01  }
0x2ce: {  	[tilespmem:$0xA170] =	vst v1;
	v1 =	vmul.f32 $1.562500000e-02, v19  }
0x2cf: {  	[tilespmem:$0xA080] =	vst v18  }
0x2d0: {  	[tilespmem:$0xA180] =	vst v1  }
0x2d1: {  	v38 =	vld.idx.msk [tilespmem:v9+s13+$0x0], $0xffff;
	_ =	sdelay $0x2  }
0x2d2: {  	v39 =	vld.idx.msk [tilespmem:v10+s13+$0x0], $0xffff;
	_ =	sdelay $0x1  }
0x2d3: {  	v1 =	vadd.s32 $0x1, v38  }
0x2d4: {  	v40 =	vld.idx.msk [tilespmem:v11+s13+$0x0], $0xffff;
	_ =	sdelay $0x1  }
0x2d5: {  	v18 =	vadd.s32 $0x1, v39  }
0x2d6: {  	v41 =	vld.idx.msk [tilespmem:v12+s13+$0x0], $0xffff  }
0x2d7: {  	v1 =	vld.idx.msk [tilespmem:v1+s14+$0x0], $0xffff  }
0x2d8: {  	v19 =	vadd.s32 $0x1, v40;
	_ =	sdelay $0x1  }
0x2d9: {  	v18 =	vld.idx.msk [tilespmem:v18+s14+$0x0], $0xffff;
	_ =	sdelay $0x1  }
0x2da: {  	v20 =	vadd.s32 $0x1, v41;
	v1 =	vxor.u32 $0x80000000, v1  }
0x2db: {  	v19 =	vld.idx.msk [tilespmem:v19+s14+$0x0], $0xffff;
	(xrf0) =	vmax.scan.msk.u32 $0xffff, v1;
	v1 =	vxor.u32 $0x80000000, v38  }
0x2dc: {  	(xrf0) =	vmin.scan.msk.u32 $0xffff, v1  }
0x2dd: {  	(xrf0) =	vmax.scan.msk.u32 $0xffff, v1;
	v1 =	vxor.u32 $0x80000000, v18  }
0x2de: {  	(xrf0) =	vmax.scan.msk.u32 $0xffff, v1;
	v1 =	vxor.u32 $0x80000000, v39  }
0x2df: {  	v18 =	vld.idx.msk [tilespmem:v20+s14+$0x0], $0xffff;
	(xrf0) =	vmin.scan.msk.u32 $0xffff, v1  }
0x2e0: {  	(xrf0) =	vmax.scan.msk.u32 $0xffff, v1;
	v1 =	vxor.u32 $0x80000000, v19  }
0x2e1: {  	v19, _, _ =	vpop (xrf0);
	(xrf0) =	vmax.scan.msk.u32 $0xffff, v1  }
0x2e2: {  	v1 =	vxor.u32 $0x80000000, v40;
	(v2sf) =	vpush v19, $0xF;
	v19, _, _ =	vpop (xrf0)  }
0x2e3: {  	(xrf0) =	vmin.scan.msk.u32 $0xffff, v1;
	v20, _, _ =	vpop (xrf0);
	(v2sf) =	vpush v19, $0xF  }
0x2e4: {  	(xrf0) =	vmax.scan.msk.u32 $0xffff, v1;
	v1 =	vxor.u32 $0x80000000, v18;
	(v2sf) =	vpush v20, $0xF;
	v19, _, _ =	vpop (xrf0)  }
0x2e5: {  	(xrf0) =	vmax.scan.msk.u32 $0xffff, v1;
	v1 =	vxor.u32 $0x80000000, v41;
	(v2sf) =	vpush v19, $0xF;
	v18, _, _ =	vpop (xrf0)  }
0x2e6: {  	(xrf0) =	vmin.scan.msk.u32 $0xffff, v1;
	(v2sf) =	vpush v18, $0xF;
	v18, _, _ =	vpop (xrf0)  }
0x2e7: {  	(v2sf) =	vpush v18, $0xF;
	v18, _, _ =	vpop (xrf0);
	(xrf0) =	vmax.scan.msk.u32 $0xffff, v1;
	_ =	sdelay $0x1  }
0x2e8: {  	v1, _, _ =	vpop (xrf0);
	(v2sf) =	vpush v18, $0xF  }
0x2e9: {  	(v2sf) =	vpush v1, $0xF;
	v1, _, _ =	vpop (xrf0)  }
0x2ea: {  	v18, _, _ =	vpop (xrf0);
	(v2sf) =	vpush v1, $0xF  }
0x2eb: {  	v1, _, _ =	vpop (xrf0);
	(v2sf) =	vpush v18, $0xF  }
0x2ec: {  	(v2sf) =	vpush v1, $0xF;
	v1, _, _ =	vpop (xrf0)  }
0x2ed: {  	(v2sf) =	vpush v1, $0xF;
	_ =	sdelay $0x2  }
0x2ee: {  	v21 =	vld.idx.msk [tilespmem:v10+s6+$0x0], $0xffff  }
0x2ef: {  	v22 =	vld.idx.msk [tilespmem:v10+s11+$0x0], $0xffff;
	s23 =	spop (v2sf)  }
0x2f0: {  	v23 =	vld.idx.msk [tilespmem:v10+s12+$0x0], $0xffff;
	s21 =	spop (v2sf)  }
0x2f1: {  	v19 =	vld.idx.msk [tilespmem:v9+s11+$0x0], $0xffff;
	s22 =	spop (v2sf)  }
0x2f2: {  	v18 =	vld.idx.msk [tilespmem:v9+s6+$0x0], $0xffff;
	s24 =	spop (v2sf)  }
0x2f3: {  	v26 =	vld.idx.msk [tilespmem:v12+s6+$0x0], $0xffff;
	s26 =	spop (v2sf)  }
0x2f4: {  	v20 =	vld.idx.msk [tilespmem:v9+s12+$0x0], $0xffff;
	s21 =	sxor.u32 $0x80000000, s21;
	s28 =	spop (v2sf)  }
0x2f5: {  	v27 =	vld.idx.msk [tilespmem:v12+s11+$0x0], $0xffff;
	s22 =	sxor.u32 $0x80000000, s22;
	s30 =	sxor.u32 $0x80000000, s26;
	s25 =	spop (v2sf)  }
0x2f6: {  	v24 =	vld.idx.msk [tilespmem:v11+s6+$0x0], $0xffff;
	p0 =	slt.s32 s21, s30;
	s28 =	sxor.u32 $0x80000000, s28;
	s29 =	spop (v2sf)  }
0x2f7: {  	v25 =	vld.idx.msk [tilespmem:v11+s11+$0x0], $0xffff;
	v28 =	vmul.f32 v19, v19;
	v1 =	vmul.f32 v18, v18;
	s30 =	smov.u32 @p0 s21;
	p0 =	sgt.s32 s22, s28;
	s31 =	spop (v2sf)  }
0x2f8: {  	v29 =	vld.idx.msk [tilespmem:v12+s12+$0x0], $0xffff;
	v31 =	vmul.f32 v21, v21;
	s28 =	smov.u32 @p0 s22;
	s22 =	sxor.u32 $0x80000000, s29;
	s26 =	spop (v2sf)  }
0x2f9: {  	v32 =	vmul.f32 v22, v22;
	v30 =	vmul.f32 v20, v20;
	v1 =	vadd.f32 v28, v1;
	v28 =	vld.idx.msk [tilespmem:v11+s12+$0x0], $0xffff;
	p0 =	slt.s32 s30, s22;
	s29 =	sxor.u32 $0x80000000, s31;
	s21 =	spop (v2sf)  }
0x2fa: {  	v35 =	vmul.f32 v26, v26;
	v36 =	vmul.f32 v27, v27;
	s22 =	smov.u32 @p0 s30;
	p0 =	sgt.s32 s28, s29;
	s31 =	spop (v2sf)  }
0x2fb: {  	v31 =	vadd.f32 v32, v31;
	v1 =	vadd.f32 v30, v1;
	v30 =	vmul.f32 v23, v23;
	s29 =	smov.u32 @p0 s28;
	s21 =	sxor.u32 $0x80000000, s21;
	s28 =	sxor.u32 $0x80000000, s31  }
0x2fc: {  	v56 =	vmul.f32 v24, v24;
	v33 =	vmul.f32 v25, v25;
	v58 =	vadd.f32 v36, v35;
	p0 =	slt.s32 s22, s21;
	p1 =	sgt.s32 s29, s28  }
0x2fd: {  	v59 =	vmul.f32 v29, v29;
	v34 =	vsub.f32 $3.999999910e-02, v1;
	v37 =	vadd.f32 v30, v31;
	s21 =	smov.u32 @p0 s22;
	s28 =	smov.u32 @p1 s29  }
0x2fe: {  	v31 =	vadd.f32 v33, v56;
	v1 =	vsub.f32 $1.599999960e-01, v1;
	v57 =	vmul.f32 v28, v28;
	p0 =	slt.s32 s21, $0x7F;
	s31 =	sshra.s32 s28, $0x1F  }
0x2ff: {  	v35 =	vadd.f32 v59, v58;
	s21 =	simm.s32 @!p0 $0x7F;
	s22 =	sor.u32 s31, s28  }
0x300: {  	v61 =	vadd.f32 v57, v31;
	v31 =	vmul.f32 $5.000000000e-01, v1;
	v1 =	vsub.f32 $1.599999960e-01, v37;
	p0 =	sne.s32 s21, s22  }
.Ltmp26:
0x301: {  	v63 =	vsub.f32 $1.599999960e-01, v35;
	v30 =	vmul.f32 $5.000000000e-01, v34;
	(pc) =	sbr.rel @p0 .LBB2_45-.Ltmp26, $4  }
0x302: {  	v42 =	vld.idx.msk [tilespmem:v38+s14+$0x0], $0xffff;
	v36 =	vsub.f32 $1.599999960e-01, v61;
	v33 =	vmul.f32 $5.000000000e-01, v1;
	v1 =	vsub.f32 $3.999999910e-02, v35  }
0x303: {  	v43 =	vld.idx.msk [tilespmem:v39+s14+$0x0], $0xffff;
	v60 =	vsub.f32 $3.999999910e-02, v37;
	v37 =	vmul.f32 $5.000000000e-01, v63;
	v62 =	vsub.f32 $3.999999910e-02, v61  }
0x304: {  	v44 =	vld.idx.msk [tilespmem:v40+s14+$0x0], $0xffff;
	v35 =	vmul.f32 $5.000000000e-01, v36;
	v36 =	vmul.f32 $5.000000000e-01, v1  }
0x305: {  	v45 =	vld.idx.msk [tilespmem:v41+s14+$0x0], $0xffff;
	v32 =	vmul.f32 $5.000000000e-01, v60;
	v34 =	vmul.f32 $5.000000000e-01, v62  }
0x306: {  	_ =	sdelay $0x3  }
0x307: {  	v1 =	vxor.u32 $0x80000000, v45  }
0x308: {  	(xrf0) =	vmin.scan.msk.u32 $0xffff, v1;
	v1 =	vxor.u32 $0x80000000, v42  }
0x309: {  	(xrf0) =	vmin.scan.msk.u32 $0xffff, v1;
	v1 =	vxor.u32 $0x80000000, v43  }
0x30a: {  	(xrf0) =	vmin.scan.msk.u32 $0xffff, v1  }
0x30b: {  	v1 =	vxor.u32 $0x80000000, v44  }
0x30c: {  	(xrf0) =	vmin.scan.msk.u32 $0xffff, v1;
	_ =	sdelay $0x1  }
0x30d: {  	v1, _, _ =	vpop (xrf0)  }
0x30e: {  	v38, _, _ =	vpop (xrf0);
	(v2sf) =	vpush v1, $0xF  }
0x30f: {  	v1, _, _ =	vpop (xrf0);
	(v2sf) =	vpush v38, $0xF  }
0x310: {  	(v2sf) =	vpush v1, $0xF  }
0x311: {  	v1, _, _ =	vpop (xrf0)  }
0x312: {  	(v2sf) =	vpush v1, $0xF;
	_ =	sdelay $0xa  }
0x313: {  	s22 =	spop (v2sf)  }
0x314: {  	s23 =	sxor.u32 $0x80000000, s23;
	s24 =	sxor.u32 $0x80000000, s24;
	s21 =	spop (v2sf)  }
0x315: {  	p0 =	sgt.s32 s23, s24;
	s28 =	spop (v2sf)  }
0x316: {  	s24 =	smov.u32 @p0 s23;
	s21 =	sxor.u32 $0x80000000, s21;
	s23 =	sxor.u32 $0x80000000, s28  }
0x317: {  	s28 =	sxor.u32 $0x80000000, s25;
	s30 =	spop (v2sf);
	p0 =	slt.s32 s21, s23  }
0x318: {  	s29 =	sxor.u32 $0x80000000, s30;
	s23 =	smov.u32 @p0 s21;
	p0 =	sgt.s32 s24, s28  }
0x319: {  	s28 =	smov.u32 @p0 s24;
	p0 =	slt.s32 s23, s29  }
0x31a: {  	s25 =	sxor.u32 $0x80000000, s22;
	s21 =	sxor.u32 $0x80000000, s26;
	s29 =	smov.u32 @p0 s23  }
0x31b: {  	p0 =	sgt.s32 s28, s21;
	p1 =	slt.s32 s29, s25  }
0x31c: {  	s21 =	smov.u32 @p0 s28;
	s25 =	smov.u32 @p1 s29  }
0x31d: {  	p0 =	sgt.s32 s21, $0x0;
	p1 =	slt.s32 s25, $0x2000  }
0x31e: {  	s21 =	simm.s32 @!p0 $0x0;
	s25 =	simm.s32 @!p1 $0x2000  }
0x31f: {  	s22 =	ssub.s32 s21, s25  }
0x320: {  	s31 =	sshrl.u32 s22, $0x1F  }
0x321: {  	s23 =	sadd.s32 s31, s22  }
0x322: {  	s23 =	sand.u32 $0xFFFFFFFE, s23  }
0x323: {  	s24 =	sadd.s32 s25, s23  }
0x324: {  	p0 =	sge.s32 s25, s24  }
.Ltmp27:
0x325: {  	_ = 	snop;
	(pc) =	sbr.rel @p0 .LBB2_39-.Ltmp27, $3  }
0x326: {  	_ =	sdelay $0x1  }
0x327: {  	v45 =	vimm.s32 $0x0  }
0x328: {  	v42 =	vimm.s32 $0x0;
	v43 =	vimm.s32 $0x0;
	v44 =	vimm.s32 $0x0  }
0x329: {  	v39 =	vmov s25;
	_ =	sdelay $0x1  }
0x32a: {  	s26 =	sadd.s32 $0x1, s25  }
0x32b: {  	v1 =	vmov s26;
	_ =	sdelay $0x1  }
0x32c: {  	v49 =	vld.idx.msk [tilespmem:v39+s6+$0x0], $0xffff  }
0x32d: {  	v53 =	vld.idx.msk [tilespmem:v39+s12+$0x0], $0xffff  }
0x32e: {  	v48 =	vld.idx.msk [tilespmem:v39+s11+$0x0], $0xffff  }
0x32f: {  	v44 =	vld.idx.msk [tilespmem:v1+s12+$0x0], $0xffff  }
0x330: {  	v40 =	vld.idx.msk [tilespmem:v1+s6+$0x0], $0xffff  }
0x331: {  	v42 =	vld.idx.msk [tilespmem:v1+s11+$0x0], $0xffff;
	v55 =	vmul.f32 v49, v18;
	v56 =	vmul.f32 v49, v21  }
0x332: {  	v63 =	vmul.f32 v49, v26;
	v60 =	vmul.f32 v53, v20  }
0x333: {  	v61 =	vmul.f32 v48, v27;
	v57 =	vmul.f32 v48, v22  }
0x334: {  	v58 =	vmul.f32 v53, v29;
	v43 =	vmul.f32 v44, v20  }
0x335: {  	v51 =	vmul.f32 v44, v29;
	v41 =	vmul.f32 v40, v21  }
0x336: {  	v46 =	vmul.f32 v40, v24;
	v45 =	vmul.f32 v42, v22  }
0x337: {  	v38 =	vimm.s32 $0x0;
	v50 =	vmul.f32 v40, v26;
	v54 =	vmul.f32 v42, v27  }
0x338: {  	v52 =	vmul.f32 v44, v23;
	v62 =	vadd.f32 v45, v41;
	v41 =	vld.idx.msk [tilespmem:v1+s16+$0x0], $0xffff;
	v1 =	vmul.f32 v48, v19  }
0x339: {  	s25 =	sadd.s32 $0x2, s25;
	v47 =	vmul.f32 v40, v18;
	v40 =	vimm.s32 $0x0;
	v54 =	vadd.f32 v54, v50;
	v45 =	vld.idx.msk [tilespmem:v39+s16+$0x0], $0xffff  }
0x33a: {  	p0 =	slt.s32 s25, s24;
	v50 =	vmul.f32 v48, v25;
	v48 =	vmul.f32 v53, v28;
	v1 =	vadd.f32 v1, v55  }
.Ltmp28:
0x33b: {  	v39 =	vadd.f32 v61, v63;
	v63 =	vmul.f32 v53, v23;
	v52 =	vadd.f32 v52, v62;
	(pc) =	sbr.rel @!p0 .LBB2_38-.Ltmp28, $4  }
0x33c: {  	v53 =	vmul.f32 v42, v19;
	v59 =	vadd.f32 v51, v54;
	v1 =	vadd.f32 v60, v1  }
0x33d: {  	v62 =	vadd.f32 v57, v56;
	v54 =	vmul.f32 v49, v24;
	v55 =	vadd.f32 v58, v39  }
0x33e: {  	v57 =	vmul.f32 v42, v25;
	v49 =	vsub.f32 v41, v59;
	v51 =	vsub.f32 v45, v1  }
0x33f: {  	v42 =	vimm.s32 $0x0;
	v39 =	vimm.s32 $0x0;
	v56 =	vadd.f32 v63, v62  }
.LBB2_37:
0x340: {  	vm1 =	vle.f32 v51, v31;
	v1 =	vsub.f32 v41, v52;
	vm0 =	vle.f32 v49, v37;
	s26 =	smov.u32 s25;
	s25 =	sadd.s32 $0x2, s25  }
0x341: {  	v44 =	vmul.f32 v44, v28;
	p0 =	slt.s32 s25, s24;
	v52 =	vsub.f32 v45, v56;
	v46 =	vadd.f32 v57, v46  }
0x342: {  	v50 =	vadd.f32 v50, v54;
	v54 =	vsub.f32 v45, v55;
	vm2 =	vle.f32 v1, v32  }
0x343: {  	v47 =	vadd.f32 v53, v47;
	vm3 =	vle.f32 v52, v32;
	vm4 =	vle.f32 v52, v33  }
0x344: {  	v53 =	vsel vm2, $0x10001, v17;
	v52 =	vsel vm3, $0x10001, v17;
	vm3 =	vle.f32 v54, v36  }
0x345: {  	s28 =	sadd.s32 $0x1, s26;
	vm5 =	vle.f32 v1, v33;
	vm2 =	vle.f32 v54, v37;
	v1 =	vadd.f32 v44, v46  }
0x346: {  	v43 =	vadd.f32 v43, v47;
	v54 =	vmov s28;
	v44 =	vsel vm3, $0x10001, v17  }
0x347: {  	v55 =	vmov s26;
	vm3 =	vle.f32 v51, v30;
	v46 =	vnsel vm4, $0x0, v52  }
0x348: {  	v48 =	vadd.f32 v48, v50;
	v50 =	vnsel vm5, $0x0, v53;
	v47 =	vsel vm3, $0x10001, v17  }
0x349: {  	v44 =	vnsel vm2, $0x0, v44;
	v47 =	vnsel vm1, $0x0, v47;
	vm1 =	vle.f32 v49, v36  }
0x34a: {  	v42 =	vadd.s32 v42, v44;
	v38 =	vadd.s32 v38, v47;
	v47 =	vsel vm1, $0x10001, v17  }
0x34b: {  	v45 =	vsub.f32 v45, v48;
	v43 =	vsub.f32 v41, v43;
	v47 =	vnsel vm0, $0x0, v47;
	v44 =	vld.idx.msk [tilespmem:v54+s12+$0x0], $0xffff  }
0x34c: {  	v1 =	vsub.f32 v41, v1;
	v40 =	vadd.s32 v40, v46;
	v42 =	vadd.s32 v47, v42;
	v48 =	vld.idx.msk [tilespmem:v54+s6+$0x0], $0xffff  }
0x34d: {  	v40 =	vadd.s32 v50, v40;
	vm1 =	vle.f32 v43, v31;
	vm0 =	vle.f32 v43, v30;
	v57 =	vld.idx.msk [tilespmem:v54+s11+$0x0], $0xffff  }
0x34e: {  	vm2 =	vle.f32 v45, v34;
	v41 =	vsel vm0, $0x10001, v17;
	vm0 =	vle.f32 v1, v35;
	v49 =	vld.idx.msk [tilespmem:v55+s12+$0x0], $0xffff  }
0x34f: {  	vm3 =	vle.f32 v45, v35;
	v41 =	vnsel vm1, $0x0, v41;
	vm1 =	vle.f32 v1, v34;
	v51 =	vld.idx.msk [tilespmem:v55+s6+$0x0], $0xffff  }
0x350: {  	v45 =	vsel vm2, $0x10001, v17;
	v38 =	vadd.s32 v41, v38;
	v41 =	vsel vm1, $0x10001, v17;
	v1 =	vld.idx.msk [tilespmem:v55+s11+$0x0], $0xffff  }
0x351: {  	v45 =	vnsel vm3, $0x0, v45;
	v43 =	vmul.f32 v44, v20;
	v53 =	vmul.f32 v44, v29  }
0x352: {  	v41 =	vnsel vm0, $0x0, v41;
	v50 =	vmul.f32 v48, v21;
	v46 =	vmul.f32 v48, v24  }
0x353: {  	v39 =	vadd.s32 v39, v45;
	v56 =	vmul.f32 v48, v26;
	v52 =	vmul.f32 v57, v22  }
0x354: {  	v39 =	vadd.s32 v41, v39;
	v58 =	vmul.f32 v44, v23;
	v59 =	vmul.f32 v57, v27  }
0x355: {  	v47 =	vmul.f32 v48, v18;
	v60 =	vmul.f32 v51, v18;
	v48 =	vadd.f32 v52, v50;
	v41 =	vld.idx.msk [tilespmem:v54+s16+$0x0], $0xffff  }
0x356: {  	v56 =	vadd.f32 v59, v56;
	v54 =	vmul.f32 v1, v19;
	v45 =	vld.idx.msk [tilespmem:v55+s16+$0x0], $0xffff;
	v55 =	vmul.f32 v51, v21  }
0x357: {  	v59 =	vmul.f32 v51, v26;
	v50 =	vmul.f32 v1, v25;
	v52 =	vadd.f32 v58, v48  }
0x358: {  	v58 =	vmul.f32 v1, v27;
	v48 =	vadd.f32 v54, v60;
	v54 =	vmul.f32 v49, v20  }
.Ltmp29:
0x359: {  	v1 =	vmul.f32 v1, v22;
	v56 =	vadd.f32 v53, v56;
	v60 =	vmul.f32 v49, v29;
	(pc) =	sbr.rel @p0 .LBB2_37-.Ltmp29, $4  }
0x35a: {  	v58 =	vadd.f32 v58, v59;
	v53 =	vadd.f32 v54, v48;
	v48 =	vmul.f32 v49, v28  }
0x35b: {  	v1 =	vadd.f32 v1, v55;
	v55 =	vmul.f32 v49, v23;
	v54 =	vmul.f32 v51, v24  }
0x35c: {  	v49 =	vsub.f32 v41, v56;
	v51 =	vsub.f32 v45, v53;
	v53 =	vmul.f32 v57, v19  }
0x35d: {  	v56 =	vadd.f32 v55, v1;
	v55 =	vadd.f32 v60, v58;
	v57 =	vmul.f32 v57, v25  }
.LBB2_38:
0x35e: {  	vm0 =	vle.f32 v51, v31;
	v1 =	vsub.f32 v41, v52  }
0x35f: {  	vm1 =	vle.f32 v49, v37;
	v44 =	vmul.f32 v44, v28;
	v50 =	vadd.f32 v50, v54  }
0x360: {  	v47 =	vadd.f32 v53, v47;
	vm8 =	vle.f32 v51, v30;
	v60 =	vsub.f32 v45, v56  }
0x361: {  	vm9 =	vle.f32 v49, v36;
	v46 =	vadd.f32 v57, v46;
	v61 =	vsub.f32 v45, v55  }
0x362: {  	v58 =	vsel vm8, $0x10001, v17;
	vm2 =	vle.f32 v1, v32;
	vm5 =	vle.f32 v1, v33  }
0x363: {  	v43 =	vadd.f32 v43, v47;
	v48 =	vadd.f32 v48, v50;
	v47 =	vnsel vm0, $0x0, v58  }
0x364: {  	vm3 =	vle.f32 v60, v32;
	vm4 =	vle.f32 v60, v33;
	vm14 =	vle.f32 v61, v36  }
0x365: {  	v63 =	vsel vm2, $0x10001, v17;
	vm15 =	vle.f32 v61, v37;
	v1 =	vadd.f32 v44, v46  }
0x366: {  	v38 =	vadd.s32 v38, v47;
	v60 =	vsel vm9, $0x10001, v17;
	v62 =	vsel vm3, $0x10001, v17  }
0x367: {  	v56 =	vsel vm14, $0x10001, v17;
	v59 =	vnsel vm5, $0x0, v63;
	v43 =	vsub.f32 v41, v43  }
0x368: {  	v61 =	vsub.f32 v45, v48;
	v57 =	vnsel vm4, $0x0, v62;
	v44 =	vnsel vm15, $0x0, v56  }
0x369: {  	v1 =	vsub.f32 v41, v1;
	v42 =	vadd.s32 v42, v44;
	v44 =	vnsel vm1, $0x0, v60  }
0x36a: {  	v40 =	vadd.s32 v40, v57;
	vm10 =	vle.f32 v43, v30;
	vm11 =	vle.f32 v43, v31  }
0x36b: {  	vm12 =	vle.f32 v61, v34;
	vm13 =	vle.f32 v61, v35;
	v42 =	vadd.s32 v44, v42  }
0x36c: {  	v62 =	vsel vm10, $0x10001, v17;
	vm14 =	vle.f32 v1, v34;
	v63 =	vsel vm12, $0x10001, v17  }
0x36d: {  	vm15 =	vle.f32 v1, v35;
	v1 =	vsel vm14, $0x10001, v17;
	v43 =	vnsel vm13, $0x0, v63  }
0x36e: {  	v41 =	vnsel vm11, $0x0, v62;
	v1 =	vnsel vm15, $0x0, v1;
	v39 =	vadd.s32 v39, v43  }
0x36f: {  	v44 =	vadd.s32 v59, v40;
	v45 =	vadd.s32 v41, v38;
	v43 =	vadd.s32 v1, v39  }
.LBB2_39:
0x370: {  	p0 =	sge.s32 s24, s21  }
.Ltmp30:
0x371: {  	_ = 	snop;
	(pc) =	sbr.rel @p0 .LBB2_51-.Ltmp30, $1  }
0x372: {  	_ =	sdelay $0x3  }
0x373: {  	s22 =	ssub.s32 s22, s23  }
0x374: {  	s22 =	ssub.s32 $0x0, s22  }
.LBB2_41:
0x375: {  	s23 =	sadd.s32 s22, s21  }
0x376: {  	v1 =	vmov s23;
	_ =	sdelay $0x4  }
0x377: {  	v38 =	vld.idx.msk [tilespmem:v1+s6+$0x0], $0xffff  }
0x378: {  	v39 =	vld.idx.msk [tilespmem:v1+s11+$0x0], $0xffff;
	_ =	sdelay $0x1  }
0x379: {  	v40 =	vld.idx.msk [tilespmem:v1+s12+$0x0], $0xffff;
	_ =	sdelay $0x2  }
0x37a: {  	v41 =	vmul.f32 v38, v18;
	v46 =	vmul.f32 v39, v19  }
0x37b: {  	v47 =	vmul.f32 v38, v21;
	v48 =	vmul.f32 v39, v22  }
0x37c: {  	v63 =	vmul.f32 v40, v20;
	v49 =	vmul.f32 v40, v23  }
0x37d: {  	v1 =	vld.idx.msk [tilespmem:v1+s16+$0x0], $0xffff;
	v52 =	vmul.f32 v38, v24;
	v50 =	vmul.f32 v39, v25  }
0x37e: {  	v38 =	vmul.f32 v38, v26;
	v39 =	vmul.f32 v39, v27;
	v41 =	vadd.f32 v46, v41  }
0x37f: {  	v55 =	vmul.f32 v40, v28;
	v47 =	vadd.f32 v48, v47;
	v54 =	vadd.f32 v50, v52  }
0x380: {  	v40 =	vmul.f32 v40, v29;
	v38 =	vadd.f32 v39, v38;
	v41 =	vadd.f32 v63, v41  }
0x381: {  	v53 =	vadd.f32 v49, v47;
	v57 =	vadd.f32 v55, v54  }
0x382: {  	v38 =	vadd.f32 v40, v38;
	v56 =	vsub.f32 v1, v41  }
0x383: {  	v58 =	vsub.f32 v1, v53;
	v41 =	vsub.f32 v1, v57  }
0x384: {  	s22 =	sadd.s32 $0x1, s22;
	v1 =	vsub.f32 v1, v38;
	vm0 =	vle.f32 v56, v30;
	vm1 =	vle.f32 v56, v31  }
0x385: {  	p0 =	seq.s32 s22, $0x0;
	vm10 =	vle.f32 v58, v32;
	vm11 =	vle.f32 v58, v33;
	vm12 =	vle.f32 v41, v34  }
.Ltmp31:
0x386: {  	vm13 =	vle.f32 v1, v36;
	vm14 =	vle.f32 v41, v35;
	vm15 =	vle.f32 v1, v37;
	(pc) =	sbr.rel @!p0 .LBB2_41-.Ltmp31, $4  }
0x387: {  	v59 =	vsel vm0, $0x10001, v17;
	v60 =	vsel vm10, $0x10001, v17;
	v61 =	vsel vm12, $0x10001, v17  }
0x388: {  	v62 =	vsel vm13, $0x10001, v17;
	v39 =	vnsel vm1, $0x0, v59;
	v38 =	vnsel vm11, $0x0, v60  }
0x389: {  	v1 =	vnsel vm14, $0x0, v61;
	v63 =	vnsel vm15, $0x0, v62;
	v45 =	vadd.s32 v45, v39  }
0x38a: {  	v44 =	vadd.s32 v44, v38;
	v43 =	vadd.s32 v43, v1;
	v42 =	vadd.s32 v42, v63  }
.Ltmp32:
0x38b: {  	_ = 	snop;
	(pc) =	sbr.rel .LBB2_51-.Ltmp32, $1  }
0x38c: {  	_ =	sdelay $0x3  }
.LBB2_33:
0x38d: {  	p0 =	sne.s32 s21, s22  }
.Ltmp33:
0x38e: {  	_ = 	snop;
	(pc) =	sbr.rel @!p0 .LBB2_34-.Ltmp33, $3  }
0x38f: {  	_ =	sdelay $0x1  }
0x390: {  	s23 =	sadd.s32 $0x1, s21  }
0x391: {  	s21 =	smov.u32 s23  }
.LBB2_29:
0x392: {  	v46 =	vmov s21  }
0x393: {  	v1 =	vadd.s32 $0x1, v46;
	_ =	sdelay $0x3  }
0x394: {  	v47 =	vld.idx.msk [tilespmem:v46+s14+$0x0], $0xffff  }
0x395: {  	v1 =	vld.idx.msk [tilespmem:v1+s14+$0x0], $0xffff;
	_ =	sdelay $0x3  }
0x396: {  	v47 =	vxor.u32 $0x80000000, v47  }
0x397: {  	(xrf0) =	vmin.scan.msk.u32 $0xffff, v47;
	v1 =	vxor.u32 $0x80000000, v1  }
0x398: {  	(xrf0) =	vmax.scan.msk.u32 $0xffff, v1;
	_ =	sdelay $0x4  }
0x399: {  	v1, _, _ =	vpop (xrf0)  }
0x39a: {  	(v2sf) =	vpush v1, $0xF;
	v1, _, _ =	vpop (xrf0)  }
0x39b: {  	(v2sf) =	vpush v1, $0xF;
	_ =	sdelay $0xd  }
0x39c: {  	s23 =	spop (v2sf)  }
0x39d: {  	s24 =	spop (v2sf)  }
0x39e: {  	s28 =	sxor.u32 $0x80000000, s23;
	s23 =	sxor.u32 $0x80000000, s24  }
0x39f: {  	s24 =	ssub.s32 s23, s28  }
0x3a0: {  	s25 =	sshrl.u32 s24, $0x1F  }
0x3a1: {  	s25 =	sadd.s32 s25, s24  }
0x3a2: {  	s25 =	sand.u32 $0xFFFFFFFE, s25  }
0x3a3: {  	s26 =	sadd.s32 s28, s25  }
0x3a4: {  	p0 =	sge.s32 s28, s26  }
.Ltmp34:
0x3a5: {  	_ = 	snop;
	(pc) =	sbr.rel @p0 .LBB2_30-.Ltmp34, $1  }
0x3a6: {  	_ =	sdelay $0x3  }
0x3a7: {  	s29 =	sadd.s32 $0x1, s28  }
0x3a8: {  	v1 =	vmov s29;
	_ =	sdelay $0x4  }
0x3a9: {  	v47 =	vld.idx.msk [tilespmem:v1+s6+$0x0], $0xffff  }
0x3aa: {  	v48 =	vld.idx.msk [tilespmem:v1+s11+$0x0], $0xffff;
	_ =	sdelay $0x1  }
0x3ab: {  	v51 =	vmov s28;
	v49 =	vld.idx.msk [tilespmem:v1+s12+$0x0], $0xffff;
	_ =	sdelay $0x1  }
0x3ac: {  	v50 =	vmul.f32 v47, v21  }
0x3ad: {  	v52 =	vmul.f32 v47, v24;
	v53 =	vmul.f32 v48, v25  }
0x3ae: {  	v54 =	vmul.f32 v48, v22;
	v55 =	vmul.f32 v47, v18  }
0x3af: {  	vm2 =	veq.s32 v40, v46;
	v58 =	vld.idx.msk [tilespmem:v51+s12+$0x0], $0xffff;
	v56 =	vmul.f32 v49, v28;
	v62 =	vmul.f32 v48, v19  }
0x3b0: {  	v1 =	vld.idx.msk [tilespmem:v1+s16+$0x0], $0xffff;
	v47 =	vmul.f32 v47, v26;
	v48 =	vmul.f32 v48, v27;
	v52 =	vadd.f32 v53, v52  }
0x3b1: {  	v57 =	vmul.f32 v49, v23;
	v50 =	vadd.f32 v54, v50;
	v53 =	vadd.f32 v62, v55;
	v55 =	vld.idx.msk [tilespmem:v51+s11+$0x0], $0xffff  }
0x3b2: {  	v63 =	vmul.f32 v49, v20;
	v49 =	vmul.f32 v49, v29;
	v48 =	vadd.f32 v48, v47  }
0x3b3: {  	vm1 =	veq.s32 v41, v46;
	v52 =	vadd.f32 v56, v52;
	v50 =	vadd.f32 v57, v50  }
0x3b4: {  	vm0 =	veq.s32 v39, v46;
	v56 =	vld.idx.msk [tilespmem:v51+s6+$0x0], $0xffff;
	v53 =	vadd.f32 v63, v53;
	v48 =	vadd.f32 v49, v48  }
0x3b5: {  	v47 =	vmul.f32 v58, v20;
	v52 =	vsub.f32 v1, v52;
	v57 =	vsub.f32 v1, v50  }
0x3b6: {  	v50 =	vsub.f32 v1, v48;
	v61 =	vmul.f32 v55, v19;
	v62 =	vmul.f32 v55, v22  }
0x3b7: {  	v63 =	vmul.f32 v55, v25;
	v55 =	vmul.f32 v55, v27;
	vm3 =	vle.f32 v52, v34  }
0x3b8: {  	vm5 =	vle.f32 v52, v35;
	v52 =	vmul.f32 v58, v28;
	vm4 =	vle.f32 v50, v37  }
0x3b9: {  	vm7 =	vle.f32 v57, v32;
	v49 =	vmul.f32 v56, v18;
	v54 =	vmul.f32 v56, v24  }
0x3ba: {  	v48 =	vld.idx.msk [tilespmem:v51+s16+$0x0], $0xffff;
	v59 =	vmul.f32 v56, v21;
	v60 =	vsel vm3, $0x10001, v17;
	v51 =	vmul.f32 v56, v26  }
0x3bb: {  	s28 =	sadd.s32 $0x2, s28;
	vm3 =	vle.f32 v57, v33;
	v56 =	vmul.f32 v58, v23;
	v54 =	vadd.f32 v63, v54  }
0x3bc: {  	p0 =	slt.s32 s28, s26;
	vm4 =	vmand vm1, vm4;
	v58 =	vmul.f32 v58, v29;
	v51 =	vadd.f32 v55, v51  }
.Ltmp35:
0x3bd: {  	vm6 =	vmand vm0, vm3;
	vm3 =	vmand vm2, vm5;
	v52 =	vadd.f32 v52, v54;
	(pc) =	sbr.rel @!p0 .LBB2_44-.Ltmp35, $4  }
0x3be: {  	v63 =	vadd.f32 v58, v51;
	v54 =	vsub.f32 v1, v53;
	v51 =	vnsel vm3, $0x0, v60  }
0x3bf: {  	vm3 =	veq.s32 v38, v46;
	v1 =	vadd.f32 v62, v59;
	v55 =	vsub.f32 v48, v52  }
0x3c0: {  	v52 =	vadd.f32 v61, v49;
	v53 =	vsub.f32 v48, v63;
	v63 =	vsel vm7, $0x10001, v17  }
0x3c1: {  	v56 =	vadd.f32 v56, v1;
	v49 =	vnsel vm6, $0x0, v63;
	vm5 =	vle.f32 v55, v35  }
.LBB2_43:
0x3c2: {  	s29 =	sadd.s32 $0x1, s28;
	vm5 =	vmand vm2, vm5;
	vm6 =	vle.f32 v53, v36;
	vm7 =	vle.f32 v54, v30;
	s30 =	smov.u32 s28;
	s28 =	sadd.s32 $0x2, s28  }
0x3c3: {  	v1 =	vmov s29;
	p0 =	slt.s32 s28, s26;
	v56 =	vsub.f32 v48, v56;
	v57 =	vsel vm7, $0x10001, v17  }
0x3c4: {  	vm8 =	vle.f32 v54, v31;
	vm9 =	vle.f32 v50, v36;
	vm7 =	vle.f32 v55, v34  }
0x3c5: {  	v54 =	vsel vm6, $0x10001, v17;
	vm6 =	vmand vm3, vm8;
	v50 =	vsel vm7, $0x10001, v17  }
0x3c6: {  	vm7 =	vle.f32 v56, v33;
	v50 =	vnsel vm5, $0x0, v50;
	vm5 =	vle.f32 v53, v37  }
0x3c7: {  	v47 =	vadd.f32 v47, v52;
	v43 =	vadd.s32 v43, v50;
	vm5 =	vmand vm1, vm5  }
0x3c8: {  	v52 =	vnsel vm5, $0x0, v54;
	v43 =	vadd.s32 v51, v43;
	v51 =	vsel vm9, $0x10001, v17;
	v50 =	vld.idx.msk [tilespmem:v1+s6+$0x0], $0xffff  }
0x3c9: {  	v47 =	vsub.f32 v48, v47;
	vm5 =	vmand vm0, vm7;
	v42 =	vadd.s32 v42, v52;
	v53 =	vld.idx.msk [tilespmem:v1+s11+$0x0], $0xffff  }
0x3ca: {  	vm7 =	vle.f32 v56, v32;
	v52 =	vnsel vm6, $0x0, v57;
	v51 =	vnsel vm4, $0x0, v51;
	v48 =	vld.idx.msk [tilespmem:v1+s12+$0x0], $0xffff  }
0x3cb: {  	vm4 =	vle.f32 v47, v30;
	vm6 =	vle.f32 v47, v31;
	v42 =	vadd.s32 v51, v42  }
0x3cc: {  	vm6 =	vmand vm3, vm6;
	v47 =	vsel vm4, $0x10001, v17;
	v51 =	vsel vm7, $0x10001, v17  }
0x3cd: {  	v54 =	vmov s30;
	v47 =	vnsel vm6, $0x0, v47;
	v51 =	vnsel vm5, $0x0, v51  }
0x3ce: {  	v45 =	vadd.s32 v45, v47;
	v55 =	vmul.f32 v50, v21;
	v56 =	vmul.f32 v50, v24  }
0x3cf: {  	v44 =	vadd.s32 v44, v51;
	v47 =	vmul.f32 v53, v22;
	v57 =	vmul.f32 v53, v25;
	v1 =	vld.idx.msk [tilespmem:v1+s16+$0x0], $0xffff  }
0x3d0: {  	v44 =	vadd.s32 v49, v44;
	v51 =	vmul.f32 v50, v18;
	v58 =	vmul.f32 v48, v28  }
0x3d1: {  	v49 =	vmul.f32 v48, v23;
	v47 =	vadd.f32 v47, v55;
	v55 =	vadd.f32 v57, v56  }
0x3d2: {  	v45 =	vadd.s32 v52, v45;
	v59 =	vmul.f32 v48, v20;
	v57 =	vmul.f32 v53, v19;
	v56 =	vld.idx.msk [tilespmem:v54+s12+$0x0], $0xffff  }
0x3d3: {  	v50 =	vmul.f32 v50, v26;
	v55 =	vadd.f32 v58, v55;
	v52 =	vld.idx.msk [tilespmem:v54+s6+$0x0], $0xffff  }
0x3d4: {  	v51 =	vadd.f32 v57, v51;
	v47 =	vadd.f32 v49, v47;
	v49 =	vmul.f32 v53, v27;
	v58 =	vld.idx.msk [tilespmem:v54+s11+$0x0], $0xffff  }
0x3d5: {  	v53 =	vsub.f32 v1, v55  }
0x3d6: {  	v48 =	vmul.f32 v48, v29;
	v55 =	vsub.f32 v1, v47;
	v49 =	vadd.f32 v49, v50  }
0x3d7: {  	v51 =	vadd.f32 v59, v51;
	vm4 =	vle.f32 v53, v34;
	vm5 =	vle.f32 v53, v35  }
0x3d8: {  	v49 =	vadd.f32 v48, v49;
	v47 =	vmul.f32 v56, v20;
	v53 =	vmul.f32 v56, v28  }
0x3d9: {  	v60 =	vsel vm4, $0x10001, v17;
	v57 =	vmul.f32 v52, v18;
	v59 =	vmul.f32 v52, v21  }
0x3da: {  	v50 =	vsub.f32 v1, v49;
	v61 =	vmul.f32 v58, v19;
	v62 =	vmul.f32 v58, v22;
	v48 =	vld.idx.msk [tilespmem:v54+s16+$0x0], $0xffff  }
0x3db: {  	vm6 =	vle.f32 v55, v33;
	v49 =	vmul.f32 v52, v24;
	v54 =	vmul.f32 v58, v25  }
0x3dc: {  	v52 =	vmul.f32 v52, v26;
	v58 =	vmul.f32 v58, v27;
	vm4 =	vle.f32 v50, v37  }
0x3dd: {  	v63 =	vmul.f32 v56, v23;
	vm4 =	vmand vm1, vm4;
	v49 =	vadd.f32 v54, v49  }
0x3de: {  	vm6 =	vmand vm0, vm6;
	v52 =	vadd.f32 v58, v52;
	v54 =	vmul.f32 v56, v29  }
.Ltmp36:
0x3df: {  	vm7 =	vle.f32 v55, v32;
	vm5 =	vmand vm2, vm5;
	v49 =	vadd.f32 v53, v49;
	(pc) =	sbr.rel @p0 .LBB2_43-.Ltmp36, $4  }
0x3e0: {  	v53 =	vadd.f32 v54, v52;
	v54 =	vsub.f32 v1, v51;
	v51 =	vnsel vm5, $0x0, v60  }
0x3e1: {  	v1 =	vadd.f32 v62, v59;
	v55 =	vsub.f32 v48, v49  }
0x3e2: {  	v52 =	vadd.f32 v61, v57;
	v53 =	vsub.f32 v48, v53;
	v49 =	vsel vm7, $0x10001, v17  }
0x3e3: {  	v56 =	vadd.f32 v63, v1;
	v49 =	vnsel vm6, $0x0, v49;
	vm5 =	vle.f32 v55, v35  }
.LBB2_44:
0x3e4: {  	vm2 =	vmand vm2, vm5;
	vm14 =	vle.f32 v54, v30  }
0x3e5: {  	vm6 =	vle.f32 v53, v36;
	vm15 =	vle.f32 v55, v34;
	vm7 =	vle.f32 v54, v31  }
0x3e6: {  	vm8 =	vle.f32 v50, v36;
	vm10 =	vle.f32 v53, v37;
	v47 =	vadd.f32 v47, v52  }
0x3e7: {  	v1 =	vsub.f32 v48, v56;
	v63 =	vsel vm14, $0x10001, v17;
	v58 =	vsel vm15, $0x10001, v17  }
0x3e8: {  	v59 =	vsel vm6, $0x10001, v17;
	vm9 =	vmand vm3, vm7;
	vm1 =	vmand vm1, vm10  }
0x3e9: {  	v61 =	vsel vm8, $0x10001, v17;
	v50 =	vnsel vm2, $0x0, v58;
	v60 =	vnsel vm1, $0x0, v59  }
0x3ea: {  	v47 =	vsub.f32 v48, v47;
	v63 =	vnsel vm9, $0x0, v63;
	v48 =	vnsel vm4, $0x0, v61  }
0x3eb: {  	vm11 =	vle.f32 v1, v33;
	v43 =	vadd.s32 v43, v50;
	vm12 =	vle.f32 v1, v32  }
0x3ec: {  	vm0 =	vmand vm0, vm11;
	vm13 =	vle.f32 v47, v30;
	vm14 =	vle.f32 v47, v31  }
0x3ed: {  	v62 =	vsel vm12, $0x10001, v17;
	vm15 =	vmand vm3, vm14;
	v1 =	vsel vm13, $0x10001, v17  }
0x3ee: {  	v42 =	vadd.s32 v42, v60;
	v47 =	vnsel vm0, $0x0, v62;
	v1 =	vnsel vm15, $0x0, v1  }
0x3ef: {  	v43 =	vadd.s32 v51, v43;
	v44 =	vadd.s32 v44, v47;
	v1 =	vadd.s32 v45, v1  }
0x3f0: {  	v42 =	vadd.s32 v48, v42;
	v44 =	vadd.s32 v49, v44;
	v45 =	vadd.s32 v63, v1  }
.LBB2_30:
0x3f1: {  	p0 =	sge.s32 s26, s23  }
.Ltmp37:
0x3f2: {  	_ = 	snop;
	(pc) =	sbr.rel @p0 .LBB2_33-.Ltmp37, $1  }
0x3f3: {  	_ =	sdelay $0x3  }
0x3f4: {  	s24 =	ssub.s32 s24, s25  }
0x3f5: {  	s24 =	ssub.s32 $0x0, s24  }
.LBB2_32:
0x3f6: {  	s25 =	sadd.s32 s24, s23  }
0x3f7: {  	v1 =	vmov s25;
	_ =	sdelay $0x4  }
0x3f8: {  	v47 =	vld.idx.msk [tilespmem:v1+s6+$0x0], $0xffff  }
0x3f9: {  	v48 =	vld.idx.msk [tilespmem:v1+s11+$0x0], $0xffff  }
0x3fa: {  	v49 =	vld.idx.msk [tilespmem:v1+s12+$0x0], $0xffff;
	_ =	sdelay $0x3  }
0x3fb: {  	v50 =	vmul.f32 v47, v18;
	v51 =	vmul.f32 v48, v19  }
0x3fc: {  	v55 =	vmul.f32 v49, v20;
	v56 =	vmul.f32 v47, v21  }
0x3fd: {  	vm2 =	veq.s32 v41, v46;
	v1 =	vld.idx.msk [tilespmem:v1+s16+$0x0], $0xffff;
	v57 =	vmul.f32 v47, v24;
	v54 =	vmul.f32 v48, v25  }
0x3fe: {  	v52 =	vmul.f32 v48, v22;
	v47 =	vmul.f32 v47, v26;
	v50 =	vadd.f32 v51, v50  }
0x3ff: {  	v48 =	vmul.f32 v48, v27;
	v60 =	vmul.f32 v49, v28;
	v59 =	vadd.f32 v54, v57  }
0x400: {  	v53 =	vmul.f32 v49, v23;
	v51 =	vadd.f32 v52, v56;
	v50 =	vadd.f32 v55, v50  }
0x401: {  	v49 =	vmul.f32 v49, v29;
	v47 =	vadd.f32 v48, v47;
	v48 =	vadd.f32 v60, v59  }
0x402: {  	vm3 =	veq.s32 v38, v46;
	v58 =	vadd.f32 v53, v51;
	v50 =	vsub.f32 v1, v50  }
0x403: {  	vm9 =	veq.s32 v40, v46;
	v47 =	vadd.f32 v49, v47;
	v48 =	vsub.f32 v1, v48  }
0x404: {  	vm10 =	veq.s32 v39, v46;
	vm0 =	vle.f32 v50, v30;
	vm1 =	vle.f32 v50, v31  }
0x405: {  	v50 =	vsub.f32 v1, v58;
	v1 =	vsub.f32 v1, v47;
	vm12 =	vle.f32 v48, v34  }
0x406: {  	s24 =	sadd.s32 $0x1, s24;
	vm13 =	vle.f32 v48, v35;
	vm1 =	vmand vm3, vm1;
	v61 =	vsel vm0, $0x10001, v17  }
0x407: {  	p0 =	seq.s32 s24, $0x0;
	vm3 =	vmand vm9, vm13;
	v51 =	vnsel vm1, $0x0, v61;
	vm11 =	vle.f32 v50, v33  }
.Ltmp38:
0x408: {  	vm4 =	vle.f32 v50, v32;
	vm14 =	vle.f32 v1, v36;
	vm5 =	vle.f32 v1, v37;
	(pc) =	sbr.rel @!p0 .LBB2_32-.Ltmp38, $4  }
0x409: {  	v1 =	vsel vm12, $0x10001, v17;
	v45 =	vadd.s32 v45, v51;
	vm0 =	vmand vm10, vm11  }
0x40a: {  	v62 =	vsel vm4, $0x10001, v17;
	vm15 =	vmand vm2, vm5;
	v63 =	vsel vm14, $0x10001, v17  }
0x40b: {  	v1 =	vnsel vm3, $0x0, v1;
	v47 =	vnsel vm0, $0x0, v62;
	v48 =	vnsel vm15, $0x0, v63  }
0x40c: {  	v43 =	vadd.s32 v43, v1;
	v44 =	vadd.s32 v44, v47;
	v42 =	vadd.s32 v42, v48  }
.Ltmp39:
0x40d: {  	_ = 	snop;
	(pc) =	sbr.rel .LBB2_33-.Ltmp39, $1  }
0x40e: {  	_ =	sdelay $0x3  }
.LBB2_45:
0x40f: {  	s23 =	sadd.s32 $0x1, s22  }
0x410: {  	p0 =	sge.s32 s21, s23  }
.Ltmp40:
0x411: {  	_ = 	snop;
	(pc) =	sbr.rel @!p0 .LBB2_46-.Ltmp40, $3  }
0x412: {  	_ =	sdelay $0x1  }
0x413: {  	v42 =	vimm.s32 $0x0  }
0x414: {  	v43 =	vimm.s32 $0x0;
	v44 =	vimm.s32 $0x0;
	v45 =	vimm.s32 $0x0  }
.LBB2_51:
0x415: {  	v1 =	vshra.s32 v45, $0x10;
	v18 =	vand.u32 $0xFFFF, v45;
	v19 =	vshra.s32 v44, $0x10  }
0x416: {  	v20 =	vand.u32 $0xFFFF, v44;
	v21 =	vshra.s32 v43, $0x10;
	v1 =	vcvt.s32.f32 v1  }
0x417: {  	v22 =	vand.u32 $0xFFFF, v43;
	v18 =	vcvt.s32.f32 v18;
	v19 =	vcvt.s32.f32 v19  }
0x418: {  	v20 =	vcvt.s32.f32 v20;
	v21 =	vcvt.s32.f32 v21;
	v1 =	vmin.f32 v1, $3.200000000e+01  }
0x419: {  	v18 =	vmin.f32 v18, $6.400000000e+01;
	v19 =	vmin.f32 v19, $3.200000000e+01;
	v1 =	vmul.f32 $3.125000000e-02, v1  }
0x41a: {  	v20 =	vmin.f32 v20, $6.400000000e+01;
	v18 =	vmul.f32 $1.562500000e-02, v18;
	v19 =	vmul.f32 $3.125000000e-02, v19  }
0x41b: {  	[tilespmem:$0xA090] =	vst v1;
	v1 =	vmul.f32 $1.562500000e-02, v20;
	v20 =	vcvt.s32.f32 v22;
	v22 =	vshra.s32 v42, $0x10  }
0x41c: {  	[tilespmem:$0xA190] =	vst v18;
	v18 =	vmin.f32 v21, $3.200000000e+01;
	v21 =	vcvt.s32.f32 v22;
	v22 =	vand.u32 $0xFFFF, v42  }
0x41d: {  	[tilespmem:$0xA0A0] =	vst v19;
	v18 =	vmul.f32 $3.125000000e-02, v18;
	v19 =	vmin.f32 v20, $6.400000000e+01;
	v20 =	vcvt.s32.f32 v22  }
0x41e: {  	[tilespmem:$0xA1A0] =	vst v1;
	v1 =	vmul.f32 $1.562500000e-02, v19;
	v19 =	vmin.f32 v21, $3.200000000e+01  }
0x41f: {  	[tilespmem:$0xA0B0] =	vst v18;
	v18 =	vmul.f32 $3.125000000e-02, v19;
	v19 =	vmin.f32 v20, $6.400000000e+01  }
0x420: {  	[tilespmem:$0xA1B0] =	vst v1;
	v1 =	vmul.f32 $1.562500000e-02, v19  }
0x421: {  	[tilespmem:$0xA0C0] =	vst v18  }
0x422: {  	[tilespmem:$0xA1C0] =	vst v1  }
0x423: {  	v38 =	vld.idx.msk [tilespmem:v13+s13+$0x0], $0xffff;
	_ =	sdelay $0x2  }
0x424: {  	v39 =	vld.idx.msk [tilespmem:v14+s13+$0x0], $0xffff;
	_ =	sdelay $0x1  }
0x425: {  	v1 =	vadd.s32 $0x1, v38  }
0x426: {  	v40 =	vld.idx.msk [tilespmem:v15+s13+$0x0], $0xffff;
	_ =	sdelay $0x1  }
0x427: {  	v18 =	vadd.s32 $0x1, v39  }
0x428: {  	v41 =	vld.idx.msk [tilespmem:v16+s13+$0x0], $0xffff  }
0x429: {  	v1 =	vld.idx.msk [tilespmem:v1+s14+$0x0], $0xffff  }
0x42a: {  	v19 =	vadd.s32 $0x1, v40;
	_ =	sdelay $0x1  }
0x42b: {  	v18 =	vld.idx.msk [tilespmem:v18+s14+$0x0], $0xffff;
	_ =	sdelay $0x1  }
0x42c: {  	v20 =	vadd.s32 $0x1, v41;
	v1 =	vxor.u32 $0x80000000, v1  }
0x42d: {  	v19 =	vld.idx.msk [tilespmem:v19+s14+$0x0], $0xffff;
	(xrf0) =	vmax.scan.msk.u32 $0xffff, v1;
	v1 =	vxor.u32 $0x80000000, v38  }
0x42e: {  	(xrf0) =	vmin.scan.msk.u32 $0xffff, v1  }
0x42f: {  	(xrf0) =	vmax.scan.msk.u32 $0xffff, v1;
	v1 =	vxor.u32 $0x80000000, v18  }
0x430: {  	(xrf0) =	vmax.scan.msk.u32 $0xffff, v1;
	v1 =	vxor.u32 $0x80000000, v39  }
0x431: {  	v18 =	vld.idx.msk [tilespmem:v20+s14+$0x0], $0xffff;
	(xrf0) =	vmin.scan.msk.u32 $0xffff, v1  }
0x432: {  	(xrf0) =	vmax.scan.msk.u32 $0xffff, v1;
	v1 =	vxor.u32 $0x80000000, v19  }
0x433: {  	v19, _, _ =	vpop (xrf0);
	(xrf0) =	vmax.scan.msk.u32 $0xffff, v1  }
0x434: {  	v1 =	vxor.u32 $0x80000000, v40;
	(v2sf) =	vpush v19, $0xF;
	v19, _, _ =	vpop (xrf0)  }
0x435: {  	(xrf0) =	vmin.scan.msk.u32 $0xffff, v1;
	v20, _, _ =	vpop (xrf0);
	(v2sf) =	vpush v19, $0xF  }
0x436: {  	(xrf0) =	vmax.scan.msk.u32 $0xffff, v1;
	v1 =	vxor.u32 $0x80000000, v18;
	(v2sf) =	vpush v20, $0xF;
	v19, _, _ =	vpop (xrf0)  }
0x437: {  	(xrf0) =	vmax.scan.msk.u32 $0xffff, v1;
	v1 =	vxor.u32 $0x80000000, v41;
	(v2sf) =	vpush v19, $0xF;
	v18, _, _ =	vpop (xrf0)  }
0x438: {  	(xrf0) =	vmin.scan.msk.u32 $0xffff, v1;
	(v2sf) =	vpush v18, $0xF;
	v18, _, _ =	vpop (xrf0)  }
0x439: {  	(v2sf) =	vpush v18, $0xF;
	v18, _, _ =	vpop (xrf0);
	(xrf0) =	vmax.scan.msk.u32 $0xffff, v1;
	_ =	sdelay $0x1  }
0x43a: {  	v1, _, _ =	vpop (xrf0);
	(v2sf) =	vpush v18, $0xF  }
0x43b: {  	(v2sf) =	vpush v1, $0xF;
	v1, _, _ =	vpop (xrf0)  }
0x43c: {  	v18, _, _ =	vpop (xrf0);
	(v2sf) =	vpush v1, $0xF  }
0x43d: {  	v1, _, _ =	vpop (xrf0);
	(v2sf) =	vpush v18, $0xF  }
0x43e: {  	(v2sf) =	vpush v1, $0xF;
	v1, _, _ =	vpop (xrf0)  }
0x43f: {  	(v2sf) =	vpush v1, $0xF;
	_ =	sdelay $0x2  }
0x440: {  	v21 =	vld.idx.msk [tilespmem:v14+s6+$0x0], $0xffff  }
0x441: {  	v22 =	vld.idx.msk [tilespmem:v14+s11+$0x0], $0xffff;
	s23 =	spop (v2sf)  }
0x442: {  	v23 =	vld.idx.msk [tilespmem:v14+s12+$0x0], $0xffff;
	s21 =	spop (v2sf)  }
0x443: {  	v19 =	vld.idx.msk [tilespmem:v13+s11+$0x0], $0xffff;
	s22 =	spop (v2sf)  }
0x444: {  	v18 =	vld.idx.msk [tilespmem:v13+s6+$0x0], $0xffff;
	s24 =	spop (v2sf)  }
0x445: {  	v26 =	vld.idx.msk [tilespmem:v16+s6+$0x0], $0xffff;
	s26 =	spop (v2sf)  }
0x446: {  	v20 =	vld.idx.msk [tilespmem:v13+s12+$0x0], $0xffff;
	s21 =	sxor.u32 $0x80000000, s21;
	s28 =	spop (v2sf)  }
0x447: {  	v27 =	vld.idx.msk [tilespmem:v16+s11+$0x0], $0xffff;
	s22 =	sxor.u32 $0x80000000, s22;
	s30 =	sxor.u32 $0x80000000, s26;
	s25 =	spop (v2sf)  }
0x448: {  	v24 =	vld.idx.msk [tilespmem:v15+s6+$0x0], $0xffff;
	p0 =	slt.s32 s21, s30;
	s28 =	sxor.u32 $0x80000000, s28;
	s29 =	spop (v2sf)  }
0x449: {  	v25 =	vld.idx.msk [tilespmem:v15+s11+$0x0], $0xffff;
	v28 =	vmul.f32 v19, v19;
	v1 =	vmul.f32 v18, v18;
	s30 =	smov.u32 @p0 s21;
	p0 =	sgt.s32 s22, s28;
	s31 =	spop (v2sf)  }
0x44a: {  	v29 =	vld.idx.msk [tilespmem:v16+s12+$0x0], $0xffff;
	v31 =	vmul.f32 v21, v21;
	s28 =	smov.u32 @p0 s22;
	s22 =	sxor.u32 $0x80000000, s29;
	s26 =	spop (v2sf)  }
0x44b: {  	v32 =	vmul.f32 v22, v22;
	v30 =	vmul.f32 v20, v20;
	v1 =	vadd.f32 v28, v1;
	v28 =	vld.idx.msk [tilespmem:v15+s12+$0x0], $0xffff;
	p0 =	slt.s32 s30, s22;
	s29 =	sxor.u32 $0x80000000, s31;
	s21 =	spop (v2sf)  }
0x44c: {  	v35 =	vmul.f32 v26, v26;
	v36 =	vmul.f32 v27, v27;
	s22 =	smov.u32 @p0 s30;
	p0 =	sgt.s32 s28, s29;
	s31 =	spop (v2sf)  }
0x44d: {  	v31 =	vadd.f32 v32, v31;
	v1 =	vadd.f32 v30, v1;
	v30 =	vmul.f32 v23, v23;
	s29 =	smov.u32 @p0 s28;
	s21 =	sxor.u32 $0x80000000, s21;
	s28 =	sxor.u32 $0x80000000, s31  }
0x44e: {  	v56 =	vmul.f32 v24, v24;
	v33 =	vmul.f32 v25, v25;
	v58 =	vadd.f32 v36, v35;
	p0 =	slt.s32 s22, s21;
	p1 =	sgt.s32 s29, s28  }
0x44f: {  	v59 =	vmul.f32 v29, v29;
	v34 =	vsub.f32 $3.999999910e-02, v1;
	v37 =	vadd.f32 v30, v31;
	s21 =	smov.u32 @p0 s22;
	s28 =	smov.u32 @p1 s29  }
0x450: {  	v31 =	vadd.f32 v33, v56;
	v1 =	vsub.f32 $1.599999960e-01, v1;
	v57 =	vmul.f32 v28, v28;
	p0 =	slt.s32 s21, $0x7F;
	s31 =	sshra.s32 s28, $0x1F  }
0x451: {  	v35 =	vadd.f32 v59, v58;
	s21 =	simm.s32 @!p0 $0x7F;
	s22 =	sor.u32 s31, s28  }
0x452: {  	v61 =	vadd.f32 v57, v31;
	v31 =	vmul.f32 $5.000000000e-01, v1;
	v1 =	vsub.f32 $1.599999960e-01, v37;
	p0 =	sne.s32 s21, s22  }
.Ltmp41:
0x453: {  	v63 =	vsub.f32 $1.599999960e-01, v35;
	v30 =	vmul.f32 $5.000000000e-01, v34;
	(pc) =	sbr.rel @p0 .LBB2_62-.Ltmp41, $4  }
0x454: {  	v42 =	vld.idx.msk [tilespmem:v38+s14+$0x0], $0xffff;
	v36 =	vsub.f32 $1.599999960e-01, v61;
	v33 =	vmul.f32 $5.000000000e-01, v1;
	v1 =	vsub.f32 $3.999999910e-02, v35  }
0x455: {  	v43 =	vld.idx.msk [tilespmem:v39+s14+$0x0], $0xffff;
	v60 =	vsub.f32 $3.999999910e-02, v37;
	v37 =	vmul.f32 $5.000000000e-01, v63;
	v62 =	vsub.f32 $3.999999910e-02, v61  }
0x456: {  	v44 =	vld.idx.msk [tilespmem:v40+s14+$0x0], $0xffff;
	v35 =	vmul.f32 $5.000000000e-01, v36;
	v36 =	vmul.f32 $5.000000000e-01, v1  }
0x457: {  	v45 =	vld.idx.msk [tilespmem:v41+s14+$0x0], $0xffff;
	v32 =	vmul.f32 $5.000000000e-01, v60;
	v34 =	vmul.f32 $5.000000000e-01, v62  }
0x458: {  	_ =	sdelay $0x3  }
0x459: {  	v1 =	vxor.u32 $0x80000000, v45  }
0x45a: {  	(xrf0) =	vmin.scan.msk.u32 $0xffff, v1;
	v1 =	vxor.u32 $0x80000000, v42  }
0x45b: {  	(xrf0) =	vmin.scan.msk.u32 $0xffff, v1;
	v1 =	vxor.u32 $0x80000000, v43  }
0x45c: {  	(xrf0) =	vmin.scan.msk.u32 $0xffff, v1  }
0x45d: {  	v1 =	vxor.u32 $0x80000000, v44  }
0x45e: {  	(xrf0) =	vmin.scan.msk.u32 $0xffff, v1;
	_ =	sdelay $0x1  }
0x45f: {  	v1, _, _ =	vpop (xrf0)  }
0x460: {  	v38, _, _ =	vpop (xrf0);
	(v2sf) =	vpush v1, $0xF  }
0x461: {  	v1, _, _ =	vpop (xrf0);
	(v2sf) =	vpush v38, $0xF  }
0x462: {  	(v2sf) =	vpush v1, $0xF  }
0x463: {  	v1, _, _ =	vpop (xrf0)  }
0x464: {  	(v2sf) =	vpush v1, $0xF;
	_ =	sdelay $0xa  }
0x465: {  	s22 =	spop (v2sf)  }
0x466: {  	s23 =	sxor.u32 $0x80000000, s23;
	s24 =	sxor.u32 $0x80000000, s24;
	s21 =	spop (v2sf)  }
0x467: {  	p0 =	sgt.s32 s23, s24;
	s28 =	spop (v2sf)  }
0x468: {  	s24 =	smov.u32 @p0 s23;
	s21 =	sxor.u32 $0x80000000, s21;
	s23 =	sxor.u32 $0x80000000, s28  }
0x469: {  	s28 =	sxor.u32 $0x80000000, s25;
	s30 =	spop (v2sf);
	p0 =	slt.s32 s21, s23  }
0x46a: {  	s29 =	sxor.u32 $0x80000000, s30;
	s23 =	smov.u32 @p0 s21;
	p0 =	sgt.s32 s24, s28  }
0x46b: {  	s28 =	smov.u32 @p0 s24;
	p0 =	slt.s32 s23, s29  }
0x46c: {  	s25 =	sxor.u32 $0x80000000, s22;
	s21 =	sxor.u32 $0x80000000, s26;
	s29 =	smov.u32 @p0 s23  }
0x46d: {  	p0 =	sgt.s32 s28, s21;
	p1 =	slt.s32 s29, s25  }
0x46e: {  	s21 =	smov.u32 @p0 s28;
	s25 =	smov.u32 @p1 s29  }
0x46f: {  	p0 =	sgt.s32 s21, $0x0;
	p1 =	slt.s32 s25, $0x2000  }
0x470: {  	s21 =	simm.s32 @!p0 $0x0;
	s25 =	simm.s32 @!p1 $0x2000  }
0x471: {  	s22 =	ssub.s32 s21, s25  }
0x472: {  	s31 =	sshrl.u32 s22, $0x1F  }
0x473: {  	s23 =	sadd.s32 s31, s22  }
0x474: {  	s23 =	sand.u32 $0xFFFFFFFE, s23  }
0x475: {  	s24 =	sadd.s32 s25, s23  }
0x476: {  	p0 =	sge.s32 s25, s24  }
.Ltmp42:
0x477: {  	_ = 	snop;
	(pc) =	sbr.rel @p0 .LBB2_56-.Ltmp42, $3  }
0x478: {  	_ =	sdelay $0x1  }
0x479: {  	v45 =	vimm.s32 $0x0  }
0x47a: {  	v42 =	vimm.s32 $0x0;
	v43 =	vimm.s32 $0x0;
	v44 =	vimm.s32 $0x0  }
0x47b: {  	v39 =	vmov s25;
	_ =	sdelay $0x1  }
0x47c: {  	s26 =	sadd.s32 $0x1, s25  }
0x47d: {  	v1 =	vmov s26;
	_ =	sdelay $0x1  }
0x47e: {  	v49 =	vld.idx.msk [tilespmem:v39+s6+$0x0], $0xffff  }
0x47f: {  	v53 =	vld.idx.msk [tilespmem:v39+s12+$0x0], $0xffff  }
0x480: {  	v48 =	vld.idx.msk [tilespmem:v39+s11+$0x0], $0xffff  }
0x481: {  	v44 =	vld.idx.msk [tilespmem:v1+s12+$0x0], $0xffff  }
0x482: {  	v40 =	vld.idx.msk [tilespmem:v1+s6+$0x0], $0xffff  }
0x483: {  	v42 =	vld.idx.msk [tilespmem:v1+s11+$0x0], $0xffff;
	v55 =	vmul.f32 v49, v18;
	v56 =	vmul.f32 v49, v21  }
0x484: {  	v63 =	vmul.f32 v49, v26;
	v60 =	vmul.f32 v53, v20  }
0x485: {  	v61 =	vmul.f32 v48, v27;
	v57 =	vmul.f32 v48, v22  }
0x486: {  	v58 =	vmul.f32 v53, v29;
	v43 =	vmul.f32 v44, v20  }
0x487: {  	v51 =	vmul.f32 v44, v29;
	v41 =	vmul.f32 v40, v21  }
0x488: {  	v46 =	vmul.f32 v40, v24;
	v45 =	vmul.f32 v42, v22  }
0x489: {  	v38 =	vimm.s32 $0x0;
	v50 =	vmul.f32 v40, v26;
	v54 =	vmul.f32 v42, v27  }
0x48a: {  	v52 =	vmul.f32 v44, v23;
	v62 =	vadd.f32 v45, v41;
	v41 =	vld.idx.msk [tilespmem:v1+s16+$0x0], $0xffff;
	v1 =	vmul.f32 v48, v19  }
0x48b: {  	s25 =	sadd.s32 $0x2, s25;
	v47 =	vmul.f32 v40, v18;
	v40 =	vimm.s32 $0x0;
	v54 =	vadd.f32 v54, v50;
	v45 =	vld.idx.msk [tilespmem:v39+s16+$0x0], $0xffff  }
0x48c: {  	p0 =	slt.s32 s25, s24;
	v50 =	vmul.f32 v48, v25;
	v48 =	vmul.f32 v53, v28;
	v1 =	vadd.f32 v1, v55  }
.Ltmp43:
0x48d: {  	v39 =	vadd.f32 v61, v63;
	v63 =	vmul.f32 v53, v23;
	v52 =	vadd.f32 v52, v62;
	(pc) =	sbr.rel @!p0 .LBB2_55-.Ltmp43, $4  }
0x48e: {  	v53 =	vmul.f32 v42, v19;
	v59 =	vadd.f32 v51, v54;
	v1 =	vadd.f32 v60, v1  }
0x48f: {  	v62 =	vadd.f32 v57, v56;
	v54 =	vmul.f32 v49, v24;
	v55 =	vadd.f32 v58, v39  }
0x490: {  	v57 =	vmul.f32 v42, v25;
	v49 =	vsub.f32 v41, v59;
	v51 =	vsub.f32 v45, v1  }
0x491: {  	v42 =	vimm.s32 $0x0;
	v39 =	vimm.s32 $0x0;
	v56 =	vadd.f32 v63, v62  }
.LBB2_54:
0x492: {  	vm1 =	vle.f32 v51, v31;
	v1 =	vsub.f32 v41, v52;
	vm0 =	vle.f32 v49, v37;
	s26 =	smov.u32 s25;
	s25 =	sadd.s32 $0x2, s25  }
0x493: {  	v44 =	vmul.f32 v44, v28;
	p0 =	slt.s32 s25, s24;
	v52 =	vsub.f32 v45, v56;
	v46 =	vadd.f32 v57, v46  }
0x494: {  	v50 =	vadd.f32 v50, v54;
	v54 =	vsub.f32 v45, v55;
	vm2 =	vle.f32 v1, v32  }
0x495: {  	v47 =	vadd.f32 v53, v47;
	vm3 =	vle.f32 v52, v32;
	vm4 =	vle.f32 v52, v33  }
0x496: {  	v53 =	vsel vm2, $0x10001, v17;
	v52 =	vsel vm3, $0x10001, v17;
	vm3 =	vle.f32 v54, v36  }
0x497: {  	s28 =	sadd.s32 $0x1, s26;
	vm5 =	vle.f32 v1, v33;
	vm2 =	vle.f32 v54, v37;
	v1 =	vadd.f32 v44, v46  }
0x498: {  	v43 =	vadd.f32 v43, v47;
	v54 =	vmov s28;
	v44 =	vsel vm3, $0x10001, v17  }
0x499: {  	v55 =	vmov s26;
	vm3 =	vle.f32 v51, v30;
	v46 =	vnsel vm4, $0x0, v52  }
0x49a: {  	v48 =	vadd.f32 v48, v50;
	v50 =	vnsel vm5, $0x0, v53;
	v47 =	vsel vm3, $0x10001, v17  }
0x49b: {  	v44 =	vnsel vm2, $0x0, v44;
	v47 =	vnsel vm1, $0x0, v47;
	vm1 =	vle.f32 v49, v36  }
0x49c: {  	v42 =	vadd.s32 v42, v44;
	v38 =	vadd.s32 v38, v47;
	v47 =	vsel vm1, $0x10001, v17  }
0x49d: {  	v45 =	vsub.f32 v45, v48;
	v43 =	vsub.f32 v41, v43;
	v47 =	vnsel vm0, $0x0, v47;
	v44 =	vld.idx.msk [tilespmem:v54+s12+$0x0], $0xffff  }
0x49e: {  	v1 =	vsub.f32 v41, v1;
	v40 =	vadd.s32 v40, v46;
	v42 =	vadd.s32 v47, v42;
	v48 =	vld.idx.msk [tilespmem:v54+s6+$0x0], $0xffff  }
0x49f: {  	v40 =	vadd.s32 v50, v40;
	vm1 =	vle.f32 v43, v31;
	vm0 =	vle.f32 v43, v30;
	v57 =	vld.idx.msk [tilespmem:v54+s11+$0x0], $0xffff  }
0x4a0: {  	vm2 =	vle.f32 v45, v34;
	v41 =	vsel vm0, $0x10001, v17;
	vm0 =	vle.f32 v1, v35;
	v49 =	vld.idx.msk [tilespmem:v55+s12+$0x0], $0xffff  }
0x4a1: {  	vm3 =	vle.f32 v45, v35;
	v41 =	vnsel vm1, $0x0, v41;
	vm1 =	vle.f32 v1, v34;
	v51 =	vld.idx.msk [tilespmem:v55+s6+$0x0], $0xffff  }
0x4a2: {  	v45 =	vsel vm2, $0x10001, v17;
	v38 =	vadd.s32 v41, v38;
	v41 =	vsel vm1, $0x10001, v17;
	v1 =	vld.idx.msk [tilespmem:v55+s11+$0x0], $0xffff  }
0x4a3: {  	v45 =	vnsel vm3, $0x0, v45;
	v43 =	vmul.f32 v44, v20;
	v53 =	vmul.f32 v44, v29  }
0x4a4: {  	v41 =	vnsel vm0, $0x0, v41;
	v50 =	vmul.f32 v48, v21;
	v46 =	vmul.f32 v48, v24  }
0x4a5: {  	v39 =	vadd.s32 v39, v45;
	v56 =	vmul.f32 v48, v26;
	v52 =	vmul.f32 v57, v22  }
0x4a6: {  	v39 =	vadd.s32 v41, v39;
	v58 =	vmul.f32 v44, v23;
	v59 =	vmul.f32 v57, v27  }
0x4a7: {  	v47 =	vmul.f32 v48, v18;
	v60 =	vmul.f32 v51, v18;
	v48 =	vadd.f32 v52, v50;
	v41 =	vld.idx.msk [tilespmem:v54+s16+$0x0], $0xffff  }
0x4a8: {  	v56 =	vadd.f32 v59, v56;
	v54 =	vmul.f32 v1, v19;
	v45 =	vld.idx.msk [tilespmem:v55+s16+$0x0], $0xffff;
	v55 =	vmul.f32 v51, v21  }
0x4a9: {  	v59 =	vmul.f32 v51, v26;
	v50 =	vmul.f32 v1, v25;
	v52 =	vadd.f32 v58, v48  }
0x4aa: {  	v58 =	vmul.f32 v1, v27;
	v48 =	vadd.f32 v54, v60;
	v54 =	vmul.f32 v49, v20  }
.Ltmp44:
0x4ab: {  	v1 =	vmul.f32 v1, v22;
	v56 =	vadd.f32 v53, v56;
	v60 =	vmul.f32 v49, v29;
	(pc) =	sbr.rel @p0 .LBB2_54-.Ltmp44, $4  }
0x4ac: {  	v58 =	vadd.f32 v58, v59;
	v53 =	vadd.f32 v54, v48;
	v48 =	vmul.f32 v49, v28  }
0x4ad: {  	v1 =	vadd.f32 v1, v55;
	v55 =	vmul.f32 v49, v23;
	v54 =	vmul.f32 v51, v24  }
0x4ae: {  	v49 =	vsub.f32 v41, v56;
	v51 =	vsub.f32 v45, v53;
	v53 =	vmul.f32 v57, v19  }
0x4af: {  	v56 =	vadd.f32 v55, v1;
	v55 =	vadd.f32 v60, v58;
	v57 =	vmul.f32 v57, v25  }
.LBB2_55:
0x4b0: {  	vm0 =	vle.f32 v51, v31;
	v1 =	vsub.f32 v41, v52  }
0x4b1: {  	vm1 =	vle.f32 v49, v37;
	v44 =	vmul.f32 v44, v28;
	v50 =	vadd.f32 v50, v54  }
0x4b2: {  	v47 =	vadd.f32 v53, v47;
	vm8 =	vle.f32 v51, v30;
	v60 =	vsub.f32 v45, v56  }
0x4b3: {  	vm9 =	vle.f32 v49, v36;
	v46 =	vadd.f32 v57, v46;
	v61 =	vsub.f32 v45, v55  }
0x4b4: {  	v58 =	vsel vm8, $0x10001, v17;
	vm2 =	vle.f32 v1, v32;
	vm5 =	vle.f32 v1, v33  }
0x4b5: {  	v43 =	vadd.f32 v43, v47;
	v48 =	vadd.f32 v48, v50;
	v47 =	vnsel vm0, $0x0, v58  }
0x4b6: {  	vm3 =	vle.f32 v60, v32;
	vm4 =	vle.f32 v60, v33;
	vm14 =	vle.f32 v61, v36  }
0x4b7: {  	v63 =	vsel vm2, $0x10001, v17;
	vm15 =	vle.f32 v61, v37;
	v1 =	vadd.f32 v44, v46  }
0x4b8: {  	v38 =	vadd.s32 v38, v47;
	v60 =	vsel vm9, $0x10001, v17;
	v62 =	vsel vm3, $0x10001, v17  }
0x4b9: {  	v56 =	vsel vm14, $0x10001, v17;
	v59 =	vnsel vm5, $0x0, v63;
	v43 =	vsub.f32 v41, v43  }
0x4ba: {  	v61 =	vsub.f32 v45, v48;
	v57 =	vnsel vm4, $0x0, v62;
	v44 =	vnsel vm15, $0x0, v56  }
0x4bb: {  	v1 =	vsub.f32 v41, v1;
	v42 =	vadd.s32 v42, v44;
	v44 =	vnsel vm1, $0x0, v60  }
0x4bc: {  	v40 =	vadd.s32 v40, v57;
	vm10 =	vle.f32 v43, v30;
	vm11 =	vle.f32 v43, v31  }
0x4bd: {  	vm12 =	vle.f32 v61, v34;
	vm13 =	vle.f32 v61, v35;
	v42 =	vadd.s32 v44, v42  }
0x4be: {  	v62 =	vsel vm10, $0x10001, v17;
	vm14 =	vle.f32 v1, v34;
	v63 =	vsel vm12, $0x10001, v17  }
0x4bf: {  	vm15 =	vle.f32 v1, v35;
	v1 =	vsel vm14, $0x10001, v17;
	v43 =	vnsel vm13, $0x0, v63  }
0x4c0: {  	v41 =	vnsel vm11, $0x0, v62;
	v1 =	vnsel vm15, $0x0, v1;
	v39 =	vadd.s32 v39, v43  }
0x4c1: {  	v44 =	vadd.s32 v59, v40;
	v45 =	vadd.s32 v41, v38;
	v43 =	vadd.s32 v1, v39  }
.LBB2_56:
0x4c2: {  	p0 =	sge.s32 s24, s21  }
.Ltmp45:
0x4c3: {  	_ = 	snop;
	(pc) =	sbr.rel @p0 .LBB2_68-.Ltmp45, $1  }
0x4c4: {  	_ =	sdelay $0x3  }
0x4c5: {  	s22 =	ssub.s32 s22, s23  }
0x4c6: {  	s22 =	ssub.s32 $0x0, s22  }
.LBB2_58:
0x4c7: {  	s23 =	sadd.s32 s22, s21  }
0x4c8: {  	v1 =	vmov s23;
	_ =	sdelay $0x4  }
0x4c9: {  	v38 =	vld.idx.msk [tilespmem:v1+s6+$0x0], $0xffff  }
0x4ca: {  	v39 =	vld.idx.msk [tilespmem:v1+s11+$0x0], $0xffff;
	_ =	sdelay $0x1  }
0x4cb: {  	v40 =	vld.idx.msk [tilespmem:v1+s12+$0x0], $0xffff;
	_ =	sdelay $0x2  }
0x4cc: {  	v41 =	vmul.f32 v38, v18;
	v46 =	vmul.f32 v39, v19  }
0x4cd: {  	v47 =	vmul.f32 v38, v21;
	v48 =	vmul.f32 v39, v22  }
0x4ce: {  	v63 =	vmul.f32 v40, v20;
	v49 =	vmul.f32 v40, v23  }
0x4cf: {  	v1 =	vld.idx.msk [tilespmem:v1+s16+$0x0], $0xffff;
	v52 =	vmul.f32 v38, v24;
	v50 =	vmul.f32 v39, v25  }
0x4d0: {  	v38 =	vmul.f32 v38, v26;
	v39 =	vmul.f32 v39, v27;
	v41 =	vadd.f32 v46, v41  }
0x4d1: {  	v55 =	vmul.f32 v40, v28;
	v47 =	vadd.f32 v48, v47;
	v54 =	vadd.f32 v50, v52  }
0x4d2: {  	v40 =	vmul.f32 v40, v29;
	v38 =	vadd.f32 v39, v38;
	v41 =	vadd.f32 v63, v41  }
0x4d3: {  	v53 =	vadd.f32 v49, v47;
	v57 =	vadd.f32 v55, v54  }
0x4d4: {  	v38 =	vadd.f32 v40, v38;
	v56 =	vsub.f32 v1, v41  }
0x4d5: {  	v58 =	vsub.f32 v1, v53;
	v41 =	vsub.f32 v1, v57  }
0x4d6: {  	s22 =	sadd.s32 $0x1, s22;
	v1 =	vsub.f32 v1, v38;
	vm0 =	vle.f32 v56, v30;
	vm1 =	vle.f32 v56, v31  }
0x4d7: {  	p0 =	seq.s32 s22, $0x0;
	vm10 =	vle.f32 v58, v32;
	vm11 =	vle.f32 v58, v33;
	vm12 =	vle.f32 v41, v34  }
.Ltmp46:
0x4d8: {  	vm13 =	vle.f32 v1, v36;
	vm14 =	vle.f32 v41, v35;
	vm15 =	vle.f32 v1, v37;
	(pc) =	sbr.rel @!p0 .LBB2_58-.Ltmp46, $4  }
0x4d9: {  	v59 =	vsel vm0, $0x10001, v17;
	v60 =	vsel vm10, $0x10001, v17;
	v61 =	vsel vm12, $0x10001, v17  }
0x4da: {  	v62 =	vsel vm13, $0x10001, v17;
	v39 =	vnsel vm1, $0x0, v59;
	v38 =	vnsel vm11, $0x0, v60  }
0x4db: {  	v1 =	vnsel vm14, $0x0, v61;
	v63 =	vnsel vm15, $0x0, v62;
	v45 =	vadd.s32 v45, v39  }
0x4dc: {  	v44 =	vadd.s32 v44, v38;
	v43 =	vadd.s32 v43, v1;
	v42 =	vadd.s32 v42, v63  }
.Ltmp47:
0x4dd: {  	_ = 	snop;
	(pc) =	sbr.rel .LBB2_68-.Ltmp47, $1  }
0x4de: {  	_ =	sdelay $0x3  }
.LBB2_50:
0x4df: {  	p0 =	sne.s32 s21, s22  }
.Ltmp48:
0x4e0: {  	_ = 	snop;
	(pc) =	sbr.rel @!p0 .LBB2_51-.Ltmp48, $3  }
0x4e1: {  	_ =	sdelay $0x1  }
0x4e2: {  	s23 =	sadd.s32 $0x1, s21  }
0x4e3: {  	s21 =	smov.u32 s23  }
.LBB2_46:
0x4e4: {  	v46 =	vmov s21  }
0x4e5: {  	v1 =	vadd.s32 $0x1, v46;
	_ =	sdelay $0x3  }
0x4e6: {  	v47 =	vld.idx.msk [tilespmem:v46+s14+$0x0], $0xffff  }
0x4e7: {  	v1 =	vld.idx.msk [tilespmem:v1+s14+$0x0], $0xffff;
	_ =	sdelay $0x3  }
0x4e8: {  	v47 =	vxor.u32 $0x80000000, v47  }
0x4e9: {  	(xrf0) =	vmin.scan.msk.u32 $0xffff, v47;
	v1 =	vxor.u32 $0x80000000, v1  }
0x4ea: {  	(xrf0) =	vmax.scan.msk.u32 $0xffff, v1;
	_ =	sdelay $0x4  }
0x4eb: {  	v1, _, _ =	vpop (xrf0)  }
0x4ec: {  	(v2sf) =	vpush v1, $0xF;
	v1, _, _ =	vpop (xrf0)  }
0x4ed: {  	(v2sf) =	vpush v1, $0xF;
	_ =	sdelay $0xd  }
0x4ee: {  	s23 =	spop (v2sf)  }
0x4ef: {  	s24 =	spop (v2sf)  }
0x4f0: {  	s28 =	sxor.u32 $0x80000000, s23;
	s23 =	sxor.u32 $0x80000000, s24  }
0x4f1: {  	s24 =	ssub.s32 s23, s28  }
0x4f2: {  	s25 =	sshrl.u32 s24, $0x1F  }
0x4f3: {  	s25 =	sadd.s32 s25, s24  }
0x4f4: {  	s25 =	sand.u32 $0xFFFFFFFE, s25  }
0x4f5: {  	s26 =	sadd.s32 s28, s25  }
0x4f6: {  	p0 =	sge.s32 s28, s26  }
.Ltmp49:
0x4f7: {  	_ = 	snop;
	(pc) =	sbr.rel @p0 .LBB2_47-.Ltmp49, $1  }
0x4f8: {  	_ =	sdelay $0x3  }
0x4f9: {  	s29 =	sadd.s32 $0x1, s28  }
0x4fa: {  	v1 =	vmov s29;
	_ =	sdelay $0x4  }
0x4fb: {  	v47 =	vld.idx.msk [tilespmem:v1+s6+$0x0], $0xffff  }
0x4fc: {  	v48 =	vld.idx.msk [tilespmem:v1+s11+$0x0], $0xffff;
	_ =	sdelay $0x1  }
0x4fd: {  	v51 =	vmov s28;
	v49 =	vld.idx.msk [tilespmem:v1+s12+$0x0], $0xffff;
	_ =	sdelay $0x1  }
0x4fe: {  	v50 =	vmul.f32 v47, v21  }
0x4ff: {  	v52 =	vmul.f32 v47, v24;
	v53 =	vmul.f32 v48, v25  }
0x500: {  	v54 =	vmul.f32 v48, v22;
	v55 =	vmul.f32 v47, v18  }
0x501: {  	vm2 =	veq.s32 v40, v46;
	v58 =	vld.idx.msk [tilespmem:v51+s12+$0x0], $0xffff;
	v56 =	vmul.f32 v49, v28;
	v62 =	vmul.f32 v48, v19  }
0x502: {  	v1 =	vld.idx.msk [tilespmem:v1+s16+$0x0], $0xffff;
	v47 =	vmul.f32 v47, v26;
	v48 =	vmul.f32 v48, v27;
	v52 =	vadd.f32 v53, v52  }
0x503: {  	v57 =	vmul.f32 v49, v23;
	v50 =	vadd.f32 v54, v50;
	v53 =	vadd.f32 v62, v55;
	v55 =	vld.idx.msk [tilespmem:v51+s11+$0x0], $0xffff  }
0x504: {  	v63 =	vmul.f32 v49, v20;
	v49 =	vmul.f32 v49, v29;
	v48 =	vadd.f32 v48, v47  }
0x505: {  	vm1 =	veq.s32 v41, v46;
	v52 =	vadd.f32 v56, v52;
	v50 =	vadd.f32 v57, v50  }
0x506: {  	vm0 =	veq.s32 v39, v46;
	v56 =	vld.idx.msk [tilespmem:v51+s6+$0x0], $0xffff;
	v53 =	vadd.f32 v63, v53;
	v48 =	vadd.f32 v49, v48  }
0x507: {  	v47 =	vmul.f32 v58, v20;
	v52 =	vsub.f32 v1, v52;
	v57 =	vsub.f32 v1, v50  }
0x508: {  	v50 =	vsub.f32 v1, v48;
	v61 =	vmul.f32 v55, v19;
	v62 =	vmul.f32 v55, v22  }
0x509: {  	v63 =	vmul.f32 v55, v25;
	v55 =	vmul.f32 v55, v27;
	vm3 =	vle.f32 v52, v34  }
0x50a: {  	vm5 =	vle.f32 v52, v35;
	v52 =	vmul.f32 v58, v28;
	vm4 =	vle.f32 v50, v37  }
0x50b: {  	vm7 =	vle.f32 v57, v32;
	v49 =	vmul.f32 v56, v18;
	v54 =	vmul.f32 v56, v24  }
0x50c: {  	v48 =	vld.idx.msk [tilespmem:v51+s16+$0x0], $0xffff;
	v59 =	vmul.f32 v56, v21;
	v60 =	vsel vm3, $0x10001, v17;
	v51 =	vmul.f32 v56, v26  }
0x50d: {  	s28 =	sadd.s32 $0x2, s28;
	vm3 =	vle.f32 v57, v33;
	v56 =	vmul.f32 v58, v23;
	v54 =	vadd.f32 v63, v54  }
0x50e: {  	p0 =	slt.s32 s28, s26;
	vm4 =	vmand vm1, vm4;
	v58 =	vmul.f32 v58, v29;
	v51 =	vadd.f32 v55, v51  }
.Ltmp50:
0x50f: {  	vm6 =	vmand vm0, vm3;
	vm3 =	vmand vm2, vm5;
	v52 =	vadd.f32 v52, v54;
	(pc) =	sbr.rel @!p0 .LBB2_61-.Ltmp50, $4  }
0x510: {  	v63 =	vadd.f32 v58, v51;
	v54 =	vsub.f32 v1, v53;
	v51 =	vnsel vm3, $0x0, v60  }
0x511: {  	vm3 =	veq.s32 v38, v46;
	v1 =	vadd.f32 v62, v59;
	v55 =	vsub.f32 v48, v52  }
0x512: {  	v52 =	vadd.f32 v61, v49;
	v53 =	vsub.f32 v48, v63;
	v63 =	vsel vm7, $0x10001, v17  }
0x513: {  	v56 =	vadd.f32 v56, v1;
	v49 =	vnsel vm6, $0x0, v63;
	vm5 =	vle.f32 v55, v35  }
.LBB2_60:
0x514: {  	s29 =	sadd.s32 $0x1, s28;
	vm5 =	vmand vm2, vm5;
	vm6 =	vle.f32 v53, v36;
	vm7 =	vle.f32 v54, v30;
	s30 =	smov.u32 s28;
	s28 =	sadd.s32 $0x2, s28  }
0x515: {  	v1 =	vmov s29;
	p0 =	slt.s32 s28, s26;
	v56 =	vsub.f32 v48, v56;
	v57 =	vsel vm7, $0x10001, v17  }
0x516: {  	vm8 =	vle.f32 v54, v31;
	vm9 =	vle.f32 v50, v36;
	vm7 =	vle.f32 v55, v34  }
0x517: {  	v54 =	vsel vm6, $0x10001, v17;
	vm6 =	vmand vm3, vm8;
	v50 =	vsel vm7, $0x10001, v17  }
0x518: {  	vm7 =	vle.f32 v56, v33;
	v50 =	vnsel vm5, $0x0, v50;
	vm5 =	vle.f32 v53, v37  }
0x519: {  	v47 =	vadd.f32 v47, v52;
	v43 =	vadd.s32 v43, v50;
	vm5 =	vmand vm1, vm5  }
0x51a: {  	v52 =	vnsel vm5, $0x0, v54;
	v43 =	vadd.s32 v51, v43;
	v51 =	vsel vm9, $0x10001, v17;
	v50 =	vld.idx.msk [tilespmem:v1+s6+$0x0], $0xffff  }
0x51b: {  	v47 =	vsub.f32 v48, v47;
	vm5 =	vmand vm0, vm7;
	v42 =	vadd.s32 v42, v52;
	v53 =	vld.idx.msk [tilespmem:v1+s11+$0x0], $0xffff  }
0x51c: {  	vm7 =	vle.f32 v56, v32;
	v52 =	vnsel vm6, $0x0, v57;
	v51 =	vnsel vm4, $0x0, v51;
	v48 =	vld.idx.msk [tilespmem:v1+s12+$0x0], $0xffff  }
0x51d: {  	vm4 =	vle.f32 v47, v30;
	vm6 =	vle.f32 v47, v31;
	v42 =	vadd.s32 v51, v42  }
0x51e: {  	vm6 =	vmand vm3, vm6;
	v47 =	vsel vm4, $0x10001, v17;
	v51 =	vsel vm7, $0x10001, v17  }
0x51f: {  	v54 =	vmov s30;
	v47 =	vnsel vm6, $0x0, v47;
	v51 =	vnsel vm5, $0x0, v51  }
0x520: {  	v45 =	vadd.s32 v45, v47;
	v55 =	vmul.f32 v50, v21;
	v56 =	vmul.f32 v50, v24  }
0x521: {  	v44 =	vadd.s32 v44, v51;
	v47 =	vmul.f32 v53, v22;
	v57 =	vmul.f32 v53, v25;
	v1 =	vld.idx.msk [tilespmem:v1+s16+$0x0], $0xffff  }
0x522: {  	v44 =	vadd.s32 v49, v44;
	v51 =	vmul.f32 v50, v18;
	v58 =	vmul.f32 v48, v28  }
0x523: {  	v49 =	vmul.f32 v48, v23;
	v47 =	vadd.f32 v47, v55;
	v55 =	vadd.f32 v57, v56  }
0x524: {  	v45 =	vadd.s32 v52, v45;
	v59 =	vmul.f32 v48, v20;
	v57 =	vmul.f32 v53, v19;
	v56 =	vld.idx.msk [tilespmem:v54+s12+$0x0], $0xffff  }
0x525: {  	v50 =	vmul.f32 v50, v26;
	v55 =	vadd.f32 v58, v55;
	v52 =	vld.idx.msk [tilespmem:v54+s6+$0x0], $0xffff  }
0x526: {  	v51 =	vadd.f32 v57, v51;
	v47 =	vadd.f32 v49, v47;
	v49 =	vmul.f32 v53, v27;
	v58 =	vld.idx.msk [tilespmem:v54+s11+$0x0], $0xffff  }
0x527: {  	v53 =	vsub.f32 v1, v55  }
0x528: {  	v48 =	vmul.f32 v48, v29;
	v55 =	vsub.f32 v1, v47;
	v49 =	vadd.f32 v49, v50  }
0x529: {  	v51 =	vadd.f32 v59, v51;
	vm4 =	vle.f32 v53, v34;
	vm5 =	vle.f32 v53, v35  }
0x52a: {  	v49 =	vadd.f32 v48, v49;
	v47 =	vmul.f32 v56, v20;
	v53 =	vmul.f32 v56, v28  }
0x52b: {  	v60 =	vsel vm4, $0x10001, v17;
	v57 =	vmul.f32 v52, v18;
	v59 =	vmul.f32 v52, v21  }
0x52c: {  	v50 =	vsub.f32 v1, v49;
	v61 =	vmul.f32 v58, v19;
	v62 =	vmul.f32 v58, v22;
	v48 =	vld.idx.msk [tilespmem:v54+s16+$0x0], $0xffff  }
0x52d: {  	vm6 =	vle.f32 v55, v33;
	v49 =	vmul.f32 v52, v24;
	v54 =	vmul.f32 v58, v25  }
0x52e: {  	v52 =	vmul.f32 v52, v26;
	v58 =	vmul.f32 v58, v27;
	vm4 =	vle.f32 v50, v37  }
0x52f: {  	v63 =	vmul.f32 v56, v23;
	vm4 =	vmand vm1, vm4;
	v49 =	vadd.f32 v54, v49  }
0x530: {  	vm6 =	vmand vm0, vm6;
	v52 =	vadd.f32 v58, v52;
	v54 =	vmul.f32 v56, v29  }
.Ltmp51:
0x531: {  	vm7 =	vle.f32 v55, v32;
	vm5 =	vmand vm2, vm5;
	v49 =	vadd.f32 v53, v49;
	(pc) =	sbr.rel @p0 .LBB2_60-.Ltmp51, $4  }
0x532: {  	v53 =	vadd.f32 v54, v52;
	v54 =	vsub.f32 v1, v51;
	v51 =	vnsel vm5, $0x0, v60  }
0x533: {  	v1 =	vadd.f32 v62, v59;
	v55 =	vsub.f32 v48, v49  }
0x534: {  	v52 =	vadd.f32 v61, v57;
	v53 =	vsub.f32 v48, v53;
	v49 =	vsel vm7, $0x10001, v17  }
0x535: {  	v56 =	vadd.f32 v63, v1;
	v49 =	vnsel vm6, $0x0, v49;
	vm5 =	vle.f32 v55, v35  }
.LBB2_61:
0x536: {  	vm2 =	vmand vm2, vm5;
	vm14 =	vle.f32 v54, v30  }
0x537: {  	vm6 =	vle.f32 v53, v36;
	vm15 =	vle.f32 v55, v34;
	vm7 =	vle.f32 v54, v31  }
0x538: {  	vm8 =	vle.f32 v50, v36;
	vm10 =	vle.f32 v53, v37;
	v47 =	vadd.f32 v47, v52  }
0x539: {  	v1 =	vsub.f32 v48, v56;
	v63 =	vsel vm14, $0x10001, v17;
	v58 =	vsel vm15, $0x10001, v17  }
0x53a: {  	v59 =	vsel vm6, $0x10001, v17;
	vm9 =	vmand vm3, vm7;
	vm1 =	vmand vm1, vm10  }
0x53b: {  	v61 =	vsel vm8, $0x10001, v17;
	v50 =	vnsel vm2, $0x0, v58;
	v60 =	vnsel vm1, $0x0, v59  }
0x53c: {  	v47 =	vsub.f32 v48, v47;
	v63 =	vnsel vm9, $0x0, v63;
	v48 =	vnsel vm4, $0x0, v61  }
0x53d: {  	vm11 =	vle.f32 v1, v33;
	v43 =	vadd.s32 v43, v50;
	vm12 =	vle.f32 v1, v32  }
0x53e: {  	vm0 =	vmand vm0, vm11;
	vm13 =	vle.f32 v47, v30;
	vm14 =	vle.f32 v47, v31  }
0x53f: {  	v62 =	vsel vm12, $0x10001, v17;
	vm15 =	vmand vm3, vm14;
	v1 =	vsel vm13, $0x10001, v17  }
0x540: {  	v42 =	vadd.s32 v42, v60;
	v47 =	vnsel vm0, $0x0, v62;
	v1 =	vnsel vm15, $0x0, v1  }
0x541: {  	v43 =	vadd.s32 v51, v43;
	v44 =	vadd.s32 v44, v47;
	v1 =	vadd.s32 v45, v1  }
0x542: {  	v42 =	vadd.s32 v48, v42;
	v44 =	vadd.s32 v49, v44;
	v45 =	vadd.s32 v63, v1  }
.LBB2_47:
0x543: {  	p0 =	sge.s32 s26, s23  }
.Ltmp52:
0x544: {  	_ = 	snop;
	(pc) =	sbr.rel @p0 .LBB2_50-.Ltmp52, $1  }
0x545: {  	_ =	sdelay $0x3  }
0x546: {  	s24 =	ssub.s32 s24, s25  }
0x547: {  	s24 =	ssub.s32 $0x0, s24  }
.LBB2_49:
0x548: {  	s25 =	sadd.s32 s24, s23  }
0x549: {  	v1 =	vmov s25;
	_ =	sdelay $0x4  }
0x54a: {  	v47 =	vld.idx.msk [tilespmem:v1+s6+$0x0], $0xffff  }
0x54b: {  	v48 =	vld.idx.msk [tilespmem:v1+s11+$0x0], $0xffff  }
0x54c: {  	v49 =	vld.idx.msk [tilespmem:v1+s12+$0x0], $0xffff;
	_ =	sdelay $0x3  }
0x54d: {  	v50 =	vmul.f32 v47, v18;
	v51 =	vmul.f32 v48, v19  }
0x54e: {  	v55 =	vmul.f32 v49, v20;
	v56 =	vmul.f32 v47, v21  }
0x54f: {  	vm2 =	veq.s32 v41, v46;
	v1 =	vld.idx.msk [tilespmem:v1+s16+$0x0], $0xffff;
	v57 =	vmul.f32 v47, v24;
	v54 =	vmul.f32 v48, v25  }
0x550: {  	v52 =	vmul.f32 v48, v22;
	v47 =	vmul.f32 v47, v26;
	v50 =	vadd.f32 v51, v50  }
0x551: {  	v48 =	vmul.f32 v48, v27;
	v60 =	vmul.f32 v49, v28;
	v59 =	vadd.f32 v54, v57  }
0x552: {  	v53 =	vmul.f32 v49, v23;
	v51 =	vadd.f32 v52, v56;
	v50 =	vadd.f32 v55, v50  }
0x553: {  	v49 =	vmul.f32 v49, v29;
	v47 =	vadd.f32 v48, v47;
	v48 =	vadd.f32 v60, v59  }
0x554: {  	vm3 =	veq.s32 v38, v46;
	v58 =	vadd.f32 v53, v51;
	v50 =	vsub.f32 v1, v50  }
0x555: {  	vm9 =	veq.s32 v40, v46;
	v47 =	vadd.f32 v49, v47;
	v48 =	vsub.f32 v1, v48  }
0x556: {  	vm10 =	veq.s32 v39, v46;
	vm0 =	vle.f32 v50, v30;
	vm1 =	vle.f32 v50, v31  }
0x557: {  	v50 =	vsub.f32 v1, v58;
	v1 =	vsub.f32 v1, v47;
	vm12 =	vle.f32 v48, v34  }
0x558: {  	s24 =	sadd.s32 $0x1, s24;
	vm13 =	vle.f32 v48, v35;
	vm1 =	vmand vm3, vm1;
	v61 =	vsel vm0, $0x10001, v17  }
0x559: {  	p0 =	seq.s32 s24, $0x0;
	vm3 =	vmand vm9, vm13;
	v51 =	vnsel vm1, $0x0, v61;
	vm11 =	vle.f32 v50, v33  }
.Ltmp53:
0x55a: {  	vm4 =	vle.f32 v50, v32;
	vm14 =	vle.f32 v1, v36;
	vm5 =	vle.f32 v1, v37;
	(pc) =	sbr.rel @!p0 .LBB2_49-.Ltmp53, $4  }
0x55b: {  	v1 =	vsel vm12, $0x10001, v17;
	v45 =	vadd.s32 v45, v51;
	vm0 =	vmand vm10, vm11  }
0x55c: {  	v62 =	vsel vm4, $0x10001, v17;
	vm15 =	vmand vm2, vm5;
	v63 =	vsel vm14, $0x10001, v17  }
0x55d: {  	v1 =	vnsel vm3, $0x0, v1;
	v47 =	vnsel vm0, $0x0, v62;
	v48 =	vnsel vm15, $0x0, v63  }
0x55e: {  	v43 =	vadd.s32 v43, v1;
	v44 =	vadd.s32 v44, v47;
	v42 =	vadd.s32 v42, v48  }
.Ltmp54:
0x55f: {  	_ = 	snop;
	(pc) =	sbr.rel .LBB2_50-.Ltmp54, $1  }
0x560: {  	_ =	sdelay $0x3  }
.LBB2_62:
0x561: {  	s23 =	sadd.s32 $0x1, s22  }
0x562: {  	p0 =	sge.s32 s21, s23  }
.Ltmp55:
0x563: {  	_ = 	snop;
	(pc) =	sbr.rel @p0 .LBB2_68-.Ltmp55, $4  }
.Ltmp56:
0x564: {  	_ = 	snop;
	(pc) =	sbr.rel @!p0 .LBB2_63-.Ltmp56, $4  }
0x565: {  	_ = 	snop  }
0x566: {  	v42 =	vimm.s32 $0x0  }
0x567: {  	v43 =	vimm.s32 $0x0;
	v44 =	vimm.s32 $0x0;
	v45 =	vimm.s32 $0x0  }
0x568: {  	_ = 	snop  }
.LBB2_67:
0x569: {  	p0 =	sne.s32 s21, s22  }
.Ltmp57:
0x56a: {  	_ = 	snop;
	(pc) =	sbr.rel @!p0 .LBB2_68-.Ltmp57, $3  }
0x56b: {  	_ =	sdelay $0x1  }
0x56c: {  	s23 =	sadd.s32 $0x1, s21  }
0x56d: {  	s21 =	smov.u32 s23  }
.LBB2_63:
0x56e: {  	v46 =	vmov s21  }
0x56f: {  	v1 =	vadd.s32 $0x1, v46;
	_ =	sdelay $0x3  }
0x570: {  	v47 =	vld.idx.msk [tilespmem:v46+s14+$0x0], $0xffff  }
0x571: {  	v1 =	vld.idx.msk [tilespmem:v1+s14+$0x0], $0xffff;
	_ =	sdelay $0x3  }
0x572: {  	v47 =	vxor.u32 $0x80000000, v47  }
0x573: {  	(xrf0) =	vmin.scan.msk.u32 $0xffff, v47;
	v1 =	vxor.u32 $0x80000000, v1  }
0x574: {  	(xrf0) =	vmax.scan.msk.u32 $0xffff, v1;
	_ =	sdelay $0x4  }
0x575: {  	v1, _, _ =	vpop (xrf0)  }
0x576: {  	(v2sf) =	vpush v1, $0xF;
	v1, _, _ =	vpop (xrf0)  }
0x577: {  	(v2sf) =	vpush v1, $0xF;
	_ =	sdelay $0xd  }
0x578: {  	s23 =	spop (v2sf)  }
0x579: {  	s24 =	spop (v2sf)  }
0x57a: {  	s28 =	sxor.u32 $0x80000000, s23;
	s23 =	sxor.u32 $0x80000000, s24  }
0x57b: {  	s24 =	ssub.s32 s23, s28  }
0x57c: {  	s25 =	sshrl.u32 s24, $0x1F  }
0x57d: {  	s25 =	sadd.s32 s25, s24  }
0x57e: {  	s25 =	sand.u32 $0xFFFFFFFE, s25  }
0x57f: {  	s26 =	sadd.s32 s28, s25  }
0x580: {  	p0 =	sge.s32 s28, s26  }
.Ltmp58:
0x581: {  	_ = 	snop;
	(pc) =	sbr.rel @p0 .LBB2_64-.Ltmp58, $1  }
0x582: {  	_ =	sdelay $0x3  }
0x583: {  	s29 =	sadd.s32 $0x1, s28  }
0x584: {  	v1 =	vmov s29;
	_ =	sdelay $0x4  }
0x585: {  	v47 =	vld.idx.msk [tilespmem:v1+s6+$0x0], $0xffff  }
0x586: {  	v48 =	vld.idx.msk [tilespmem:v1+s11+$0x0], $0xffff;
	_ =	sdelay $0x1  }
0x587: {  	v51 =	vmov s28;
	v49 =	vld.idx.msk [tilespmem:v1+s12+$0x0], $0xffff;
	_ =	sdelay $0x1  }
0x588: {  	v50 =	vmul.f32 v47, v21  }
0x589: {  	v52 =	vmul.f32 v47, v24;
	v53 =	vmul.f32 v48, v25  }
0x58a: {  	v54 =	vmul.f32 v48, v22;
	v55 =	vmul.f32 v47, v18  }
0x58b: {  	vm2 =	veq.s32 v40, v46;
	v58 =	vld.idx.msk [tilespmem:v51+s12+$0x0], $0xffff;
	v56 =	vmul.f32 v49, v28;
	v62 =	vmul.f32 v48, v19  }
0x58c: {  	v1 =	vld.idx.msk [tilespmem:v1+s16+$0x0], $0xffff;
	v47 =	vmul.f32 v47, v26;
	v48 =	vmul.f32 v48, v27;
	v52 =	vadd.f32 v53, v52  }
0x58d: {  	v57 =	vmul.f32 v49, v23;
	v50 =	vadd.f32 v54, v50;
	v53 =	vadd.f32 v62, v55;
	v55 =	vld.idx.msk [tilespmem:v51+s11+$0x0], $0xffff  }
0x58e: {  	v63 =	vmul.f32 v49, v20;
	v49 =	vmul.f32 v49, v29;
	v48 =	vadd.f32 v48, v47  }
0x58f: {  	vm1 =	veq.s32 v41, v46;
	v52 =	vadd.f32 v56, v52;
	v50 =	vadd.f32 v57, v50  }
0x590: {  	vm0 =	veq.s32 v39, v46;
	v56 =	vld.idx.msk [tilespmem:v51+s6+$0x0], $0xffff;
	v53 =	vadd.f32 v63, v53;
	v48 =	vadd.f32 v49, v48  }
0x591: {  	v47 =	vmul.f32 v58, v20;
	v52 =	vsub.f32 v1, v52;
	v57 =	vsub.f32 v1, v50  }
0x592: {  	v50 =	vsub.f32 v1, v48;
	v61 =	vmul.f32 v55, v19;
	v62 =	vmul.f32 v55, v22  }
0x593: {  	v63 =	vmul.f32 v55, v25;
	v55 =	vmul.f32 v55, v27;
	vm3 =	vle.f32 v52, v34  }
0x594: {  	vm5 =	vle.f32 v52, v35;
	v52 =	vmul.f32 v58, v28;
	vm4 =	vle.f32 v50, v37  }
0x595: {  	vm7 =	vle.f32 v57, v32;
	v49 =	vmul.f32 v56, v18;
	v54 =	vmul.f32 v56, v24  }
0x596: {  	v48 =	vld.idx.msk [tilespmem:v51+s16+$0x0], $0xffff;
	v59 =	vmul.f32 v56, v21;
	v60 =	vsel vm3, $0x10001, v17;
	v51 =	vmul.f32 v56, v26  }
0x597: {  	s28 =	sadd.s32 $0x2, s28;
	vm3 =	vle.f32 v57, v33;
	v56 =	vmul.f32 v58, v23;
	v54 =	vadd.f32 v63, v54  }
0x598: {  	p0 =	slt.s32 s28, s26;
	vm4 =	vmand vm1, vm4;
	v58 =	vmul.f32 v58, v29;
	v51 =	vadd.f32 v55, v51  }
.Ltmp59:
0x599: {  	vm6 =	vmand vm0, vm3;
	vm3 =	vmand vm2, vm5;
	v52 =	vadd.f32 v52, v54;
	(pc) =	sbr.rel @!p0 .LBB2_72-.Ltmp59, $4  }
0x59a: {  	v63 =	vadd.f32 v58, v51;
	v54 =	vsub.f32 v1, v53;
	v51 =	vnsel vm3, $0x0, v60  }
0x59b: {  	vm3 =	veq.s32 v38, v46;
	v1 =	vadd.f32 v62, v59;
	v55 =	vsub.f32 v48, v52  }
0x59c: {  	v52 =	vadd.f32 v61, v49;
	v53 =	vsub.f32 v48, v63;
	v63 =	vsel vm7, $0x10001, v17  }
0x59d: {  	v56 =	vadd.f32 v56, v1;
	v49 =	vnsel vm6, $0x0, v63;
	vm5 =	vle.f32 v55, v35  }
.LBB2_71:
0x59e: {  	s29 =	sadd.s32 $0x1, s28;
	vm5 =	vmand vm2, vm5;
	vm6 =	vle.f32 v53, v36;
	vm7 =	vle.f32 v54, v30;
	s30 =	smov.u32 s28;
	s28 =	sadd.s32 $0x2, s28  }
0x59f: {  	v1 =	vmov s29;
	p0 =	slt.s32 s28, s26;
	v56 =	vsub.f32 v48, v56;
	v57 =	vsel vm7, $0x10001, v17  }
0x5a0: {  	vm8 =	vle.f32 v54, v31;
	vm9 =	vle.f32 v50, v36;
	vm7 =	vle.f32 v55, v34  }
0x5a1: {  	v54 =	vsel vm6, $0x10001, v17;
	vm6 =	vmand vm3, vm8;
	v50 =	vsel vm7, $0x10001, v17  }
0x5a2: {  	vm7 =	vle.f32 v56, v33;
	v50 =	vnsel vm5, $0x0, v50;
	vm5 =	vle.f32 v53, v37  }
0x5a3: {  	v47 =	vadd.f32 v47, v52;
	v43 =	vadd.s32 v43, v50;
	vm5 =	vmand vm1, vm5  }
0x5a4: {  	v52 =	vnsel vm5, $0x0, v54;
	v43 =	vadd.s32 v51, v43;
	v51 =	vsel vm9, $0x10001, v17;
	v50 =	vld.idx.msk [tilespmem:v1+s6+$0x0], $0xffff  }
0x5a5: {  	v47 =	vsub.f32 v48, v47;
	vm5 =	vmand vm0, vm7;
	v42 =	vadd.s32 v42, v52;
	v53 =	vld.idx.msk [tilespmem:v1+s11+$0x0], $0xffff  }
0x5a6: {  	vm7 =	vle.f32 v56, v32;
	v52 =	vnsel vm6, $0x0, v57;
	v51 =	vnsel vm4, $0x0, v51;
	v48 =	vld.idx.msk [tilespmem:v1+s12+$0x0], $0xffff  }
0x5a7: {  	vm4 =	vle.f32 v47, v30;
	vm6 =	vle.f32 v47, v31;
	v42 =	vadd.s32 v51, v42  }
0x5a8: {  	vm6 =	vmand vm3, vm6;
	v47 =	vsel vm4, $0x10001, v17;
	v51 =	vsel vm7, $0x10001, v17  }
0x5a9: {  	v54 =	vmov s30;
	v47 =	vnsel vm6, $0x0, v47;
	v51 =	vnsel vm5, $0x0, v51  }
0x5aa: {  	v45 =	vadd.s32 v45, v47;
	v55 =	vmul.f32 v50, v21;
	v56 =	vmul.f32 v50, v24  }
0x5ab: {  	v44 =	vadd.s32 v44, v51;
	v47 =	vmul.f32 v53, v22;
	v57 =	vmul.f32 v53, v25;
	v1 =	vld.idx.msk [tilespmem:v1+s16+$0x0], $0xffff  }
0x5ac: {  	v44 =	vadd.s32 v49, v44;
	v51 =	vmul.f32 v50, v18;
	v58 =	vmul.f32 v48, v28  }
0x5ad: {  	v49 =	vmul.f32 v48, v23;
	v47 =	vadd.f32 v47, v55;
	v55 =	vadd.f32 v57, v56  }
0x5ae: {  	v45 =	vadd.s32 v52, v45;
	v59 =	vmul.f32 v48, v20;
	v57 =	vmul.f32 v53, v19;
	v56 =	vld.idx.msk [tilespmem:v54+s12+$0x0], $0xffff  }
0x5af: {  	v50 =	vmul.f32 v50, v26;
	v55 =	vadd.f32 v58, v55;
	v52 =	vld.idx.msk [tilespmem:v54+s6+$0x0], $0xffff  }
0x5b0: {  	v51 =	vadd.f32 v57, v51;
	v47 =	vadd.f32 v49, v47;
	v49 =	vmul.f32 v53, v27;
	v58 =	vld.idx.msk [tilespmem:v54+s11+$0x0], $0xffff  }
0x5b1: {  	v53 =	vsub.f32 v1, v55  }
0x5b2: {  	v48 =	vmul.f32 v48, v29;
	v55 =	vsub.f32 v1, v47;
	v49 =	vadd.f32 v49, v50  }
0x5b3: {  	v51 =	vadd.f32 v59, v51;
	vm4 =	vle.f32 v53, v34;
	vm5 =	vle.f32 v53, v35  }
0x5b4: {  	v49 =	vadd.f32 v48, v49;
	v47 =	vmul.f32 v56, v20;
	v53 =	vmul.f32 v56, v28  }
0x5b5: {  	v60 =	vsel vm4, $0x10001, v17;
	v57 =	vmul.f32 v52, v18;
	v59 =	vmul.f32 v52, v21  }
0x5b6: {  	v50 =	vsub.f32 v1, v49;
	v61 =	vmul.f32 v58, v19;
	v62 =	vmul.f32 v58, v22;
	v48 =	vld.idx.msk [tilespmem:v54+s16+$0x0], $0xffff  }
0x5b7: {  	vm6 =	vle.f32 v55, v33;
	v49 =	vmul.f32 v52, v24;
	v54 =	vmul.f32 v58, v25  }
0x5b8: {  	v52 =	vmul.f32 v52, v26;
	v58 =	vmul.f32 v58, v27;
	vm4 =	vle.f32 v50, v37  }
0x5b9: {  	v63 =	vmul.f32 v56, v23;
	vm4 =	vmand vm1, vm4;
	v49 =	vadd.f32 v54, v49  }
0x5ba: {  	vm6 =	vmand vm0, vm6;
	v52 =	vadd.f32 v58, v52;
	v54 =	vmul.f32 v56, v29  }
.Ltmp60:
0x5bb: {  	vm7 =	vle.f32 v55, v32;
	vm5 =	vmand vm2, vm5;
	v49 =	vadd.f32 v53, v49;
	(pc) =	sbr.rel @p0 .LBB2_71-.Ltmp60, $4  }
0x5bc: {  	v53 =	vadd.f32 v54, v52;
	v54 =	vsub.f32 v1, v51;
	v51 =	vnsel vm5, $0x0, v60  }
0x5bd: {  	v1 =	vadd.f32 v62, v59;
	v55 =	vsub.f32 v48, v49  }
0x5be: {  	v52 =	vadd.f32 v61, v57;
	v53 =	vsub.f32 v48, v53;
	v49 =	vsel vm7, $0x10001, v17  }
0x5bf: {  	v56 =	vadd.f32 v63, v1;
	v49 =	vnsel vm6, $0x0, v49;
	vm5 =	vle.f32 v55, v35  }
.LBB2_72:
0x5c0: {  	vm2 =	vmand vm2, vm5;
	vm14 =	vle.f32 v54, v30  }
0x5c1: {  	vm6 =	vle.f32 v53, v36;
	vm15 =	vle.f32 v55, v34;
	vm7 =	vle.f32 v54, v31  }
0x5c2: {  	vm8 =	vle.f32 v50, v36;
	vm10 =	vle.f32 v53, v37;
	v47 =	vadd.f32 v47, v52  }
0x5c3: {  	v1 =	vsub.f32 v48, v56;
	v63 =	vsel vm14, $0x10001, v17;
	v58 =	vsel vm15, $0x10001, v17  }
0x5c4: {  	v59 =	vsel vm6, $0x10001, v17;
	vm9 =	vmand vm3, vm7;
	vm1 =	vmand vm1, vm10  }
0x5c5: {  	v61 =	vsel vm8, $0x10001, v17;
	v50 =	vnsel vm2, $0x0, v58;
	v60 =	vnsel vm1, $0x0, v59  }
0x5c6: {  	v47 =	vsub.f32 v48, v47;
	v63 =	vnsel vm9, $0x0, v63;
	v48 =	vnsel vm4, $0x0, v61  }
0x5c7: {  	vm11 =	vle.f32 v1, v33;
	v43 =	vadd.s32 v43, v50;
	vm12 =	vle.f32 v1, v32  }
0x5c8: {  	vm0 =	vmand vm0, vm11;
	vm13 =	vle.f32 v47, v30;
	vm14 =	vle.f32 v47, v31  }
0x5c9: {  	v62 =	vsel vm12, $0x10001, v17;
	vm15 =	vmand vm3, vm14;
	v1 =	vsel vm13, $0x10001, v17  }
0x5ca: {  	v42 =	vadd.s32 v42, v60;
	v47 =	vnsel vm0, $0x0, v62;
	v1 =	vnsel vm15, $0x0, v1  }
0x5cb: {  	v43 =	vadd.s32 v51, v43;
	v44 =	vadd.s32 v44, v47;
	v1 =	vadd.s32 v45, v1  }
0x5cc: {  	v42 =	vadd.s32 v48, v42;
	v44 =	vadd.s32 v49, v44;
	v45 =	vadd.s32 v63, v1  }
.LBB2_64:
0x5cd: {  	p0 =	sge.s32 s26, s23  }
.Ltmp61:
0x5ce: {  	_ = 	snop;
	(pc) =	sbr.rel @p0 .LBB2_67-.Ltmp61, $1  }
0x5cf: {  	_ =	sdelay $0x3  }
0x5d0: {  	s24 =	ssub.s32 s24, s25  }
0x5d1: {  	s24 =	ssub.s32 $0x0, s24  }
.LBB2_66:
0x5d2: {  	s25 =	sadd.s32 s24, s23  }
0x5d3: {  	v1 =	vmov s25;
	_ =	sdelay $0x4  }
0x5d4: {  	v47 =	vld.idx.msk [tilespmem:v1+s6+$0x0], $0xffff  }
0x5d5: {  	v48 =	vld.idx.msk [tilespmem:v1+s11+$0x0], $0xffff  }
0x5d6: {  	v49 =	vld.idx.msk [tilespmem:v1+s12+$0x0], $0xffff;
	_ =	sdelay $0x3  }
0x5d7: {  	v50 =	vmul.f32 v47, v18;
	v51 =	vmul.f32 v48, v19  }
0x5d8: {  	v55 =	vmul.f32 v49, v20;
	v56 =	vmul.f32 v47, v21  }
0x5d9: {  	vm2 =	veq.s32 v41, v46;
	v1 =	vld.idx.msk [tilespmem:v1+s16+$0x0], $0xffff;
	v57 =	vmul.f32 v47, v24;
	v54 =	vmul.f32 v48, v25  }
0x5da: {  	v52 =	vmul.f32 v48, v22;
	v47 =	vmul.f32 v47, v26;
	v50 =	vadd.f32 v51, v50  }
0x5db: {  	v48 =	vmul.f32 v48, v27;
	v60 =	vmul.f32 v49, v28;
	v59 =	vadd.f32 v54, v57  }
0x5dc: {  	v53 =	vmul.f32 v49, v23;
	v51 =	vadd.f32 v52, v56;
	v50 =	vadd.f32 v55, v50  }
0x5dd: {  	v49 =	vmul.f32 v49, v29;
	v47 =	vadd.f32 v48, v47;
	v48 =	vadd.f32 v60, v59  }
0x5de: {  	vm3 =	veq.s32 v38, v46;
	v58 =	vadd.f32 v53, v51;
	v50 =	vsub.f32 v1, v50  }
0x5df: {  	vm9 =	veq.s32 v40, v46;
	v47 =	vadd.f32 v49, v47;
	v48 =	vsub.f32 v1, v48  }
0x5e0: {  	vm10 =	veq.s32 v39, v46;
	vm0 =	vle.f32 v50, v30;
	vm1 =	vle.f32 v50, v31  }
0x5e1: {  	v50 =	vsub.f32 v1, v58;
	v1 =	vsub.f32 v1, v47;
	vm12 =	vle.f32 v48, v34  }
0x5e2: {  	s24 =	sadd.s32 $0x1, s24;
	vm13 =	vle.f32 v48, v35;
	vm1 =	vmand vm3, vm1;
	v61 =	vsel vm0, $0x10001, v17  }
0x5e3: {  	p0 =	seq.s32 s24, $0x0;
	vm3 =	vmand vm9, vm13;
	v51 =	vnsel vm1, $0x0, v61;
	vm11 =	vle.f32 v50, v33  }
.Ltmp62:
0x5e4: {  	vm4 =	vle.f32 v50, v32;
	vm14 =	vle.f32 v1, v36;
	vm5 =	vle.f32 v1, v37;
	(pc) =	sbr.rel @!p0 .LBB2_66-.Ltmp62, $4  }
0x5e5: {  	v1 =	vsel vm12, $0x10001, v17;
	v45 =	vadd.s32 v45, v51;
	vm0 =	vmand vm10, vm11  }
0x5e6: {  	v62 =	vsel vm4, $0x10001, v17;
	vm15 =	vmand vm2, vm5;
	v63 =	vsel vm14, $0x10001, v17  }
0x5e7: {  	v1 =	vnsel vm3, $0x0, v1;
	v47 =	vnsel vm0, $0x0, v62;
	v48 =	vnsel vm15, $0x0, v63  }
0x5e8: {  	v43 =	vadd.s32 v43, v1;
	v44 =	vadd.s32 v44, v47;
	v42 =	vadd.s32 v42, v48  }
.Ltmp63:
0x5e9: {  	_ = 	snop;
	(pc) =	sbr.rel .LBB2_67-.Ltmp63, $1  }
0x5ea: {  	_ =	sdelay $0x3  }
.LBB2_69:
0x5eb: {  	_ =	sfence.sel $0x180000  }
0x5ec: {  	[bflag:$0x0] =	sbarrier.arrive $0xFFFF  }
0x5ed: {  	p0 =	sne.s32 s5, $0x0;
	_ =	strace $0x90000047  }
0x5ee: {  	s0 =	sadd.s32 @!p0 $0x100000, s0;
	[bflag:$0x2] =	sbarrier.arrive $0xFFFF  }
0x5ef: {  	[sflag:s0] =	ssyncadd.tile.s32 @!p0 $0x1;
	_ =	shalt  }
.Lfunc_end2:
_tile_overlayer_lowered:
.L_overlay_start_2:
0x5f0: {  	(tag) =	ssettag $0x2  }
0x5f1: {  	s0 =	rddreg [dreg:$0x0];
	s2 =	stileid.u32  }
0x5f2: {  	s1 =	rddreg [dreg:$0x1];
	p0 =	sne.s32 s2, $0x0  }
0x5f3: {  	s3 =	rddreg [dreg:$0x2];
	[bflag:$0x3] =	sbarrier.arrive $0xFFFF;
	s2 =	simm.s32 @!p0 $0x1C02  }
0x5f4: {  	[timem:s3], [sflag:s2] =	dma.local @!p0 [hbm:s0], s1  }
0x5f5: {  	s0 =	simm.s32 @!p0 $0x2  }
0x5f6: {  	_ =	swait.ge @!p0 [sflag:s0], s1  }
0x5f7: {  	s1 =	ssub.s32 @!p0 $0x0, s1;
	[sflag:s0] =	ssyncset.done @!p0 $0x0  }
0x5f8: {  	[sflag:s0] =	ssyncadd.s32 @!p0 s1  }
0x5f9: {  	[bflag:$0x3] =	sbarrier.arrive $0xFFFF  }
0x5fa: {  	_ =	shalt  }

</sc_bundles>
